<compile_context>
chip_gen: v7x
topology: tpu7x:2x2x1
jax: 0.10.2.dev20260603
libtpu: 0.0.44.dev20260713+nightly
codegen_flags: <defaults>
</compile_context>

<pallas_src>
import functools

import jax
import jax.numpy as jnp
from jax import lax
from jax.experimental import pallas as pl
from jax.experimental.pallas import tpu as pltpu
from jax.experimental.pallas import tpu_sc as plsc

N = 10000
NP = 10240
E = 320000
F = 128
H = 8
DH = 16
ROW = 144
ALPHA = 0.2

NC = 2
NS = 16
NW = NC * NS
EPW = E // NW
BE = 40
NB = EPW // BE
RPT = NP // NS

BN = 512
GN = NP // BN


def _prologue_body(x_ref, w1_ref, b1_ref, wcat_ref, wd_ref,
                   h0_ref, htbl_ref, dtbl_ref):
    v = jnp.dot(x_ref[...], w1_ref[...],
                preferred_element_type=jnp.float32) + b1_ref[...]
    h0 = jnp.where(v > 0, v, jnp.exp(v) - 1.0)
    h0_ref[...] = h0
    htbl_ref[...] = jnp.dot(h0, wcat_ref[...], preferred_element_type=jnp.float32)
    dtbl_ref[...] = jnp.dot(h0, wd_ref[...], preferred_element_type=jnp.float32)


def _prologue(x, W1, b1, Wcat, Wd):
    return pl.pallas_call(
        _prologue_body,
        grid=(GN,),
        in_specs=[
            pl.BlockSpec((BN, F), lambda i: (i, 0)),
            pl.BlockSpec((F, F), lambda i: (0, 0)),
            pl.BlockSpec((1, F), lambda i: (0, 0)),
            pl.BlockSpec((F, ROW), lambda i: (0, 0)),
            pl.BlockSpec((F, 16), lambda i: (0, 0)),
        ],
        out_specs=[
            pl.BlockSpec((BN, F), lambda i: (i, 0)),
            pl.BlockSpec((BN, ROW), lambda i: (i, 0)),
            pl.BlockSpec((BN, 16), lambda i: (i, 0)),
        ],
        out_shape=[
            jax.ShapeDtypeStruct((NP, F), jnp.float32),
            jax.ShapeDtypeStruct((NP, ROW), jnp.float32),
            jax.ShapeDtypeStruct((NP, 16), jnp.float32),
        ],
    )(x, W1, b1, Wcat, Wd)


NBUF = 5


def _sc_edge_body(htbl_hbm, dtbl_hbm, src_hbm, dst_hbm, out_hbm,
                  acc, sidx, didx, rows, drows,
                  sem_g, sem_d, sem_s, sem_i):
    c = lax.axis_index("c")
    s = lax.axis_index("s")
    wid = s * NC + c

    z16 = jnp.zeros((16,), jnp.float32)
    r0 = rows.at[0]

    def zrow(i, _):
        for k in range(ROW // 16):
            r0[i, pl.ds(k * 16, 16)] = z16
        return 0

    lax.fori_loop(0, BE, zrow, 0)
    for rep in range(RPT // BE):
        pltpu.sync_copy(r0, acc.at[pl.ds(s * RPT + rep * BE, BE)])

    def start_idx(b, j):
        pltpu.async_copy(src_hbm.at[wid, b], sidx.at[j], sem_i.at[j])
        pltpu.async_copy(dst_hbm.at[wid, b], didx.at[j], sem_i.at[j])

    def wait_idx(j):
        pltpu.make_async_copy(src_hbm.at[0, 0], sidx.at[j], sem_i.at[j]).wait()
        pltpu.make_async_copy(dst_hbm.at[0, 0], didx.at[j], sem_i.at[j]).wait()

    def start_gather(j):
        pltpu.async_copy(htbl_hbm.at[sidx.at[j]], rows.at[j], sem_g.at[j])
        pltpu.async_copy(dtbl_hbm.at[didx.at[j]], drows.at[j], sem_d.at[j])

    def wait_gather(j):
        pltpu.make_async_copy(htbl_hbm.at[sidx.at[j]], rows.at[j], sem_g.at[j]).wait()
        pltpu.make_async_copy(dtbl_hbm.at[didx.at[j]], drows.at[j], sem_d.at[j]).wait()

    def start_scatter(j):
        pltpu.async_copy(rows.at[j], acc.at[didx.at[j]], sem_s.at[j], add=True)

    def wait_scatter(j):
        pltpu.make_async_copy(rows.at[j], acc.at[didx.at[0]], sem_s.at[j]).wait()

    for j in range(NBUF - 1):
        start_idx(j, j)
    plsc.subcore_barrier()
    for j in range(NBUF - 2):
        wait_idx(j)
        start_gather(j)

    def outer(bb, _):
        for j in range(NBUF):
            b = bb * NBUF + j
            wait_gather(j)
            rj = rows.at[j]
            drj = drows.at[j]

            def edge(i, _):
                e = rj[i, pl.ds(F, 16)] + drj[i, pl.ds(0, 16)]
                e = jnp.where(e > 0, e, ALPHA * e)
                ex = jnp.exp(e)
                rj[i, pl.ds(F, 16)] = ex
                for k in range(H):
                    rj[i, pl.ds(k * DH, 16)] = rj[i, pl.ds(k * DH, 16)] * ex[k]
                return 0

            lax.fori_loop(0, BE, edge, 0)
            start_scatter(j)

            jn1 = (j + NBUF - 1) % NBUF
            bn1 = b + NBUF - 1
            if j == 0:
                @pl.when(bb > 0)
                def _():
                    wait_scatter(jn1)
                start_idx(bn1, jn1)
            else:
                @pl.when(bn1 < NB)
                def _():
                    wait_scatter(jn1)
                    start_idx(bn1, jn1)

            jn2 = (j + NBUF - 2) % NBUF
            bn2 = b + NBUF - 2
            if j <= 1:
                wait_idx(jn2)
                start_gather(jn2)
            else:
                @pl.when(bn2 < NB)
                def _():
                    wait_idx(jn2)
                    start_gather(jn2)
        return 0

    lax.fori_loop(0, NB // NBUF, outer, 0)
    for j in range(NBUF):
        wait_scatter(j)
    plsc.subcore_barrier()

    pltpu.sync_copy(acc.at[pl.ds(s * RPT, RPT)], out_hbm.at[c, pl.ds(s * RPT, RPT)])


def _sc_edge(htbl, dtbl, src, dst):
    mesh = plsc.VectorSubcoreMesh(core_axis_name="c", subcore_axis_name="s")
    kern = functools.partial(
        pl.kernel,
        out_type=jax.ShapeDtypeStruct((NC, NP, ROW), jnp.float32),
        mesh=mesh,
        compiler_params=pltpu.CompilerParams(use_tc_tiling_on_sc=False),
        scratch_types=[
            pltpu.VMEM_SHARED((NP, ROW), jnp.float32),
            pltpu.VMEM((NBUF, BE), jnp.int32),
            pltpu.VMEM((NBUF, BE), jnp.int32),
            pltpu.VMEM((NBUF, BE, ROW), jnp.float32),
            pltpu.VMEM((NBUF, BE, 16), jnp.float32),
            pltpu.SemaphoreType.DMA((NBUF,)),
            pltpu.SemaphoreType.DMA((NBUF,)),
            pltpu.SemaphoreType.DMA((NBUF,)),
            pltpu.SemaphoreType.DMA((NBUF,)),
        ],
    )(_sc_edge_body)
    return kern(htbl, dtbl,
                src.reshape(NW, NB, BE), dst.reshape(NW, NB, BE))


def _epilogue_body(part_ref, h0_ref, exp_ref, out_ref):
    acc = part_ref[0] + part_ref[1]
    den = jnp.dot(acc[:, F:], exp_ref[...], preferred_element_type=jnp.float32)
    o = acc[:, :F] / (den + 1e-16) + h0_ref[...]
    nrm = jnp.sqrt(jnp.sum(o * o, axis=1, keepdims=True))
    out_ref[...] = o / jnp.maximum(nrm, 1e-12)


def _epilogue(part, h0, expand):
    return pl.pallas_call(
        _epilogue_body,
        grid=(GN,),
        in_specs=[
            pl.BlockSpec((NC, BN, ROW), lambda i: (0, i, 0)),
            pl.BlockSpec((BN, F), lambda i: (i, 0)),
            pl.BlockSpec((16, F), lambda i: (0, 0)),
        ],
        out_specs=pl.BlockSpec((BN, F), lambda i: (i, 0)),
        out_shape=jax.ShapeDtypeStruct((N, F), jnp.float32),
    )(part, h0, expand)


def kernel(x, edge_index, W1, b1, Wa, a_src, a_dst):
    src = edge_index[0]
    dst = edge_index[1]
    hid = jnp.arange(H)
    As = jnp.zeros((H, DH, H), jnp.float32).at[hid, :, hid].set(a_src).reshape(F, H)
    Ad = jnp.zeros((H, DH, H), jnp.float32).at[hid, :, hid].set(a_dst).reshape(F, H)
    z8 = jnp.zeros((F, 8), jnp.float32)
    Wcat = jnp.concatenate([Wa, Wa @ As, z8], axis=1)
    Wd = jnp.concatenate([Wa @ Ad, z8], axis=1)
    expand = jnp.zeros((16, F), jnp.float32).at[
        jnp.arange(F) // DH, jnp.arange(F)].set(1.0)
    h0, htbl, dtbl = _prologue(x, W1, b1.reshape(1, F), Wcat, Wd)
    part = _sc_edge(htbl, dtbl, src, dst)
    return _epilogue(part, h0, expand)

# --- scband reference (transcript-rebuilt; emitter-appended) ---
"""Pipeline reference for scband-isnelayer-67379446940404 (READ-ONLY COPY).

The authoritative reference and input builder live on the scoring server;
editing this copy changes nothing except your own understanding.
"""

import jax, jax.numpy as jnp
import numpy as np

N = 10000
E = 320000
IN = 128
HID = 128
OUT = 128
H = 8
DH = OUT // H  # 16
ALPHA = 0.2


def _xavier(key, shape):
    fan_in, fan_out = shape[0], shape[1]
    lim = np.sqrt(6.0 / (fan_in + fan_out))
    return jax.random.uniform(key, shape, dtype=jnp.float32, minval=-lim, maxval=lim)


def setup_inputs(seed: int = 0) -> dict:
    key = jax.random.key(seed)
    ks = jax.random.split(key, 8)
    x = jax.random.normal(ks[0], (N, IN), dtype=jnp.float32)
    edge_index = jax.random.randint(ks[1], (2, E), 0, N, dtype=jnp.int32)
    W1 = _xavier(ks[2], (IN, HID))
    b1 = jnp.zeros((HID,), dtype=jnp.float32)
    Wa = _xavier(ks[3], (HID, OUT))
    a_src = jax.random.normal(ks[4], (H, DH), dtype=jnp.float32) * 0.1
    a_dst = jax.random.normal(ks[5], (H, DH), dtype=jnp.float32) * 0.1
    return {"x": x, "edge_index": edge_index, "W1": W1, "b1": b1, "Wa": Wa, "a_src": a_src, "a_dst": a_dst}


def reference(x, edge_index, W1, b1, Wa, a_src, a_dst):
    # ISNELayer.forward: linear -> elu -> (dropout=0) -> multi-head attention -> residual -> l2 normalize
    h0 = jax.nn.elu(x @ W1 + b1)                      # [N, HID]
    h = (h0 @ Wa).reshape(N, H, DH)                   # per-head projections [N, H, DH]
    src = edge_index[0]
    dst = edge_index[1]
    # GAT-style additive attention logits
    a_s = jnp.sum(h * a_src[None, :, :], axis=-1)     # [N, H]
    a_d = jnp.sum(h * a_dst[None, :, :], axis=-1)     # [N, H]
    e = jax.nn.leaky_relu(jnp.take(a_s, src, axis=0) + jnp.take(a_d, dst, axis=0), negative_slope=ALPHA)  # [E, H]
    # segment softmax over incoming edges of each dst node
    m = jax.ops.segment_max(e, dst, num_segments=N)   # [N, H]
    m = jnp.where(jnp.isfinite(m), m, 0.0)
    ex = jnp.exp(e - jnp.take(m, dst, axis=0))        # [E, H]
    denom = jax.ops.segment_sum(ex, dst, num_segments=N)  # [N, H]
    att = ex / (jnp.take(denom, dst, axis=0) + 1e-16)     # [E, H]
    msg = att[:, :, None] * jnp.take(h, src, axis=0)       # [E, H, DH]
    out = jax.ops.segment_sum(msg, dst, num_segments=N).reshape(N, OUT)  # concat heads
    out = out + h0                                    # residual (HID == OUT)
    nrm = jnp.linalg.norm(out, axis=1, keepdims=True)
    out = out / jnp.maximum(nrm, 1e-12)
    return out

if __name__ == "__main__":
    import jax
    _d = setup_inputs()
    print(jax.jit(kernel)(*tuple(_d.values())))

</pallas_src>

<mosaic_0001>
#map = affine_map<(d0, d1) -> (0, 0)>
#map1 = affine_map<(d0, d1) -> (0, 0, 0)>
module attributes {stable_mosaic.version = 14 : i64} {
  func.func @_sc_edge_body(%arg0: i32, %arg1: i32, %arg2: memref<10240x144xf32, #tpu.memory_space<hbm>>, %arg3: memref<10240x16xf32, #tpu.memory_space<hbm>>, %arg4: memref<32x250x40xi32, #tpu.memory_space<hbm>>, %arg5: memref<32x250x40xi32, #tpu.memory_space<hbm>>, %arg6: memref<2x10240x144xf32, #tpu.memory_space<hbm>>, %arg7: memref<10240x144xf32, #tpu.memory_space<vmem_shared>>, %arg8: memref<5x40xi32, #tpu.memory_space<vmem>>, %arg9: memref<5x40xi32, #tpu.memory_space<vmem>>, %arg10: memref<5x40x144xf32, #tpu.memory_space<vmem>>, %arg11: memref<5x40x16xf32, #tpu.memory_space<vmem>>, %arg12: memref<5x!tpu.dma_semaphore, #tpu.memory_space<semaphore_mem>>, %arg13: memref<5x!tpu.dma_semaphore, #tpu.memory_space<semaphore_mem>>, %arg14: memref<5x!tpu.dma_semaphore, #tpu.memory_space<semaphore_mem>>, %arg15: memref<5x!tpu.dma_semaphore, #tpu.memory_space<semaphore_mem>>) attributes {dimension_semantics = [#tpu.dimension_semantics<core_parallel>, #tpu.dimension_semantics<subcore_parallel>], iteration_bounds = array<i64: 2, 16>, scalar_prefetch = 0 : i64, scratch_operands = 9 : i64, tpu.core_type = #tpu.core_type<sc_vector_subcore>, window_params = [{transform_indices = #map}, {transform_indices = #map}, {transform_indices = #map1}, {transform_indices = #map1}, {transform_indices = #map1}]} {
    %mul3A = arith.constant 2 : i32
    %mul3A_0 = arith.muli %arg1, %mul3A : i32
    %add3A = arith.addi %mul3A_0, %arg0 : i32
    %broadcast_in_dim3A = arith.constant 0.000000e+00 : f32
    %broadcast_in_dim3A_1 = vector.broadcast %broadcast_in_dim3A : f32 to vector<16xf32>
    %scan3A = arith.constant 0 : i32
    %scan3A_2 = arith.constant 0 : i32
    %scan3A_3 = arith.constant 0 : i32
    %scan3A_4 = arith.constant 40 : i32
    %scan3A_5 = arith.addi %scan3A_3, %scan3A_4 : i32
    %scan3A_6 = arith.constant 1 : i32
    %scan3A_7 = scf.for %scan3A_507 = %scan3A_3 to %scan3A_5 step %scan3A_6 iter_args(%scan3A_508 = %scan3A_2) -> (i32)  : i32 {
      %swap3A = arith.constant 0 : i32
      %swap3A_509 = arith.constant 0 : i32
      %swap3A_510 = tpu.memref_slice %arg10[%scan3A, %swap3A, %swap3A_509] : memref<5x40x144xf32, #tpu.memory_space<vmem>> -> memref<1x40x144xf32, #tpu.memory_space<vmem>>
      %swap3A_511 = tpu.memref_squeeze %swap3A_510 : memref<1x40x144xf32, #tpu.memory_space<vmem>> -> memref<40x144xf32, #tpu.memory_space<vmem>>
      %swap3A_512 = arith.index_cast %scan3A_507 : i32 to index
      %swap3A_513 = arith.constant 0 : index
      %swap3A_514 = tpu.vector_load %swap3A_511[%swap3A_512, %swap3A_513] {strides = array<i32>} : memref<40x144xf32, #tpu.memory_space<vmem>>, vector<1x16xf32>,
      %swap3A_515 = vector.shape_cast %swap3A_514 : vector<1x16xf32> to vector<16xf32>
      %swap3A_516 = vector.shape_cast %broadcast_in_dim3A_1 : vector<16xf32> to vector<1x16xf32>
      tpu.vector_store %swap3A_511[%swap3A_512, %swap3A_513], %swap3A_516 {strides = array<i32>} : memref<40x144xf32, #tpu.memory_space<vmem>>, vector<1x16xf32>,
      %swap3A_517 = arith.constant 0 : i32
      %swap3A_518 = arith.constant 0 : i32
      %swap3A_519 = tpu.memref_slice %arg10[%scan3A, %swap3A_517, %swap3A_518] : memref<5x40x144xf32, #tpu.memory_space<vmem>> -> memref<1x40x144xf32, #tpu.memory_space<vmem>>
      %swap3A_520 = tpu.memref_squeeze %swap3A_519 : memref<1x40x144xf32, #tpu.memory_space<vmem>> -> memref<40x144xf32, #tpu.memory_space<vmem>>
      %swap3A_521 = arith.index_cast %scan3A_507 : i32 to index
      %swap3A_522 = arith.constant 16 : index
      %swap3A_523 = tpu.vector_load %swap3A_520[%swap3A_521, %swap3A_522] {strides = array<i32>} : memref<40x144xf32, #tpu.memory_space<vmem>>, vector<1x16xf32>,
      %swap3A_524 = vector.shape_cast %swap3A_523 : vector<1x16xf32> to vector<16xf32>
      %swap3A_525 = vector.shape_cast %broadcast_in_dim3A_1 : vector<16xf32> to vector<1x16xf32>
      tpu.vector_store %swap3A_520[%swap3A_521, %swap3A_522], %swap3A_525 {strides = array<i32>} : memref<40x144xf32, #tpu.memory_space<vmem>>, vector<1x16xf32>,
      %swap3A_526 = arith.constant 0 : i32
      %swap3A_527 = arith.constant 0 : i32
      %swap3A_528 = tpu.memref_slice %arg10[%scan3A, %swap3A_526, %swap3A_527] : memref<5x40x144xf32, #tpu.memory_space<vmem>> -> memref<1x40x144xf32, #tpu.memory_space<vmem>>
      %swap3A_529 = tpu.memref_squeeze %swap3A_528 : memref<1x40x144xf32, #tpu.memory_space<vmem>> -> memref<40x144xf32, #tpu.memory_space<vmem>>
      %swap3A_530 = arith.index_cast %scan3A_507 : i32 to index
      %swap3A_531 = arith.constant 32 : index
      %swap3A_532 = tpu.vector_load %swap3A_529[%swap3A_530, %swap3A_531] {strides = array<i32>} : memref<40x144xf32, #tpu.memory_space<vmem>>, vector<1x16xf32>,
      %swap3A_533 = vector.shape_cast %swap3A_532 : vector<1x16xf32> to vector<16xf32>
      %swap3A_534 = vector.shape_cast %broadcast_in_dim3A_1 : vector<16xf32> to vector<1x16xf32>
      tpu.vector_store %swap3A_529[%swap3A_530, %swap3A_531], %swap3A_534 {strides = array<i32>} : memref<40x144xf32, #tpu.memory_space<vmem>>, vector<1x16xf32>,
      %swap3A_535 = arith.constant 0 : i32
      %swap3A_536 = arith.constant 0 : i32
      %swap3A_537 = tpu.memref_slice %arg10[%scan3A, %swap3A_535, %swap3A_536] : memref<5x40x144xf32, #tpu.memory_space<vmem>> -> memref<1x40x144xf32, #tpu.memory_space<vmem>>
      %swap3A_538 = tpu.memref_squeeze %swap3A_537 : memref<1x40x144xf32, #tpu.memory_space<vmem>> -> memref<40x144xf32, #tpu.memory_space<vmem>>
      %swap3A_539 = arith.index_cast %scan3A_507 : i32 to index
      %swap3A_540 = arith.constant 48 : index
      %swap3A_541 = tpu.vector_load %swap3A_538[%swap3A_539, %swap3A_540] {strides = array<i32>} : memref<40x144xf32, #tpu.memory_space<vmem>>, vector<1x16xf32>,
      %swap3A_542 = vector.shape_cast %swap3A_541 : vector<1x16xf32> to vector<16xf32>
      %swap3A_543 = vector.shape_cast %broadcast_in_dim3A_1 : vector<16xf32> to vector<1x16xf32>
      tpu.vector_store %swap3A_538[%swap3A_539, %swap3A_540], %swap3A_543 {strides = array<i32>} : memref<40x144xf32, #tpu.memory_space<vmem>>, vector<1x16xf32>,
      %swap3A_544 = arith.constant 0 : i32
      %swap3A_545 = arith.constant 0 : i32
      %swap3A_546 = tpu.memref_slice %arg10[%scan3A, %swap3A_544, %swap3A_545] : memref<5x40x144xf32, #tpu.memory_space<vmem>> -> memref<1x40x144xf32, #tpu.memory_space<vmem>>
      %swap3A_547 = tpu.memref_squeeze %swap3A_546 : memref<1x40x144xf32, #tpu.memory_space<vmem>> -> memref<40x144xf32, #tpu.memory_space<vmem>>
      %swap3A_548 = arith.index_cast %scan3A_507 : i32 to index
      %swap3A_549 = arith.constant 64 : index
      %swap3A_550 = tpu.vector_load %swap3A_547[%swap3A_548, %swap3A_549] {strides = array<i32>} : memref<40x144xf32, #tpu.memory_space<vmem>>, vector<1x16xf32>,
      %swap3A_551 = vector.shape_cast %swap3A_550 : vector<1x16xf32> to vector<16xf32>
      %swap3A_552 = vector.shape_cast %broadcast_in_dim3A_1 : vector<16xf32> to vector<1x16xf32>
      tpu.vector_store %swap3A_547[%swap3A_548, %swap3A_549], %swap3A_552 {strides = array<i32>} : memref<40x144xf32, #tpu.memory_space<vmem>>, vector<1x16xf32>,
      %swap3A_553 = arith.constant 0 : i32
      %swap3A_554 = arith.constant 0 : i32
      %swap3A_555 = tpu.memref_slice %arg10[%scan3A, %swap3A_553, %swap3A_554] : memref<5x40x144xf32, #tpu.memory_space<vmem>> -> memref<1x40x144xf32, #tpu.memory_space<vmem>>
      %swap3A_556 = tpu.memref_squeeze %swap3A_555 : memref<1x40x144xf32, #tpu.memory_space<vmem>> -> memref<40x144xf32, #tpu.memory_space<vmem>>
      %swap3A_557 = arith.index_cast %scan3A_507 : i32 to index
      %swap3A_558 = arith.constant 80 : index
      %swap3A_559 = tpu.vector_load %swap3A_556[%swap3A_557, %swap3A_558] {strides = array<i32>} : memref<40x144xf32, #tpu.memory_space<vmem>>, vector<1x16xf32>,
      %swap3A_560 = vector.shape_cast %swap3A_559 : vector<1x16xf32> to vector<16xf32>
      %swap3A_561 = vector.shape_cast %broadcast_in_dim3A_1 : vector<16xf32> to vector<1x16xf32>
      tpu.vector_store %swap3A_556[%swap3A_557, %swap3A_558], %swap3A_561 {strides = array<i32>} : memref<40x144xf32, #tpu.memory_space<vmem>>, vector<1x16xf32>,
      %swap3A_562 = arith.constant 0 : i32
      %swap3A_563 = arith.constant 0 : i32
      %swap3A_564 = tpu.memref_slice %arg10[%scan3A, %swap3A_562, %swap3A_563] : memref<5x40x144xf32, #tpu.memory_space<vmem>> -> memref<1x40x144xf32, #tpu.memory_space<vmem>>
      %swap3A_565 = tpu.memref_squeeze %swap3A_564 : memref<1x40x144xf32, #tpu.memory_space<vmem>> -> memref<40x144xf32, #tpu.memory_space<vmem>>
      %swap3A_566 = arith.index_cast %scan3A_507 : i32 to index
      %swap3A_567 = arith.constant 96 : index
      %swap3A_568 = tpu.vector_load %swap3A_565[%swap3A_566, %swap3A_567] {strides = array<i32>} : memref<40x144xf32, #tpu.memory_space<vmem>>, vector<1x16xf32>,
      %swap3A_569 = vector.shape_cast %swap3A_568 : vector<1x16xf32> to vector<16xf32>
      %swap3A_570 = vector.shape_cast %broadcast_in_dim3A_1 : vector<16xf32> to vector<1x16xf32>
      tpu.vector_store %swap3A_565[%swap3A_566, %swap3A_567], %swap3A_570 {strides = array<i32>} : memref<40x144xf32, #tpu.memory_space<vmem>>, vector<1x16xf32>,
      %swap3A_571 = arith.constant 0 : i32
      %swap3A_572 = arith.constant 0 : i32
      %swap3A_573 = tpu.memref_slice %arg10[%scan3A, %swap3A_571, %swap3A_572] : memref<5x40x144xf32, #tpu.memory_space<vmem>> -> memref<1x40x144xf32, #tpu.memory_space<vmem>>
      %swap3A_574 = tpu.memref_squeeze %swap3A_573 : memref<1x40x144xf32, #tpu.memory_space<vmem>> -> memref<40x144xf32, #tpu.memory_space<vmem>>
      %swap3A_575 = arith.index_cast %scan3A_507 : i32 to index
      %swap3A_576 = arith.constant 112 : index
      %swap3A_577 = tpu.vector_load %swap3A_574[%swap3A_575, %swap3A_576] {strides = array<i32>} : memref<40x144xf32, #tpu.memory_space<vmem>>, vector<1x16xf32>,
      %swap3A_578 = vector.shape_cast %swap3A_577 : vector<1x16xf32> to vector<16xf32>
      %swap3A_579 = vector.shape_cast %broadcast_in_dim3A_1 : vector<16xf32> to vector<1x16xf32>
      tpu.vector_store %swap3A_574[%swap3A_575, %swap3A_576], %swap3A_579 {strides = array<i32>} : memref<40x144xf32, #tpu.memory_space<vmem>>, vector<1x16xf32>,
      %swap3A_580 = arith.constant 0 : i32
      %swap3A_581 = arith.constant 0 : i32
      %swap3A_582 = tpu.memref_slice %arg10[%scan3A, %swap3A_580, %swap3A_581] : memref<5x40x144xf32, #tpu.memory_space<vmem>> -> memref<1x40x144xf32, #tpu.memory_space<vmem>>
      %swap3A_583 = tpu.memref_squeeze %swap3A_582 : memref<1x40x144xf32, #tpu.memory_space<vmem>> -> memref<40x144xf32, #tpu.memory_space<vmem>>
      %swap3A_584 = arith.index_cast %scan3A_507 : i32 to index
      %swap3A_585 = arith.constant 128 : index
      %swap3A_586 = tpu.vector_load %swap3A_583[%swap3A_584, %swap3A_585] {strides = array<i32>} : memref<40x144xf32, #tpu.memory_space<vmem>>, vector<1x16xf32>,
      %swap3A_587 = vector.shape_cast %swap3A_586 : vector<1x16xf32> to vector<16xf32>
      %swap3A_588 = vector.shape_cast %broadcast_in_dim3A_1 : vector<16xf32> to vector<1x16xf32>
      tpu.vector_store %swap3A_583[%swap3A_584, %swap3A_585], %swap3A_588 {strides = array<i32>} : memref<40x144xf32, #tpu.memory_space<vmem>>, vector<1x16xf32>,
      %scan3A_589 = arith.constant 0 : i32
      scf.yield %scan3A_589 : i32
    }
    %scan3A_8 = arith.constant 40 : i32
    %mul3A_9 = arith.constant 640 : i32
    %mul3A_10 = arith.muli %arg1, %mul3A_9 : i32
    %add3A_11 = arith.constant 0 : i32
    %add3A_12 = arith.addi %mul3A_10, %add3A_11 : i32
    %run_scoped3A = arith.constant 0 : i32
    "tpu.region"() ({
      %run_scoped3A_507 = tpu.sem_alloc : memref<!tpu.dma_semaphore, #tpu.memory_space<semaphore_mem>>
      %dma_start3A_508 = arith.constant 0 : i32
      %dma_start3A_509 = arith.constant 0 : i32
      %dma_start3A_510 = tpu.memref_slice %arg10[%run_scoped3A, %dma_start3A_508, %dma_start3A_509] : memref<5x40x144xf32, #tpu.memory_space<vmem>> -> memref<1x40x144xf32, #tpu.memory_space<vmem>>
      %dma_start3A_511 = tpu.memref_squeeze %dma_start3A_510 : memref<1x40x144xf32, #tpu.memory_space<vmem>> -> memref<40x144xf32, #tpu.memory_space<vmem>>
      %dma_start3A_512 = arith.constant 0 : i32
      %dma_start3A_513 = tpu.memref_slice %arg7[%add3A_12, %dma_start3A_512] : memref<10240x144xf32, #tpu.memory_space<vmem_shared>> -> memref<40x144xf32, #tpu.memory_space<vmem_shared>>
      %dma_start3A_514 = arith.constant 0 : i32
      %dma_start3A_515 = tpu.memref_slice %arg7[%add3A_12, %dma_start3A_514] : memref<10240x144xf32, #tpu.memory_space<vmem_shared>> -> memref<40x144xf32, #tpu.memory_space<vmem_shared>>
      %dma_start3A_516 = arith.constant 0 : i32
      %dma_start3A_517 = arith.constant 0 : i32
      %dma_start3A_518 = tpu.memref_slice %arg10[%run_scoped3A, %dma_start3A_516, %dma_start3A_517] : memref<5x40x144xf32, #tpu.memory_space<vmem>> -> memref<1x40x144xf32, #tpu.memory_space<vmem>>
      %dma_start3A_519 = tpu.memref_squeeze %dma_start3A_518 : memref<1x40x144xf32, #tpu.memory_space<vmem>> -> memref<40x144xf32, #tpu.memory_space<vmem>>
      tpu.enqueue_dma source(%dma_start3A_519 : memref<40x144xf32, #tpu.memory_space<vmem>>) target(%dma_start3A_515 : memref<40x144xf32, #tpu.memory_space<vmem_shared>>) target_semaphore(%run_scoped3A_507 : memref<!tpu.dma_semaphore, #tpu.memory_space<semaphore_mem>>)
      %dma_wait3A_520 = arith.constant 0 : i32
      %dma_wait3A_521 = arith.constant 0 : i32
      %dma_wait3A_522 = tpu.memref_slice %arg10[%run_scoped3A, %dma_wait3A_520, %dma_wait3A_521] : memref<5x40x144xf32, #tpu.memory_space<vmem>> -> memref<1x40x144xf32, #tpu.memory_space<vmem>>
      %dma_wait3A_523 = tpu.memref_squeeze %dma_wait3A_522 : memref<1x40x144xf32, #tpu.memory_space<vmem>> -> memref<40x144xf32, #tpu.memory_space<vmem>>
      %dma_wait3A_524 = arith.constant 0 : i32
      %dma_wait3A_525 = tpu.memref_slice %arg7[%add3A_12, %dma_wait3A_524] : memref<10240x144xf32, #tpu.memory_space<vmem_shared>> -> memref<40x144xf32, #tpu.memory_space<vmem_shared>>
      %dma_wait3A_526 = arith.constant 0 : i32
      %dma_wait3A_527 = tpu.memref_slice %arg7[%add3A_12, %dma_wait3A_526] : memref<10240x144xf32, #tpu.memory_space<vmem_shared>> -> memref<40x144xf32, #tpu.memory_space<vmem_shared>>
      %dma_wait3A_528 = arith.constant 0 : i32
      %dma_wait3A_529 = arith.constant 0 : i32
      %dma_wait3A_530 = tpu.memref_slice %arg10[%run_scoped3A, %dma_wait3A_528, %dma_wait3A_529] : memref<5x40x144xf32, #tpu.memory_space<vmem>> -> memref<1x40x144xf32, #tpu.memory_space<vmem>>
      %dma_wait3A_531 = tpu.memref_squeeze %dma_wait3A_530 : memref<1x40x144xf32, #tpu.memory_space<vmem>> -> memref<40x144xf32, #tpu.memory_space<vmem>>
      tpu.wait_dma2 semaphore(%run_scoped3A_507 : memref<!tpu.dma_semaphore, #tpu.memory_space<semaphore_mem>>) src(%dma_wait3A_531 : memref<40x144xf32, #tpu.memory_space<vmem>>) dst(%dma_wait3A_527 : memref<40x144xf32, #tpu.memory_space<vmem_shared>>)
      tpu.yield
    }) : () -> ()
    %mul3A_13 = arith.constant 640 : i32
    %mul3A_14 = arith.muli %arg1, %mul3A_13 : i32
    %add3A_15 = arith.constant 40 : i32
    %add3A_16 = arith.addi %mul3A_14, %add3A_15 : i32
    %run_scoped3A_17 = arith.constant 0 : i32
    "tpu.region"() ({
      %run_scoped3A_507 = tpu.sem_alloc : memref<!tpu.dma_semaphore, #tpu.memory_space<semaphore_mem>>
      %dma_start3A_508 = arith.constant 0 : i32
      %dma_start3A_509 = arith.constant 0 : i32
      %dma_start3A_510 = tpu.memref_slice %arg10[%run_scoped3A_17, %dma_start3A_508, %dma_start3A_509] : memref<5x40x144xf32, #tpu.memory_space<vmem>> -> memref<1x40x144xf32, #tpu.memory_space<vmem>>
      %dma_start3A_511 = tpu.memref_squeeze %dma_start3A_510 : memref<1x40x144xf32, #tpu.memory_space<vmem>> -> memref<40x144xf32, #tpu.memory_space<vmem>>
      %dma_start3A_512 = arith.constant 0 : i32
      %dma_start3A_513 = tpu.memref_slice %arg7[%add3A_16, %dma_start3A_512] : memref<10240x144xf32, #tpu.memory_space<vmem_shared>> -> memref<40x144xf32, #tpu.memory_space<vmem_shared>>
      %dma_start3A_514 = arith.constant 0 : i32
      %dma_start3A_515 = tpu.memref_slice %arg7[%add3A_16, %dma_start3A_514] : memref<10240x144xf32, #tpu.memory_space<vmem_shared>> -> memref<40x144xf32, #tpu.memory_space<vmem_shared>>
      %dma_start3A_516 = arith.constant 0 : i32
      %dma_start3A_517 = arith.constant 0 : i32
      %dma_start3A_518 = tpu.memref_slice %arg10[%run_scoped3A_17, %dma_start3A_516, %dma_start3A_517] : memref<5x40x144xf32, #tpu.memory_space<vmem>> -> memref<1x40x144xf32, #tpu.memory_space<vmem>>
      %dma_start3A_519 = tpu.memref_squeeze %dma_start3A_518 : memref<1x40x144xf32, #tpu.memory_space<vmem>> -> memref<40x144xf32, #tpu.memory_space<vmem>>
      tpu.enqueue_dma source(%dma_start3A_519 : memref<40x144xf32, #tpu.memory_space<vmem>>) target(%dma_start3A_515 : memref<40x144xf32, #tpu.memory_space<vmem_shared>>) target_semaphore(%run_scoped3A_507 : memref<!tpu.dma_semaphore, #tpu.memory_space<semaphore_mem>>)
      %dma_wait3A_520 = arith.constant 0 : i32
      %dma_wait3A_521 = arith.constant 0 : i32
      %dma_wait3A_522 = tpu.memref_slice %arg10[%run_scoped3A_17, %dma_wait3A_520, %dma_wait3A_521] : memref<5x40x144xf32, #tpu.memory_space<vmem>> -> memref<1x40x144xf32, #tpu.memory_space<vmem>>
      %dma_wait3A_523 = tpu.memref_squeeze %dma_wait3A_522 : memref<1x40x144xf32, #tpu.memory_space<vmem>> -> memref<40x144xf32, #tpu.memory_space<vmem>>
      %dma_wait3A_524 = arith.constant 0 : i32
      %dma_wait3A_525 = tpu.memref_slice %arg7[%add3A_16, %dma_wait3A_524] : memref<10240x144xf32, #tpu.memory_space<vmem_shared>> -> memref<40x144xf32, #tpu.memory_space<vmem_shared>>
      %dma_wait3A_526 = arith.constant 0 : i32
      %dma_wait3A_527 = tpu.memref_slice %arg7[%add3A_16, %dma_wait3A_526] : memref<10240x144xf32, #tpu.memory_space<vmem_shared>> -> memref<40x144xf32, #tpu.memory_space<vmem_shared>>
      %dma_wait3A_528 = arith.constant 0 : i32
      %dma_wait3A_529 = arith.constant 0 : i32
      %dma_wait3A_530 = tpu.memref_slice %arg10[%run_scoped3A_17, %dma_wait3A_528, %dma_wait3A_529] : memref<5x40x144xf32, #tpu.memory_space<vmem>> -> memref<1x40x144xf32, #tpu.memory_space<vmem>>
      %dma_wait3A_531 = tpu.memref_squeeze %dma_wait3A_530 : memref<1x40x144xf32, #tpu.memory_space<vmem>> -> memref<40x144xf32, #tpu.memory_space<vmem>>
      tpu.wait_dma2 semaphore(%run_scoped3A_507 : memref<!tpu.dma_semaphore, #tpu.memory_space<semaphore_mem>>) src(%dma_wait3A_531 : memref<40x144xf32, #tpu.memory_space<vmem>>) dst(%dma_wait3A_527 : memref<40x144xf32, #tpu.memory_space<vmem_shared>>)
      tpu.yield
    }) : () -> ()
    %mul3A_18 = arith.constant 640 : i32
    %mul3A_19 = arith.muli %arg1, %mul3A_18 : i32
    %add3A_20 = arith.constant 80 : i32
    %add3A_21 = arith.addi %mul3A_19, %add3A_20 : i32
    %run_scoped3A_22 = arith.constant 0 : i32
    "tpu.region"() ({
      %run_scoped3A_507 = tpu.sem_alloc : memref<!tpu.dma_semaphore, #tpu.memory_space<semaphore_mem>>
      %dma_start3A_508 = arith.constant 0 : i32
      %dma_start3A_509 = arith.constant 0 : i32
      %dma_start3A_510 = tpu.memref_slice %arg10[%run_scoped3A_22, %dma_start3A_508, %dma_start3A_509] : memref<5x40x144xf32, #tpu.memory_space<vmem>> -> memref<1x40x144xf32, #tpu.memory_space<vmem>>
      %dma_start3A_511 = tpu.memref_squeeze %dma_start3A_510 : memref<1x40x144xf32, #tpu.memory_space<vmem>> -> memref<40x144xf32, #tpu.memory_space<vmem>>
      %dma_start3A_512 = arith.constant 0 : i32
      %dma_start3A_513 = tpu.memref_slice %arg7[%add3A_21, %dma_start3A_512] : memref<10240x144xf32, #tpu.memory_space<vmem_shared>> -> memref<40x144xf32, #tpu.memory_space<vmem_shared>>
      %dma_start3A_514 = arith.constant 0 : i32
      %dma_start3A_515 = tpu.memref_slice %arg7[%add3A_21, %dma_start3A_514] : memref<10240x144xf32, #tpu.memory_space<vmem_shared>> -> memref<40x144xf32, #tpu.memory_space<vmem_shared>>
      %dma_start3A_516 = arith.constant 0 : i32
      %dma_start3A_517 = arith.constant 0 : i32
      %dma_start3A_518 = tpu.memref_slice %arg10[%run_scoped3A_22, %dma_start3A_516, %dma_start3A_517] : memref<5x40x144xf32, #tpu.memory_space<vmem>> -> memref<1x40x144xf32, #tpu.memory_space<vmem>>
      %dma_start3A_519 = tpu.memref_squeeze %dma_start3A_518 : memref<1x40x144xf32, #tpu.memory_space<vmem>> -> memref<40x144xf32, #tpu.memory_space<vmem>>
      tpu.enqueue_dma source(%dma_start3A_519 : memref<40x144xf32, #tpu.memory_space<vmem>>) target(%dma_start3A_515 : memref<40x144xf32, #tpu.memory_space<vmem_shared>>) target_semaphore(%run_scoped3A_507 : memref<!tpu.dma_semaphore, #tpu.memory_space<semaphore_mem>>)
      %dma_wait3A_520 = arith.constant 0 : i32
      %dma_wait3A_521 = arith.constant 0 : i32
      %dma_wait3A_522 = tpu.memref_slice %arg10[%run_scoped3A_22, %dma_wait3A_520, %dma_wait3A_521] : memref<5x40x144xf32, #tpu.memory_space<vmem>> -> memref<1x40x144xf32, #tpu.memory_space<vmem>>
      %dma_wait3A_523 = tpu.memref_squeeze %dma_wait3A_522 : memref<1x40x144xf32, #tpu.memory_space<vmem>> -> memref<40x144xf32, #tpu.memory_space<vmem>>
      %dma_wait3A_524 = arith.constant 0 : i32
      %dma_wait3A_525 = tpu.memref_slice %arg7[%add3A_21, %dma_wait3A_524] : memref<10240x144xf32, #tpu.memory_space<vmem_shared>> -> memref<40x144xf32, #tpu.memory_space<vmem_shared>>
      %dma_wait3A_526 = arith.constant 0 : i32
      %dma_wait3A_527 = tpu.memref_slice %arg7[%add3A_21, %dma_wait3A_526] : memref<10240x144xf32, #tpu.memory_space<vmem_shared>> -> memref<40x144xf32, #tpu.memory_space<vmem_shared>>
      %dma_wait3A_528 = arith.constant 0 : i32
      %dma_wait3A_529 = arith.constant 0 : i32
      %dma_wait3A_530 = tpu.memref_slice %arg10[%run_scoped3A_22, %dma_wait3A_528, %dma_wait3A_529] : memref<5x40x144xf32, #tpu.memory_space<vmem>> -> memref<1x40x144xf32, #tpu.memory_space<vmem>>
      %dma_wait3A_531 = tpu.memref_squeeze %dma_wait3A_530 : memref<1x40x144xf32, #tpu.memory_space<vmem>> -> memref<40x144xf32, #tpu.memory_space<vmem>>
      tpu.wait_dma2 semaphore(%run_scoped3A_507 : memref<!tpu.dma_semaphore, #tpu.memory_space<semaphore_mem>>) src(%dma_wait3A_531 : memref<40x144xf32, #tpu.memory_space<vmem>>) dst(%dma_wait3A_527 : memref<40x144xf32, #tpu.memory_space<vmem_shared>>)
      tpu.yield
    }) : () -> ()
    %mul3A_23 = arith.constant 640 : i32
    %mul3A_24 = arith.muli %arg1, %mul3A_23 : i32
    %add3A_25 = arith.constant 120 : i32
    %add3A_26 = arith.addi %mul3A_24, %add3A_25 : i32
    %run_scoped3A_27 = arith.constant 0 : i32
    "tpu.region"() ({
      %run_scoped3A_507 = tpu.sem_alloc : memref<!tpu.dma_semaphore, #tpu.memory_space<semaphore_mem>>
      %dma_start3A_508 = arith.constant 0 : i32
      %dma_start3A_509 = arith.constant 0 : i32
      %dma_start3A_510 = tpu.memref_slice %arg10[%run_scoped3A_27, %dma_start3A_508, %dma_start3A_509] : memref<5x40x144xf32, #tpu.memory_space<vmem>> -> memref<1x40x144xf32, #tpu.memory_space<vmem>>
      %dma_start3A_511 = tpu.memref_squeeze %dma_start3A_510 : memref<1x40x144xf32, #tpu.memory_space<vmem>> -> memref<40x144xf32, #tpu.memory_space<vmem>>
      %dma_start3A_512 = arith.constant 0 : i32
      %dma_start3A_513 = tpu.memref_slice %arg7[%add3A_26, %dma_start3A_512] : memref<10240x144xf32, #tpu.memory_space<vmem_shared>> -> memref<40x144xf32, #tpu.memory_space<vmem_shared>>
      %dma_start3A_514 = arith.constant 0 : i32
      %dma_start3A_515 = tpu.memref_slice %arg7[%add3A_26, %dma_start3A_514] : memref<10240x144xf32, #tpu.memory_space<vmem_shared>> -> memref<40x144xf32, #tpu.memory_space<vmem_shared>>
      %dma_start3A_516 = arith.constant 0 : i32
      %dma_start3A_517 = arith.constant 0 : i32
      %dma_start3A_518 = tpu.memref_slice %arg10[%run_scoped3A_27, %dma_start3A_516, %dma_start3A_517] : memref<5x40x144xf32, #tpu.memory_space<vmem>> -> memref<1x40x144xf32, #tpu.memory_space<vmem>>
      %dma_start3A_519 = tpu.memref_squeeze %dma_start3A_518 : memref<1x40x144xf32, #tpu.memory_space<vmem>> -> memref<40x144xf32, #tpu.memory_space<vmem>>
      tpu.enqueue_dma source(%dma_start3A_519 : memref<40x144xf32, #tpu.memory_space<vmem>>) target(%dma_start3A_515 : memref<40x144xf32, #tpu.memory_space<vmem_shared>>) target_semaphore(%run_scoped3A_507 : memref<!tpu.dma_semaphore, #tpu.memory_space<semaphore_mem>>)
      %dma_wait3A_520 = arith.constant 0 : i32
      %dma_wait3A_521 = arith.constant 0 : i32
      %dma_wait3A_522 = tpu.memref_slice %arg10[%run_scoped3A_27, %dma_wait3A_520, %dma_wait3A_521] : memref<5x40x144xf32, #tpu.memory_space<vmem>> -> memref<1x40x144xf32, #tpu.memory_space<vmem>>
      %dma_wait3A_523 = tpu.memref_squeeze %dma_wait3A_522 : memref<1x40x144xf32, #tpu.memory_space<vmem>> -> memref<40x144xf32, #tpu.memory_space<vmem>>
      %dma_wait3A_524 = arith.constant 0 : i32
      %dma_wait3A_525 = tpu.memref_slice %arg7[%add3A_26, %dma_wait3A_524] : memref<10240x144xf32, #tpu.memory_space<vmem_shared>> -> memref<40x144xf32, #tpu.memory_space<vmem_shared>>
      %dma_wait3A_526 = arith.constant 0 : i32
      %dma_wait3A_527 = tpu.memref_slice %arg7[%add3A_26, %dma_wait3A_526] : memref<10240x144xf32, #tpu.memory_space<vmem_shared>> -> memref<40x144xf32, #tpu.memory_space<vmem_shared>>
      %dma_wait3A_528 = arith.constant 0 : i32
      %dma_wait3A_529 = arith.constant 0 : i32
      %dma_wait3A_530 = tpu.memref_slice %arg10[%run_scoped3A_27, %dma_wait3A_528, %dma_wait3A_529] : memref<5x40x144xf32, #tpu.memory_space<vmem>> -> memref<1x40x144xf32, #tpu.memory_space<vmem>>
      %dma_wait3A_531 = tpu.memref_squeeze %dma_wait3A_530 : memref<1x40x144xf32, #tpu.memory_space<vmem>> -> memref<40x144xf32, #tpu.memory_space<vmem>>
      tpu.wait_dma2 semaphore(%run_scoped3A_507 : memref<!tpu.dma_semaphore, #tpu.memory_space<semaphore_mem>>) src(%dma_wait3A_531 : memref<40x144xf32, #tpu.memory_space<vmem>>) dst(%dma_wait3A_527 : memref<40x144xf32, #tpu.memory_space<vmem_shared>>)
      tpu.yield
    }) : () -> ()
    %mul3A_28 = arith.constant 640 : i32
    %mul3A_29 = arith.muli %arg1, %mul3A_28 : i32
    %add3A_30 = arith.constant 160 : i32
    %add3A_31 = arith.addi %mul3A_29, %add3A_30 : i32
    %run_scoped3A_32 = arith.constant 0 : i32
    "tpu.region"() ({
      %run_scoped3A_507 = tpu.sem_alloc : memref<!tpu.dma_semaphore, #tpu.memory_space<semaphore_mem>>
      %dma_start3A_508 = arith.constant 0 : i32
      %dma_start3A_509 = arith.constant 0 : i32
      %dma_start3A_510 = tpu.memref_slice %arg10[%run_scoped3A_32, %dma_start3A_508, %dma_start3A_509] : memref<5x40x144xf32, #tpu.memory_space<vmem>> -> memref<1x40x144xf32, #tpu.memory_space<vmem>>
      %dma_start3A_511 = tpu.memref_squeeze %dma_start3A_510 : memref<1x40x144xf32, #tpu.memory_space<vmem>> -> memref<40x144xf32, #tpu.memory_space<vmem>>
      %dma_start3A_512 = arith.constant 0 : i32
      %dma_start3A_513 = tpu.memref_slice %arg7[%add3A_31, %dma_start3A_512] : memref<10240x144xf32, #tpu.memory_space<vmem_shared>> -> memref<40x144xf32, #tpu.memory_space<vmem_shared>>
      %dma_start3A_514 = arith.constant 0 : i32
      %dma_start3A_515 = tpu.memref_slice %arg7[%add3A_31, %dma_start3A_514] : memref<10240x144xf32, #tpu.memory_space<vmem_shared>> -> memref<40x144xf32, #tpu.memory_space<vmem_shared>>
      %dma_start3A_516 = arith.constant 0 : i32
      %dma_start3A_517 = arith.constant 0 : i32
      %dma_start3A_518 = tpu.memref_slice %arg10[%run_scoped3A_32, %dma_start3A_516, %dma_start3A_517] : memref<5x40x144xf32, #tpu.memory_space<vmem>> -> memref<1x40x144xf32, #tpu.memory_space<vmem>>
      %dma_start3A_519 = tpu.memref_squeeze %dma_start3A_518 : memref<1x40x144xf32, #tpu.memory_space<vmem>> -> memref<40x144xf32, #tpu.memory_space<vmem>>
      tpu.enqueue_dma source(%dma_start3A_519 : memref<40x144xf32, #tpu.memory_space<vmem>>) target(%dma_start3A_515 : memref<40x144xf32, #tpu.memory_space<vmem_shared>>) target_semaphore(%run_scoped3A_507 : memref<!tpu.dma_semaphore, #tpu.memory_space<semaphore_mem>>)
      %dma_wait3A_520 = arith.constant 0 : i32
      %dma_wait3A_521 = arith.constant 0 : i32
      %dma_wait3A_522 = tpu.memref_slice %arg10[%run_scoped3A_32, %dma_wait3A_520, %dma_wait3A_521] : memref<5x40x144xf32, #tpu.memory_space<vmem>> -> memref<1x40x144xf32, #tpu.memory_space<vmem>>
      %dma_wait3A_523 = tpu.memref_squeeze %dma_wait3A_522 : memref<1x40x144xf32, #tpu.memory_space<vmem>> -> memref<40x144xf32, #tpu.memory_space<vmem>>
      %dma_wait3A_524 = arith.constant 0 : i32
      %dma_wait3A_525 = tpu.memref_slice %arg7[%add3A_31, %dma_wait3A_524] : memref<10240x144xf32, #tpu.memory_space<vmem_shared>> -> memref<40x144xf32, #tpu.memory_space<vmem_shared>>
      %dma_wait3A_526 = arith.constant 0 : i32
      %dma_wait3A_527 = tpu.memref_slice %arg7[%add3A_31, %dma_wait3A_526] : memref<10240x144xf32, #tpu.memory_space<vmem_shared>> -> memref<40x144xf32, #tpu.memory_space<vmem_shared>>
      %dma_wait3A_528 = arith.constant 0 : i32
      %dma_wait3A_529 = arith.constant 0 : i32
      %dma_wait3A_530 = tpu.memref_slice %arg10[%run_scoped3A_32, %dma_wait3A_528, %dma_wait3A_529] : memref<5x40x144xf32, #tpu.memory_space<vmem>> -> memref<1x40x144xf32, #tpu.memory_space<vmem>>
      %dma_wait3A_531 = tpu.memref_squeeze %dma_wait3A_530 : memref<1x40x144xf32, #tpu.memory_space<vmem>> -> memref<40x144xf32, #tpu.memory_space<vmem>>
      tpu.wait_dma2 semaphore(%run_scoped3A_507 : memref<!tpu.dma_semaphore, #tpu.memory_space<semaphore_mem>>) src(%dma_wait3A_531 : memref<40x144xf32, #tpu.memory_space<vmem>>) dst(%dma_wait3A_527 : memref<40x144xf32, #tpu.memory_space<vmem_shared>>)
      tpu.yield
    }) : () -> ()
    %mul3A_33 = arith.constant 640 : i32
    %mul3A_34 = arith.muli %arg1, %mul3A_33 : i32
    %add3A_35 = arith.constant 200 : i32
    %add3A_36 = arith.addi %mul3A_34, %add3A_35 : i32
    %run_scoped3A_37 = arith.constant 0 : i32
    "tpu.region"() ({
      %run_scoped3A_507 = tpu.sem_alloc : memref<!tpu.dma_semaphore, #tpu.memory_space<semaphore_mem>>
      %dma_start3A_508 = arith.constant 0 : i32
      %dma_start3A_509 = arith.constant 0 : i32
      %dma_start3A_510 = tpu.memref_slice %arg10[%run_scoped3A_37, %dma_start3A_508, %dma_start3A_509] : memref<5x40x144xf32, #tpu.memory_space<vmem>> -> memref<1x40x144xf32, #tpu.memory_space<vmem>>
      %dma_start3A_511 = tpu.memref_squeeze %dma_start3A_510 : memref<1x40x144xf32, #tpu.memory_space<vmem>> -> memref<40x144xf32, #tpu.memory_space<vmem>>
      %dma_start3A_512 = arith.constant 0 : i32
      %dma_start3A_513 = tpu.memref_slice %arg7[%add3A_36, %dma_start3A_512] : memref<10240x144xf32, #tpu.memory_space<vmem_shared>> -> memref<40x144xf32, #tpu.memory_space<vmem_shared>>
      %dma_start3A_514 = arith.constant 0 : i32
      %dma_start3A_515 = tpu.memref_slice %arg7[%add3A_36, %dma_start3A_514] : memref<10240x144xf32, #tpu.memory_space<vmem_shared>> -> memref<40x144xf32, #tpu.memory_space<vmem_shared>>
      %dma_start3A_516 = arith.constant 0 : i32
      %dma_start3A_517 = arith.constant 0 : i32
      %dma_start3A_518 = tpu.memref_slice %arg10[%run_scoped3A_37, %dma_start3A_516, %dma_start3A_517] : memref<5x40x144xf32, #tpu.memory_space<vmem>> -> memref<1x40x144xf32, #tpu.memory_space<vmem>>
      %dma_start3A_519 = tpu.memref_squeeze %dma_start3A_518 : memref<1x40x144xf32, #tpu.memory_space<vmem>> -> memref<40x144xf32, #tpu.memory_space<vmem>>
      tpu.enqueue_dma source(%dma_start3A_519 : memref<40x144xf32, #tpu.memory_space<vmem>>) target(%dma_start3A_515 : memref<40x144xf32, #tpu.memory_space<vmem_shared>>) target_semaphore(%run_scoped3A_507 : memref<!tpu.dma_semaphore, #tpu.memory_space<semaphore_mem>>)
      %dma_wait3A_520 = arith.constant 0 : i32
      %dma_wait3A_521 = arith.constant 0 : i32
      %dma_wait3A_522 = tpu.memref_slice %arg10[%run_scoped3A_37, %dma_wait3A_520, %dma_wait3A_521] : memref<5x40x144xf32, #tpu.memory_space<vmem>> -> memref<1x40x144xf32, #tpu.memory_space<vmem>>
      %dma_wait3A_523 = tpu.memref_squeeze %dma_wait3A_522 : memref<1x40x144xf32, #tpu.memory_space<vmem>> -> memref<40x144xf32, #tpu.memory_space<vmem>>
      %dma_wait3A_524 = arith.constant 0 : i32
      %dma_wait3A_525 = tpu.memref_slice %arg7[%add3A_36, %dma_wait3A_524] : memref<10240x144xf32, #tpu.memory_space<vmem_shared>> -> memref<40x144xf32, #tpu.memory_space<vmem_shared>>
      %dma_wait3A_526 = arith.constant 0 : i32
      %dma_wait3A_527 = tpu.memref_slice %arg7[%add3A_36, %dma_wait3A_526] : memref<10240x144xf32, #tpu.memory_space<vmem_shared>> -> memref<40x144xf32, #tpu.memory_space<vmem_shared>>
      %dma_wait3A_528 = arith.constant 0 : i32
      %dma_wait3A_529 = arith.constant 0 : i32
      %dma_wait3A_530 = tpu.memref_slice %arg10[%run_scoped3A_37, %dma_wait3A_528, %dma_wait3A_529] : memref<5x40x144xf32, #tpu.memory_space<vmem>> -> memref<1x40x144xf32, #tpu.memory_space<vmem>>
      %dma_wait3A_531 = tpu.memref_squeeze %dma_wait3A_530 : memref<1x40x144xf32, #tpu.memory_space<vmem>> -> memref<40x144xf32, #tpu.memory_space<vmem>>
      tpu.wait_dma2 semaphore(%run_scoped3A_507 : memref<!tpu.dma_semaphore, #tpu.memory_space<semaphore_mem>>) src(%dma_wait3A_531 : memref<40x144xf32, #tpu.memory_space<vmem>>) dst(%dma_wait3A_527 : memref<40x144xf32, #tpu.memory_space<vmem_shared>>)
      tpu.yield
    }) : () -> ()
    %mul3A_38 = arith.constant 640 : i32
    %mul3A_39 = arith.muli %arg1, %mul3A_38 : i32
    %add3A_40 = arith.constant 240 : i32
    %add3A_41 = arith.addi %mul3A_39, %add3A_40 : i32
    %run_scoped3A_42 = arith.constant 0 : i32
    "tpu.region"() ({
      %run_scoped3A_507 = tpu.sem_alloc : memref<!tpu.dma_semaphore, #tpu.memory_space<semaphore_mem>>
      %dma_start3A_508 = arith.constant 0 : i32
      %dma_start3A_509 = arith.constant 0 : i32
      %dma_start3A_510 = tpu.memref_slice %arg10[%run_scoped3A_42, %dma_start3A_508, %dma_start3A_509] : memref<5x40x144xf32, #tpu.memory_space<vmem>> -> memref<1x40x144xf32, #tpu.memory_space<vmem>>
      %dma_start3A_511 = tpu.memref_squeeze %dma_start3A_510 : memref<1x40x144xf32, #tpu.memory_space<vmem>> -> memref<40x144xf32, #tpu.memory_space<vmem>>
      %dma_start3A_512 = arith.constant 0 : i32
      %dma_start3A_513 = tpu.memref_slice %arg7[%add3A_41, %dma_start3A_512] : memref<10240x144xf32, #tpu.memory_space<vmem_shared>> -> memref<40x144xf32, #tpu.memory_space<vmem_shared>>
      %dma_start3A_514 = arith.constant 0 : i32
      %dma_start3A_515 = tpu.memref_slice %arg7[%add3A_41, %dma_start3A_514] : memref<10240x144xf32, #tpu.memory_space<vmem_shared>> -> memref<40x144xf32, #tpu.memory_space<vmem_shared>>
      %dma_start3A_516 = arith.constant 0 : i32
      %dma_start3A_517 = arith.constant 0 : i32
      %dma_start3A_518 = tpu.memref_slice %arg10[%run_scoped3A_42, %dma_start3A_516, %dma_start3A_517] : memref<5x40x144xf32, #tpu.memory_space<vmem>> -> memref<1x40x144xf32, #tpu.memory_space<vmem>>
      %dma_start3A_519 = tpu.memref_squeeze %dma_start3A_518 : memref<1x40x144xf32, #tpu.memory_space<vmem>> -> memref<40x144xf32, #tpu.memory_space<vmem>>
      tpu.enqueue_dma source(%dma_start3A_519 : memref<40x144xf32, #tpu.memory_space<vmem>>) target(%dma_start3A_515 : memref<40x144xf32, #tpu.memory_space<vmem_shared>>) target_semaphore(%run_scoped3A_507 : memref<!tpu.dma_semaphore, #tpu.memory_space<semaphore_mem>>)
      %dma_wait3A_520 = arith.constant 0 : i32
      %dma_wait3A_521 = arith.constant 0 : i32
      %dma_wait3A_522 = tpu.memref_slice %arg10[%run_scoped3A_42, %dma_wait3A_520, %dma_wait3A_521] : memref<5x40x144xf32, #tpu.memory_space<vmem>> -> memref<1x40x144xf32, #tpu.memory_space<vmem>>
      %dma_wait3A_523 = tpu.memref_squeeze %dma_wait3A_522 : memref<1x40x144xf32, #tpu.memory_space<vmem>> -> memref<40x144xf32, #tpu.memory_space<vmem>>
      %dma_wait3A_524 = arith.constant 0 : i32
      %dma_wait3A_525 = tpu.memref_slice %arg7[%add3A_41, %dma_wait3A_524] : memref<10240x144xf32, #tpu.memory_space<vmem_shared>> -> memref<40x144xf32, #tpu.memory_space<vmem_shared>>
      %dma_wait3A_526 = arith.constant 0 : i32
      %dma_wait3A_527 = tpu.memref_slice %arg7[%add3A_41, %dma_wait3A_526] : memref<10240x144xf32, #tpu.memory_space<vmem_shared>> -> memref<40x144xf32, #tpu.memory_space<vmem_shared>>
      %dma_wait3A_528 = arith.constant 0 : i32
      %dma_wait3A_529 = arith.constant 0 : i32
      %dma_wait3A_530 = tpu.memref_slice %arg10[%run_scoped3A_42, %dma_wait3A_528, %dma_wait3A_529] : memref<5x40x144xf32, #tpu.memory_space<vmem>> -> memref<1x40x144xf32, #tpu.memory_space<vmem>>
      %dma_wait3A_531 = tpu.memref_squeeze %dma_wait3A_530 : memref<1x40x144xf32, #tpu.memory_space<vmem>> -> memref<40x144xf32, #tpu.memory_space<vmem>>
      tpu.wait_dma2 semaphore(%run_scoped3A_507 : memref<!tpu.dma_semaphore, #tpu.memory_space<semaphore_mem>>) src(%dma_wait3A_531 : memref<40x144xf32, #tpu.memory_space<vmem>>) dst(%dma_wait3A_527 : memref<40x144xf32, #tpu.memory_space<vmem_shared>>)
      tpu.yield
    }) : () -> ()
    %mul3A_43 = arith.constant 640 : i32
    %mul3A_44 = arith.muli %arg1, %mul3A_43 : i32
    %add3A_45 = arith.constant 280 : i32
    %add3A_46 = arith.addi %mul3A_44, %add3A_45 : i32
    %run_scoped3A_47 = arith.constant 0 : i32
    "tpu.region"() ({
      %run_scoped3A_507 = tpu.sem_alloc : memref<!tpu.dma_semaphore, #tpu.memory_space<semaphore_mem>>
      %dma_start3A_508 = arith.constant 0 : i32
      %dma_start3A_509 = arith.constant 0 : i32
      %dma_start3A_510 = tpu.memref_slice %arg10[%run_scoped3A_47, %dma_start3A_508, %dma_start3A_509] : memref<5x40x144xf32, #tpu.memory_space<vmem>> -> memref<1x40x144xf32, #tpu.memory_space<vmem>>
      %dma_start3A_511 = tpu.memref_squeeze %dma_start3A_510 : memref<1x40x144xf32, #tpu.memory_space<vmem>> -> memref<40x144xf32, #tpu.memory_space<vmem>>
      %dma_start3A_512 = arith.constant 0 : i32
      %dma_start3A_513 = tpu.memref_slice %arg7[%add3A_46, %dma_start3A_512] : memref<10240x144xf32, #tpu.memory_space<vmem_shared>> -> memref<40x144xf32, #tpu.memory_space<vmem_shared>>
      %dma_start3A_514 = arith.constant 0 : i32
      %dma_start3A_515 = tpu.memref_slice %arg7[%add3A_46, %dma_start3A_514] : memref<10240x144xf32, #tpu.memory_space<vmem_shared>> -> memref<40x144xf32, #tpu.memory_space<vmem_shared>>
      %dma_start3A_516 = arith.constant 0 : i32
      %dma_start3A_517 = arith.constant 0 : i32
      %dma_start3A_518 = tpu.memref_slice %arg10[%run_scoped3A_47, %dma_start3A_516, %dma_start3A_517] : memref<5x40x144xf32, #tpu.memory_space<vmem>> -> memref<1x40x144xf32, #tpu.memory_space<vmem>>
      %dma_start3A_519 = tpu.memref_squeeze %dma_start3A_518 : memref<1x40x144xf32, #tpu.memory_space<vmem>> -> memref<40x144xf32, #tpu.memory_space<vmem>>
      tpu.enqueue_dma source(%dma_start3A_519 : memref<40x144xf32, #tpu.memory_space<vmem>>) target(%dma_start3A_515 : memref<40x144xf32, #tpu.memory_space<vmem_shared>>) target_semaphore(%run_scoped3A_507 : memref<!tpu.dma_semaphore, #tpu.memory_space<semaphore_mem>>)
      %dma_wait3A_520 = arith.constant 0 : i32
      %dma_wait3A_521 = arith.constant 0 : i32
      %dma_wait3A_522 = tpu.memref_slice %arg10[%run_scoped3A_47, %dma_wait3A_520, %dma_wait3A_521] : memref<5x40x144xf32, #tpu.memory_space<vmem>> -> memref<1x40x144xf32, #tpu.memory_space<vmem>>
      %dma_wait3A_523 = tpu.memref_squeeze %dma_wait3A_522 : memref<1x40x144xf32, #tpu.memory_space<vmem>> -> memref<40x144xf32, #tpu.memory_space<vmem>>
      %dma_wait3A_524 = arith.constant 0 : i32
      %dma_wait3A_525 = tpu.memref_slice %arg7[%add3A_46, %dma_wait3A_524] : memref<10240x144xf32, #tpu.memory_space<vmem_shared>> -> memref<40x144xf32, #tpu.memory_space<vmem_shared>>
      %dma_wait3A_526 = arith.constant 0 : i32
      %dma_wait3A_527 = tpu.memref_slice %arg7[%add3A_46, %dma_wait3A_526] : memref<10240x144xf32, #tpu.memory_space<vmem_shared>> -> memref<40x144xf32, #tpu.memory_space<vmem_shared>>
      %dma_wait3A_528 = arith.constant 0 : i32
      %dma_wait3A_529 = arith.constant 0 : i32
      %dma_wait3A_530 = tpu.memref_slice %arg10[%run_scoped3A_47, %dma_wait3A_528, %dma_wait3A_529] : memref<5x40x144xf32, #tpu.memory_space<vmem>> -> memref<1x40x144xf32, #tpu.memory_space<vmem>>
      %dma_wait3A_531 = tpu.memref_squeeze %dma_wait3A_530 : memref<1x40x144xf32, #tpu.memory_space<vmem>> -> memref<40x144xf32, #tpu.memory_space<vmem>>
      tpu.wait_dma2 semaphore(%run_scoped3A_507 : memref<!tpu.dma_semaphore, #tpu.memory_space<semaphore_mem>>) src(%dma_wait3A_531 : memref<40x144xf32, #tpu.memory_space<vmem>>) dst(%dma_wait3A_527 : memref<40x144xf32, #tpu.memory_space<vmem_shared>>)
      tpu.yield
    }) : () -> ()
    %mul3A_48 = arith.constant 640 : i32
    %mul3A_49 = arith.muli %arg1, %mul3A_48 : i32
    %add3A_50 = arith.constant 320 : i32
    %add3A_51 = arith.addi %mul3A_49, %add3A_50 : i32
    %run_scoped3A_52 = arith.constant 0 : i32
    "tpu.region"() ({
      %run_scoped3A_507 = tpu.sem_alloc : memref<!tpu.dma_semaphore, #tpu.memory_space<semaphore_mem>>
      %dma_start3A_508 = arith.constant 0 : i32
      %dma_start3A_509 = arith.constant 0 : i32
      %dma_start3A_510 = tpu.memref_slice %arg10[%run_scoped3A_52, %dma_start3A_508, %dma_start3A_509] : memref<5x40x144xf32, #tpu.memory_space<vmem>> -> memref<1x40x144xf32, #tpu.memory_space<vmem>>
      %dma_start3A_511 = tpu.memref_squeeze %dma_start3A_510 : memref<1x40x144xf32, #tpu.memory_space<vmem>> -> memref<40x144xf32, #tpu.memory_space<vmem>>
      %dma_start3A_512 = arith.constant 0 : i32
      %dma_start3A_513 = tpu.memref_slice %arg7[%add3A_51, %dma_start3A_512] : memref<10240x144xf32, #tpu.memory_space<vmem_shared>> -> memref<40x144xf32, #tpu.memory_space<vmem_shared>>
      %dma_start3A_514 = arith.constant 0 : i32
      %dma_start3A_515 = tpu.memref_slice %arg7[%add3A_51, %dma_start3A_514] : memref<10240x144xf32, #tpu.memory_space<vmem_shared>> -> memref<40x144xf32, #tpu.memory_space<vmem_shared>>
      %dma_start3A_516 = arith.constant 0 : i32
      %dma_start3A_517 = arith.constant 0 : i32
      %dma_start3A_518 = tpu.memref_slice %arg10[%run_scoped3A_52, %dma_start3A_516, %dma_start3A_517] : memref<5x40x144xf32, #tpu.memory_space<vmem>> -> memref<1x40x144xf32, #tpu.memory_space<vmem>>
      %dma_start3A_519 = tpu.memref_squeeze %dma_start3A_518 : memref<1x40x144xf32, #tpu.memory_space<vmem>> -> memref<40x144xf32, #tpu.memory_space<vmem>>
      tpu.enqueue_dma source(%dma_start3A_519 : memref<40x144xf32, #tpu.memory_space<vmem>>) target(%dma_start3A_515 : memref<40x144xf32, #tpu.memory_space<vmem_shared>>) target_semaphore(%run_scoped3A_507 : memref<!tpu.dma_semaphore, #tpu.memory_space<semaphore_mem>>)
      %dma_wait3A_520 = arith.constant 0 : i32
      %dma_wait3A_521 = arith.constant 0 : i32
      %dma_wait3A_522 = tpu.memref_slice %arg10[%run_scoped3A_52, %dma_wait3A_520, %dma_wait3A_521] : memref<5x40x144xf32, #tpu.memory_space<vmem>> -> memref<1x40x144xf32, #tpu.memory_space<vmem>>
      %dma_wait3A_523 = tpu.memref_squeeze %dma_wait3A_522 : memref<1x40x144xf32, #tpu.memory_space<vmem>> -> memref<40x144xf32, #tpu.memory_space<vmem>>
      %dma_wait3A_524 = arith.constant 0 : i32
      %dma_wait3A_525 = tpu.memref_slice %arg7[%add3A_51, %dma_wait3A_524] : memref<10240x144xf32, #tpu.memory_space<vmem_shared>> -> memref<40x144xf32, #tpu.memory_space<vmem_shared>>
      %dma_wait3A_526 = arith.constant 0 : i32
      %dma_wait3A_527 = tpu.memref_slice %arg7[%add3A_51, %dma_wait3A_526] : memref<10240x144xf32, #tpu.memory_space<vmem_shared>> -> memref<40x144xf32, #tpu.memory_space<vmem_shared>>
      %dma_wait3A_528 = arith.constant 0 : i32
      %dma_wait3A_529 = arith.constant 0 : i32
      %dma_wait3A_530 = tpu.memref_slice %arg10[%run_scoped3A_52, %dma_wait3A_528, %dma_wait3A_529] : memref<5x40x144xf32, #tpu.memory_space<vmem>> -> memref<1x40x144xf32, #tpu.memory_space<vmem>>
      %dma_wait3A_531 = tpu.memref_squeeze %dma_wait3A_530 : memref<1x40x144xf32, #tpu.memory_space<vmem>> -> memref<40x144xf32, #tpu.memory_space<vmem>>
      tpu.wait_dma2 semaphore(%run_scoped3A_507 : memref<!tpu.dma_semaphore, #tpu.memory_space<semaphore_mem>>) src(%dma_wait3A_531 : memref<40x144xf32, #tpu.memory_space<vmem>>) dst(%dma_wait3A_527 : memref<40x144xf32, #tpu.memory_space<vmem_shared>>)
      tpu.yield
    }) : () -> ()
    %mul3A_53 = arith.constant 640 : i32
    %mul3A_54 = arith.muli %arg1, %mul3A_53 : i32
    %add3A_55 = arith.constant 360 : i32
    %add3A_56 = arith.addi %mul3A_54, %add3A_55 : i32
    %run_scoped3A_57 = arith.constant 0 : i32
    "tpu.region"() ({
      %run_scoped3A_507 = tpu.sem_alloc : memref<!tpu.dma_semaphore, #tpu.memory_space<semaphore_mem>>
      %dma_start3A_508 = arith.constant 0 : i32
      %dma_start3A_509 = arith.constant 0 : i32
      %dma_start3A_510 = tpu.memref_slice %arg10[%run_scoped3A_57, %dma_start3A_508, %dma_start3A_509] : memref<5x40x144xf32, #tpu.memory_space<vmem>> -> memref<1x40x144xf32, #tpu.memory_space<vmem>>
      %dma_start3A_511 = tpu.memref_squeeze %dma_start3A_510 : memref<1x40x144xf32, #tpu.memory_space<vmem>> -> memref<40x144xf32, #tpu.memory_space<vmem>>
      %dma_start3A_512 = arith.constant 0 : i32
      %dma_start3A_513 = tpu.memref_slice %arg7[%add3A_56, %dma_start3A_512] : memref<10240x144xf32, #tpu.memory_space<vmem_shared>> -> memref<40x144xf32, #tpu.memory_space<vmem_shared>>
      %dma_start3A_514 = arith.constant 0 : i32
      %dma_start3A_515 = tpu.memref_slice %arg7[%add3A_56, %dma_start3A_514] : memref<10240x144xf32, #tpu.memory_space<vmem_shared>> -> memref<40x144xf32, #tpu.memory_space<vmem_shared>>
      %dma_start3A_516 = arith.constant 0 : i32
      %dma_start3A_517 = arith.constant 0 : i32
      %dma_start3A_518 = tpu.memref_slice %arg10[%run_scoped3A_57, %dma_start3A_516, %dma_start3A_517] : memref<5x40x144xf32, #tpu.memory_space<vmem>> -> memref<1x40x144xf32, #tpu.memory_space<vmem>>
      %dma_start3A_519 = tpu.memref_squeeze %dma_start3A_518 : memref<1x40x144xf32, #tpu.memory_space<vmem>> -> memref<40x144xf32, #tpu.memory_space<vmem>>
      tpu.enqueue_dma source(%dma_start3A_519 : memref<40x144xf32, #tpu.memory_space<vmem>>) target(%dma_start3A_515 : memref<40x144xf32, #tpu.memory_space<vmem_shared>>) target_semaphore(%run_scoped3A_507 : memref<!tpu.dma_semaphore, #tpu.memory_space<semaphore_mem>>)
      %dma_wait3A_520 = arith.constant 0 : i32
      %dma_wait3A_521 = arith.constant 0 : i32
      %dma_wait3A_522 = tpu.memref_slice %arg10[%run_scoped3A_57, %dma_wait3A_520, %dma_wait3A_521] : memref<5x40x144xf32, #tpu.memory_space<vmem>> -> memref<1x40x144xf32, #tpu.memory_space<vmem>>
      %dma_wait3A_523 = tpu.memref_squeeze %dma_wait3A_522 : memref<1x40x144xf32, #tpu.memory_space<vmem>> -> memref<40x144xf32, #tpu.memory_space<vmem>>
      %dma_wait3A_524 = arith.constant 0 : i32
      %dma_wait3A_525 = tpu.memref_slice %arg7[%add3A_56, %dma_wait3A_524] : memref<10240x144xf32, #tpu.memory_space<vmem_shared>> -> memref<40x144xf32, #tpu.memory_space<vmem_shared>>
      %dma_wait3A_526 = arith.constant 0 : i32
      %dma_wait3A_527 = tpu.memref_slice %arg7[%add3A_56, %dma_wait3A_526] : memref<10240x144xf32, #tpu.memory_space<vmem_shared>> -> memref<40x144xf32, #tpu.memory_space<vmem_shared>>
      %dma_wait3A_528 = arith.constant 0 : i32
      %dma_wait3A_529 = arith.constant 0 : i32
      %dma_wait3A_530 = tpu.memref_slice %arg10[%run_scoped3A_57, %dma_wait3A_528, %dma_wait3A_529] : memref<5x40x144xf32, #tpu.memory_space<vmem>> -> memref<1x40x144xf32, #tpu.memory_space<vmem>>
      %dma_wait3A_531 = tpu.memref_squeeze %dma_wait3A_530 : memref<1x40x144xf32, #tpu.memory_space<vmem>> -> memref<40x144xf32, #tpu.memory_space<vmem>>
      tpu.wait_dma2 semaphore(%run_scoped3A_507 : memref<!tpu.dma_semaphore, #tpu.memory_space<semaphore_mem>>) src(%dma_wait3A_531 : memref<40x144xf32, #tpu.memory_space<vmem>>) dst(%dma_wait3A_527 : memref<40x144xf32, #tpu.memory_space<vmem_shared>>)
      tpu.yield
    }) : () -> ()
    %mul3A_58 = arith.constant 640 : i32
    %mul3A_59 = arith.muli %arg1, %mul3A_58 : i32
    %add3A_60 = arith.constant 400 : i32
    %add3A_61 = arith.addi %mul3A_59, %add3A_60 : i32
    %run_scoped3A_62 = arith.constant 0 : i32
    "tpu.region"() ({
      %run_scoped3A_507 = tpu.sem_alloc : memref<!tpu.dma_semaphore, #tpu.memory_space<semaphore_mem>>
      %dma_start3A_508 = arith.constant 0 : i32
      %dma_start3A_509 = arith.constant 0 : i32
      %dma_start3A_510 = tpu.memref_slice %arg10[%run_scoped3A_62, %dma_start3A_508, %dma_start3A_509] : memref<5x40x144xf32, #tpu.memory_space<vmem>> -> memref<1x40x144xf32, #tpu.memory_space<vmem>>
      %dma_start3A_511 = tpu.memref_squeeze %dma_start3A_510 : memref<1x40x144xf32, #tpu.memory_space<vmem>> -> memref<40x144xf32, #tpu.memory_space<vmem>>
      %dma_start3A_512 = arith.constant 0 : i32
      %dma_start3A_513 = tpu.memref_slice %arg7[%add3A_61, %dma_start3A_512] : memref<10240x144xf32, #tpu.memory_space<vmem_shared>> -> memref<40x144xf32, #tpu.memory_space<vmem_shared>>
      %dma_start3A_514 = arith.constant 0 : i32
      %dma_start3A_515 = tpu.memref_slice %arg7[%add3A_61, %dma_start3A_514] : memref<10240x144xf32, #tpu.memory_space<vmem_shared>> -> memref<40x144xf32, #tpu.memory_space<vmem_shared>>
      %dma_start3A_516 = arith.constant 0 : i32
      %dma_start3A_517 = arith.constant 0 : i32
      %dma_start3A_518 = tpu.memref_slice %arg10[%run_scoped3A_62, %dma_start3A_516, %dma_start3A_517] : memref<5x40x144xf32, #tpu.memory_space<vmem>> -> memref<1x40x144xf32, #tpu.memory_space<vmem>>
      %dma_start3A_519 = tpu.memref_squeeze %dma_start3A_518 : memref<1x40x144xf32, #tpu.memory_space<vmem>> -> memref<40x144xf32, #tpu.memory_space<vmem>>
      tpu.enqueue_dma source(%dma_start3A_519 : memref<40x144xf32, #tpu.memory_space<vmem>>) target(%dma_start3A_515 : memref<40x144xf32, #tpu.memory_space<vmem_shared>>) target_semaphore(%run_scoped3A_507 : memref<!tpu.dma_semaphore, #tpu.memory_space<semaphore_mem>>)
      %dma_wait3A_520 = arith.constant 0 : i32
      %dma_wait3A_521 = arith.constant 0 : i32
      %dma_wait3A_522 = tpu.memref_slice %arg10[%run_scoped3A_62, %dma_wait3A_520, %dma_wait3A_521] : memref<5x40x144xf32, #tpu.memory_space<vmem>> -> memref<1x40x144xf32, #tpu.memory_space<vmem>>
      %dma_wait3A_523 = tpu.memref_squeeze %dma_wait3A_522 : memref<1x40x144xf32, #tpu.memory_space<vmem>> -> memref<40x144xf32, #tpu.memory_space<vmem>>
      %dma_wait3A_524 = arith.constant 0 : i32
      %dma_wait3A_525 = tpu.memref_slice %arg7[%add3A_61, %dma_wait3A_524] : memref<10240x144xf32, #tpu.memory_space<vmem_shared>> -> memref<40x144xf32, #tpu.memory_space<vmem_shared>>
      %dma_wait3A_526 = arith.constant 0 : i32
      %dma_wait3A_527 = tpu.memref_slice %arg7[%add3A_61, %dma_wait3A_526] : memref<10240x144xf32, #tpu.memory_space<vmem_shared>> -> memref<40x144xf32, #tpu.memory_space<vmem_shared>>
      %dma_wait3A_528 = arith.constant 0 : i32
      %dma_wait3A_529 = arith.constant 0 : i32
      %dma_wait3A_530 = tpu.memref_slice %arg10[%run_scoped3A_62, %dma_wait3A_528, %dma_wait3A_529] : memref<5x40x144xf32, #tpu.memory_space<vmem>> -> memref<1x40x144xf32, #tpu.memory_space<vmem>>
      %dma_wait3A_531 = tpu.memref_squeeze %dma_wait3A_530 : memref<1x40x144xf32, #tpu.memory_space<vmem>> -> memref<40x144xf32, #tpu.memory_space<vmem>>
      tpu.wait_dma2 semaphore(%run_scoped3A_507 : memref<!tpu.dma_semaphore, #tpu.memory_space<semaphore_mem>>) src(%dma_wait3A_531 : memref<40x144xf32, #tpu.memory_space<vmem>>) dst(%dma_wait3A_527 : memref<40x144xf32, #tpu.memory_space<vmem_shared>>)
      tpu.yield
    }) : () -> ()
    %mul3A_63 = arith.constant 640 : i32
    %mul3A_64 = arith.muli %arg1, %mul3A_63 : i32
    %add3A_65 = arith.constant 440 : i32
    %add3A_66 = arith.addi %mul3A_64, %add3A_65 : i32
    %run_scoped3A_67 = arith.constant 0 : i32
    "tpu.region"() ({
      %run_scoped3A_507 = tpu.sem_alloc : memref<!tpu.dma_semaphore, #tpu.memory_space<semaphore_mem>>
      %dma_start3A_508 = arith.constant 0 : i32
      %dma_start3A_509 = arith.constant 0 : i32
      %dma_start3A_510 = tpu.memref_slice %arg10[%run_scoped3A_67, %dma_start3A_508, %dma_start3A_509] : memref<5x40x144xf32, #tpu.memory_space<vmem>> -> memref<1x40x144xf32, #tpu.memory_space<vmem>>
      %dma_start3A_511 = tpu.memref_squeeze %dma_start3A_510 : memref<1x40x144xf32, #tpu.memory_space<vmem>> -> memref<40x144xf32, #tpu.memory_space<vmem>>
      %dma_start3A_512 = arith.constant 0 : i32
      %dma_start3A_513 = tpu.memref_slice %arg7[%add3A_66, %dma_start3A_512] : memref<10240x144xf32, #tpu.memory_space<vmem_shared>> -> memref<40x144xf32, #tpu.memory_space<vmem_shared>>
      %dma_start3A_514 = arith.constant 0 : i32
      %dma_start3A_515 = tpu.memref_slice %arg7[%add3A_66, %dma_start3A_514] : memref<10240x144xf32, #tpu.memory_space<vmem_shared>> -> memref<40x144xf32, #tpu.memory_space<vmem_shared>>
      %dma_start3A_516 = arith.constant 0 : i32
      %dma_start3A_517 = arith.constant 0 : i32
      %dma_start3A_518 = tpu.memref_slice %arg10[%run_scoped3A_67, %dma_start3A_516, %dma_start3A_517] : memref<5x40x144xf32, #tpu.memory_space<vmem>> -> memref<1x40x144xf32, #tpu.memory_space<vmem>>
      %dma_start3A_519 = tpu.memref_squeeze %dma_start3A_518 : memref<1x40x144xf32, #tpu.memory_space<vmem>> -> memref<40x144xf32, #tpu.memory_space<vmem>>
      tpu.enqueue_dma source(%dma_start3A_519 : memref<40x144xf32, #tpu.memory_space<vmem>>) target(%dma_start3A_515 : memref<40x144xf32, #tpu.memory_space<vmem_shared>>) target_semaphore(%run_scoped3A_507 : memref<!tpu.dma_semaphore, #tpu.memory_space<semaphore_mem>>)
      %dma_wait3A_520 = arith.constant 0 : i32
      %dma_wait3A_521 = arith.constant 0 : i32
      %dma_wait3A_522 = tpu.memref_slice %arg10[%run_scoped3A_67, %dma_wait3A_520, %dma_wait3A_521] : memref<5x40x144xf32, #tpu.memory_space<vmem>> -> memref<1x40x144xf32, #tpu.memory_space<vmem>>
      %dma_wait3A_523 = tpu.memref_squeeze %dma_wait3A_522 : memref<1x40x144xf32, #tpu.memory_space<vmem>> -> memref<40x144xf32, #tpu.memory_space<vmem>>
      %dma_wait3A_524 = arith.constant 0 : i32
      %dma_wait3A_525 = tpu.memref_slice %arg7[%add3A_66, %dma_wait3A_524] : memref<10240x144xf32, #tpu.memory_space<vmem_shared>> -> memref<40x144xf32, #tpu.memory_space<vmem_shared>>
      %dma_wait3A_526 = arith.constant 0 : i32
      %dma_wait3A_527 = tpu.memref_slice %arg7[%add3A_66, %dma_wait3A_526] : memref<10240x144xf32, #tpu.memory_space<vmem_shared>> -> memref<40x144xf32, #tpu.memory_space<vmem_shared>>
      %dma_wait3A_528 = arith.constant 0 : i32
      %dma_wait3A_529 = arith.constant 0 : i32
      %dma_wait3A_530 = tpu.memref_slice %arg10[%run_scoped3A_67, %dma_wait3A_528, %dma_wait3A_529] : memref<5x40x144xf32, #tpu.memory_space<vmem>> -> memref<1x40x144xf32, #tpu.memory_space<vmem>>
      %dma_wait3A_531 = tpu.memref_squeeze %dma_wait3A_530 : memref<1x40x144xf32, #tpu.memory_space<vmem>> -> memref<40x144xf32, #tpu.memory_space<vmem>>
      tpu.wait_dma2 semaphore(%run_scoped3A_507 : memref<!tpu.dma_semaphore, #tpu.memory_space<semaphore_mem>>) src(%dma_wait3A_531 : memref<40x144xf32, #tpu.memory_space<vmem>>) dst(%dma_wait3A_527 : memref<40x144xf32, #tpu.memory_space<vmem_shared>>)
      tpu.yield
    }) : () -> ()
    %mul3A_68 = arith.constant 640 : i32
    %mul3A_69 = arith.muli %arg1, %mul3A_68 : i32
    %add3A_70 = arith.constant 480 : i32
    %add3A_71 = arith.addi %mul3A_69, %add3A_70 : i32
    %run_scoped3A_72 = arith.constant 0 : i32
    "tpu.region"() ({
      %run_scoped3A_507 = tpu.sem_alloc : memref<!tpu.dma_semaphore, #tpu.memory_space<semaphore_mem>>
      %dma_start3A_508 = arith.constant 0 : i32
      %dma_start3A_509 = arith.constant 0 : i32
      %dma_start3A_510 = tpu.memref_slice %arg10[%run_scoped3A_72, %dma_start3A_508, %dma_start3A_509] : memref<5x40x144xf32, #tpu.memory_space<vmem>> -> memref<1x40x144xf32, #tpu.memory_space<vmem>>
      %dma_start3A_511 = tpu.memref_squeeze %dma_start3A_510 : memref<1x40x144xf32, #tpu.memory_space<vmem>> -> memref<40x144xf32, #tpu.memory_space<vmem>>
      %dma_start3A_512 = arith.constant 0 : i32
      %dma_start3A_513 = tpu.memref_slice %arg7[%add3A_71, %dma_start3A_512] : memref<10240x144xf32, #tpu.memory_space<vmem_shared>> -> memref<40x144xf32, #tpu.memory_space<vmem_shared>>
      %dma_start3A_514 = arith.constant 0 : i32
      %dma_start3A_515 = tpu.memref_slice %arg7[%add3A_71, %dma_start3A_514] : memref<10240x144xf32, #tpu.memory_space<vmem_shared>> -> memref<40x144xf32, #tpu.memory_space<vmem_shared>>
      %dma_start3A_516 = arith.constant 0 : i32
      %dma_start3A_517 = arith.constant 0 : i32
      %dma_start3A_518 = tpu.memref_slice %arg10[%run_scoped3A_72, %dma_start3A_516, %dma_start3A_517] : memref<5x40x144xf32, #tpu.memory_space<vmem>> -> memref<1x40x144xf32, #tpu.memory_space<vmem>>
      %dma_start3A_519 = tpu.memref_squeeze %dma_start3A_518 : memref<1x40x144xf32, #tpu.memory_space<vmem>> -> memref<40x144xf32, #tpu.memory_space<vmem>>
      tpu.enqueue_dma source(%dma_start3A_519 : memref<40x144xf32, #tpu.memory_space<vmem>>) target(%dma_start3A_515 : memref<40x144xf32, #tpu.memory_space<vmem_shared>>) target_semaphore(%run_scoped3A_507 : memref<!tpu.dma_semaphore, #tpu.memory_space<semaphore_mem>>)
      %dma_wait3A_520 = arith.constant 0 : i32
      %dma_wait3A_521 = arith.constant 0 : i32
      %dma_wait3A_522 = tpu.memref_slice %arg10[%run_scoped3A_72, %dma_wait3A_520, %dma_wait3A_521] : memref<5x40x144xf32, #tpu.memory_space<vmem>> -> memref<1x40x144xf32, #tpu.memory_space<vmem>>
      %dma_wait3A_523 = tpu.memref_squeeze %dma_wait3A_522 : memref<1x40x144xf32, #tpu.memory_space<vmem>> -> memref<40x144xf32, #tpu.memory_space<vmem>>
      %dma_wait3A_524 = arith.constant 0 : i32
      %dma_wait3A_525 = tpu.memref_slice %arg7[%add3A_71, %dma_wait3A_524] : memref<10240x144xf32, #tpu.memory_space<vmem_shared>> -> memref<40x144xf32, #tpu.memory_space<vmem_shared>>
      %dma_wait3A_526 = arith.constant 0 : i32
      %dma_wait3A_527 = tpu.memref_slice %arg7[%add3A_71, %dma_wait3A_526] : memref<10240x144xf32, #tpu.memory_space<vmem_shared>> -> memref<40x144xf32, #tpu.memory_space<vmem_shared>>
      %dma_wait3A_528 = arith.constant 0 : i32
      %dma_wait3A_529 = arith.constant 0 : i32
      %dma_wait3A_530 = tpu.memref_slice %arg10[%run_scoped3A_72, %dma_wait3A_528, %dma_wait3A_529] : memref<5x40x144xf32, #tpu.memory_space<vmem>> -> memref<1x40x144xf32, #tpu.memory_space<vmem>>
      %dma_wait3A_531 = tpu.memref_squeeze %dma_wait3A_530 : memref<1x40x144xf32, #tpu.memory_space<vmem>> -> memref<40x144xf32, #tpu.memory_space<vmem>>
      tpu.wait_dma2 semaphore(%run_scoped3A_507 : memref<!tpu.dma_semaphore, #tpu.memory_space<semaphore_mem>>) src(%dma_wait3A_531 : memref<40x144xf32, #tpu.memory_space<vmem>>) dst(%dma_wait3A_527 : memref<40x144xf32, #tpu.memory_space<vmem_shared>>)
      tpu.yield
    }) : () -> ()
    %mul3A_73 = arith.constant 640 : i32
    %mul3A_74 = arith.muli %arg1, %mul3A_73 : i32
    %add3A_75 = arith.constant 520 : i32
    %add3A_76 = arith.addi %mul3A_74, %add3A_75 : i32
    %run_scoped3A_77 = arith.constant 0 : i32
    "tpu.region"() ({
      %run_scoped3A_507 = tpu.sem_alloc : memref<!tpu.dma_semaphore, #tpu.memory_space<semaphore_mem>>
      %dma_start3A_508 = arith.constant 0 : i32
      %dma_start3A_509 = arith.constant 0 : i32
      %dma_start3A_510 = tpu.memref_slice %arg10[%run_scoped3A_77, %dma_start3A_508, %dma_start3A_509] : memref<5x40x144xf32, #tpu.memory_space<vmem>> -> memref<1x40x144xf32, #tpu.memory_space<vmem>>
      %dma_start3A_511 = tpu.memref_squeeze %dma_start3A_510 : memref<1x40x144xf32, #tpu.memory_space<vmem>> -> memref<40x144xf32, #tpu.memory_space<vmem>>
      %dma_start3A_512 = arith.constant 0 : i32
      %dma_start3A_513 = tpu.memref_slice %arg7[%add3A_76, %dma_start3A_512] : memref<10240x144xf32, #tpu.memory_space<vmem_shared>> -> memref<40x144xf32, #tpu.memory_space<vmem_shared>>
      %dma_start3A_514 = arith.constant 0 : i32
      %dma_start3A_515 = tpu.memref_slice %arg7[%add3A_76, %dma_start3A_514] : memref<10240x144xf32, #tpu.memory_space<vmem_shared>> -> memref<40x144xf32, #tpu.memory_space<vmem_shared>>
      %dma_start3A_516 = arith.constant 0 : i32
      %dma_start3A_517 = arith.constant 0 : i32
      %dma_start3A_518 = tpu.memref_slice %arg10[%run_scoped3A_77, %dma_start3A_516, %dma_start3A_517] : memref<5x40x144xf32, #tpu.memory_space<vmem>> -> memref<1x40x144xf32, #tpu.memory_space<vmem>>
      %dma_start3A_519 = tpu.memref_squeeze %dma_start3A_518 : memref<1x40x144xf32, #tpu.memory_space<vmem>> -> memref<40x144xf32, #tpu.memory_space<vmem>>
      tpu.enqueue_dma source(%dma_start3A_519 : memref<40x144xf32, #tpu.memory_space<vmem>>) target(%dma_start3A_515 : memref<40x144xf32, #tpu.memory_space<vmem_shared>>) target_semaphore(%run_scoped3A_507 : memref<!tpu.dma_semaphore, #tpu.memory_space<semaphore_mem>>)
      %dma_wait3A_520 = arith.constant 0 : i32
      %dma_wait3A_521 = arith.constant 0 : i32
      %dma_wait3A_522 = tpu.memref_slice %arg10[%run_scoped3A_77, %dma_wait3A_520, %dma_wait3A_521] : memref<5x40x144xf32, #tpu.memory_space<vmem>> -> memref<1x40x144xf32, #tpu.memory_space<vmem>>
      %dma_wait3A_523 = tpu.memref_squeeze %dma_wait3A_522 : memref<1x40x144xf32, #tpu.memory_space<vmem>> -> memref<40x144xf32, #tpu.memory_space<vmem>>
      %dma_wait3A_524 = arith.constant 0 : i32
      %dma_wait3A_525 = tpu.memref_slice %arg7[%add3A_76, %dma_wait3A_524] : memref<10240x144xf32, #tpu.memory_space<vmem_shared>> -> memref<40x144xf32, #tpu.memory_space<vmem_shared>>
      %dma_wait3A_526 = arith.constant 0 : i32
      %dma_wait3A_527 = tpu.memref_slice %arg7[%add3A_76, %dma_wait3A_526] : memref<10240x144xf32, #tpu.memory_space<vmem_shared>> -> memref<40x144xf32, #tpu.memory_space<vmem_shared>>
      %dma_wait3A_528 = arith.constant 0 : i32
      %dma_wait3A_529 = arith.constant 0 : i32
      %dma_wait3A_530 = tpu.memref_slice %arg10[%run_scoped3A_77, %dma_wait3A_528, %dma_wait3A_529] : memref<5x40x144xf32, #tpu.memory_space<vmem>> -> memref<1x40x144xf32, #tpu.memory_space<vmem>>
      %dma_wait3A_531 = tpu.memref_squeeze %dma_wait3A_530 : memref<1x40x144xf32, #tpu.memory_space<vmem>> -> memref<40x144xf32, #tpu.memory_space<vmem>>
      tpu.wait_dma2 semaphore(%run_scoped3A_507 : memref<!tpu.dma_semaphore, #tpu.memory_space<semaphore_mem>>) src(%dma_wait3A_531 : memref<40x144xf32, #tpu.memory_space<vmem>>) dst(%dma_wait3A_527 : memref<40x144xf32, #tpu.memory_space<vmem_shared>>)
      tpu.yield
    }) : () -> ()
    %mul3A_78 = arith.constant 640 : i32
    %mul3A_79 = arith.muli %arg1, %mul3A_78 : i32
    %add3A_80 = arith.constant 560 : i32
    %add3A_81 = arith.addi %mul3A_79, %add3A_80 : i32
    %run_scoped3A_82 = arith.constant 0 : i32
    "tpu.region"() ({
      %run_scoped3A_507 = tpu.sem_alloc : memref<!tpu.dma_semaphore, #tpu.memory_space<semaphore_mem>>
      %dma_start3A_508 = arith.constant 0 : i32
      %dma_start3A_509 = arith.constant 0 : i32
      %dma_start3A_510 = tpu.memref_slice %arg10[%run_scoped3A_82, %dma_start3A_508, %dma_start3A_509] : memref<5x40x144xf32, #tpu.memory_space<vmem>> -> memref<1x40x144xf32, #tpu.memory_space<vmem>>
      %dma_start3A_511 = tpu.memref_squeeze %dma_start3A_510 : memref<1x40x144xf32, #tpu.memory_space<vmem>> -> memref<40x144xf32, #tpu.memory_space<vmem>>
      %dma_start3A_512 = arith.constant 0 : i32
      %dma_start3A_513 = tpu.memref_slice %arg7[%add3A_81, %dma_start3A_512] : memref<10240x144xf32, #tpu.memory_space<vmem_shared>> -> memref<40x144xf32, #tpu.memory_space<vmem_shared>>
      %dma_start3A_514 = arith.constant 0 : i32
      %dma_start3A_515 = tpu.memref_slice %arg7[%add3A_81, %dma_start3A_514] : memref<10240x144xf32, #tpu.memory_space<vmem_shared>> -> memref<40x144xf32, #tpu.memory_space<vmem_shared>>
      %dma_start3A_516 = arith.constant 0 : i32
      %dma_start3A_517 = arith.constant 0 : i32
      %dma_start3A_518 = tpu.memref_slice %arg10[%run_scoped3A_82, %dma_start3A_516, %dma_start3A_517] : memref<5x40x144xf32, #tpu.memory_space<vmem>> -> memref<1x40x144xf32, #tpu.memory_space<vmem>>
      %dma_start3A_519 = tpu.memref_squeeze %dma_start3A_518 : memref<1x40x144xf32, #tpu.memory_space<vmem>> -> memref<40x144xf32, #tpu.memory_space<vmem>>
      tpu.enqueue_dma source(%dma_start3A_519 : memref<40x144xf32, #tpu.memory_space<vmem>>) target(%dma_start3A_515 : memref<40x144xf32, #tpu.memory_space<vmem_shared>>) target_semaphore(%run_scoped3A_507 : memref<!tpu.dma_semaphore, #tpu.memory_space<semaphore_mem>>)
      %dma_wait3A_520 = arith.constant 0 : i32
      %dma_wait3A_521 = arith.constant 0 : i32
      %dma_wait3A_522 = tpu.memref_slice %arg10[%run_scoped3A_82, %dma_wait3A_520, %dma_wait3A_521] : memref<5x40x144xf32, #tpu.memory_space<vmem>> -> memref<1x40x144xf32, #tpu.memory_space<vmem>>
      %dma_wait3A_523 = tpu.memref_squeeze %dma_wait3A_522 : memref<1x40x144xf32, #tpu.memory_space<vmem>> -> memref<40x144xf32, #tpu.memory_space<vmem>>
      %dma_wait3A_524 = arith.constant 0 : i32
      %dma_wait3A_525 = tpu.memref_slice %arg7[%add3A_81, %dma_wait3A_524] : memref<10240x144xf32, #tpu.memory_space<vmem_shared>> -> memref<40x144xf32, #tpu.memory_space<vmem_shared>>
      %dma_wait3A_526 = arith.constant 0 : i32
      %dma_wait3A_527 = tpu.memref_slice %arg7[%add3A_81, %dma_wait3A_526] : memref<10240x144xf32, #tpu.memory_space<vmem_shared>> -> memref<40x144xf32, #tpu.memory_space<vmem_shared>>
      %dma_wait3A_528 = arith.constant 0 : i32
      %dma_wait3A_529 = arith.constant 0 : i32
      %dma_wait3A_530 = tpu.memref_slice %arg10[%run_scoped3A_82, %dma_wait3A_528, %dma_wait3A_529] : memref<5x40x144xf32, #tpu.memory_space<vmem>> -> memref<1x40x144xf32, #tpu.memory_space<vmem>>
      %dma_wait3A_531 = tpu.memref_squeeze %dma_wait3A_530 : memref<1x40x144xf32, #tpu.memory_space<vmem>> -> memref<40x144xf32, #tpu.memory_space<vmem>>
      tpu.wait_dma2 semaphore(%run_scoped3A_507 : memref<!tpu.dma_semaphore, #tpu.memory_space<semaphore_mem>>) src(%dma_wait3A_531 : memref<40x144xf32, #tpu.memory_space<vmem>>) dst(%dma_wait3A_527 : memref<40x144xf32, #tpu.memory_space<vmem_shared>>)
      tpu.yield
    }) : () -> ()
    %mul3A_83 = arith.constant 640 : i32
    %mul3A_84 = arith.muli %arg1, %mul3A_83 : i32
    %add3A_85 = arith.constant 600 : i32
    %add3A_86 = arith.addi %mul3A_84, %add3A_85 : i32
    %run_scoped3A_87 = arith.constant 0 : i32
    "tpu.region"() ({
      %run_scoped3A_507 = tpu.sem_alloc : memref<!tpu.dma_semaphore, #tpu.memory_space<semaphore_mem>>
      %dma_start3A_508 = arith.constant 0 : i32
      %dma_start3A_509 = arith.constant 0 : i32
      %dma_start3A_510 = tpu.memref_slice %arg10[%run_scoped3A_87, %dma_start3A_508, %dma_start3A_509] : memref<5x40x144xf32, #tpu.memory_space<vmem>> -> memref<1x40x144xf32, #tpu.memory_space<vmem>>
      %dma_start3A_511 = tpu.memref_squeeze %dma_start3A_510 : memref<1x40x144xf32, #tpu.memory_space<vmem>> -> memref<40x144xf32, #tpu.memory_space<vmem>>
      %dma_start3A_512 = arith.constant 0 : i32
      %dma_start3A_513 = tpu.memref_slice %arg7[%add3A_86, %dma_start3A_512] : memref<10240x144xf32, #tpu.memory_space<vmem_shared>> -> memref<40x144xf32, #tpu.memory_space<vmem_shared>>
      %dma_start3A_514 = arith.constant 0 : i32
      %dma_start3A_515 = tpu.memref_slice %arg7[%add3A_86, %dma_start3A_514] : memref<10240x144xf32, #tpu.memory_space<vmem_shared>> -> memref<40x144xf32, #tpu.memory_space<vmem_shared>>
      %dma_start3A_516 = arith.constant 0 : i32
      %dma_start3A_517 = arith.constant 0 : i32
      %dma_start3A_518 = tpu.memref_slice %arg10[%run_scoped3A_87, %dma_start3A_516, %dma_start3A_517] : memref<5x40x144xf32, #tpu.memory_space<vmem>> -> memref<1x40x144xf32, #tpu.memory_space<vmem>>
      %dma_start3A_519 = tpu.memref_squeeze %dma_start3A_518 : memref<1x40x144xf32, #tpu.memory_space<vmem>> -> memref<40x144xf32, #tpu.memory_space<vmem>>
      tpu.enqueue_dma source(%dma_start3A_519 : memref<40x144xf32, #tpu.memory_space<vmem>>) target(%dma_start3A_515 : memref<40x144xf32, #tpu.memory_space<vmem_shared>>) target_semaphore(%run_scoped3A_507 : memref<!tpu.dma_semaphore, #tpu.memory_space<semaphore_mem>>)
      %dma_wait3A_520 = arith.constant 0 : i32
      %dma_wait3A_521 = arith.constant 0 : i32
      %dma_wait3A_522 = tpu.memref_slice %arg10[%run_scoped3A_87, %dma_wait3A_520, %dma_wait3A_521] : memref<5x40x144xf32, #tpu.memory_space<vmem>> -> memref<1x40x144xf32, #tpu.memory_space<vmem>>
      %dma_wait3A_523 = tpu.memref_squeeze %dma_wait3A_522 : memref<1x40x144xf32, #tpu.memory_space<vmem>> -> memref<40x144xf32, #tpu.memory_space<vmem>>
      %dma_wait3A_524 = arith.constant 0 : i32
      %dma_wait3A_525 = tpu.memref_slice %arg7[%add3A_86, %dma_wait3A_524] : memref<10240x144xf32, #tpu.memory_space<vmem_shared>> -> memref<40x144xf32, #tpu.memory_space<vmem_shared>>
      %dma_wait3A_526 = arith.constant 0 : i32
      %dma_wait3A_527 = tpu.memref_slice %arg7[%add3A_86, %dma_wait3A_526] : memref<10240x144xf32, #tpu.memory_space<vmem_shared>> -> memref<40x144xf32, #tpu.memory_space<vmem_shared>>
      %dma_wait3A_528 = arith.constant 0 : i32
      %dma_wait3A_529 = arith.constant 0 : i32
      %dma_wait3A_530 = tpu.memref_slice %arg10[%run_scoped3A_87, %dma_wait3A_528, %dma_wait3A_529] : memref<5x40x144xf32, #tpu.memory_space<vmem>> -> memref<1x40x144xf32, #tpu.memory_space<vmem>>
      %dma_wait3A_531 = tpu.memref_squeeze %dma_wait3A_530 : memref<1x40x144xf32, #tpu.memory_space<vmem>> -> memref<40x144xf32, #tpu.memory_space<vmem>>
      tpu.wait_dma2 semaphore(%run_scoped3A_507 : memref<!tpu.dma_semaphore, #tpu.memory_space<semaphore_mem>>) src(%dma_wait3A_531 : memref<40x144xf32, #tpu.memory_space<vmem>>) dst(%dma_wait3A_527 : memref<40x144xf32, #tpu.memory_space<vmem_shared>>)
      tpu.yield
    }) : () -> ()
    %dma_start3A = arith.constant 0 : i32
    %dma_start3A_88 = arith.constant 0 : i32
    %dma_start3A_89 = arith.constant 0 : i32
    %dma_start3A_90 = arith.constant 0 : i32
    %dma_start3A_91 = tpu.memref_slice %arg8[%dma_start3A_88, %dma_start3A_90] : memref<5x40xi32, #tpu.memory_space<vmem>> -> memref<1x40xi32, #tpu.memory_space<vmem>>
    %dma_start3A_92 = tpu.memref_squeeze %dma_start3A_91 : memref<1x40xi32, #tpu.memory_space<vmem>> -> memref<40xi32, #tpu.memory_space<vmem>>
    %dma_start3A_93 = arith.constant 0 : i32
    %dma_start3A_94 = tpu.memref_slice %arg4[%add3A, %dma_start3A, %dma_start3A_93] : memref<32x250x40xi32, #tpu.memory_space<hbm>> -> memref<1x1x40xi32, #tpu.memory_space<hbm>>
    %dma_start3A_95 = tpu.memref_squeeze %dma_start3A_94 : memref<1x1x40xi32, #tpu.memory_space<hbm>> -> memref<40xi32, #tpu.memory_space<hbm>>
    %dma_start3A_96 = tpu.memref_slice %arg15[%dma_start3A_89] : memref<5x!tpu.dma_semaphore, #tpu.memory_space<semaphore_mem>> -> memref<1x!tpu.dma_semaphore, #tpu.memory_space<semaphore_mem>>
    %dma_start3A_97 = tpu.memref_squeeze %dma_start3A_96 : memref<1x!tpu.dma_semaphore, #tpu.memory_space<semaphore_mem>> -> memref<!tpu.dma_semaphore, #tpu.memory_space<semaphore_mem>>
    %dma_start3A_98 = arith.constant 0 : i32
    %dma_start3A_99 = tpu.memref_slice %arg8[%dma_start3A_88, %dma_start3A_98] : memref<5x40xi32, #tpu.memory_space<vmem>> -> memref<1x40xi32, #tpu.memory_space<vmem>>
    %dma_start3A_100 = tpu.memref_squeeze %dma_start3A_99 : memref<1x40xi32, #tpu.memory_space<vmem>> -> memref<40xi32, #tpu.memory_space<vmem>>
    %dma_start3A_101 = arith.constant 0 : i32
    %dma_start3A_102 = tpu.memref_slice %arg4[%add3A, %dma_start3A, %dma_start3A_101] : memref<32x250x40xi32, #tpu.memory_space<hbm>> -> memref<1x1x40xi32, #tpu.memory_space<hbm>>
    %dma_start3A_103 = tpu.memref_squeeze %dma_start3A_102 : memref<1x1x40xi32, #tpu.memory_space<hbm>> -> memref<40xi32, #tpu.memory_space<hbm>>
    tpu.enqueue_dma source(%dma_start3A_103 : memref<40xi32, #tpu.memory_space<hbm>>) target(%dma_start3A_100 : memref<40xi32, #tpu.memory_space<vmem>>) target_semaphore(%dma_start3A_97 : memref<!tpu.dma_semaphore, #tpu.memory_space<semaphore_mem>>)
    %dma_start3A_104 = arith.constant 0 : i32
    %dma_start3A_105 = arith.constant 0 : i32
    %dma_start3A_106 = arith.constant 0 : i32
    %dma_start3A_107 = arith.constant 0 : i32
    %dma_start3A_108 = tpu.memref_slice %arg9[%dma_start3A_105, %dma_start3A_107] : memref<5x40xi32, #tpu.memory_space<vmem>> -> memref<1x40xi32, #tpu.memory_space<vmem>>
    %dma_start3A_109 = tpu.memref_squeeze %dma_start3A_108 : memref<1x40xi32, #tpu.memory_space<vmem>> -> memref<40xi32, #tpu.memory_space<vmem>>
    %dma_start3A_110 = arith.constant 0 : i32
    %dma_start3A_111 = tpu.memref_slice %arg5[%add3A, %dma_start3A_104, %dma_start3A_110] : memref<32x250x40xi32, #tpu.memory_space<hbm>> -> memref<1x1x40xi32, #tpu.memory_space<hbm>>
    %dma_start3A_112 = tpu.memref_squeeze %dma_start3A_111 : memref<1x1x40xi32, #tpu.memory_space<hbm>> -> memref<40xi32, #tpu.memory_space<hbm>>
    %dma_start3A_113 = tpu.memref_slice %arg15[%dma_start3A_106] : memref<5x!tpu.dma_semaphore, #tpu.memory_space<semaphore_mem>> -> memref<1x!tpu.dma_semaphore, #tpu.memory_space<semaphore_mem>>
    %dma_start3A_114 = tpu.memref_squeeze %dma_start3A_113 : memref<1x!tpu.dma_semaphore, #tpu.memory_space<semaphore_mem>> -> memref<!tpu.dma_semaphore, #tpu.memory_space<semaphore_mem>>
    %dma_start3A_115 = arith.constant 0 : i32
    %dma_start3A_116 = tpu.memref_slice %arg9[%dma_start3A_105, %dma_start3A_115] : memref<5x40xi32, #tpu.memory_space<vmem>> -> memref<1x40xi32, #tpu.memory_space<vmem>>
    %dma_start3A_117 = tpu.memref_squeeze %dma_start3A_116 : memref<1x40xi32, #tpu.memory_space<vmem>> -> memref<40xi32, #tpu.memory_space<vmem>>
    %dma_start3A_118 = arith.constant 0 : i32
    %dma_start3A_119 = tpu.memref_slice %arg5[%add3A, %dma_start3A_104, %dma_start3A_118] : memref<32x250x40xi32, #tpu.memory_space<hbm>> -> memref<1x1x40xi32, #tpu.memory_space<hbm>>
    %dma_start3A_120 = tpu.memref_squeeze %dma_start3A_119 : memref<1x1x40xi32, #tpu.memory_space<hbm>> -> memref<40xi32, #tpu.memory_space<hbm>>
    tpu.enqueue_dma source(%dma_start3A_120 : memref<40xi32, #tpu.memory_space<hbm>>) target(%dma_start3A_117 : memref<40xi32, #tpu.memory_space<vmem>>) target_semaphore(%dma_start3A_114 : memref<!tpu.dma_semaphore, #tpu.memory_space<semaphore_mem>>)
    %dma_start3A_121 = arith.constant 1 : i32
    %dma_start3A_122 = arith.constant 1 : i32
    %dma_start3A_123 = arith.constant 1 : i32
    %dma_start3A_124 = arith.constant 0 : i32
    %dma_start3A_125 = tpu.memref_slice %arg8[%dma_start3A_122, %dma_start3A_124] : memref<5x40xi32, #tpu.memory_space<vmem>> -> memref<1x40xi32, #tpu.memory_space<vmem>>
    %dma_start3A_126 = tpu.memref_squeeze %dma_start3A_125 : memref<1x40xi32, #tpu.memory_space<vmem>> -> memref<40xi32, #tpu.memory_space<vmem>>
    %dma_start3A_127 = arith.constant 0 : i32
    %dma_start3A_128 = tpu.memref_slice %arg4[%add3A, %dma_start3A_121, %dma_start3A_127] : memref<32x250x40xi32, #tpu.memory_space<hbm>> -> memref<1x1x40xi32, #tpu.memory_space<hbm>>
    %dma_start3A_129 = tpu.memref_squeeze %dma_start3A_128 : memref<1x1x40xi32, #tpu.memory_space<hbm>> -> memref<40xi32, #tpu.memory_space<hbm>>
    %dma_start3A_130 = tpu.memref_slice %arg15[%dma_start3A_123] : memref<5x!tpu.dma_semaphore, #tpu.memory_space<semaphore_mem>> -> memref<1x!tpu.dma_semaphore, #tpu.memory_space<semaphore_mem>>
    %dma_start3A_131 = tpu.memref_squeeze %dma_start3A_130 : memref<1x!tpu.dma_semaphore, #tpu.memory_space<semaphore_mem>> -> memref<!tpu.dma_semaphore, #tpu.memory_space<semaphore_mem>>
    %dma_start3A_132 = arith.constant 0 : i32
    %dma_start3A_133 = tpu.memref_slice %arg8[%dma_start3A_122, %dma_start3A_132] : memref<5x40xi32, #tpu.memory_space<vmem>> -> memref<1x40xi32, #tpu.memory_space<vmem>>
    %dma_start3A_134 = tpu.memref_squeeze %dma_start3A_133 : memref<1x40xi32, #tpu.memory_space<vmem>> -> memref<40xi32, #tpu.memory_space<vmem>>
    %dma_start3A_135 = arith.constant 0 : i32
    %dma_start3A_136 = tpu.memref_slice %arg4[%add3A, %dma_start3A_121, %dma_start3A_135] : memref<32x250x40xi32, #tpu.memory_space<hbm>> -> memref<1x1x40xi32, #tpu.memory_space<hbm>>
    %dma_start3A_137 = tpu.memref_squeeze %dma_start3A_136 : memref<1x1x40xi32, #tpu.memory_space<hbm>> -> memref<40xi32, #tpu.memory_space<hbm>>
    tpu.enqueue_dma source(%dma_start3A_137 : memref<40xi32, #tpu.memory_space<hbm>>) target(%dma_start3A_134 : memref<40xi32, #tpu.memory_space<vmem>>) target_semaphore(%dma_start3A_131 : memref<!tpu.dma_semaphore, #tpu.memory_space<semaphore_mem>>)
    %dma_start3A_138 = arith.constant 1 : i32
    %dma_start3A_139 = arith.constant 1 : i32
    %dma_start3A_140 = arith.constant 1 : i32
    %dma_start3A_141 = arith.constant 0 : i32
    %dma_start3A_142 = tpu.memref_slice %arg9[%dma_start3A_139, %dma_start3A_141] : memref<5x40xi32, #tpu.memory_space<vmem>> -> memref<1x40xi32, #tpu.memory_space<vmem>>
    %dma_start3A_143 = tpu.memref_squeeze %dma_start3A_142 : memref<1x40xi32, #tpu.memory_space<vmem>> -> memref<40xi32, #tpu.memory_space<vmem>>
    %dma_start3A_144 = arith.constant 0 : i32
    %dma_start3A_145 = tpu.memref_slice %arg5[%add3A, %dma_start3A_138, %dma_start3A_144] : memref<32x250x40xi32, #tpu.memory_space<hbm>> -> memref<1x1x40xi32, #tpu.memory_space<hbm>>
    %dma_start3A_146 = tpu.memref_squeeze %dma_start3A_145 : memref<1x1x40xi32, #tpu.memory_space<hbm>> -> memref<40xi32, #tpu.memory_space<hbm>>
    %dma_start3A_147 = tpu.memref_slice %arg15[%dma_start3A_140] : memref<5x!tpu.dma_semaphore, #tpu.memory_space<semaphore_mem>> -> memref<1x!tpu.dma_semaphore, #tpu.memory_space<semaphore_mem>>
    %dma_start3A_148 = tpu.memref_squeeze %dma_start3A_147 : memref<1x!tpu.dma_semaphore, #tpu.memory_space<semaphore_mem>> -> memref<!tpu.dma_semaphore, #tpu.memory_space<semaphore_mem>>
    %dma_start3A_149 = arith.constant 0 : i32
    %dma_start3A_150 = tpu.memref_slice %arg9[%dma_start3A_139, %dma_start3A_149] : memref<5x40xi32, #tpu.memory_space<vmem>> -> memref<1x40xi32, #tpu.memory_space<vmem>>
    %dma_start3A_151 = tpu.memref_squeeze %dma_start3A_150 : memref<1x40xi32, #tpu.memory_space<vmem>> -> memref<40xi32, #tpu.memory_space<vmem>>
    %dma_start3A_152 = arith.constant 0 : i32
    %dma_start3A_153 = tpu.memref_slice %arg5[%add3A, %dma_start3A_138, %dma_start3A_152] : memref<32x250x40xi32, #tpu.memory_space<hbm>> -> memref<1x1x40xi32, #tpu.memory_space<hbm>>
    %dma_start3A_154 = tpu.memref_squeeze %dma_start3A_153 : memref<1x1x40xi32, #tpu.memory_space<hbm>> -> memref<40xi32, #tpu.memory_space<hbm>>
    tpu.enqueue_dma source(%dma_start3A_154 : memref<40xi32, #tpu.memory_space<hbm>>) target(%dma_start3A_151 : memref<40xi32, #tpu.memory_space<vmem>>) target_semaphore(%dma_start3A_148 : memref<!tpu.dma_semaphore, #tpu.memory_space<semaphore_mem>>)
    %dma_start3A_155 = arith.constant 2 : i32
    %dma_start3A_156 = arith.constant 2 : i32
    %dma_start3A_157 = arith.constant 2 : i32
    %dma_start3A_158 = arith.constant 0 : i32
    %dma_start3A_159 = tpu.memref_slice %arg8[%dma_start3A_156, %dma_start3A_158] : memref<5x40xi32, #tpu.memory_space<vmem>> -> memref<1x40xi32, #tpu.memory_space<vmem>>
    %dma_start3A_160 = tpu.memref_squeeze %dma_start3A_159 : memref<1x40xi32, #tpu.memory_space<vmem>> -> memref<40xi32, #tpu.memory_space<vmem>>
    %dma_start3A_161 = arith.constant 0 : i32
    %dma_start3A_162 = tpu.memref_slice %arg4[%add3A, %dma_start3A_155, %dma_start3A_161] : memref<32x250x40xi32, #tpu.memory_space<hbm>> -> memref<1x1x40xi32, #tpu.memory_space<hbm>>
    %dma_start3A_163 = tpu.memref_squeeze %dma_start3A_162 : memref<1x1x40xi32, #tpu.memory_space<hbm>> -> memref<40xi32, #tpu.memory_space<hbm>>
    %dma_start3A_164 = tpu.memref_slice %arg15[%dma_start3A_157] : memref<5x!tpu.dma_semaphore, #tpu.memory_space<semaphore_mem>> -> memref<1x!tpu.dma_semaphore, #tpu.memory_space<semaphore_mem>>
    %dma_start3A_165 = tpu.memref_squeeze %dma_start3A_164 : memref<1x!tpu.dma_semaphore, #tpu.memory_space<semaphore_mem>> -> memref<!tpu.dma_semaphore, #tpu.memory_space<semaphore_mem>>
    %dma_start3A_166 = arith.constant 0 : i32
    %dma_start3A_167 = tpu.memref_slice %arg8[%dma_start3A_156, %dma_start3A_166] : memref<5x40xi32, #tpu.memory_space<vmem>> -> memref<1x40xi32, #tpu.memory_space<vmem>>
    %dma_start3A_168 = tpu.memref_squeeze %dma_start3A_167 : memref<1x40xi32, #tpu.memory_space<vmem>> -> memref<40xi32, #tpu.memory_space<vmem>>
    %dma_start3A_169 = arith.constant 0 : i32
    %dma_start3A_170 = tpu.memref_slice %arg4[%add3A, %dma_start3A_155, %dma_start3A_169] : memref<32x250x40xi32, #tpu.memory_space<hbm>> -> memref<1x1x40xi32, #tpu.memory_space<hbm>>
    %dma_start3A_171 = tpu.memref_squeeze %dma_start3A_170 : memref<1x1x40xi32, #tpu.memory_space<hbm>> -> memref<40xi32, #tpu.memory_space<hbm>>
    tpu.enqueue_dma source(%dma_start3A_171 : memref<40xi32, #tpu.memory_space<hbm>>) target(%dma_start3A_168 : memref<40xi32, #tpu.memory_space<vmem>>) target_semaphore(%dma_start3A_165 : memref<!tpu.dma_semaphore, #tpu.memory_space<semaphore_mem>>)
    %dma_start3A_172 = arith.constant 2 : i32
    %dma_start3A_173 = arith.constant 2 : i32
    %dma_start3A_174 = arith.constant 2 : i32
    %dma_start3A_175 = arith.constant 0 : i32
    %dma_start3A_176 = tpu.memref_slice %arg9[%dma_start3A_173, %dma_start3A_175] : memref<5x40xi32, #tpu.memory_space<vmem>> -> memref<1x40xi32, #tpu.memory_space<vmem>>
    %dma_start3A_177 = tpu.memref_squeeze %dma_start3A_176 : memref<1x40xi32, #tpu.memory_space<vmem>> -> memref<40xi32, #tpu.memory_space<vmem>>
    %dma_start3A_178 = arith.constant 0 : i32
    %dma_start3A_179 = tpu.memref_slice %arg5[%add3A, %dma_start3A_172, %dma_start3A_178] : memref<32x250x40xi32, #tpu.memory_space<hbm>> -> memref<1x1x40xi32, #tpu.memory_space<hbm>>
    %dma_start3A_180 = tpu.memref_squeeze %dma_start3A_179 : memref<1x1x40xi32, #tpu.memory_space<hbm>> -> memref<40xi32, #tpu.memory_space<hbm>>
    %dma_start3A_181 = tpu.memref_slice %arg15[%dma_start3A_174] : memref<5x!tpu.dma_semaphore, #tpu.memory_space<semaphore_mem>> -> memref<1x!tpu.dma_semaphore, #tpu.memory_space<semaphore_mem>>
    %dma_start3A_182 = tpu.memref_squeeze %dma_start3A_181 : memref<1x!tpu.dma_semaphore, #tpu.memory_space<semaphore_mem>> -> memref<!tpu.dma_semaphore, #tpu.memory_space<semaphore_mem>>
    %dma_start3A_183 = arith.constant 0 : i32
    %dma_start3A_184 = tpu.memref_slice %arg9[%dma_start3A_173, %dma_start3A_183] : memref<5x40xi32, #tpu.memory_space<vmem>> -> memref<1x40xi32, #tpu.memory_space<vmem>>
    %dma_start3A_185 = tpu.memref_squeeze %dma_start3A_184 : memref<1x40xi32, #tpu.memory_space<vmem>> -> memref<40xi32, #tpu.memory_space<vmem>>
    %dma_start3A_186 = arith.constant 0 : i32
    %dma_start3A_187 = tpu.memref_slice %arg5[%add3A, %dma_start3A_172, %dma_start3A_186] : memref<32x250x40xi32, #tpu.memory_space<hbm>> -> memref<1x1x40xi32, #tpu.memory_space<hbm>>
    %dma_start3A_188 = tpu.memref_squeeze %dma_start3A_187 : memref<1x1x40xi32, #tpu.memory_space<hbm>> -> memref<40xi32, #tpu.memory_space<hbm>>
    tpu.enqueue_dma source(%dma_start3A_188 : memref<40xi32, #tpu.memory_space<hbm>>) target(%dma_start3A_185 : memref<40xi32, #tpu.memory_space<vmem>>) target_semaphore(%dma_start3A_182 : memref<!tpu.dma_semaphore, #tpu.memory_space<semaphore_mem>>)
    %dma_start3A_189 = arith.constant 3 : i32
    %dma_start3A_190 = arith.constant 3 : i32
    %dma_start3A_191 = arith.constant 3 : i32
    %dma_start3A_192 = arith.constant 0 : i32
    %dma_start3A_193 = tpu.memref_slice %arg8[%dma_start3A_190, %dma_start3A_192] : memref<5x40xi32, #tpu.memory_space<vmem>> -> memref<1x40xi32, #tpu.memory_space<vmem>>
    %dma_start3A_194 = tpu.memref_squeeze %dma_start3A_193 : memref<1x40xi32, #tpu.memory_space<vmem>> -> memref<40xi32, #tpu.memory_space<vmem>>
    %dma_start3A_195 = arith.constant 0 : i32
    %dma_start3A_196 = tpu.memref_slice %arg4[%add3A, %dma_start3A_189, %dma_start3A_195] : memref<32x250x40xi32, #tpu.memory_space<hbm>> -> memref<1x1x40xi32, #tpu.memory_space<hbm>>
    %dma_start3A_197 = tpu.memref_squeeze %dma_start3A_196 : memref<1x1x40xi32, #tpu.memory_space<hbm>> -> memref<40xi32, #tpu.memory_space<hbm>>
    %dma_start3A_198 = tpu.memref_slice %arg15[%dma_start3A_191] : memref<5x!tpu.dma_semaphore, #tpu.memory_space<semaphore_mem>> -> memref<1x!tpu.dma_semaphore, #tpu.memory_space<semaphore_mem>>
    %dma_start3A_199 = tpu.memref_squeeze %dma_start3A_198 : memref<1x!tpu.dma_semaphore, #tpu.memory_space<semaphore_mem>> -> memref<!tpu.dma_semaphore, #tpu.memory_space<semaphore_mem>>
    %dma_start3A_200 = arith.constant 0 : i32
    %dma_start3A_201 = tpu.memref_slice %arg8[%dma_start3A_190, %dma_start3A_200] : memref<5x40xi32, #tpu.memory_space<vmem>> -> memref<1x40xi32, #tpu.memory_space<vmem>>
    %dma_start3A_202 = tpu.memref_squeeze %dma_start3A_201 : memref<1x40xi32, #tpu.memory_space<vmem>> -> memref<40xi32, #tpu.memory_space<vmem>>
    %dma_start3A_203 = arith.constant 0 : i32
    %dma_start3A_204 = tpu.memref_slice %arg4[%add3A, %dma_start3A_189, %dma_start3A_203] : memref<32x250x40xi32, #tpu.memory_space<hbm>> -> memref<1x1x40xi32, #tpu.memory_space<hbm>>
    %dma_start3A_205 = tpu.memref_squeeze %dma_start3A_204 : memref<1x1x40xi32, #tpu.memory_space<hbm>> -> memref<40xi32, #tpu.memory_space<hbm>>
    tpu.enqueue_dma source(%dma_start3A_205 : memref<40xi32, #tpu.memory_space<hbm>>) target(%dma_start3A_202 : memref<40xi32, #tpu.memory_space<vmem>>) target_semaphore(%dma_start3A_199 : memref<!tpu.dma_semaphore, #tpu.memory_space<semaphore_mem>>)
    %dma_start3A_206 = arith.constant 3 : i32
    %dma_start3A_207 = arith.constant 3 : i32
    %dma_start3A_208 = arith.constant 3 : i32
    %dma_start3A_209 = arith.constant 0 : i32
    %dma_start3A_210 = tpu.memref_slice %arg9[%dma_start3A_207, %dma_start3A_209] : memref<5x40xi32, #tpu.memory_space<vmem>> -> memref<1x40xi32, #tpu.memory_space<vmem>>
    %dma_start3A_211 = tpu.memref_squeeze %dma_start3A_210 : memref<1x40xi32, #tpu.memory_space<vmem>> -> memref<40xi32, #tpu.memory_space<vmem>>
    %dma_start3A_212 = arith.constant 0 : i32
    %dma_start3A_213 = tpu.memref_slice %arg5[%add3A, %dma_start3A_206, %dma_start3A_212] : memref<32x250x40xi32, #tpu.memory_space<hbm>> -> memref<1x1x40xi32, #tpu.memory_space<hbm>>
    %dma_start3A_214 = tpu.memref_squeeze %dma_start3A_213 : memref<1x1x40xi32, #tpu.memory_space<hbm>> -> memref<40xi32, #tpu.memory_space<hbm>>
    %dma_start3A_215 = tpu.memref_slice %arg15[%dma_start3A_208] : memref<5x!tpu.dma_semaphore, #tpu.memory_space<semaphore_mem>> -> memref<1x!tpu.dma_semaphore, #tpu.memory_space<semaphore_mem>>
    %dma_start3A_216 = tpu.memref_squeeze %dma_start3A_215 : memref<1x!tpu.dma_semaphore, #tpu.memory_space<semaphore_mem>> -> memref<!tpu.dma_semaphore, #tpu.memory_space<semaphore_mem>>
    %dma_start3A_217 = arith.constant 0 : i32
    %dma_start3A_218 = tpu.memref_slice %arg9[%dma_start3A_207, %dma_start3A_217] : memref<5x40xi32, #tpu.memory_space<vmem>> -> memref<1x40xi32, #tpu.memory_space<vmem>>
    %dma_start3A_219 = tpu.memref_squeeze %dma_start3A_218 : memref<1x40xi32, #tpu.memory_space<vmem>> -> memref<40xi32, #tpu.memory_space<vmem>>
    %dma_start3A_220 = arith.constant 0 : i32
    %dma_start3A_221 = tpu.memref_slice %arg5[%add3A, %dma_start3A_206, %dma_start3A_220] : memref<32x250x40xi32, #tpu.memory_space<hbm>> -> memref<1x1x40xi32, #tpu.memory_space<hbm>>
    %dma_start3A_222 = tpu.memref_squeeze %dma_start3A_221 : memref<1x1x40xi32, #tpu.memory_space<hbm>> -> memref<40xi32, #tpu.memory_space<hbm>>
    tpu.enqueue_dma source(%dma_start3A_222 : memref<40xi32, #tpu.memory_space<hbm>>) target(%dma_start3A_219 : memref<40xi32, #tpu.memory_space<vmem>>) target_semaphore(%dma_start3A_216 : memref<!tpu.dma_semaphore, #tpu.memory_space<semaphore_mem>>)
    %barrier3A = arith.constant 0 : index
    tpu.barrier barrier_id(%barrier3A)
    %dma_wait3A = arith.constant 0 : i32
    %dma_wait3A_223 = arith.constant 0 : i32
    %dma_wait3A_224 = arith.constant 0 : i32
    %dma_wait3A_225 = arith.constant 0 : i32
    %dma_wait3A_226 = arith.constant 0 : i32
    %dma_wait3A_227 = tpu.memref_slice %arg8[%dma_wait3A_224, %dma_wait3A_226] : memref<5x40xi32, #tpu.memory_space<vmem>> -> memref<1x40xi32, #tpu.memory_space<vmem>>
    %dma_wait3A_228 = tpu.memref_squeeze %dma_wait3A_227 : memref<1x40xi32, #tpu.memory_space<vmem>> -> memref<40xi32, #tpu.memory_space<vmem>>
    %dma_wait3A_229 = arith.constant 0 : i32
    %dma_wait3A_230 = tpu.memref_slice %arg4[%dma_wait3A, %dma_wait3A_223, %dma_wait3A_229] : memref<32x250x40xi32, #tpu.memory_space<hbm>> -> memref<1x1x40xi32, #tpu.memory_space<hbm>>
    %dma_wait3A_231 = tpu.memref_squeeze %dma_wait3A_230 : memref<1x1x40xi32, #tpu.memory_space<hbm>> -> memref<40xi32, #tpu.memory_space<hbm>>
    %dma_wait3A_232 = tpu.memref_slice %arg15[%dma_wait3A_225] : memref<5x!tpu.dma_semaphore, #tpu.memory_space<semaphore_mem>> -> memref<1x!tpu.dma_semaphore, #tpu.memory_space<semaphore_mem>>
    %dma_wait3A_233 = tpu.memref_squeeze %dma_wait3A_232 : memref<1x!tpu.dma_semaphore, #tpu.memory_space<semaphore_mem>> -> memref<!tpu.dma_semaphore, #tpu.memory_space<semaphore_mem>>
    %dma_wait3A_234 = arith.constant 0 : i32
    %dma_wait3A_235 = tpu.memref_slice %arg8[%dma_wait3A_224, %dma_wait3A_234] : memref<5x40xi32, #tpu.memory_space<vmem>> -> memref<1x40xi32, #tpu.memory_space<vmem>>
    %dma_wait3A_236 = tpu.memref_squeeze %dma_wait3A_235 : memref<1x40xi32, #tpu.memory_space<vmem>> -> memref<40xi32, #tpu.memory_space<vmem>>
    %dma_wait3A_237 = arith.constant 0 : i32
    %dma_wait3A_238 = tpu.memref_slice %arg4[%dma_wait3A, %dma_wait3A_223, %dma_wait3A_237] : memref<32x250x40xi32, #tpu.memory_space<hbm>> -> memref<1x1x40xi32, #tpu.memory_space<hbm>>
    %dma_wait3A_239 = tpu.memref_squeeze %dma_wait3A_238 : memref<1x1x40xi32, #tpu.memory_space<hbm>> -> memref<40xi32, #tpu.memory_space<hbm>>
    tpu.wait_dma2 semaphore(%dma_wait3A_233 : memref<!tpu.dma_semaphore, #tpu.memory_space<semaphore_mem>>) src(%dma_wait3A_239 : memref<40xi32, #tpu.memory_space<hbm>>) dst(%dma_wait3A_236 : memref<40xi32, #tpu.memory_space<vmem>>)
    %dma_wait3A_240 = arith.constant 0 : i32
    %dma_wait3A_241 = arith.constant 0 : i32
    %dma_wait3A_242 = arith.constant 0 : i32
    %dma_wait3A_243 = arith.constant 0 : i32
    %dma_wait3A_244 = arith.constant 0 : i32
    %dma_wait3A_245 = tpu.memref_slice %arg9[%dma_wait3A_242, %dma_wait3A_244] : memref<5x40xi32, #tpu.memory_space<vmem>> -> memref<1x40xi32, #tpu.memory_space<vmem>>
    %dma_wait3A_246 = tpu.memref_squeeze %dma_wait3A_245 : memref<1x40xi32, #tpu.memory_space<vmem>> -> memref<40xi32, #tpu.memory_space<vmem>>
    %dma_wait3A_247 = arith.constant 0 : i32
    %dma_wait3A_248 = tpu.memref_slice %arg5[%dma_wait3A_240, %dma_wait3A_241, %dma_wait3A_247] : memref<32x250x40xi32, #tpu.memory_space<hbm>> -> memref<1x1x40xi32, #tpu.memory_space<hbm>>
    %dma_wait3A_249 = tpu.memref_squeeze %dma_wait3A_248 : memref<1x1x40xi32, #tpu.memory_space<hbm>> -> memref<40xi32, #tpu.memory_space<hbm>>
    %dma_wait3A_250 = tpu.memref_slice %arg15[%dma_wait3A_243] : memref<5x!tpu.dma_semaphore, #tpu.memory_space<semaphore_mem>> -> memref<1x!tpu.dma_semaphore, #tpu.memory_space<semaphore_mem>>
    %dma_wait3A_251 = tpu.memref_squeeze %dma_wait3A_250 : memref<1x!tpu.dma_semaphore, #tpu.memory_space<semaphore_mem>> -> memref<!tpu.dma_semaphore, #tpu.memory_space<semaphore_mem>>
    %dma_wait3A_252 = arith.constant 0 : i32
    %dma_wait3A_253 = tpu.memref_slice %arg9[%dma_wait3A_242, %dma_wait3A_252] : memref<5x40xi32, #tpu.memory_space<vmem>> -> memref<1x40xi32, #tpu.memory_space<vmem>>
    %dma_wait3A_254 = tpu.memref_squeeze %dma_wait3A_253 : memref<1x40xi32, #tpu.memory_space<vmem>> -> memref<40xi32, #tpu.memory_space<vmem>>
    %dma_wait3A_255 = arith.constant 0 : i32
    %dma_wait3A_256 = tpu.memref_slice %arg5[%dma_wait3A_240, %dma_wait3A_241, %dma_wait3A_255] : memref<32x250x40xi32, #tpu.memory_space<hbm>> -> memref<1x1x40xi32, #tpu.memory_space<hbm>>
    %dma_wait3A_257 = tpu.memref_squeeze %dma_wait3A_256 : memref<1x1x40xi32, #tpu.memory_space<hbm>> -> memref<40xi32, #tpu.memory_space<hbm>>
    tpu.wait_dma2 semaphore(%dma_wait3A_251 : memref<!tpu.dma_semaphore, #tpu.memory_space<semaphore_mem>>) src(%dma_wait3A_257 : memref<40xi32, #tpu.memory_space<hbm>>) dst(%dma_wait3A_254 : memref<40xi32, #tpu.memory_space<vmem>>)
    %dma_start3A_258 = arith.constant 0 : i32
    %dma_start3A_259 = arith.constant 0 : i32
    %dma_start3A_260 = arith.constant 0 : i32
    %dma_start3A_261 = arith.constant 0 : i32
    %dma_start3A_262 = arith.constant 0 : i32
    %dma_start3A_263 = tpu.memref_slice %arg10[%dma_start3A_259, %dma_start3A_261, %dma_start3A_262] : memref<5x40x144xf32, #tpu.memory_space<vmem>> -> memref<1x40x144xf32, #tpu.memory_space<vmem>>
    %dma_start3A_264 = tpu.memref_squeeze %dma_start3A_263 : memref<1x40x144xf32, #tpu.memory_space<vmem>> -> memref<40x144xf32, #tpu.memory_space<vmem>>
    %dma_start3A_265 = arith.constant 0 : i32
    %dma_start3A_266 = tpu.memref_slice %arg8[%dma_start3A_258, %dma_start3A_265] : memref<5x40xi32, #tpu.memory_space<vmem>> -> memref<1x40xi32, #tpu.memory_space<vmem>>
    %dma_start3A_267 = tpu.memref_squeeze %dma_start3A_266 : memref<1x40xi32, #tpu.memory_space<vmem>> -> memref<40xi32, #tpu.memory_space<vmem>>
    %dma_start3A_268 = arith.constant 0 : i32
    %dma_start3A_269 = arith.constant 0 : i32
    %dma_start3A_270 = tpu.memref_slice %arg2[%dma_start3A_268, %dma_start3A_269] : memref<10240x144xf32, #tpu.memory_space<hbm>> -> memref<10240x144xf32, #tpu.memory_space<hbm>>
    %dma_start3A_271 = tpu.memref_slice %arg12[%dma_start3A_260] : memref<5x!tpu.dma_semaphore, #tpu.memory_space<semaphore_mem>> -> memref<1x!tpu.dma_semaphore, #tpu.memory_space<semaphore_mem>>
    %dma_start3A_272 = tpu.memref_squeeze %dma_start3A_271 : memref<1x!tpu.dma_semaphore, #tpu.memory_space<semaphore_mem>> -> memref<!tpu.dma_semaphore, #tpu.memory_space<semaphore_mem>>
    tpu.enqueue_indirect_dma source(%dma_start3A_270 : memref<10240x144xf32, #tpu.memory_space<hbm>>) target(%dma_start3A_264 : memref<40x144xf32, #tpu.memory_space<vmem>>) offsets(%dma_start3A_267 : memref<40xi32, #tpu.memory_space<vmem>>) semaphore(%dma_start3A_272 : memref<!tpu.dma_semaphore, #tpu.memory_space<semaphore_mem>>)
    %dma_start3A_273 = arith.constant 0 : i32
    %dma_start3A_274 = arith.constant 0 : i32
    %dma_start3A_275 = arith.constant 0 : i32
    %dma_start3A_276 = arith.constant 0 : i32
    %dma_start3A_277 = arith.constant 0 : i32
    %dma_start3A_278 = tpu.memref_slice %arg11[%dma_start3A_274, %dma_start3A_276, %dma_start3A_277] : memref<5x40x16xf32, #tpu.memory_space<vmem>> -> memref<1x40x16xf32, #tpu.memory_space<vmem>>
    %dma_start3A_279 = tpu.memref_squeeze %dma_start3A_278 : memref<1x40x16xf32, #tpu.memory_space<vmem>> -> memref<40x16xf32, #tpu.memory_space<vmem>>
    %dma_start3A_280 = arith.constant 0 : i32
    %dma_start3A_281 = tpu.memref_slice %arg9[%dma_start3A_273, %dma_start3A_280] : memref<5x40xi32, #tpu.memory_space<vmem>> -> memref<1x40xi32, #tpu.memory_space<vmem>>
    %dma_start3A_282 = tpu.memref_squeeze %dma_start3A_281 : memref<1x40xi32, #tpu.memory_space<vmem>> -> memref<40xi32, #tpu.memory_space<vmem>>
    %dma_start3A_283 = arith.constant 0 : i32
    %dma_start3A_284 = arith.constant 0 : i32
    %dma_start3A_285 = tpu.memref_slice %arg3[%dma_start3A_283, %dma_start3A_284] : memref<10240x16xf32, #tpu.memory_space<hbm>> -> memref<10240x16xf32, #tpu.memory_space<hbm>>
    %dma_start3A_286 = tpu.memref_slice %arg13[%dma_start3A_275] : memref<5x!tpu.dma_semaphore, #tpu.memory_space<semaphore_mem>> -> memref<1x!tpu.dma_semaphore, #tpu.memory_space<semaphore_mem>>
    %dma_start3A_287 = tpu.memref_squeeze %dma_start3A_286 : memref<1x!tpu.dma_semaphore, #tpu.memory_space<semaphore_mem>> -> memref<!tpu.dma_semaphore, #tpu.memory_space<semaphore_mem>>
    tpu.enqueue_indirect_dma source(%dma_start3A_285 : memref<10240x16xf32, #tpu.memory_space<hbm>>) target(%dma_start3A_279 : memref<40x16xf32, #tpu.memory_space<vmem>>) offsets(%dma_start3A_282 : memref<40xi32, #tpu.memory_space<vmem>>) semaphore(%dma_start3A_287 : memref<!tpu.dma_semaphore, #tpu.memory_space<semaphore_mem>>)
    %dma_wait3A_288 = arith.constant 0 : i32
    %dma_wait3A_289 = arith.constant 0 : i32
    %dma_wait3A_290 = arith.constant 1 : i32
    %dma_wait3A_291 = arith.constant 1 : i32
    %dma_wait3A_292 = arith.constant 0 : i32
    %dma_wait3A_293 = tpu.memref_slice %arg8[%dma_wait3A_290, %dma_wait3A_292] : memref<5x40xi32, #tpu.memory_space<vmem>> -> memref<1x40xi32, #tpu.memory_space<vmem>>
    %dma_wait3A_294 = tpu.memref_squeeze %dma_wait3A_293 : memref<1x40xi32, #tpu.memory_space<vmem>> -> memref<40xi32, #tpu.memory_space<vmem>>
    %dma_wait3A_295 = arith.constant 0 : i32
    %dma_wait3A_296 = tpu.memref_slice %arg4[%dma_wait3A_288, %dma_wait3A_289, %dma_wait3A_295] : memref<32x250x40xi32, #tpu.memory_space<hbm>> -> memref<1x1x40xi32, #tpu.memory_space<hbm>>
    %dma_wait3A_297 = tpu.memref_squeeze %dma_wait3A_296 : memref<1x1x40xi32, #tpu.memory_space<hbm>> -> memref<40xi32, #tpu.memory_space<hbm>>
    %dma_wait3A_298 = tpu.memref_slice %arg15[%dma_wait3A_291] : memref<5x!tpu.dma_semaphore, #tpu.memory_space<semaphore_mem>> -> memref<1x!tpu.dma_semaphore, #tpu.memory_space<semaphore_mem>>
    %dma_wait3A_299 = tpu.memref_squeeze %dma_wait3A_298 : memref<1x!tpu.dma_semaphore, #tpu.memory_space<semaphore_mem>> -> memref<!tpu.dma_semaphore, #tpu.memory_space<semaphore_mem>>
    %dma_wait3A_300 = arith.constant 0 : i32
    %dma_wait3A_301 = tpu.memref_slice %arg8[%dma_wait3A_290, %dma_wait3A_300] : memref<5x40xi32, #tpu.memory_space<vmem>> -> memref<1x40xi32, #tpu.memory_space<vmem>>
    %dma_wait3A_302 = tpu.memref_squeeze %dma_wait3A_301 : memref<1x40xi32, #tpu.memory_space<vmem>> -> memref<40xi32, #tpu.memory_space<vmem>>
    %dma_wait3A_303 = arith.constant 0 : i32
    %dma_wait3A_304 = tpu.memref_slice %arg4[%dma_wait3A_288, %dma_wait3A_289, %dma_wait3A_303] : memref<32x250x40xi32, #tpu.memory_space<hbm>> -> memref<1x1x40xi32, #tpu.memory_space<hbm>>
    %dma_wait3A_305 = tpu.memref_squeeze %dma_wait3A_304 : memref<1x1x40xi32, #tpu.memory_space<hbm>> -> memref<40xi32, #tpu.memory_space<hbm>>
    tpu.wait_dma2 semaphore(%dma_wait3A_299 : memref<!tpu.dma_semaphore, #tpu.memory_space<semaphore_mem>>) src(%dma_wait3A_305 : memref<40xi32, #tpu.memory_space<hbm>>) dst(%dma_wait3A_302 : memref<40xi32, #tpu.memory_space<vmem>>)
    %dma_wait3A_306 = arith.constant 0 : i32
    %dma_wait3A_307 = arith.constant 0 : i32
    %dma_wait3A_308 = arith.constant 1 : i32
    %dma_wait3A_309 = arith.constant 1 : i32
    %dma_wait3A_310 = arith.constant 0 : i32
    %dma_wait3A_311 = tpu.memref_slice %arg9[%dma_wait3A_308, %dma_wait3A_310] : memref<5x40xi32, #tpu.memory_space<vmem>> -> memref<1x40xi32, #tpu.memory_space<vmem>>
    %dma_wait3A_312 = tpu.memref_squeeze %dma_wait3A_311 : memref<1x40xi32, #tpu.memory_space<vmem>> -> memref<40xi32, #tpu.memory_space<vmem>>
    %dma_wait3A_313 = arith.constant 0 : i32
    %dma_wait3A_314 = tpu.memref_slice %arg5[%dma_wait3A_306, %dma_wait3A_307, %dma_wait3A_313] : memref<32x250x40xi32, #tpu.memory_space<hbm>> -> memref<1x1x40xi32, #tpu.memory_space<hbm>>
    %dma_wait3A_315 = tpu.memref_squeeze %dma_wait3A_314 : memref<1x1x40xi32, #tpu.memory_space<hbm>> -> memref<40xi32, #tpu.memory_space<hbm>>
    %dma_wait3A_316 = tpu.memref_slice %arg15[%dma_wait3A_309] : memref<5x!tpu.dma_semaphore, #tpu.memory_space<semaphore_mem>> -> memref<1x!tpu.dma_semaphore, #tpu.memory_space<semaphore_mem>>
    %dma_wait3A_317 = tpu.memref_squeeze %dma_wait3A_316 : memref<1x!tpu.dma_semaphore, #tpu.memory_space<semaphore_mem>> -> memref<!tpu.dma_semaphore, #tpu.memory_space<semaphore_mem>>
    %dma_wait3A_318 = arith.constant 0 : i32
    %dma_wait3A_319 = tpu.memref_slice %arg9[%dma_wait3A_308, %dma_wait3A_318] : memref<5x40xi32, #tpu.memory_space<vmem>> -> memref<1x40xi32, #tpu.memory_space<vmem>>
    %dma_wait3A_320 = tpu.memref_squeeze %dma_wait3A_319 : memref<1x40xi32, #tpu.memory_space<vmem>> -> memref<40xi32, #tpu.memory_space<vmem>>
    %dma_wait3A_321 = arith.constant 0 : i32
    %dma_wait3A_322 = tpu.memref_slice %arg5[%dma_wait3A_306, %dma_wait3A_307, %dma_wait3A_321] : memref<32x250x40xi32, #tpu.memory_space<hbm>> -> memref<1x1x40xi32, #tpu.memory_space<hbm>>
    %dma_wait3A_323 = tpu.memref_squeeze %dma_wait3A_322 : memref<1x1x40xi32, #tpu.memory_space<hbm>> -> memref<40xi32, #tpu.memory_space<hbm>>
    tpu.wait_dma2 semaphore(%dma_wait3A_317 : memref<!tpu.dma_semaphore, #tpu.memory_space<semaphore_mem>>) src(%dma_wait3A_323 : memref<40xi32, #tpu.memory_space<hbm>>) dst(%dma_wait3A_320 : memref<40xi32, #tpu.memory_space<vmem>>)
    %dma_start3A_324 = arith.constant 1 : i32
    %dma_start3A_325 = arith.constant 1 : i32
    %dma_start3A_326 = arith.constant 1 : i32
    %dma_start3A_327 = arith.constant 0 : i32
    %dma_start3A_328 = arith.constant 0 : i32
    %dma_start3A_329 = tpu.memref_slice %arg10[%dma_start3A_325, %dma_start3A_327, %dma_start3A_328] : memref<5x40x144xf32, #tpu.memory_space<vmem>> -> memref<1x40x144xf32, #tpu.memory_space<vmem>>
    %dma_start3A_330 = tpu.memref_squeeze %dma_start3A_329 : memref<1x40x144xf32, #tpu.memory_space<vmem>> -> memref<40x144xf32, #tpu.memory_space<vmem>>
    %dma_start3A_331 = arith.constant 0 : i32
    %dma_start3A_332 = tpu.memref_slice %arg8[%dma_start3A_324, %dma_start3A_331] : memref<5x40xi32, #tpu.memory_space<vmem>> -> memref<1x40xi32, #tpu.memory_space<vmem>>
    %dma_start3A_333 = tpu.memref_squeeze %dma_start3A_332 : memref<1x40xi32, #tpu.memory_space<vmem>> -> memref<40xi32, #tpu.memory_space<vmem>>
    %dma_start3A_334 = arith.constant 0 : i32
    %dma_start3A_335 = arith.constant 0 : i32
    %dma_start3A_336 = tpu.memref_slice %arg2[%dma_start3A_334, %dma_start3A_335] : memref<10240x144xf32, #tpu.memory_space<hbm>> -> memref<10240x144xf32, #tpu.memory_space<hbm>>
    %dma_start3A_337 = tpu.memref_slice %arg12[%dma_start3A_326] : memref<5x!tpu.dma_semaphore, #tpu.memory_space<semaphore_mem>> -> memref<1x!tpu.dma_semaphore, #tpu.memory_space<semaphore_mem>>
    %dma_start3A_338 = tpu.memref_squeeze %dma_start3A_337 : memref<1x!tpu.dma_semaphore, #tpu.memory_space<semaphore_mem>> -> memref<!tpu.dma_semaphore, #tpu.memory_space<semaphore_mem>>
    tpu.enqueue_indirect_dma source(%dma_start3A_336 : memref<10240x144xf32, #tpu.memory_space<hbm>>) target(%dma_start3A_330 : memref<40x144xf32, #tpu.memory_space<vmem>>) offsets(%dma_start3A_333 : memref<40xi32, #tpu.memory_space<vmem>>) semaphore(%dma_start3A_338 : memref<!tpu.dma_semaphore, #tpu.memory_space<semaphore_mem>>)
    %dma_start3A_339 = arith.constant 1 : i32
    %dma_start3A_340 = arith.constant 1 : i32
    %dma_start3A_341 = arith.constant 1 : i32
    %dma_start3A_342 = arith.constant 0 : i32
    %dma_start3A_343 = arith.constant 0 : i32
    %dma_start3A_344 = tpu.memref_slice %arg11[%dma_start3A_340, %dma_start3A_342, %dma_start3A_343] : memref<5x40x16xf32, #tpu.memory_space<vmem>> -> memref<1x40x16xf32, #tpu.memory_space<vmem>>
    %dma_start3A_345 = tpu.memref_squeeze %dma_start3A_344 : memref<1x40x16xf32, #tpu.memory_space<vmem>> -> memref<40x16xf32, #tpu.memory_space<vmem>>
    %dma_start3A_346 = arith.constant 0 : i32
    %dma_start3A_347 = tpu.memref_slice %arg9[%dma_start3A_339, %dma_start3A_346] : memref<5x40xi32, #tpu.memory_space<vmem>> -> memref<1x40xi32, #tpu.memory_space<vmem>>
    %dma_start3A_348 = tpu.memref_squeeze %dma_start3A_347 : memref<1x40xi32, #tpu.memory_space<vmem>> -> memref<40xi32, #tpu.memory_space<vmem>>
    %dma_start3A_349 = arith.constant 0 : i32
    %dma_start3A_350 = arith.constant 0 : i32
    %dma_start3A_351 = tpu.memref_slice %arg3[%dma_start3A_349, %dma_start3A_350] : memref<10240x16xf32, #tpu.memory_space<hbm>> -> memref<10240x16xf32, #tpu.memory_space<hbm>>
    %dma_start3A_352 = tpu.memref_slice %arg13[%dma_start3A_341] : memref<5x!tpu.dma_semaphore, #tpu.memory_space<semaphore_mem>> -> memref<1x!tpu.dma_semaphore, #tpu.memory_space<semaphore_mem>>
    %dma_start3A_353 = tpu.memref_squeeze %dma_start3A_352 : memref<1x!tpu.dma_semaphore, #tpu.memory_space<semaphore_mem>> -> memref<!tpu.dma_semaphore, #tpu.memory_space<semaphore_mem>>
    tpu.enqueue_indirect_dma source(%dma_start3A_351 : memref<10240x16xf32, #tpu.memory_space<hbm>>) target(%dma_start3A_345 : memref<40x16xf32, #tpu.memory_space<vmem>>) offsets(%dma_start3A_348 : memref<40xi32, #tpu.memory_space<vmem>>) semaphore(%dma_start3A_353 : memref<!tpu.dma_semaphore, #tpu.memory_space<semaphore_mem>>)
    %dma_wait3A_354 = arith.constant 0 : i32
    %dma_wait3A_355 = arith.constant 0 : i32
    %dma_wait3A_356 = arith.constant 2 : i32
    %dma_wait3A_357 = arith.constant 2 : i32
    %dma_wait3A_358 = arith.constant 0 : i32
    %dma_wait3A_359 = tpu.memref_slice %arg8[%dma_wait3A_356, %dma_wait3A_358] : memref<5x40xi32, #tpu.memory_space<vmem>> -> memref<1x40xi32, #tpu.memory_space<vmem>>
    %dma_wait3A_360 = tpu.memref_squeeze %dma_wait3A_359 : memref<1x40xi32, #tpu.memory_space<vmem>> -> memref<40xi32, #tpu.memory_space<vmem>>
    %dma_wait3A_361 = arith.constant 0 : i32
    %dma_wait3A_362 = tpu.memref_slice %arg4[%dma_wait3A_354, %dma_wait3A_355, %dma_wait3A_361] : memref<32x250x40xi32, #tpu.memory_space<hbm>> -> memref<1x1x40xi32, #tpu.memory_space<hbm>>
    %dma_wait3A_363 = tpu.memref_squeeze %dma_wait3A_362 : memref<1x1x40xi32, #tpu.memory_space<hbm>> -> memref<40xi32, #tpu.memory_space<hbm>>
    %dma_wait3A_364 = tpu.memref_slice %arg15[%dma_wait3A_357] : memref<5x!tpu.dma_semaphore, #tpu.memory_space<semaphore_mem>> -> memref<1x!tpu.dma_semaphore, #tpu.memory_space<semaphore_mem>>
    %dma_wait3A_365 = tpu.memref_squeeze %dma_wait3A_364 : memref<1x!tpu.dma_semaphore, #tpu.memory_space<semaphore_mem>> -> memref<!tpu.dma_semaphore, #tpu.memory_space<semaphore_mem>>
    %dma_wait3A_366 = arith.constant 0 : i32
    %dma_wait3A_367 = tpu.memref_slice %arg8[%dma_wait3A_356, %dma_wait3A_366] : memref<5x40xi32, #tpu.memory_space<vmem>> -> memref<1x40xi32, #tpu.memory_space<vmem>>
    %dma_wait3A_368 = tpu.memref_squeeze %dma_wait3A_367 : memref<1x40xi32, #tpu.memory_space<vmem>> -> memref<40xi32, #tpu.memory_space<vmem>>
    %dma_wait3A_369 = arith.constant 0 : i32
    %dma_wait3A_370 = tpu.memref_slice %arg4[%dma_wait3A_354, %dma_wait3A_355, %dma_wait3A_369] : memref<32x250x40xi32, #tpu.memory_space<hbm>> -> memref<1x1x40xi32, #tpu.memory_space<hbm>>
    %dma_wait3A_371 = tpu.memref_squeeze %dma_wait3A_370 : memref<1x1x40xi32, #tpu.memory_space<hbm>> -> memref<40xi32, #tpu.memory_space<hbm>>
    tpu.wait_dma2 semaphore(%dma_wait3A_365 : memref<!tpu.dma_semaphore, #tpu.memory_space<semaphore_mem>>) src(%dma_wait3A_371 : memref<40xi32, #tpu.memory_space<hbm>>) dst(%dma_wait3A_368 : memref<40xi32, #tpu.memory_space<vmem>>)
    %dma_wait3A_372 = arith.constant 0 : i32
    %dma_wait3A_373 = arith.constant 0 : i32
    %dma_wait3A_374 = arith.constant 2 : i32
    %dma_wait3A_375 = arith.constant 2 : i32
    %dma_wait3A_376 = arith.constant 0 : i32
    %dma_wait3A_377 = tpu.memref_slice %arg9[%dma_wait3A_374, %dma_wait3A_376] : memref<5x40xi32, #tpu.memory_space<vmem>> -> memref<1x40xi32, #tpu.memory_space<vmem>>
    %dma_wait3A_378 = tpu.memref_squeeze %dma_wait3A_377 : memref<1x40xi32, #tpu.memory_space<vmem>> -> memref<40xi32, #tpu.memory_space<vmem>>
    %dma_wait3A_379 = arith.constant 0 : i32
    %dma_wait3A_380 = tpu.memref_slice %arg5[%dma_wait3A_372, %dma_wait3A_373, %dma_wait3A_379] : memref<32x250x40xi32, #tpu.memory_space<hbm>> -> memref<1x1x40xi32, #tpu.memory_space<hbm>>
    %dma_wait3A_381 = tpu.memref_squeeze %dma_wait3A_380 : memref<1x1x40xi32, #tpu.memory_space<hbm>> -> memref<40xi32, #tpu.memory_space<hbm>>
    %dma_wait3A_382 = tpu.memref_slice %arg15[%dma_wait3A_375] : memref<5x!tpu.dma_semaphore, #tpu.memory_space<semaphore_mem>> -> memref<1x!tpu.dma_semaphore, #tpu.memory_space<semaphore_mem>>
    %dma_wait3A_383 = tpu.memref_squeeze %dma_wait3A_382 : memref<1x!tpu.dma_semaphore, #tpu.memory_space<semaphore_mem>> -> memref<!tpu.dma_semaphore, #tpu.memory_space<semaphore_mem>>
    %dma_wait3A_384 = arith.constant 0 : i32
    %dma_wait3A_385 = tpu.memref_slice %arg9[%dma_wait3A_374, %dma_wait3A_384] : memref<5x40xi32, #tpu.memory_space<vmem>> -> memref<1x40xi32, #tpu.memory_space<vmem>>
    %dma_wait3A_386 = tpu.memref_squeeze %dma_wait3A_385 : memref<1x40xi32, #tpu.memory_space<vmem>> -> memref<40xi32, #tpu.memory_space<vmem>>
    %dma_wait3A_387 = arith.constant 0 : i32
    %dma_wait3A_388 = tpu.memref_slice %arg5[%dma_wait3A_372, %dma_wait3A_373, %dma_wait3A_387] : memref<32x250x40xi32, #tpu.memory_space<hbm>> -> memref<1x1x40xi32, #tpu.memory_space<hbm>>
    %dma_wait3A_389 = tpu.memref_squeeze %dma_wait3A_388 : memref<1x1x40xi32, #tpu.memory_space<hbm>> -> memref<40xi32, #tpu.memory_space<hbm>>
    tpu.wait_dma2 semaphore(%dma_wait3A_383 : memref<!tpu.dma_semaphore, #tpu.memory_space<semaphore_mem>>) src(%dma_wait3A_389 : memref<40xi32, #tpu.memory_space<hbm>>) dst(%dma_wait3A_386 : memref<40xi32, #tpu.memory_space<vmem>>)
    %dma_start3A_390 = arith.constant 2 : i32
    %dma_start3A_391 = arith.constant 2 : i32
    %dma_start3A_392 = arith.constant 2 : i32
    %dma_start3A_393 = arith.constant 0 : i32
    %dma_start3A_394 = arith.constant 0 : i32
    %dma_start3A_395 = tpu.memref_slice %arg10[%dma_start3A_391, %dma_start3A_393, %dma_start3A_394] : memref<5x40x144xf32, #tpu.memory_space<vmem>> -> memref<1x40x144xf32, #tpu.memory_space<vmem>>
    %dma_start3A_396 = tpu.memref_squeeze %dma_start3A_395 : memref<1x40x144xf32, #tpu.memory_space<vmem>> -> memref<40x144xf32, #tpu.memory_space<vmem>>
    %dma_start3A_397 = arith.constant 0 : i32
    %dma_start3A_398 = tpu.memref_slice %arg8[%dma_start3A_390, %dma_start3A_397] : memref<5x40xi32, #tpu.memory_space<vmem>> -> memref<1x40xi32, #tpu.memory_space<vmem>>
    %dma_start3A_399 = tpu.memref_squeeze %dma_start3A_398 : memref<1x40xi32, #tpu.memory_space<vmem>> -> memref<40xi32, #tpu.memory_space<vmem>>
    %dma_start3A_400 = arith.constant 0 : i32
    %dma_start3A_401 = arith.constant 0 : i32
    %dma_start3A_402 = tpu.memref_slice %arg2[%dma_start3A_400, %dma_start3A_401] : memref<10240x144xf32, #tpu.memory_space<hbm>> -> memref<10240x144xf32, #tpu.memory_space<hbm>>
    %dma_start3A_403 = tpu.memref_slice %arg12[%dma_start3A_392] : memref<5x!tpu.dma_semaphore, #tpu.memory_space<semaphore_mem>> -> memref<1x!tpu.dma_semaphore, #tpu.memory_space<semaphore_mem>>
    %dma_start3A_404 = tpu.memref_squeeze %dma_start3A_403 : memref<1x!tpu.dma_semaphore, #tpu.memory_space<semaphore_mem>> -> memref<!tpu.dma_semaphore, #tpu.memory_space<semaphore_mem>>
    tpu.enqueue_indirect_dma source(%dma_start3A_402 : memref<10240x144xf32, #tpu.memory_space<hbm>>) target(%dma_start3A_396 : memref<40x144xf32, #tpu.memory_space<vmem>>) offsets(%dma_start3A_399 : memref<40xi32, #tpu.memory_space<vmem>>) semaphore(%dma_start3A_404 : memref<!tpu.dma_semaphore, #tpu.memory_space<semaphore_mem>>)
    %dma_start3A_405 = arith.constant 2 : i32
    %dma_start3A_406 = arith.constant 2 : i32
    %dma_start3A_407 = arith.constant 2 : i32
    %dma_start3A_408 = arith.constant 0 : i32
    %dma_start3A_409 = arith.constant 0 : i32
    %dma_start3A_410 = tpu.memref_slice %arg11[%dma_start3A_406, %dma_start3A_408, %dma_start3A_409] : memref<5x40x16xf32, #tpu.memory_space<vmem>> -> memref<1x40x16xf32, #tpu.memory_space<vmem>>
    %dma_start3A_411 = tpu.memref_squeeze %dma_start3A_410 : memref<1x40x16xf32, #tpu.memory_space<vmem>> -> memref<40x16xf32, #tpu.memory_space<vmem>>
    %dma_start3A_412 = arith.constant 0 : i32
    %dma_start3A_413 = tpu.memref_slice %arg9[%dma_start3A_405, %dma_start3A_412] : memref<5x40xi32, #tpu.memory_space<vmem>> -> memref<1x40xi32, #tpu.memory_space<vmem>>
    %dma_start3A_414 = tpu.memref_squeeze %dma_start3A_413 : memref<1x40xi32, #tpu.memory_space<vmem>> -> memref<40xi32, #tpu.memory_space<vmem>>
    %dma_start3A_415 = arith.constant 0 : i32
    %dma_start3A_416 = arith.constant 0 : i32
    %dma_start3A_417 = tpu.memref_slice %arg3[%dma_start3A_415, %dma_start3A_416] : memref<10240x16xf32, #tpu.memory_space<hbm>> -> memref<10240x16xf32, #tpu.memory_space<hbm>>
    %dma_start3A_418 = tpu.memref_slice %arg13[%dma_start3A_407] : memref<5x!tpu.dma_semaphore, #tpu.memory_space<semaphore_mem>> -> memref<1x!tpu.dma_semaphore, #tpu.memory_space<semaphore_mem>>
    %dma_start3A_419 = tpu.memref_squeeze %dma_start3A_418 : memref<1x!tpu.dma_semaphore, #tpu.memory_space<semaphore_mem>> -> memref<!tpu.dma_semaphore, #tpu.memory_space<semaphore_mem>>
    tpu.enqueue_indirect_dma source(%dma_start3A_417 : memref<10240x16xf32, #tpu.memory_space<hbm>>) target(%dma_start3A_411 : memref<40x16xf32, #tpu.memory_space<vmem>>) offsets(%dma_start3A_414 : memref<40xi32, #tpu.memory_space<vmem>>) semaphore(%dma_start3A_419 : memref<!tpu.dma_semaphore, #tpu.memory_space<semaphore_mem>>)
    %scan3A_420 = arith.constant 0 : i32
    %scan3A_421 = arith.constant 0 : i32
    %scan3A_422 = arith.constant 50 : i32
    %scan3A_423 = arith.addi %scan3A_421, %scan3A_422 : i32
    %scan3A_424 = arith.constant 1 : i32
    %scan3A_425 = scf.for %scan3A_507 = %scan3A_421 to %scan3A_423 step %scan3A_424 iter_args(%scan3A_508 = %scan3A_420) -> (i32)  : i32 {
      %mul3A_509 = arith.constant 5 : i32
      %mul3A_510 = arith.muli %scan3A_507, %mul3A_509 : i32
      %add3A_511 = arith.constant 0 : i32
      %add3A_512 = arith.addi %mul3A_510, %add3A_511 : i32
      %dma_wait3A_513 = arith.constant 0 : i32
      %dma_wait3A_514 = arith.constant 0 : i32
      %dma_wait3A_515 = arith.constant 0 : i32
      %dma_wait3A_516 = arith.constant 0 : i32
      %dma_wait3A_517 = arith.constant 0 : i32
      %dma_wait3A_518 = tpu.memref_slice %arg10[%dma_wait3A_514, %dma_wait3A_516, %dma_wait3A_517] : memref<5x40x144xf32, #tpu.memory_space<vmem>> -> memref<1x40x144xf32, #tpu.memory_space<vmem>>
      %dma_wait3A_519 = tpu.memref_squeeze %dma_wait3A_518 : memref<1x40x144xf32, #tpu.memory_space<vmem>> -> memref<40x144xf32, #tpu.memory_space<vmem>>
      %dma_wait3A_520 = arith.constant 0 : i32
      %dma_wait3A_521 = tpu.memref_slice %arg8[%dma_wait3A_513, %dma_wait3A_520] : memref<5x40xi32, #tpu.memory_space<vmem>> -> memref<1x40xi32, #tpu.memory_space<vmem>>
      %dma_wait3A_522 = tpu.memref_squeeze %dma_wait3A_521 : memref<1x40xi32, #tpu.memory_space<vmem>> -> memref<40xi32, #tpu.memory_space<vmem>>
      %dma_wait3A_523 = arith.constant 0 : i32
      %dma_wait3A_524 = arith.constant 0 : i32
      %dma_wait3A_525 = tpu.memref_slice %arg2[%dma_wait3A_523, %dma_wait3A_524] : memref<10240x144xf32, #tpu.memory_space<hbm>> -> memref<10240x144xf32, #tpu.memory_space<hbm>>
      %dma_wait3A_526 = tpu.memref_slice %arg12[%dma_wait3A_515] : memref<5x!tpu.dma_semaphore, #tpu.memory_space<semaphore_mem>> -> memref<1x!tpu.dma_semaphore, #tpu.memory_space<semaphore_mem>>
      %dma_wait3A_527 = tpu.memref_squeeze %dma_wait3A_526 : memref<1x!tpu.dma_semaphore, #tpu.memory_space<semaphore_mem>> -> memref<!tpu.dma_semaphore, #tpu.memory_space<semaphore_mem>>
      tpu.wait_indirect_dma semaphore(%dma_wait3A_527 : memref<!tpu.dma_semaphore, #tpu.memory_space<semaphore_mem>>) src(%dma_wait3A_525 : memref<10240x144xf32, #tpu.memory_space<hbm>>) dst(%dma_wait3A_519 : memref<40x144xf32, #tpu.memory_space<vmem>>)
      %dma_wait3A_528 = arith.constant 0 : i32
      %dma_wait3A_529 = arith.constant 0 : i32
      %dma_wait3A_530 = arith.constant 0 : i32
      %dma_wait3A_531 = arith.constant 0 : i32
      %dma_wait3A_532 = arith.constant 0 : i32
      %dma_wait3A_533 = tpu.memref_slice %arg11[%dma_wait3A_529, %dma_wait3A_531, %dma_wait3A_532] : memref<5x40x16xf32, #tpu.memory_space<vmem>> -> memref<1x40x16xf32, #tpu.memory_space<vmem>>
      %dma_wait3A_534 = tpu.memref_squeeze %dma_wait3A_533 : memref<1x40x16xf32, #tpu.memory_space<vmem>> -> memref<40x16xf32, #tpu.memory_space<vmem>>
      %dma_wait3A_535 = arith.constant 0 : i32
      %dma_wait3A_536 = tpu.memref_slice %arg9[%dma_wait3A_528, %dma_wait3A_535] : memref<5x40xi32, #tpu.memory_space<vmem>> -> memref<1x40xi32, #tpu.memory_space<vmem>>
      %dma_wait3A_537 = tpu.memref_squeeze %dma_wait3A_536 : memref<1x40xi32, #tpu.memory_space<vmem>> -> memref<40xi32, #tpu.memory_space<vmem>>
      %dma_wait3A_538 = arith.constant 0 : i32
      %dma_wait3A_539 = arith.constant 0 : i32
      %dma_wait3A_540 = tpu.memref_slice %arg3[%dma_wait3A_538, %dma_wait3A_539] : memref<10240x16xf32, #tpu.memory_space<hbm>> -> memref<10240x16xf32, #tpu.memory_space<hbm>>
      %dma_wait3A_541 = tpu.memref_slice %arg13[%dma_wait3A_530] : memref<5x!tpu.dma_semaphore, #tpu.memory_space<semaphore_mem>> -> memref<1x!tpu.dma_semaphore, #tpu.memory_space<semaphore_mem>>
      %dma_wait3A_542 = tpu.memref_squeeze %dma_wait3A_541 : memref<1x!tpu.dma_semaphore, #tpu.memory_space<semaphore_mem>> -> memref<!tpu.dma_semaphore, #tpu.memory_space<semaphore_mem>>
      tpu.wait_indirect_dma semaphore(%dma_wait3A_542 : memref<!tpu.dma_semaphore, #tpu.memory_space<semaphore_mem>>) src(%dma_wait3A_540 : memref<10240x16xf32, #tpu.memory_space<hbm>>) dst(%dma_wait3A_534 : memref<40x16xf32, #tpu.memory_space<vmem>>)
      %scan3A_543 = arith.constant 0 : i32
      %scan3A_544 = arith.constant 0 : i32
      %scan3A_545 = arith.constant 0 : i32
      %scan3A_546 = arith.constant 0 : i32
      %scan3A_547 = arith.constant 40 : i32
      %scan3A_548 = arith.addi %scan3A_546, %scan3A_547 : i32
      %scan3A_549 = arith.constant 1 : i32
      %scan3A_550 = scf.for %scan3A_1039 = %scan3A_546 to %scan3A_548 step %scan3A_549 iter_args(%scan3A_1040 = %scan3A_545) -> (i32)  : i32 {
        %get3A = arith.constant 0 : i32
        %get3A_1041 = arith.constant 0 : i32
        %get3A_1042 = tpu.memref_slice %arg10[%scan3A_543, %get3A, %get3A_1041] : memref<5x40x144xf32, #tpu.memory_space<vmem>> -> memref<1x40x144xf32, #tpu.memory_space<vmem>>
        %get3A_1043 = tpu.memref_squeeze %get3A_1042 : memref<1x40x144xf32, #tpu.memory_space<vmem>> -> memref<40x144xf32, #tpu.memory_space<vmem>>
        %get3A_1044 = arith.index_cast %scan3A_1039 : i32 to index
        %get3A_1045 = arith.constant 128 : index
        %get3A_1046 = tpu.vector_load %get3A_1043[%get3A_1044, %get3A_1045] {strides = array<i32>} : memref<40x144xf32, #tpu.memory_space<vmem>>, vector<1x16xf32>,
        %get3A_1047 = vector.shape_cast %get3A_1046 : vector<1x16xf32> to vector<16xf32>
        %get3A_1048 = arith.constant 0 : i32
        %get3A_1049 = arith.constant 0 : i32
        %get3A_1050 = tpu.memref_slice %arg11[%scan3A_544, %get3A_1048, %get3A_1049] : memref<5x40x16xf32, #tpu.memory_space<vmem>> -> memref<1x40x16xf32, #tpu.memory_space<vmem>>
        %get3A_1051 = tpu.memref_squeeze %get3A_1050 : memref<1x40x16xf32, #tpu.memory_space<vmem>> -> memref<40x16xf32, #tpu.memory_space<vmem>>
        %get3A_1052 = arith.index_cast %scan3A_1039 : i32 to index
        %get3A_1053 = arith.constant 0 : index
        %get3A_1054 = tpu.vector_load %get3A_1051[%get3A_1052, %get3A_1053] {strides = array<i32>} : memref<40x16xf32, #tpu.memory_space<vmem>>, vector<1x16xf32>,
        %get3A_1055 = vector.shape_cast %get3A_1054 : vector<1x16xf32> to vector<16xf32>
        %add3A_1056 = arith.addf %get3A_1047, %get3A_1055 : vector<16xf32>
        %gt3A_1057 = arith.constant 0.000000e+00 : f32
        %gt3A_1058 = vector.broadcast %gt3A_1057 : f32 to vector<16xf32>
        %gt3A_1059 = arith.cmpf ogt, %add3A_1056, %gt3A_1058 : vector<16xf32>
        %mul3A_1060 = arith.constant 2.000000e-01 : f32
        %mul3A_1061 = vector.broadcast %mul3A_1060 : f32 to vector<16xf32>
        %mul3A_1062 = arith.mulf %mul3A_1061, %add3A_1056 : vector<16xf32>
        %select_n3A = arith.select %gt3A_1059, %add3A_1056, %mul3A_1062 : vector<16xi1>, vector<16xf32>
        %exp3A = math.exp %select_n3A : vector<16xf32>
        %swap3A = arith.constant 0 : i32
        %swap3A_1063 = arith.constant 0 : i32
        %swap3A_1064 = tpu.memref_slice %arg10[%scan3A_543, %swap3A, %swap3A_1063] : memref<5x40x144xf32, #tpu.memory_space<vmem>> -> memref<1x40x144xf32, #tpu.memory_space<vmem>>
        %swap3A_1065 = tpu.memref_squeeze %swap3A_1064 : memref<1x40x144xf32, #tpu.memory_space<vmem>> -> memref<40x144xf32, #tpu.memory_space<vmem>>
        %swap3A_1066 = arith.index_cast %scan3A_1039 : i32 to index
        %swap3A_1067 = arith.constant 128 : index
        %swap3A_1068 = tpu.vector_load %swap3A_1065[%swap3A_1066, %swap3A_1067] {strides = array<i32>} : memref<40x144xf32, #tpu.memory_space<vmem>>, vector<1x16xf32>,
        %swap3A_1069 = vector.shape_cast %swap3A_1068 : vector<1x16xf32> to vector<16xf32>
        %swap3A_1070 = vector.shape_cast %exp3A : vector<16xf32> to vector<1x16xf32>
        tpu.vector_store %swap3A_1065[%swap3A_1066, %swap3A_1067], %swap3A_1070 {strides = array<i32>} : memref<40x144xf32, #tpu.memory_space<vmem>>, vector<1x16xf32>,
        %get3A_1071 = arith.constant 0 : i32
        %get3A_1072 = arith.constant 0 : i32
        %get3A_1073 = tpu.memref_slice %arg10[%scan3A_543, %get3A_1071, %get3A_1072] : memref<5x40x144xf32, #tpu.memory_space<vmem>> -> memref<1x40x144xf32, #tpu.memory_space<vmem>>
        %get3A_1074 = tpu.memref_squeeze %get3A_1073 : memref<1x40x144xf32, #tpu.memory_space<vmem>> -> memref<40x144xf32, #tpu.memory_space<vmem>>
        %get3A_1075 = arith.index_cast %scan3A_1039 : i32 to index
        %get3A_1076 = arith.constant 0 : index
        %get3A_1077 = tpu.vector_load %get3A_1074[%get3A_1075, %get3A_1076] {strides = array<i32>} : memref<40x144xf32, #tpu.memory_space<vmem>>, vector<1x16xf32>,
        %get3A_1078 = vector.shape_cast %get3A_1077 : vector<1x16xf32> to vector<16xf32>
        %slice3A = vector.extract_strided_slice %exp3A {offsets = [0], sizes = [1], strides = [1]} : vector<16xf32> to vector<1xf32>
        %squeeze3A = vector.extract %slice3A[0] : f32 from vector<1xf32>
        %mul3A_1079 = vector.broadcast %squeeze3A : f32 to vector<16xf32>
        %mul3A_1080 = arith.mulf %get3A_1078, %mul3A_1079 : vector<16xf32>
        %swap3A_1081 = arith.constant 0 : i32
        %swap3A_1082 = arith.constant 0 : i32
        %swap3A_1083 = tpu.memref_slice %arg10[%scan3A_543, %swap3A_1081, %swap3A_1082] : memref<5x40x144xf32, #tpu.memory_space<vmem>> -> memref<1x40x144xf32, #tpu.memory_space<vmem>>
        %swap3A_1084 = tpu.memref_squeeze %swap3A_1083 : memref<1x40x144xf32, #tpu.memory_space<vmem>> -> memref<40x144xf32, #tpu.memory_space<vmem>>
        %swap3A_1085 = arith.index_cast %scan3A_1039 : i32 to index
        %swap3A_1086 = arith.constant 0 : index
        %swap3A_1087 = tpu.vector_load %swap3A_1084[%swap3A_1085, %swap3A_1086] {strides = array<i32>} : memref<40x144xf32, #tpu.memory_space<vmem>>, vector<1x16xf32>,
        %swap3A_1088 = vector.shape_cast %swap3A_1087 : vector<1x16xf32> to vector<16xf32>
        %swap3A_1089 = vector.shape_cast %mul3A_1080 : vector<16xf32> to vector<1x16xf32>
        tpu.vector_store %swap3A_1084[%swap3A_1085, %swap3A_1086], %swap3A_1089 {strides = array<i32>} : memref<40x144xf32, #tpu.memory_space<vmem>>, vector<1x16xf32>,
        %get3A_1090 = arith.constant 0 : i32
        %get3A_1091 = arith.constant 0 : i32
        %get3A_1092 = tpu.memref_slice %arg10[%scan3A_543, %get3A_1090, %get3A_1091] : memref<5x40x144xf32, #tpu.memory_space<vmem>> -> memref<1x40x144xf32, #tpu.memory_space<vmem>>
        %get3A_1093 = tpu.memref_squeeze %get3A_1092 : memref<1x40x144xf32, #tpu.memory_space<vmem>> -> memref<40x144xf32, #tpu.memory_space<vmem>>
        %get3A_1094 = arith.index_cast %scan3A_1039 : i32 to index
        %get3A_1095 = arith.constant 16 : index
        %get3A_1096 = tpu.vector_load %get3A_1093[%get3A_1094, %get3A_1095] {strides = array<i32>} : memref<40x144xf32, #tpu.memory_space<vmem>>, vector<1x16xf32>,
        %get3A_1097 = vector.shape_cast %get3A_1096 : vector<1x16xf32> to vector<16xf32>
        %slice3A_1098 = vector.extract_strided_slice %exp3A {offsets = [1], sizes = [1], strides = [1]} : vector<16xf32> to vector<1xf32>
        %squeeze3A_1099 = vector.extract %slice3A_1098[0] : f32 from vector<1xf32>
        %mul3A_1100 = vector.broadcast %squeeze3A_1099 : f32 to vector<16xf32>
        %mul3A_1101 = arith.mulf %get3A_1097, %mul3A_1100 : vector<16xf32>
        %swap3A_1102 = arith.constant 0 : i32
        %swap3A_1103 = arith.constant 0 : i32
        %swap3A_1104 = tpu.memref_slice %arg10[%scan3A_543, %swap3A_1102, %swap3A_1103] : memref<5x40x144xf32, #tpu.memory_space<vmem>> -> memref<1x40x144xf32, #tpu.memory_space<vmem>>
        %swap3A_1105 = tpu.memref_squeeze %swap3A_1104 : memref<1x40x144xf32, #tpu.memory_space<vmem>> -> memref<40x144xf32, #tpu.memory_space<vmem>>
        %swap3A_1106 = arith.index_cast %scan3A_1039 : i32 to index
        %swap3A_1107 = arith.constant 16 : index
        %swap3A_1108 = tpu.vector_load %swap3A_1105[%swap3A_1106, %swap3A_1107] {strides = array<i32>} : memref<40x144xf32, #tpu.memory_space<vmem>>, vector<1x16xf32>,
        %swap3A_1109 = vector.shape_cast %swap3A_1108 : vector<1x16xf32> to vector<16xf32>
        %swap3A_1110 = vector.shape_cast %mul3A_1101 : vector<16xf32> to vector<1x16xf32>
        tpu.vector_store %swap3A_1105[%swap3A_1106, %swap3A_1107], %swap3A_1110 {strides = array<i32>} : memref<40x144xf32, #tpu.memory_space<vmem>>, vector<1x16xf32>,
        %get3A_1111 = arith.constant 0 : i32
        %get3A_1112 = arith.constant 0 : i32
        %get3A_1113 = tpu.memref_slice %arg10[%scan3A_543, %get3A_1111, %get3A_1112] : memref<5x40x144xf32, #tpu.memory_space<vmem>> -> memref<1x40x144xf32, #tpu.memory_space<vmem>>
        %get3A_1114 = tpu.memref_squeeze %get3A_1113 : memref<1x40x144xf32, #tpu.memory_space<vmem>> -> memref<40x144xf32, #tpu.memory_space<vmem>>
        %get3A_1115 = arith.index_cast %scan3A_1039 : i32 to index
        %get3A_1116 = arith.constant 32 : index
        %get3A_1117 = tpu.vector_load %get3A_1114[%get3A_1115, %get3A_1116] {strides = array<i32>} : memref<40x144xf32, #tpu.memory_space<vmem>>, vector<1x16xf32>,
        %get3A_1118 = vector.shape_cast %get3A_1117 : vector<1x16xf32> to vector<16xf32>
        %slice3A_1119 = vector.extract_strided_slice %exp3A {offsets = [2], sizes = [1], strides = [1]} : vector<16xf32> to vector<1xf32>
        %squeeze3A_1120 = vector.extract %slice3A_1119[0] : f32 from vector<1xf32>
        %mul3A_1121 = vector.broadcast %squeeze3A_1120 : f32 to vector<16xf32>
        %mul3A_1122 = arith.mulf %get3A_1118, %mul3A_1121 : vector<16xf32>
        %swap3A_1123 = arith.constant 0 : i32
        %swap3A_1124 = arith.constant 0 : i32
        %swap3A_1125 = tpu.memref_slice %arg10[%scan3A_543, %swap3A_1123, %swap3A_1124] : memref<5x40x144xf32, #tpu.memory_space<vmem>> -> memref<1x40x144xf32, #tpu.memory_space<vmem>>
        %swap3A_1126 = tpu.memref_squeeze %swap3A_1125 : memref<1x40x144xf32, #tpu.memory_space<vmem>> -> memref<40x144xf32, #tpu.memory_space<vmem>>
        %swap3A_1127 = arith.index_cast %scan3A_1039 : i32 to index
        %swap3A_1128 = arith.constant 32 : index
        %swap3A_1129 = tpu.vector_load %swap3A_1126[%swap3A_1127, %swap3A_1128] {strides = array<i32>} : memref<40x144xf32, #tpu.memory_space<vmem>>, vector<1x16xf32>,
        %swap3A_1130 = vector.shape_cast %swap3A_1129 : vector<1x16xf32> to vector<16xf32>
        %swap3A_1131 = vector.shape_cast %mul3A_1122 : vector<16xf32> to vector<1x16xf32>
        tpu.vector_store %swap3A_1126[%swap3A_1127, %swap3A_1128], %swap3A_1131 {strides = array<i32>} : memref<40x144xf32, #tpu.memory_space<vmem>>, vector<1x16xf32>,
        %get3A_1132 = arith.constant 0 : i32
        %get3A_1133 = arith.constant 0 : i32
        %get3A_1134 = tpu.memref_slice %arg10[%scan3A_543, %get3A_1132, %get3A_1133] : memref<5x40x144xf32, #tpu.memory_space<vmem>> -> memref<1x40x144xf32, #tpu.memory_space<vmem>>
        %get3A_1135 = tpu.memref_squeeze %get3A_1134 : memref<1x40x144xf32, #tpu.memory_space<vmem>> -> memref<40x144xf32, #tpu.memory_space<vmem>>
        %get3A_1136 = arith.index_cast %scan3A_1039 : i32 to index
        %get3A_1137 = arith.constant 48 : index
        %get3A_1138 = tpu.vector_load %get3A_1135[%get3A_1136, %get3A_1137] {strides = array<i32>} : memref<40x144xf32, #tpu.memory_space<vmem>>, vector<1x16xf32>,
        %get3A_1139 = vector.shape_cast %get3A_1138 : vector<1x16xf32> to vector<16xf32>
        %slice3A_1140 = vector.extract_strided_slice %exp3A {offsets = [3], sizes = [1], strides = [1]} : vector<16xf32> to vector<1xf32>
        %squeeze3A_1141 = vector.extract %slice3A_1140[0] : f32 from vector<1xf32>
        %mul3A_1142 = vector.broadcast %squeeze3A_1141 : f32 to vector<16xf32>
        %mul3A_1143 = arith.mulf %get3A_1139, %mul3A_1142 : vector<16xf32>
        %swap3A_1144 = arith.constant 0 : i32
        %swap3A_1145 = arith.constant 0 : i32
        %swap3A_1146 = tpu.memref_slice %arg10[%scan3A_543, %swap3A_1144, %swap3A_1145] : memref<5x40x144xf32, #tpu.memory_space<vmem>> -> memref<1x40x144xf32, #tpu.memory_space<vmem>>
        %swap3A_1147 = tpu.memref_squeeze %swap3A_1146 : memref<1x40x144xf32, #tpu.memory_space<vmem>> -> memref<40x144xf32, #tpu.memory_space<vmem>>
        %swap3A_1148 = arith.index_cast %scan3A_1039 : i32 to index
        %swap3A_1149 = arith.constant 48 : index
        %swap3A_1150 = tpu.vector_load %swap3A_1147[%swap3A_1148, %swap3A_1149] {strides = array<i32>} : memref<40x144xf32, #tpu.memory_space<vmem>>, vector<1x16xf32>,
        %swap3A_1151 = vector.shape_cast %swap3A_1150 : vector<1x16xf32> to vector<16xf32>
        %swap3A_1152 = vector.shape_cast %mul3A_1143 : vector<16xf32> to vector<1x16xf32>
        tpu.vector_store %swap3A_1147[%swap3A_1148, %swap3A_1149], %swap3A_1152 {strides = array<i32>} : memref<40x144xf32, #tpu.memory_space<vmem>>, vector<1x16xf32>,
        %get3A_1153 = arith.constant 0 : i32
        %get3A_1154 = arith.constant 0 : i32
        %get3A_1155 = tpu.memref_slice %arg10[%scan3A_543, %get3A_1153, %get3A_1154] : memref<5x40x144xf32, #tpu.memory_space<vmem>> -> memref<1x40x144xf32, #tpu.memory_space<vmem>>
        %get3A_1156 = tpu.memref_squeeze %get3A_1155 : memref<1x40x144xf32, #tpu.memory_space<vmem>> -> memref<40x144xf32, #tpu.memory_space<vmem>>
        %get3A_1157 = arith.index_cast %scan3A_1039 : i32 to index
        %get3A_1158 = arith.constant 64 : index
        %get3A_1159 = tpu.vector_load %get3A_1156[%get3A_1157, %get3A_1158] {strides = array<i32>} : memref<40x144xf32, #tpu.memory_space<vmem>>, vector<1x16xf32>,
        %get3A_1160 = vector.shape_cast %get3A_1159 : vector<1x16xf32> to vector<16xf32>
        %slice3A_1161 = vector.extract_strided_slice %exp3A {offsets = [4], sizes = [1], strides = [1]} : vector<16xf32> to vector<1xf32>
        %squeeze3A_1162 = vector.extract %slice3A_1161[0] : f32 from vector<1xf32>
        %mul3A_1163 = vector.broadcast %squeeze3A_1162 : f32 to vector<16xf32>
        %mul3A_1164 = arith.mulf %get3A_1160, %mul3A_1163 : vector<16xf32>
        %swap3A_1165 = arith.constant 0 : i32
        %swap3A_1166 = arith.constant 0 : i32
        %swap3A_1167 = tpu.memref_slice %arg10[%scan3A_543, %swap3A_1165, %swap3A_1166] : memref<5x40x144xf32, #tpu.memory_space<vmem>> -> memref<1x40x144xf32, #tpu.memory_space<vmem>>
        %swap3A_1168 = tpu.memref_squeeze %swap3A_1167 : memref<1x40x144xf32, #tpu.memory_space<vmem>> -> memref<40x144xf32, #tpu.memory_space<vmem>>
        %swap3A_1169 = arith.index_cast %scan3A_1039 : i32 to index
        %swap3A_1170 = arith.constant 64 : index
        %swap3A_1171 = tpu.vector_load %swap3A_1168[%swap3A_1169, %swap3A_1170] {strides = array<i32>} : memref<40x144xf32, #tpu.memory_space<vmem>>, vector<1x16xf32>,
        %swap3A_1172 = vector.shape_cast %swap3A_1171 : vector<1x16xf32> to vector<16xf32>
        %swap3A_1173 = vector.shape_cast %mul3A_1164 : vector<16xf32> to vector<1x16xf32>
        tpu.vector_store %swap3A_1168[%swap3A_1169, %swap3A_1170], %swap3A_1173 {strides = array<i32>} : memref<40x144xf32, #tpu.memory_space<vmem>>, vector<1x16xf32>,
        %get3A_1174 = arith.constant 0 : i32
        %get3A_1175 = arith.constant 0 : i32
        %get3A_1176 = tpu.memref_slice %arg10[%scan3A_543, %get3A_1174, %get3A_1175] : memref<5x40x144xf32, #tpu.memory_space<vmem>> -> memref<1x40x144xf32, #tpu.memory_space<vmem>>
        %get3A_1177 = tpu.memref_squeeze %get3A_1176 : memref<1x40x144xf32, #tpu.memory_space<vmem>> -> memref<40x144xf32, #tpu.memory_space<vmem>>
        %get3A_1178 = arith.index_cast %scan3A_1039 : i32 to index
        %get3A_1179 = arith.constant 80 : index
        %get3A_1180 = tpu.vector_load %get3A_1177[%get3A_1178, %get3A_1179] {strides = array<i32>} : memref<40x144xf32, #tpu.memory_space<vmem>>, vector<1x16xf32>,
        %get3A_1181 = vector.shape_cast %get3A_1180 : vector<1x16xf32> to vector<16xf32>
        %slice3A_1182 = vector.extract_strided_slice %exp3A {offsets = [5], sizes = [1], strides = [1]} : vector<16xf32> to vector<1xf32>
        %squeeze3A_1183 = vector.extract %slice3A_1182[0] : f32 from vector<1xf32>
        %mul3A_1184 = vector.broadcast %squeeze3A_1183 : f32 to vector<16xf32>
        %mul3A_1185 = arith.mulf %get3A_1181, %mul3A_1184 : vector<16xf32>
        %swap3A_1186 = arith.constant 0 : i32
        %swap3A_1187 = arith.constant 0 : i32
        %swap3A_1188 = tpu.memref_slice %arg10[%scan3A_543, %swap3A_1186, %swap3A_1187] : memref<5x40x144xf32, #tpu.memory_space<vmem>> -> memref<1x40x144xf32, #tpu.memory_space<vmem>>
        %swap3A_1189 = tpu.memref_squeeze %swap3A_1188 : memref<1x40x144xf32, #tpu.memory_space<vmem>> -> memref<40x144xf32, #tpu.memory_space<vmem>>
        %swap3A_1190 = arith.index_cast %scan3A_1039 : i32 to index
        %swap3A_1191 = arith.constant 80 : index
        %swap3A_1192 = tpu.vector_load %swap3A_1189[%swap3A_1190, %swap3A_1191] {strides = array<i32>} : memref<40x144xf32, #tpu.memory_space<vmem>>, vector<1x16xf32>,
        %swap3A_1193 = vector.shape_cast %swap3A_1192 : vector<1x16xf32> to vector<16xf32>
        %swap3A_1194 = vector.shape_cast %mul3A_1185 : vector<16xf32> to vector<1x16xf32>
        tpu.vector_store %swap3A_1189[%swap3A_1190, %swap3A_1191], %swap3A_1194 {strides = array<i32>} : memref<40x144xf32, #tpu.memory_space<vmem>>, vector<1x16xf32>,
        %get3A_1195 = arith.constant 0 : i32
        %get3A_1196 = arith.constant 0 : i32
        %get3A_1197 = tpu.memref_slice %arg10[%scan3A_543, %get3A_1195, %get3A_1196] : memref<5x40x144xf32, #tpu.memory_space<vmem>> -> memref<1x40x144xf32, #tpu.memory_space<vmem>>
        %get3A_1198 = tpu.memref_squeeze %get3A_1197 : memref<1x40x144xf32, #tpu.memory_space<vmem>> -> memref<40x144xf32, #tpu.memory_space<vmem>>
        %get3A_1199 = arith.index_cast %scan3A_1039 : i32 to index
        %get3A_1200 = arith.constant 96 : index
        %get3A_1201 = tpu.vector_load %get3A_1198[%get3A_1199, %get3A_1200] {strides = array<i32>} : memref<40x144xf32, #tpu.memory_space<vmem>>, vector<1x16xf32>,
        %get3A_1202 = vector.shape_cast %get3A_1201 : vector<1x16xf32> to vector<16xf32>
        %slice3A_1203 = vector.extract_strided_slice %exp3A {offsets = [6], sizes = [1], strides = [1]} : vector<16xf32> to vector<1xf32>
        %squeeze3A_1204 = vector.extract %slice3A_1203[0] : f32 from vector<1xf32>
        %mul3A_1205 = vector.broadcast %squeeze3A_1204 : f32 to vector<16xf32>
        %mul3A_1206 = arith.mulf %get3A_1202, %mul3A_1205 : vector<16xf32>
        %swap3A_1207 = arith.constant 0 : i32
        %swap3A_1208 = arith.constant 0 : i32
        %swap3A_1209 = tpu.memref_slice %arg10[%scan3A_543, %swap3A_1207, %swap3A_1208] : memref<5x40x144xf32, #tpu.memory_space<vmem>> -> memref<1x40x144xf32, #tpu.memory_space<vmem>>
        %swap3A_1210 = tpu.memref_squeeze %swap3A_1209 : memref<1x40x144xf32, #tpu.memory_space<vmem>> -> memref<40x144xf32, #tpu.memory_space<vmem>>
        %swap3A_1211 = arith.index_cast %scan3A_1039 : i32 to index
        %swap3A_1212 = arith.constant 96 : index
        %swap3A_1213 = tpu.vector_load %swap3A_1210[%swap3A_1211, %swap3A_1212] {strides = array<i32>} : memref<40x144xf32, #tpu.memory_space<vmem>>, vector<1x16xf32>,
        %swap3A_1214 = vector.shape_cast %swap3A_1213 : vector<1x16xf32> to vector<16xf32>
        %swap3A_1215 = vector.shape_cast %mul3A_1206 : vector<16xf32> to vector<1x16xf32>
        tpu.vector_store %swap3A_1210[%swap3A_1211, %swap3A_1212], %swap3A_1215 {strides = array<i32>} : memref<40x144xf32, #tpu.memory_space<vmem>>, vector<1x16xf32>,
        %get3A_1216 = arith.constant 0 : i32
        %get3A_1217 = arith.constant 0 : i32
        %get3A_1218 = tpu.memref_slice %arg10[%scan3A_543, %get3A_1216, %get3A_1217] : memref<5x40x144xf32, #tpu.memory_space<vmem>> -> memref<1x40x144xf32, #tpu.memory_space<vmem>>
        %get3A_1219 = tpu.memref_squeeze %get3A_1218 : memref<1x40x144xf32, #tpu.memory_space<vmem>> -> memref<40x144xf32, #tpu.memory_space<vmem>>
        %get3A_1220 = arith.index_cast %scan3A_1039 : i32 to index
        %get3A_1221 = arith.constant 112 : index
        %get3A_1222 = tpu.vector_load %get3A_1219[%get3A_1220, %get3A_1221] {strides = array<i32>} : memref<40x144xf32, #tpu.memory_space<vmem>>, vector<1x16xf32>,
        %get3A_1223 = vector.shape_cast %get3A_1222 : vector<1x16xf32> to vector<16xf32>
        %slice3A_1224 = vector.extract_strided_slice %exp3A {offsets = [7], sizes = [1], strides = [1]} : vector<16xf32> to vector<1xf32>
        %squeeze3A_1225 = vector.extract %slice3A_1224[0] : f32 from vector<1xf32>
        %mul3A_1226 = vector.broadcast %squeeze3A_1225 : f32 to vector<16xf32>
        %mul3A_1227 = arith.mulf %get3A_1223, %mul3A_1226 : vector<16xf32>
        %swap3A_1228 = arith.constant 0 : i32
        %swap3A_1229 = arith.constant 0 : i32
        %swap3A_1230 = tpu.memref_slice %arg10[%scan3A_543, %swap3A_1228, %swap3A_1229] : memref<5x40x144xf32, #tpu.memory_space<vmem>> -> memref<1x40x144xf32, #tpu.memory_space<vmem>>
        %swap3A_1231 = tpu.memref_squeeze %swap3A_1230 : memref<1x40x144xf32, #tpu.memory_space<vmem>> -> memref<40x144xf32, #tpu.memory_space<vmem>>
        %swap3A_1232 = arith.index_cast %scan3A_1039 : i32 to index
        %swap3A_1233 = arith.constant 112 : index
        %swap3A_1234 = tpu.vector_load %swap3A_1231[%swap3A_1232, %swap3A_1233] {strides = array<i32>} : memref<40x144xf32, #tpu.memory_space<vmem>>, vector<1x16xf32>,
        %swap3A_1235 = vector.shape_cast %swap3A_1234 : vector<1x16xf32> to vector<16xf32>
        %swap3A_1236 = vector.shape_cast %mul3A_1227 : vector<16xf32> to vector<1x16xf32>
        tpu.vector_store %swap3A_1231[%swap3A_1232, %swap3A_1233], %swap3A_1236 {strides = array<i32>} : memref<40x144xf32, #tpu.memory_space<vmem>>, vector<1x16xf32>,
        %scan3A_1237 = arith.constant 0 : i32
        scf.yield %scan3A_1237 : i32
      }
      %scan3A_551 = arith.constant 40 : i32
      %dma_start3A_552 = arith.constant 0 : i32
      %dma_start3A_553 = arith.constant 0 : i32
      %dma_start3A_554 = arith.constant 0 : i32
      %dma_start3A_555 = arith.constant 0 : i32
      %dma_start3A_556 = arith.constant 0 : i32
      %dma_start3A_557 = tpu.memref_slice %arg10[%dma_start3A_552, %dma_start3A_555, %dma_start3A_556] : memref<5x40x144xf32, #tpu.memory_space<vmem>> -> memref<1x40x144xf32, #tpu.memory_space<vmem>>
      %dma_start3A_558 = tpu.memref_squeeze %dma_start3A_557 : memref<1x40x144xf32, #tpu.memory_space<vmem>> -> memref<40x144xf32, #tpu.memory_space<vmem>>
      %dma_start3A_559 = arith.constant 0 : i32
      %dma_start3A_560 = tpu.memref_slice %arg9[%dma_start3A_553, %dma_start3A_559] : memref<5x40xi32, #tpu.memory_space<vmem>> -> memref<1x40xi32, #tpu.memory_space<vmem>>
      %dma_start3A_561 = tpu.memref_squeeze %dma_start3A_560 : memref<1x40xi32, #tpu.memory_space<vmem>> -> memref<40xi32, #tpu.memory_space<vmem>>
      %dma_start3A_562 = arith.constant 0 : i32
      %dma_start3A_563 = arith.constant 0 : i32
      %dma_start3A_564 = tpu.memref_slice %arg7[%dma_start3A_562, %dma_start3A_563] : memref<10240x144xf32, #tpu.memory_space<vmem_shared>> -> memref<10240x144xf32, #tpu.memory_space<vmem_shared>>
      %dma_start3A_565 = tpu.memref_slice %arg14[%dma_start3A_554] : memref<5x!tpu.dma_semaphore, #tpu.memory_space<semaphore_mem>> -> memref<1x!tpu.dma_semaphore, #tpu.memory_space<semaphore_mem>>
      %dma_start3A_566 = tpu.memref_squeeze %dma_start3A_565 : memref<1x!tpu.dma_semaphore, #tpu.memory_space<semaphore_mem>> -> memref<!tpu.dma_semaphore, #tpu.memory_space<semaphore_mem>>
      tpu.enqueue_indirect_dma source(%dma_start3A_558 : memref<40x144xf32, #tpu.memory_space<vmem>>) target(%dma_start3A_564 : memref<10240x144xf32, #tpu.memory_space<vmem_shared>>) offsets(%dma_start3A_561 : memref<40xi32, #tpu.memory_space<vmem>>) semaphore(%dma_start3A_566 : memref<!tpu.dma_semaphore, #tpu.memory_space<semaphore_mem>>) {add = true}
      %add3A_567 = arith.constant 5 : i32
      %add3A_568 = arith.addi %add3A_512, %add3A_567 : i32
      %sub3A = arith.constant 1 : i32
      %sub3A_569 = arith.subi %add3A_568, %sub3A : i32
      %gt3A = arith.constant 0 : i32
      %gt3A_570 = arith.cmpi sgt, %scan3A_507, %gt3A : i32
      %convert_element_type3A = arith.extui %gt3A_570 : i1 to i32
      %cond3A = arith.constant 0 : i32
      %cond3A_571 = arith.cmpi ne, %convert_element_type3A, %cond3A : i32
      scf.if %cond3A_571 {
        %dma_wait3A_1039 = arith.constant 4 : i32
        %dma_wait3A_1040 = arith.constant 0 : i32
        %dma_wait3A_1041 = arith.constant 4 : i32
        %dma_wait3A_1042 = arith.constant 0 : i32
        %dma_wait3A_1043 = arith.constant 0 : i32
        %dma_wait3A_1044 = tpu.memref_slice %arg10[%dma_wait3A_1039, %dma_wait3A_1042, %dma_wait3A_1043] : memref<5x40x144xf32, #tpu.memory_space<vmem>> -> memref<1x40x144xf32, #tpu.memory_space<vmem>>
        %dma_wait3A_1045 = tpu.memref_squeeze %dma_wait3A_1044 : memref<1x40x144xf32, #tpu.memory_space<vmem>> -> memref<40x144xf32, #tpu.memory_space<vmem>>
        %dma_wait3A_1046 = arith.constant 0 : i32
        %dma_wait3A_1047 = tpu.memref_slice %arg9[%dma_wait3A_1040, %dma_wait3A_1046] : memref<5x40xi32, #tpu.memory_space<vmem>> -> memref<1x40xi32, #tpu.memory_space<vmem>>
        %dma_wait3A_1048 = tpu.memref_squeeze %dma_wait3A_1047 : memref<1x40xi32, #tpu.memory_space<vmem>> -> memref<40xi32, #tpu.memory_space<vmem>>
        %dma_wait3A_1049 = arith.constant 0 : i32
        %dma_wait3A_1050 = arith.constant 0 : i32
        %dma_wait3A_1051 = tpu.memref_slice %arg7[%dma_wait3A_1049, %dma_wait3A_1050] : memref<10240x144xf32, #tpu.memory_space<vmem_shared>> -> memref<10240x144xf32, #tpu.memory_space<vmem_shared>>
        %dma_wait3A_1052 = tpu.memref_slice %arg14[%dma_wait3A_1041] : memref<5x!tpu.dma_semaphore, #tpu.memory_space<semaphore_mem>> -> memref<1x!tpu.dma_semaphore, #tpu.memory_space<semaphore_mem>>
        %dma_wait3A_1053 = tpu.memref_squeeze %dma_wait3A_1052 : memref<1x!tpu.dma_semaphore, #tpu.memory_space<semaphore_mem>> -> memref<!tpu.dma_semaphore, #tpu.memory_space<semaphore_mem>>
        tpu.wait_indirect_dma semaphore(%dma_wait3A_1053 : memref<!tpu.dma_semaphore, #tpu.memory_space<semaphore_mem>>) src(%dma_wait3A_1045 : memref<40x144xf32, #tpu.memory_space<vmem>>) dst(%dma_wait3A_1051 : memref<10240x144xf32, #tpu.memory_space<vmem_shared>>)
      } else {
      }
      %dma_start3A_572 = arith.constant 4 : i32
      %dma_start3A_573 = arith.constant 4 : i32
      %dma_start3A_574 = arith.constant 0 : i32
      %dma_start3A_575 = tpu.memref_slice %arg8[%dma_start3A_572, %dma_start3A_574] : memref<5x40xi32, #tpu.memory_space<vmem>> -> memref<1x40xi32, #tpu.memory_space<vmem>>
      %dma_start3A_576 = tpu.memref_squeeze %dma_start3A_575 : memref<1x40xi32, #tpu.memory_space<vmem>> -> memref<40xi32, #tpu.memory_space<vmem>>
      %dma_start3A_577 = arith.constant 0 : i32
      %dma_start3A_578 = tpu.memref_slice %arg4[%add3A, %sub3A_569, %dma_start3A_577] : memref<32x250x40xi32, #tpu.memory_space<hbm>> -> memref<1x1x40xi32, #tpu.memory_space<hbm>>
      %dma_start3A_579 = tpu.memref_squeeze %dma_start3A_578 : memref<1x1x40xi32, #tpu.memory_space<hbm>> -> memref<40xi32, #tpu.memory_space<hbm>>
      %dma_start3A_580 = tpu.memref_slice %arg15[%dma_start3A_573] : memref<5x!tpu.dma_semaphore, #tpu.memory_space<semaphore_mem>> -> memref<1x!tpu.dma_semaphore, #tpu.memory_space<semaphore_mem>>
      %dma_start3A_581 = tpu.memref_squeeze %dma_start3A_580 : memref<1x!tpu.dma_semaphore, #tpu.memory_space<semaphore_mem>> -> memref<!tpu.dma_semaphore, #tpu.memory_space<semaphore_mem>>
      %dma_start3A_582 = arith.constant 0 : i32
      %dma_start3A_583 = tpu.memref_slice %arg8[%dma_start3A_572, %dma_start3A_582] : memref<5x40xi32, #tpu.memory_space<vmem>> -> memref<1x40xi32, #tpu.memory_space<vmem>>
      %dma_start3A_584 = tpu.memref_squeeze %dma_start3A_583 : memref<1x40xi32, #tpu.memory_space<vmem>> -> memref<40xi32, #tpu.memory_space<vmem>>
      %dma_start3A_585 = arith.constant 0 : i32
      %dma_start3A_586 = tpu.memref_slice %arg4[%add3A, %sub3A_569, %dma_start3A_585] : memref<32x250x40xi32, #tpu.memory_space<hbm>> -> memref<1x1x40xi32, #tpu.memory_space<hbm>>
      %dma_start3A_587 = tpu.memref_squeeze %dma_start3A_586 : memref<1x1x40xi32, #tpu.memory_space<hbm>> -> memref<40xi32, #tpu.memory_space<hbm>>
      tpu.enqueue_dma source(%dma_start3A_587 : memref<40xi32, #tpu.memory_space<hbm>>) target(%dma_start3A_584 : memref<40xi32, #tpu.memory_space<vmem>>) target_semaphore(%dma_start3A_581 : memref<!tpu.dma_semaphore, #tpu.memory_space<semaphore_mem>>)
      %dma_start3A_588 = arith.constant 4 : i32
      %dma_start3A_589 = arith.constant 4 : i32
      %dma_start3A_590 = arith.constant 0 : i32
      %dma_start3A_591 = tpu.memref_slice %arg9[%dma_start3A_588, %dma_start3A_590] : memref<5x40xi32, #tpu.memory_space<vmem>> -> memref<1x40xi32, #tpu.memory_space<vmem>>
      %dma_start3A_592 = tpu.memref_squeeze %dma_start3A_591 : memref<1x40xi32, #tpu.memory_space<vmem>> -> memref<40xi32, #tpu.memory_space<vmem>>
      %dma_start3A_593 = arith.constant 0 : i32
      %dma_start3A_594 = tpu.memref_slice %arg5[%add3A, %sub3A_569, %dma_start3A_593] : memref<32x250x40xi32, #tpu.memory_space<hbm>> -> memref<1x1x40xi32, #tpu.memory_space<hbm>>
      %dma_start3A_595 = tpu.memref_squeeze %dma_start3A_594 : memref<1x1x40xi32, #tpu.memory_space<hbm>> -> memref<40xi32, #tpu.memory_space<hbm>>
      %dma_start3A_596 = tpu.memref_slice %arg15[%dma_start3A_589] : memref<5x!tpu.dma_semaphore, #tpu.memory_space<semaphore_mem>> -> memref<1x!tpu.dma_semaphore, #tpu.memory_space<semaphore_mem>>
      %dma_start3A_597 = tpu.memref_squeeze %dma_start3A_596 : memref<1x!tpu.dma_semaphore, #tpu.memory_space<semaphore_mem>> -> memref<!tpu.dma_semaphore, #tpu.memory_space<semaphore_mem>>
      %dma_start3A_598 = arith.constant 0 : i32
      %dma_start3A_599 = tpu.memref_slice %arg9[%dma_start3A_588, %dma_start3A_598] : memref<5x40xi32, #tpu.memory_space<vmem>> -> memref<1x40xi32, #tpu.memory_space<vmem>>
      %dma_start3A_600 = tpu.memref_squeeze %dma_start3A_599 : memref<1x40xi32, #tpu.memory_space<vmem>> -> memref<40xi32, #tpu.memory_space<vmem>>
      %dma_start3A_601 = arith.constant 0 : i32
      %dma_start3A_602 = tpu.memref_slice %arg5[%add3A, %sub3A_569, %dma_start3A_601] : memref<32x250x40xi32, #tpu.memory_space<hbm>> -> memref<1x1x40xi32, #tpu.memory_space<hbm>>
      %dma_start3A_603 = tpu.memref_squeeze %dma_start3A_602 : memref<1x1x40xi32, #tpu.memory_space<hbm>> -> memref<40xi32, #tpu.memory_space<hbm>>
      tpu.enqueue_dma source(%dma_start3A_603 : memref<40xi32, #tpu.memory_space<hbm>>) target(%dma_start3A_600 : memref<40xi32, #tpu.memory_space<vmem>>) target_semaphore(%dma_start3A_597 : memref<!tpu.dma_semaphore, #tpu.memory_space<semaphore_mem>>)
      %add3A_604 = arith.constant 5 : i32
      %add3A_605 = arith.addi %add3A_512, %add3A_604 : i32
      %sub3A_606 = arith.constant 2 : i32
      %sub3A_607 = arith.subi %add3A_605, %sub3A_606 : i32
      %dma_wait3A_608 = arith.constant 0 : i32
      %dma_wait3A_609 = arith.constant 0 : i32
      %dma_wait3A_610 = arith.constant 3 : i32
      %dma_wait3A_611 = arith.constant 3 : i32
      %dma_wait3A_612 = arith.constant 0 : i32
      %dma_wait3A_613 = tpu.memref_slice %arg8[%dma_wait3A_610, %dma_wait3A_612] : memref<5x40xi32, #tpu.memory_space<vmem>> -> memref<1x40xi32, #tpu.memory_space<vmem>>
      %dma_wait3A_614 = tpu.memref_squeeze %dma_wait3A_613 : memref<1x40xi32, #tpu.memory_space<vmem>> -> memref<40xi32, #tpu.memory_space<vmem>>
      %dma_wait3A_615 = arith.constant 0 : i32
      %dma_wait3A_616 = tpu.memref_slice %arg4[%dma_wait3A_608, %dma_wait3A_609, %dma_wait3A_615] : memref<32x250x40xi32, #tpu.memory_space<hbm>> -> memref<1x1x40xi32, #tpu.memory_space<hbm>>
      %dma_wait3A_617 = tpu.memref_squeeze %dma_wait3A_616 : memref<1x1x40xi32, #tpu.memory_space<hbm>> -> memref<40xi32, #tpu.memory_space<hbm>>
      %dma_wait3A_618 = tpu.memref_slice %arg15[%dma_wait3A_611] : memref<5x!tpu.dma_semaphore, #tpu.memory_space<semaphore_mem>> -> memref<1x!tpu.dma_semaphore, #tpu.memory_space<semaphore_mem>>
      %dma_wait3A_619 = tpu.memref_squeeze %dma_wait3A_618 : memref<1x!tpu.dma_semaphore, #tpu.memory_space<semaphore_mem>> -> memref<!tpu.dma_semaphore, #tpu.memory_space<semaphore_mem>>
      %dma_wait3A_620 = arith.constant 0 : i32
      %dma_wait3A_621 = tpu.memref_slice %arg8[%dma_wait3A_610, %dma_wait3A_620] : memref<5x40xi32, #tpu.memory_space<vmem>> -> memref<1x40xi32, #tpu.memory_space<vmem>>
      %dma_wait3A_622 = tpu.memref_squeeze %dma_wait3A_621 : memref<1x40xi32, #tpu.memory_space<vmem>> -> memref<40xi32, #tpu.memory_space<vmem>>
      %dma_wait3A_623 = arith.constant 0 : i32
      %dma_wait3A_624 = tpu.memref_slice %arg4[%dma_wait3A_608, %dma_wait3A_609, %dma_wait3A_623] : memref<32x250x40xi32, #tpu.memory_space<hbm>> -> memref<1x1x40xi32, #tpu.memory_space<hbm>>
      %dma_wait3A_625 = tpu.memref_squeeze %dma_wait3A_624 : memref<1x1x40xi32, #tpu.memory_space<hbm>> -> memref<40xi32, #tpu.memory_space<hbm>>
      tpu.wait_dma2 semaphore(%dma_wait3A_619 : memref<!tpu.dma_semaphore, #tpu.memory_space<semaphore_mem>>) src(%dma_wait3A_625 : memref<40xi32, #tpu.memory_space<hbm>>) dst(%dma_wait3A_622 : memref<40xi32, #tpu.memory_space<vmem>>)
      %dma_wait3A_626 = arith.constant 0 : i32
      %dma_wait3A_627 = arith.constant 0 : i32
      %dma_wait3A_628 = arith.constant 3 : i32
      %dma_wait3A_629 = arith.constant 3 : i32
      %dma_wait3A_630 = arith.constant 0 : i32
      %dma_wait3A_631 = tpu.memref_slice %arg9[%dma_wait3A_628, %dma_wait3A_630] : memref<5x40xi32, #tpu.memory_space<vmem>> -> memref<1x40xi32, #tpu.memory_space<vmem>>
      %dma_wait3A_632 = tpu.memref_squeeze %dma_wait3A_631 : memref<1x40xi32, #tpu.memory_space<vmem>> -> memref<40xi32, #tpu.memory_space<vmem>>
      %dma_wait3A_633 = arith.constant 0 : i32
      %dma_wait3A_634 = tpu.memref_slice %arg5[%dma_wait3A_626, %dma_wait3A_627, %dma_wait3A_633] : memref<32x250x40xi32, #tpu.memory_space<hbm>> -> memref<1x1x40xi32, #tpu.memory_space<hbm>>
      %dma_wait3A_635 = tpu.memref_squeeze %dma_wait3A_634 : memref<1x1x40xi32, #tpu.memory_space<hbm>> -> memref<40xi32, #tpu.memory_space<hbm>>
      %dma_wait3A_636 = tpu.memref_slice %arg15[%dma_wait3A_629] : memref<5x!tpu.dma_semaphore, #tpu.memory_space<semaphore_mem>> -> memref<1x!tpu.dma_semaphore, #tpu.memory_space<semaphore_mem>>
      %dma_wait3A_637 = tpu.memref_squeeze %dma_wait3A_636 : memref<1x!tpu.dma_semaphore, #tpu.memory_space<semaphore_mem>> -> memref<!tpu.dma_semaphore, #tpu.memory_space<semaphore_mem>>
      %dma_wait3A_638 = arith.constant 0 : i32
      %dma_wait3A_639 = tpu.memref_slice %arg9[%dma_wait3A_628, %dma_wait3A_638] : memref<5x40xi32, #tpu.memory_space<vmem>> -> memref<1x40xi32, #tpu.memory_space<vmem>>
      %dma_wait3A_640 = tpu.memref_squeeze %dma_wait3A_639 : memref<1x40xi32, #tpu.memory_space<vmem>> -> memref<40xi32, #tpu.memory_space<vmem>>
      %dma_wait3A_641 = arith.constant 0 : i32
      %dma_wait3A_642 = tpu.memref_slice %arg5[%dma_wait3A_626, %dma_wait3A_627, %dma_wait3A_641] : memref<32x250x40xi32, #tpu.memory_space<hbm>> -> memref<1x1x40xi32, #tpu.memory_space<hbm>>
      %dma_wait3A_643 = tpu.memref_squeeze %dma_wait3A_642 : memref<1x1x40xi32, #tpu.memory_space<hbm>> -> memref<40xi32, #tpu.memory_space<hbm>>
      tpu.wait_dma2 semaphore(%dma_wait3A_637 : memref<!tpu.dma_semaphore, #tpu.memory_space<semaphore_mem>>) src(%dma_wait3A_643 : memref<40xi32, #tpu.memory_space<hbm>>) dst(%dma_wait3A_640 : memref<40xi32, #tpu.memory_space<vmem>>)
      %dma_start3A_644 = arith.constant 3 : i32
      %dma_start3A_645 = arith.constant 3 : i32
      %dma_start3A_646 = arith.constant 3 : i32
      %dma_start3A_647 = arith.constant 0 : i32
      %dma_start3A_648 = arith.constant 0 : i32
      %dma_start3A_649 = tpu.memref_slice %arg10[%dma_start3A_645, %dma_start3A_647, %dma_start3A_648] : memref<5x40x144xf32, #tpu.memory_space<vmem>> -> memref<1x40x144xf32, #tpu.memory_space<vmem>>
      %dma_start3A_650 = tpu.memref_squeeze %dma_start3A_649 : memref<1x40x144xf32, #tpu.memory_space<vmem>> -> memref<40x144xf32, #tpu.memory_space<vmem>>
      %dma_start3A_651 = arith.constant 0 : i32
      %dma_start3A_652 = tpu.memref_slice %arg8[%dma_start3A_644, %dma_start3A_651] : memref<5x40xi32, #tpu.memory_space<vmem>> -> memref<1x40xi32, #tpu.memory_space<vmem>>
      %dma_start3A_653 = tpu.memref_squeeze %dma_start3A_652 : memref<1x40xi32, #tpu.memory_space<vmem>> -> memref<40xi32, #tpu.memory_space<vmem>>
      %dma_start3A_654 = arith.constant 0 : i32
      %dma_start3A_655 = arith.constant 0 : i32
      %dma_start3A_656 = tpu.memref_slice %arg2[%dma_start3A_654, %dma_start3A_655] : memref<10240x144xf32, #tpu.memory_space<hbm>> -> memref<10240x144xf32, #tpu.memory_space<hbm>>
      %dma_start3A_657 = tpu.memref_slice %arg12[%dma_start3A_646] : memref<5x!tpu.dma_semaphore, #tpu.memory_space<semaphore_mem>> -> memref<1x!tpu.dma_semaphore, #tpu.memory_space<semaphore_mem>>
      %dma_start3A_658 = tpu.memref_squeeze %dma_start3A_657 : memref<1x!tpu.dma_semaphore, #tpu.memory_space<semaphore_mem>> -> memref<!tpu.dma_semaphore, #tpu.memory_space<semaphore_mem>>
      tpu.enqueue_indirect_dma source(%dma_start3A_656 : memref<10240x144xf32, #tpu.memory_space<hbm>>) target(%dma_start3A_650 : memref<40x144xf32, #tpu.memory_space<vmem>>) offsets(%dma_start3A_653 : memref<40xi32, #tpu.memory_space<vmem>>) semaphore(%dma_start3A_658 : memref<!tpu.dma_semaphore, #tpu.memory_space<semaphore_mem>>)
      %dma_start3A_659 = arith.constant 3 : i32
      %dma_start3A_660 = arith.constant 3 : i32
      %dma_start3A_661 = arith.constant 3 : i32
      %dma_start3A_662 = arith.constant 0 : i32
      %dma_start3A_663 = arith.constant 0 : i32
      %dma_start3A_664 = tpu.memref_slice %arg11[%dma_start3A_660, %dma_start3A_662, %dma_start3A_663] : memref<5x40x16xf32, #tpu.memory_space<vmem>> -> memref<1x40x16xf32, #tpu.memory_space<vmem>>
      %dma_start3A_665 = tpu.memref_squeeze %dma_start3A_664 : memref<1x40x16xf32, #tpu.memory_space<vmem>> -> memref<40x16xf32, #tpu.memory_space<vmem>>
      %dma_start3A_666 = arith.constant 0 : i32
      %dma_start3A_667 = tpu.memref_slice %arg9[%dma_start3A_659, %dma_start3A_666] : memref<5x40xi32, #tpu.memory_space<vmem>> -> memref<1x40xi32, #tpu.memory_space<vmem>>
      %dma_start3A_668 = tpu.memref_squeeze %dma_start3A_667 : memref<1x40xi32, #tpu.memory_space<vmem>> -> memref<40xi32, #tpu.memory_space<vmem>>
      %dma_start3A_669 = arith.constant 0 : i32
      %dma_start3A_670 = arith.constant 0 : i32
      %dma_start3A_671 = tpu.memref_slice %arg3[%dma_start3A_669, %dma_start3A_670] : memref<10240x16xf32, #tpu.memory_space<hbm>> -> memref<10240x16xf32, #tpu.memory_space<hbm>>
      %dma_start3A_672 = tpu.memref_slice %arg13[%dma_start3A_661] : memref<5x!tpu.dma_semaphore, #tpu.memory_space<semaphore_mem>> -> memref<1x!tpu.dma_semaphore, #tpu.memory_space<semaphore_mem>>
      %dma_start3A_673 = tpu.memref_squeeze %dma_start3A_672 : memref<1x!tpu.dma_semaphore, #tpu.memory_space<semaphore_mem>> -> memref<!tpu.dma_semaphore, #tpu.memory_space<semaphore_mem>>
      tpu.enqueue_indirect_dma source(%dma_start3A_671 : memref<10240x16xf32, #tpu.memory_space<hbm>>) target(%dma_start3A_665 : memref<40x16xf32, #tpu.memory_space<vmem>>) offsets(%dma_start3A_668 : memref<40xi32, #tpu.memory_space<vmem>>) semaphore(%dma_start3A_673 : memref<!tpu.dma_semaphore, #tpu.memory_space<semaphore_mem>>)
      %mul3A_674 = arith.constant 5 : i32
      %mul3A_675 = arith.muli %scan3A_507, %mul3A_674 : i32
      %add3A_676 = arith.constant 1 : i32
      %add3A_677 = arith.addi %mul3A_675, %add3A_676 : i32
      %dma_wait3A_678 = arith.constant 1 : i32
      %dma_wait3A_679 = arith.constant 1 : i32
      %dma_wait3A_680 = arith.constant 1 : i32
      %dma_wait3A_681 = arith.constant 0 : i32
      %dma_wait3A_682 = arith.constant 0 : i32
      %dma_wait3A_683 = tpu.memref_slice %arg10[%dma_wait3A_679, %dma_wait3A_681, %dma_wait3A_682] : memref<5x40x144xf32, #tpu.memory_space<vmem>> -> memref<1x40x144xf32, #tpu.memory_space<vmem>>
      %dma_wait3A_684 = tpu.memref_squeeze %dma_wait3A_683 : memref<1x40x144xf32, #tpu.memory_space<vmem>> -> memref<40x144xf32, #tpu.memory_space<vmem>>
      %dma_wait3A_685 = arith.constant 0 : i32
      %dma_wait3A_686 = tpu.memref_slice %arg8[%dma_wait3A_678, %dma_wait3A_685] : memref<5x40xi32, #tpu.memory_space<vmem>> -> memref<1x40xi32, #tpu.memory_space<vmem>>
      %dma_wait3A_687 = tpu.memref_squeeze %dma_wait3A_686 : memref<1x40xi32, #tpu.memory_space<vmem>> -> memref<40xi32, #tpu.memory_space<vmem>>
      %dma_wait3A_688 = arith.constant 0 : i32
      %dma_wait3A_689 = arith.constant 0 : i32
      %dma_wait3A_690 = tpu.memref_slice %arg2[%dma_wait3A_688, %dma_wait3A_689] : memref<10240x144xf32, #tpu.memory_space<hbm>> -> memref<10240x144xf32, #tpu.memory_space<hbm>>
      %dma_wait3A_691 = tpu.memref_slice %arg12[%dma_wait3A_680] : memref<5x!tpu.dma_semaphore, #tpu.memory_space<semaphore_mem>> -> memref<1x!tpu.dma_semaphore, #tpu.memory_space<semaphore_mem>>
      %dma_wait3A_692 = tpu.memref_squeeze %dma_wait3A_691 : memref<1x!tpu.dma_semaphore, #tpu.memory_space<semaphore_mem>> -> memref<!tpu.dma_semaphore, #tpu.memory_space<semaphore_mem>>
      tpu.wait_indirect_dma semaphore(%dma_wait3A_692 : memref<!tpu.dma_semaphore, #tpu.memory_space<semaphore_mem>>) src(%dma_wait3A_690 : memref<10240x144xf32, #tpu.memory_space<hbm>>) dst(%dma_wait3A_684 : memref<40x144xf32, #tpu.memory_space<vmem>>)
      %dma_wait3A_693 = arith.constant 1 : i32
      %dma_wait3A_694 = arith.constant 1 : i32
      %dma_wait3A_695 = arith.constant 1 : i32
      %dma_wait3A_696 = arith.constant 0 : i32
      %dma_wait3A_697 = arith.constant 0 : i32
      %dma_wait3A_698 = tpu.memref_slice %arg11[%dma_wait3A_694, %dma_wait3A_696, %dma_wait3A_697] : memref<5x40x16xf32, #tpu.memory_space<vmem>> -> memref<1x40x16xf32, #tpu.memory_space<vmem>>
      %dma_wait3A_699 = tpu.memref_squeeze %dma_wait3A_698 : memref<1x40x16xf32, #tpu.memory_space<vmem>> -> memref<40x16xf32, #tpu.memory_space<vmem>>
      %dma_wait3A_700 = arith.constant 0 : i32
      %dma_wait3A_701 = tpu.memref_slice %arg9[%dma_wait3A_693, %dma_wait3A_700] : memref<5x40xi32, #tpu.memory_space<vmem>> -> memref<1x40xi32, #tpu.memory_space<vmem>>
      %dma_wait3A_702 = tpu.memref_squeeze %dma_wait3A_701 : memref<1x40xi32, #tpu.memory_space<vmem>> -> memref<40xi32, #tpu.memory_space<vmem>>
      %dma_wait3A_703 = arith.constant 0 : i32
      %dma_wait3A_704 = arith.constant 0 : i32
      %dma_wait3A_705 = tpu.memref_slice %arg3[%dma_wait3A_703, %dma_wait3A_704] : memref<10240x16xf32, #tpu.memory_space<hbm>> -> memref<10240x16xf32, #tpu.memory_space<hbm>>
      %dma_wait3A_706 = tpu.memref_slice %arg13[%dma_wait3A_695] : memref<5x!tpu.dma_semaphore, #tpu.memory_space<semaphore_mem>> -> memref<1x!tpu.dma_semaphore, #tpu.memory_space<semaphore_mem>>
      %dma_wait3A_707 = tpu.memref_squeeze %dma_wait3A_706 : memref<1x!tpu.dma_semaphore, #tpu.memory_space<semaphore_mem>> -> memref<!tpu.dma_semaphore, #tpu.memory_space<semaphore_mem>>
      tpu.wait_indirect_dma semaphore(%dma_wait3A_707 : memref<!tpu.dma_semaphore, #tpu.memory_space<semaphore_mem>>) src(%dma_wait3A_705 : memref<10240x16xf32, #tpu.memory_space<hbm>>) dst(%dma_wait3A_699 : memref<40x16xf32, #tpu.memory_space<vmem>>)
      %scan3A_708 = arith.constant 1 : i32
      %scan3A_709 = arith.constant 1 : i32
      %scan3A_710 = arith.constant 0 : i32
      %scan3A_711 = arith.constant 0 : i32
      %scan3A_712 = arith.constant 40 : i32
      %scan3A_713 = arith.addi %scan3A_711, %scan3A_712 : i32
      %scan3A_714 = arith.constant 1 : i32
      %scan3A_715 = scf.for %scan3A_1039 = %scan3A_711 to %scan3A_713 step %scan3A_714 iter_args(%scan3A_1040 = %scan3A_710) -> (i32)  : i32 {
        %get3A = arith.constant 0 : i32
        %get3A_1041 = arith.constant 0 : i32
        %get3A_1042 = tpu.memref_slice %arg10[%scan3A_708, %get3A, %get3A_1041] : memref<5x40x144xf32, #tpu.memory_space<vmem>> -> memref<1x40x144xf32, #tpu.memory_space<vmem>>
        %get3A_1043 = tpu.memref_squeeze %get3A_1042 : memref<1x40x144xf32, #tpu.memory_space<vmem>> -> memref<40x144xf32, #tpu.memory_space<vmem>>
        %get3A_1044 = arith.index_cast %scan3A_1039 : i32 to index
        %get3A_1045 = arith.constant 128 : index
        %get3A_1046 = tpu.vector_load %get3A_1043[%get3A_1044, %get3A_1045] {strides = array<i32>} : memref<40x144xf32, #tpu.memory_space<vmem>>, vector<1x16xf32>,
        %get3A_1047 = vector.shape_cast %get3A_1046 : vector<1x16xf32> to vector<16xf32>
        %get3A_1048 = arith.constant 0 : i32
        %get3A_1049 = arith.constant 0 : i32
        %get3A_1050 = tpu.memref_slice %arg11[%scan3A_709, %get3A_1048, %get3A_1049] : memref<5x40x16xf32, #tpu.memory_space<vmem>> -> memref<1x40x16xf32, #tpu.memory_space<vmem>>
        %get3A_1051 = tpu.memref_squeeze %get3A_1050 : memref<1x40x16xf32, #tpu.memory_space<vmem>> -> memref<40x16xf32, #tpu.memory_space<vmem>>
        %get3A_1052 = arith.index_cast %scan3A_1039 : i32 to index
        %get3A_1053 = arith.constant 0 : index
        %get3A_1054 = tpu.vector_load %get3A_1051[%get3A_1052, %get3A_1053] {strides = array<i32>} : memref<40x16xf32, #tpu.memory_space<vmem>>, vector<1x16xf32>,
        %get3A_1055 = vector.shape_cast %get3A_1054 : vector<1x16xf32> to vector<16xf32>
        %add3A_1056 = arith.addf %get3A_1047, %get3A_1055 : vector<16xf32>
        %gt3A_1057 = arith.constant 0.000000e+00 : f32
        %gt3A_1058 = vector.broadcast %gt3A_1057 : f32 to vector<16xf32>
        %gt3A_1059 = arith.cmpf ogt, %add3A_1056, %gt3A_1058 : vector<16xf32>
        %mul3A_1060 = arith.constant 2.000000e-01 : f32
        %mul3A_1061 = vector.broadcast %mul3A_1060 : f32 to vector<16xf32>
        %mul3A_1062 = arith.mulf %mul3A_1061, %add3A_1056 : vector<16xf32>
        %select_n3A = arith.select %gt3A_1059, %add3A_1056, %mul3A_1062 : vector<16xi1>, vector<16xf32>
        %exp3A = math.exp %select_n3A : vector<16xf32>
        %swap3A = arith.constant 0 : i32
        %swap3A_1063 = arith.constant 0 : i32
        %swap3A_1064 = tpu.memref_slice %arg10[%scan3A_708, %swap3A, %swap3A_1063] : memref<5x40x144xf32, #tpu.memory_space<vmem>> -> memref<1x40x144xf32, #tpu.memory_space<vmem>>
        %swap3A_1065 = tpu.memref_squeeze %swap3A_1064 : memref<1x40x144xf32, #tpu.memory_space<vmem>> -> memref<40x144xf32, #tpu.memory_space<vmem>>
        %swap3A_1066 = arith.index_cast %scan3A_1039 : i32 to index
        %swap3A_1067 = arith.constant 128 : index
        %swap3A_1068 = tpu.vector_load %swap3A_1065[%swap3A_1066, %swap3A_1067] {strides = array<i32>} : memref<40x144xf32, #tpu.memory_space<vmem>>, vector<1x16xf32>,
        %swap3A_1069 = vector.shape_cast %swap3A_1068 : vector<1x16xf32> to vector<16xf32>
        %swap3A_1070 = vector.shape_cast %exp3A : vector<16xf32> to vector<1x16xf32>
        tpu.vector_store %swap3A_1065[%swap3A_1066, %swap3A_1067], %swap3A_1070 {strides = array<i32>} : memref<40x144xf32, #tpu.memory_space<vmem>>, vector<1x16xf32>,
        %get3A_1071 = arith.constant 0 : i32
        %get3A_1072 = arith.constant 0 : i32
        %get3A_1073 = tpu.memref_slice %arg10[%scan3A_708, %get3A_1071, %get3A_1072] : memref<5x40x144xf32, #tpu.memory_space<vmem>> -> memref<1x40x144xf32, #tpu.memory_space<vmem>>
        %get3A_1074 = tpu.memref_squeeze %get3A_1073 : memref<1x40x144xf32, #tpu.memory_space<vmem>> -> memref<40x144xf32, #tpu.memory_space<vmem>>
        %get3A_1075 = arith.index_cast %scan3A_1039 : i32 to index
        %get3A_1076 = arith.constant 0 : index
        %get3A_1077 = tpu.vector_load %get3A_1074[%get3A_1075, %get3A_1076] {strides = array<i32>} : memref<40x144xf32, #tpu.memory_space<vmem>>, vector<1x16xf32>,
        %get3A_1078 = vector.shape_cast %get3A_1077 : vector<1x16xf32> to vector<16xf32>
        %slice3A = vector.extract_strided_slice %exp3A {offsets = [0], sizes = [1], strides = [1]} : vector<16xf32> to vector<1xf32>
        %squeeze3A = vector.extract %slice3A[0] : f32 from vector<1xf32>
        %mul3A_1079 = vector.broadcast %squeeze3A : f32 to vector<16xf32>
        %mul3A_1080 = arith.mulf %get3A_1078, %mul3A_1079 : vector<16xf32>
        %swap3A_1081 = arith.constant 0 : i32
        %swap3A_1082 = arith.constant 0 : i32
        %swap3A_1083 = tpu.memref_slice %arg10[%scan3A_708, %swap3A_1081, %swap3A_1082] : memref<5x40x144xf32, #tpu.memory_space<vmem>> -> memref<1x40x144xf32, #tpu.memory_space<vmem>>
        %swap3A_1084 = tpu.memref_squeeze %swap3A_1083 : memref<1x40x144xf32, #tpu.memory_space<vmem>> -> memref<40x144xf32, #tpu.memory_space<vmem>>
        %swap3A_1085 = arith.index_cast %scan3A_1039 : i32 to index
        %swap3A_1086 = arith.constant 0 : index
        %swap3A_1087 = tpu.vector_load %swap3A_1084[%swap3A_1085, %swap3A_1086] {strides = array<i32>} : memref<40x144xf32, #tpu.memory_space<vmem>>, vector<1x16xf32>,
        %swap3A_1088 = vector.shape_cast %swap3A_1087 : vector<1x16xf32> to vector<16xf32>
        %swap3A_1089 = vector.shape_cast %mul3A_1080 : vector<16xf32> to vector<1x16xf32>
        tpu.vector_store %swap3A_1084[%swap3A_1085, %swap3A_1086], %swap3A_1089 {strides = array<i32>} : memref<40x144xf32, #tpu.memory_space<vmem>>, vector<1x16xf32>,
        %get3A_1090 = arith.constant 0 : i32
        %get3A_1091 = arith.constant 0 : i32
        %get3A_1092 = tpu.memref_slice %arg10[%scan3A_708, %get3A_1090, %get3A_1091] : memref<5x40x144xf32, #tpu.memory_space<vmem>> -> memref<1x40x144xf32, #tpu.memory_space<vmem>>
        %get3A_1093 = tpu.memref_squeeze %get3A_1092 : memref<1x40x144xf32, #tpu.memory_space<vmem>> -> memref<40x144xf32, #tpu.memory_space<vmem>>
        %get3A_1094 = arith.index_cast %scan3A_1039 : i32 to index
        %get3A_1095 = arith.constant 16 : index
        %get3A_1096 = tpu.vector_load %get3A_1093[%get3A_1094, %get3A_1095] {strides = array<i32>} : memref<40x144xf32, #tpu.memory_space<vmem>>, vector<1x16xf32>,
        %get3A_1097 = vector.shape_cast %get3A_1096 : vector<1x16xf32> to vector<16xf32>
        %slice3A_1098 = vector.extract_strided_slice %exp3A {offsets = [1], sizes = [1], strides = [1]} : vector<16xf32> to vector<1xf32>
        %squeeze3A_1099 = vector.extract %slice3A_1098[0] : f32 from vector<1xf32>
        %mul3A_1100 = vector.broadcast %squeeze3A_1099 : f32 to vector<16xf32>
        %mul3A_1101 = arith.mulf %get3A_1097, %mul3A_1100 : vector<16xf32>
        %swap3A_1102 = arith.constant 0 : i32
        %swap3A_1103 = arith.constant 0 : i32
        %swap3A_1104 = tpu.memref_slice %arg10[%scan3A_708, %swap3A_1102, %swap3A_1103] : memref<5x40x144xf32, #tpu.memory_space<vmem>> -> memref<1x40x144xf32, #tpu.memory_space<vmem>>
        %swap3A_1105 = tpu.memref_squeeze %swap3A_1104 : memref<1x40x144xf32, #tpu.memory_space<vmem>> -> memref<40x144xf32, #tpu.memory_space<vmem>>
        %swap3A_1106 = arith.index_cast %scan3A_1039 : i32 to index
        %swap3A_1107 = arith.constant 16 : index
        %swap3A_1108 = tpu.vector_load %swap3A_1105[%swap3A_1106, %swap3A_1107] {strides = array<i32>} : memref<40x144xf32, #tpu.memory_space<vmem>>, vector<1x16xf32>,
        %swap3A_1109 = vector.shape_cast %swap3A_1108 : vector<1x16xf32> to vector<16xf32>
        %swap3A_1110 = vector.shape_cast %mul3A_1101 : vector<16xf32> to vector<1x16xf32>
        tpu.vector_store %swap3A_1105[%swap3A_1106, %swap3A_1107], %swap3A_1110 {strides = array<i32>} : memref<40x144xf32, #tpu.memory_space<vmem>>, vector<1x16xf32>,
        %get3A_1111 = arith.constant 0 : i32
        %get3A_1112 = arith.constant 0 : i32
        %get3A_1113 = tpu.memref_slice %arg10[%scan3A_708, %get3A_1111, %get3A_1112] : memref<5x40x144xf32, #tpu.memory_space<vmem>> -> memref<1x40x144xf32, #tpu.memory_space<vmem>>
        %get3A_1114 = tpu.memref_squeeze %get3A_1113 : memref<1x40x144xf32, #tpu.memory_space<vmem>> -> memref<40x144xf32, #tpu.memory_space<vmem>>
        %get3A_1115 = arith.index_cast %scan3A_1039 : i32 to index
        %get3A_1116 = arith.constant 32 : index
        %get3A_1117 = tpu.vector_load %get3A_1114[%get3A_1115, %get3A_1116] {strides = array<i32>} : memref<40x144xf32, #tpu.memory_space<vmem>>, vector<1x16xf32>,
        %get3A_1118 = vector.shape_cast %get3A_1117 : vector<1x16xf32> to vector<16xf32>
        %slice3A_1119 = vector.extract_strided_slice %exp3A {offsets = [2], sizes = [1], strides = [1]} : vector<16xf32> to vector<1xf32>
        %squeeze3A_1120 = vector.extract %slice3A_1119[0] : f32 from vector<1xf32>
        %mul3A_1121 = vector.broadcast %squeeze3A_1120 : f32 to vector<16xf32>
        %mul3A_1122 = arith.mulf %get3A_1118, %mul3A_1121 : vector<16xf32>
        %swap3A_1123 = arith.constant 0 : i32
        %swap3A_1124 = arith.constant 0 : i32
        %swap3A_1125 = tpu.memref_slice %arg10[%scan3A_708, %swap3A_1123, %swap3A_1124] : memref<5x40x144xf32, #tpu.memory_space<vmem>> -> memref<1x40x144xf32, #tpu.memory_space<vmem>>
        %swap3A_1126 = tpu.memref_squeeze %swap3A_1125 : memref<1x40x144xf32, #tpu.memory_space<vmem>> -> memref<40x144xf32, #tpu.memory_space<vmem>>
        %swap3A_1127 = arith.index_cast %scan3A_1039 : i32 to index
        %swap3A_1128 = arith.constant 32 : index
        %swap3A_1129 = tpu.vector_load %swap3A_1126[%swap3A_1127, %swap3A_1128] {strides = array<i32>} : memref<40x144xf32, #tpu.memory_space<vmem>>, vector<1x16xf32>,
        %swap3A_1130 = vector.shape_cast %swap3A_1129 : vector<1x16xf32> to vector<16xf32>
        %swap3A_1131 = vector.shape_cast %mul3A_1122 : vector<16xf32> to vector<1x16xf32>
        tpu.vector_store %swap3A_1126[%swap3A_1127, %swap3A_1128], %swap3A_1131 {strides = array<i32>} : memref<40x144xf32, #tpu.memory_space<vmem>>, vector<1x16xf32>,
        %get3A_1132 = arith.constant 0 : i32
        %get3A_1133 = arith.constant 0 : i32
        %get3A_1134 = tpu.memref_slice %arg10[%scan3A_708, %get3A_1132, %get3A_1133] : memref<5x40x144xf32, #tpu.memory_space<vmem>> -> memref<1x40x144xf32, #tpu.memory_space<vmem>>
        %get3A_1135 = tpu.memref_squeeze %get3A_1134 : memref<1x40x144xf32, #tpu.memory_space<vmem>> -> memref<40x144xf32, #tpu.memory_space<vmem>>
        %get3A_1136 = arith.index_cast %scan3A_1039 : i32 to index
        %get3A_1137 = arith.constant 48 : index
        %get3A_1138 = tpu.vector_load %get3A_1135[%get3A_1136, %get3A_1137] {strides = array<i32>} : memref<40x144xf32, #tpu.memory_space<vmem>>, vector<1x16xf32>,
        %get3A_1139 = vector.shape_cast %get3A_1138 : vector<1x16xf32> to vector<16xf32>
        %slice3A_1140 = vector.extract_strided_slice %exp3A {offsets = [3], sizes = [1], strides = [1]} : vector<16xf32> to vector<1xf32>
        %squeeze3A_1141 = vector.extract %slice3A_1140[0] : f32 from vector<1xf32>
        %mul3A_1142 = vector.broadcast %squeeze3A_1141 : f32 to vector<16xf32>
        %mul3A_1143 = arith.mulf %get3A_1139, %mul3A_1142 : vector<16xf32>
        %swap3A_1144 = arith.constant 0 : i32
        %swap3A_1145 = arith.constant 0 : i32
        %swap3A_1146 = tpu.memref_slice %arg10[%scan3A_708, %swap3A_1144, %swap3A_1145] : memref<5x40x144xf32, #tpu.memory_space<vmem>> -> memref<1x40x144xf32, #tpu.memory_space<vmem>>
        %swap3A_1147 = tpu.memref_squeeze %swap3A_1146 : memref<1x40x144xf32, #tpu.memory_space<vmem>> -> memref<40x144xf32, #tpu.memory_space<vmem>>
        %swap3A_1148 = arith.index_cast %scan3A_1039 : i32 to index
        %swap3A_1149 = arith.constant 48 : index
        %swap3A_1150 = tpu.vector_load %swap3A_1147[%swap3A_1148, %swap3A_1149] {strides = array<i32>} : memref<40x144xf32, #tpu.memory_space<vmem>>, vector<1x16xf32>,
        %swap3A_1151 = vector.shape_cast %swap3A_1150 : vector<1x16xf32> to vector<16xf32>
        %swap3A_1152 = vector.shape_cast %mul3A_1143 : vector<16xf32> to vector<1x16xf32>
        tpu.vector_store %swap3A_1147[%swap3A_1148, %swap3A_1149], %swap3A_1152 {strides = array<i32>} : memref<40x144xf32, #tpu.memory_space<vmem>>, vector<1x16xf32>,
        %get3A_1153 = arith.constant 0 : i32
        %get3A_1154 = arith.constant 0 : i32
        %get3A_1155 = tpu.memref_slice %arg10[%scan3A_708, %get3A_1153, %get3A_1154] : memref<5x40x144xf32, #tpu.memory_space<vmem>> -> memref<1x40x144xf32, #tpu.memory_space<vmem>>
        %get3A_1156 = tpu.memref_squeeze %get3A_1155 : memref<1x40x144xf32, #tpu.memory_space<vmem>> -> memref<40x144xf32, #tpu.memory_space<vmem>>
        %get3A_1157 = arith.index_cast %scan3A_1039 : i32 to index
        %get3A_1158 = arith.constant 64 : index
        %get3A_1159 = tpu.vector_load %get3A_1156[%get3A_1157, %get3A_1158] {strides = array<i32>} : memref<40x144xf32, #tpu.memory_space<vmem>>, vector<1x16xf32>,
        %get3A_1160 = vector.shape_cast %get3A_1159 : vector<1x16xf32> to vector<16xf32>
        %slice3A_1161 = vector.extract_strided_slice %exp3A {offsets = [4], sizes = [1], strides = [1]} : vector<16xf32> to vector<1xf32>
        %squeeze3A_1162 = vector.extract %slice3A_1161[0] : f32 from vector<1xf32>
        %mul3A_1163 = vector.broadcast %squeeze3A_1162 : f32 to vector<16xf32>
        %mul3A_1164 = arith.mulf %get3A_1160, %mul3A_1163 : vector<16xf32>
        %swap3A_1165 = arith.constant 0 : i32
        %swap3A_1166 = arith.constant 0 : i32
        %swap3A_1167 = tpu.memref_slice %arg10[%scan3A_708, %swap3A_1165, %swap3A_1166] : memref<5x40x144xf32, #tpu.memory_space<vmem>> -> memref<1x40x144xf32, #tpu.memory_space<vmem>>
        %swap3A_1168 = tpu.memref_squeeze %swap3A_1167 : memref<1x40x144xf32, #tpu.memory_space<vmem>> -> memref<40x144xf32, #tpu.memory_space<vmem>>
        %swap3A_1169 = arith.index_cast %scan3A_1039 : i32 to index
        %swap3A_1170 = arith.constant 64 : index
        %swap3A_1171 = tpu.vector_load %swap3A_1168[%swap3A_1169, %swap3A_1170] {strides = array<i32>} : memref<40x144xf32, #tpu.memory_space<vmem>>, vector<1x16xf32>,
        %swap3A_1172 = vector.shape_cast %swap3A_1171 : vector<1x16xf32> to vector<16xf32>
        %swap3A_1173 = vector.shape_cast %mul3A_1164 : vector<16xf32> to vector<1x16xf32>
        tpu.vector_store %swap3A_1168[%swap3A_1169, %swap3A_1170], %swap3A_1173 {strides = array<i32>} : memref<40x144xf32, #tpu.memory_space<vmem>>, vector<1x16xf32>,
        %get3A_1174 = arith.constant 0 : i32
        %get3A_1175 = arith.constant 0 : i32
        %get3A_1176 = tpu.memref_slice %arg10[%scan3A_708, %get3A_1174, %get3A_1175] : memref<5x40x144xf32, #tpu.memory_space<vmem>> -> memref<1x40x144xf32, #tpu.memory_space<vmem>>
        %get3A_1177 = tpu.memref_squeeze %get3A_1176 : memref<1x40x144xf32, #tpu.memory_space<vmem>> -> memref<40x144xf32, #tpu.memory_space<vmem>>
        %get3A_1178 = arith.index_cast %scan3A_1039 : i32 to index
        %get3A_1179 = arith.constant 80 : index
        %get3A_1180 = tpu.vector_load %get3A_1177[%get3A_1178, %get3A_1179] {strides = array<i32>} : memref<40x144xf32, #tpu.memory_space<vmem>>, vector<1x16xf32>,
        %get3A_1181 = vector.shape_cast %get3A_1180 : vector<1x16xf32> to vector<16xf32>
        %slice3A_1182 = vector.extract_strided_slice %exp3A {offsets = [5], sizes = [1], strides = [1]} : vector<16xf32> to vector<1xf32>
        %squeeze3A_1183 = vector.extract %slice3A_1182[0] : f32 from vector<1xf32>
        %mul3A_1184 = vector.broadcast %squeeze3A_1183 : f32 to vector<16xf32>
        %mul3A_1185 = arith.mulf %get3A_1181, %mul3A_1184 : vector<16xf32>
        %swap3A_1186 = arith.constant 0 : i32
        %swap3A_1187 = arith.constant 0 : i32
        %swap3A_1188 = tpu.memref_slice %arg10[%scan3A_708, %swap3A_1186, %swap3A_1187] : memref<5x40x144xf32, #tpu.memory_space<vmem>> -> memref<1x40x144xf32, #tpu.memory_space<vmem>>
        %swap3A_1189 = tpu.memref_squeeze %swap3A_1188 : memref<1x40x144xf32, #tpu.memory_space<vmem>> -> memref<40x144xf32, #tpu.memory_space<vmem>>
        %swap3A_1190 = arith.index_cast %scan3A_1039 : i32 to index
        %swap3A_1191 = arith.constant 80 : index
        %swap3A_1192 = tpu.vector_load %swap3A_1189[%swap3A_1190, %swap3A_1191] {strides = array<i32>} : memref<40x144xf32, #tpu.memory_space<vmem>>, vector<1x16xf32>,
        %swap3A_1193 = vector.shape_cast %swap3A_1192 : vector<1x16xf32> to vector<16xf32>
        %swap3A_1194 = vector.shape_cast %mul3A_1185 : vector<16xf32> to vector<1x16xf32>
        tpu.vector_store %swap3A_1189[%swap3A_1190, %swap3A_1191], %swap3A_1194 {strides = array<i32>} : memref<40x144xf32, #tpu.memory_space<vmem>>, vector<1x16xf32>,
        %get3A_1195 = arith.constant 0 : i32
        %get3A_1196 = arith.constant 0 : i32
        %get3A_1197 = tpu.memref_slice %arg10[%scan3A_708, %get3A_1195, %get3A_1196] : memref<5x40x144xf32, #tpu.memory_space<vmem>> -> memref<1x40x144xf32, #tpu.memory_space<vmem>>
        %get3A_1198 = tpu.memref_squeeze %get3A_1197 : memref<1x40x144xf32, #tpu.memory_space<vmem>> -> memref<40x144xf32, #tpu.memory_space<vmem>>
        %get3A_1199 = arith.index_cast %scan3A_1039 : i32 to index
        %get3A_1200 = arith.constant 96 : index
        %get3A_1201 = tpu.vector_load %get3A_1198[%get3A_1199, %get3A_1200] {strides = array<i32>} : memref<40x144xf32, #tpu.memory_space<vmem>>, vector<1x16xf32>,
        %get3A_1202 = vector.shape_cast %get3A_1201 : vector<1x16xf32> to vector<16xf32>
        %slice3A_1203 = vector.extract_strided_slice %exp3A {offsets = [6], sizes = [1], strides = [1]} : vector<16xf32> to vector<1xf32>
        %squeeze3A_1204 = vector.extract %slice3A_1203[0] : f32 from vector<1xf32>
        %mul3A_1205 = vector.broadcast %squeeze3A_1204 : f32 to vector<16xf32>
        %mul3A_1206 = arith.mulf %get3A_1202, %mul3A_1205 : vector<16xf32>
        %swap3A_1207 = arith.constant 0 : i32
        %swap3A_1208 = arith.constant 0 : i32
        %swap3A_1209 = tpu.memref_slice %arg10[%scan3A_708, %swap3A_1207, %swap3A_1208] : memref<5x40x144xf32, #tpu.memory_space<vmem>> -> memref<1x40x144xf32, #tpu.memory_space<vmem>>
        %swap3A_1210 = tpu.memref_squeeze %swap3A_1209 : memref<1x40x144xf32, #tpu.memory_space<vmem>> -> memref<40x144xf32, #tpu.memory_space<vmem>>
        %swap3A_1211 = arith.index_cast %scan3A_1039 : i32 to index
        %swap3A_1212 = arith.constant 96 : index
        %swap3A_1213 = tpu.vector_load %swap3A_1210[%swap3A_1211, %swap3A_1212] {strides = array<i32>} : memref<40x144xf32, #tpu.memory_space<vmem>>, vector<1x16xf32>,
        %swap3A_1214 = vector.shape_cast %swap3A_1213 : vector<1x16xf32> to vector<16xf32>
        %swap3A_1215 = vector.shape_cast %mul3A_1206 : vector<16xf32> to vector<1x16xf32>
        tpu.vector_store %swap3A_1210[%swap3A_1211, %swap3A_1212], %swap3A_1215 {strides = array<i32>} : memref<40x144xf32, #tpu.memory_space<vmem>>, vector<1x16xf32>,
        %get3A_1216 = arith.constant 0 : i32
        %get3A_1217 = arith.constant 0 : i32
        %get3A_1218 = tpu.memref_slice %arg10[%scan3A_708, %get3A_1216, %get3A_1217] : memref<5x40x144xf32, #tpu.memory_space<vmem>> -> memref<1x40x144xf32, #tpu.memory_space<vmem>>
        %get3A_1219 = tpu.memref_squeeze %get3A_1218 : memref<1x40x144xf32, #tpu.memory_space<vmem>> -> memref<40x144xf32, #tpu.memory_space<vmem>>
        %get3A_1220 = arith.index_cast %scan3A_1039 : i32 to index
        %get3A_1221 = arith.constant 112 : index
        %get3A_1222 = tpu.vector_load %get3A_1219[%get3A_1220, %get3A_1221] {strides = array<i32>} : memref<40x144xf32, #tpu.memory_space<vmem>>, vector<1x16xf32>,
        %get3A_1223 = vector.shape_cast %get3A_1222 : vector<1x16xf32> to vector<16xf32>
        %slice3A_1224 = vector.extract_strided_slice %exp3A {offsets = [7], sizes = [1], strides = [1]} : vector<16xf32> to vector<1xf32>
        %squeeze3A_1225 = vector.extract %slice3A_1224[0] : f32 from vector<1xf32>
        %mul3A_1226 = vector.broadcast %squeeze3A_1225 : f32 to vector<16xf32>
        %mul3A_1227 = arith.mulf %get3A_1223, %mul3A_1226 : vector<16xf32>
        %swap3A_1228 = arith.constant 0 : i32
        %swap3A_1229 = arith.constant 0 : i32
        %swap3A_1230 = tpu.memref_slice %arg10[%scan3A_708, %swap3A_1228, %swap3A_1229] : memref<5x40x144xf32, #tpu.memory_space<vmem>> -> memref<1x40x144xf32, #tpu.memory_space<vmem>>
        %swap3A_1231 = tpu.memref_squeeze %swap3A_1230 : memref<1x40x144xf32, #tpu.memory_space<vmem>> -> memref<40x144xf32, #tpu.memory_space<vmem>>
        %swap3A_1232 = arith.index_cast %scan3A_1039 : i32 to index
        %swap3A_1233 = arith.constant 112 : index
        %swap3A_1234 = tpu.vector_load %swap3A_1231[%swap3A_1232, %swap3A_1233] {strides = array<i32>} : memref<40x144xf32, #tpu.memory_space<vmem>>, vector<1x16xf32>,
        %swap3A_1235 = vector.shape_cast %swap3A_1234 : vector<1x16xf32> to vector<16xf32>
        %swap3A_1236 = vector.shape_cast %mul3A_1227 : vector<16xf32> to vector<1x16xf32>
        tpu.vector_store %swap3A_1231[%swap3A_1232, %swap3A_1233], %swap3A_1236 {strides = array<i32>} : memref<40x144xf32, #tpu.memory_space<vmem>>, vector<1x16xf32>,
        %scan3A_1237 = arith.constant 0 : i32
        scf.yield %scan3A_1237 : i32
      }
      %scan3A_716 = arith.constant 40 : i32
      %dma_start3A_717 = arith.constant 1 : i32
      %dma_start3A_718 = arith.constant 1 : i32
      %dma_start3A_719 = arith.constant 1 : i32
      %dma_start3A_720 = arith.constant 0 : i32
      %dma_start3A_721 = arith.constant 0 : i32
      %dma_start3A_722 = tpu.memref_slice %arg10[%dma_start3A_717, %dma_start3A_720, %dma_start3A_721] : memref<5x40x144xf32, #tpu.memory_space<vmem>> -> memref<1x40x144xf32, #tpu.memory_space<vmem>>
      %dma_start3A_723 = tpu.memref_squeeze %dma_start3A_722 : memref<1x40x144xf32, #tpu.memory_space<vmem>> -> memref<40x144xf32, #tpu.memory_space<vmem>>
      %dma_start3A_724 = arith.constant 0 : i32
      %dma_start3A_725 = tpu.memref_slice %arg9[%dma_start3A_718, %dma_start3A_724] : memref<5x40xi32, #tpu.memory_space<vmem>> -> memref<1x40xi32, #tpu.memory_space<vmem>>
      %dma_start3A_726 = tpu.memref_squeeze %dma_start3A_725 : memref<1x40xi32, #tpu.memory_space<vmem>> -> memref<40xi32, #tpu.memory_space<vmem>>
      %dma_start3A_727 = arith.constant 0 : i32
      %dma_start3A_728 = arith.constant 0 : i32
      %dma_start3A_729 = tpu.memref_slice %arg7[%dma_start3A_727, %dma_start3A_728] : memref<10240x144xf32, #tpu.memory_space<vmem_shared>> -> memref<10240x144xf32, #tpu.memory_space<vmem_shared>>
      %dma_start3A_730 = tpu.memref_slice %arg14[%dma_start3A_719] : memref<5x!tpu.dma_semaphore, #tpu.memory_space<semaphore_mem>> -> memref<1x!tpu.dma_semaphore, #tpu.memory_space<semaphore_mem>>
      %dma_start3A_731 = tpu.memref_squeeze %dma_start3A_730 : memref<1x!tpu.dma_semaphore, #tpu.memory_space<semaphore_mem>> -> memref<!tpu.dma_semaphore, #tpu.memory_space<semaphore_mem>>
      tpu.enqueue_indirect_dma source(%dma_start3A_723 : memref<40x144xf32, #tpu.memory_space<vmem>>) target(%dma_start3A_729 : memref<10240x144xf32, #tpu.memory_space<vmem_shared>>) offsets(%dma_start3A_726 : memref<40xi32, #tpu.memory_space<vmem>>) semaphore(%dma_start3A_731 : memref<!tpu.dma_semaphore, #tpu.memory_space<semaphore_mem>>) {add = true}
      %add3A_732 = arith.constant 5 : i32
      %add3A_733 = arith.addi %add3A_677, %add3A_732 : i32
      %sub3A_734 = arith.constant 1 : i32
      %sub3A_735 = arith.subi %add3A_733, %sub3A_734 : i32
      %lt3A = arith.constant 250 : i32
      %lt3A_736 = arith.cmpi slt, %sub3A_735, %lt3A : i32
      %convert_element_type3A_737 = arith.extui %lt3A_736 : i1 to i32
      %cond3A_738 = arith.constant 0 : i32
      %cond3A_739 = arith.cmpi ne, %convert_element_type3A_737, %cond3A_738 : i32
      scf.if %cond3A_739 {
        %dma_wait3A_1039 = arith.constant 0 : i32
        %dma_wait3A_1040 = arith.constant 0 : i32
        %dma_wait3A_1041 = arith.constant 0 : i32
        %dma_wait3A_1042 = arith.constant 0 : i32
        %dma_wait3A_1043 = arith.constant 0 : i32
        %dma_wait3A_1044 = tpu.memref_slice %arg10[%dma_wait3A_1039, %dma_wait3A_1042, %dma_wait3A_1043] : memref<5x40x144xf32, #tpu.memory_space<vmem>> -> memref<1x40x144xf32, #tpu.memory_space<vmem>>
        %dma_wait3A_1045 = tpu.memref_squeeze %dma_wait3A_1044 : memref<1x40x144xf32, #tpu.memory_space<vmem>> -> memref<40x144xf32, #tpu.memory_space<vmem>>
        %dma_wait3A_1046 = arith.constant 0 : i32
        %dma_wait3A_1047 = tpu.memref_slice %arg9[%dma_wait3A_1040, %dma_wait3A_1046] : memref<5x40xi32, #tpu.memory_space<vmem>> -> memref<1x40xi32, #tpu.memory_space<vmem>>
        %dma_wait3A_1048 = tpu.memref_squeeze %dma_wait3A_1047 : memref<1x40xi32, #tpu.memory_space<vmem>> -> memref<40xi32, #tpu.memory_space<vmem>>
        %dma_wait3A_1049 = arith.constant 0 : i32
        %dma_wait3A_1050 = arith.constant 0 : i32
        %dma_wait3A_1051 = tpu.memref_slice %arg7[%dma_wait3A_1049, %dma_wait3A_1050] : memref<10240x144xf32, #tpu.memory_space<vmem_shared>> -> memref<10240x144xf32, #tpu.memory_space<vmem_shared>>
        %dma_wait3A_1052 = tpu.memref_slice %arg14[%dma_wait3A_1041] : memref<5x!tpu.dma_semaphore, #tpu.memory_space<semaphore_mem>> -> memref<1x!tpu.dma_semaphore, #tpu.memory_space<semaphore_mem>>
        %dma_wait3A_1053 = tpu.memref_squeeze %dma_wait3A_1052 : memref<1x!tpu.dma_semaphore, #tpu.memory_space<semaphore_mem>> -> memref<!tpu.dma_semaphore, #tpu.memory_space<semaphore_mem>>
        tpu.wait_indirect_dma semaphore(%dma_wait3A_1053 : memref<!tpu.dma_semaphore, #tpu.memory_space<semaphore_mem>>) src(%dma_wait3A_1045 : memref<40x144xf32, #tpu.memory_space<vmem>>) dst(%dma_wait3A_1051 : memref<10240x144xf32, #tpu.memory_space<vmem_shared>>)
        %dma_start3A_1054 = arith.constant 0 : i32
        %dma_start3A_1055 = arith.constant 0 : i32
        %dma_start3A_1056 = arith.constant 0 : i32
        %dma_start3A_1057 = tpu.memref_slice %arg8[%dma_start3A_1054, %dma_start3A_1056] : memref<5x40xi32, #tpu.memory_space<vmem>> -> memref<1x40xi32, #tpu.memory_space<vmem>>
        %dma_start3A_1058 = tpu.memref_squeeze %dma_start3A_1057 : memref<1x40xi32, #tpu.memory_space<vmem>> -> memref<40xi32, #tpu.memory_space<vmem>>
        %dma_start3A_1059 = arith.constant 0 : i32
        %dma_start3A_1060 = tpu.memref_slice %arg4[%add3A, %sub3A_735, %dma_start3A_1059] : memref<32x250x40xi32, #tpu.memory_space<hbm>> -> memref<1x1x40xi32, #tpu.memory_space<hbm>>
        %dma_start3A_1061 = tpu.memref_squeeze %dma_start3A_1060 : memref<1x1x40xi32, #tpu.memory_space<hbm>> -> memref<40xi32, #tpu.memory_space<hbm>>
        %dma_start3A_1062 = tpu.memref_slice %arg15[%dma_start3A_1055] : memref<5x!tpu.dma_semaphore, #tpu.memory_space<semaphore_mem>> -> memref<1x!tpu.dma_semaphore, #tpu.memory_space<semaphore_mem>>
        %dma_start3A_1063 = tpu.memref_squeeze %dma_start3A_1062 : memref<1x!tpu.dma_semaphore, #tpu.memory_space<semaphore_mem>> -> memref<!tpu.dma_semaphore, #tpu.memory_space<semaphore_mem>>
        %dma_start3A_1064 = arith.constant 0 : i32
        %dma_start3A_1065 = tpu.memref_slice %arg8[%dma_start3A_1054, %dma_start3A_1064] : memref<5x40xi32, #tpu.memory_space<vmem>> -> memref<1x40xi32, #tpu.memory_space<vmem>>
        %dma_start3A_1066 = tpu.memref_squeeze %dma_start3A_1065 : memref<1x40xi32, #tpu.memory_space<vmem>> -> memref<40xi32, #tpu.memory_space<vmem>>
        %dma_start3A_1067 = arith.constant 0 : i32
        %dma_start3A_1068 = tpu.memref_slice %arg4[%add3A, %sub3A_735, %dma_start3A_1067] : memref<32x250x40xi32, #tpu.memory_space<hbm>> -> memref<1x1x40xi32, #tpu.memory_space<hbm>>
        %dma_start3A_1069 = tpu.memref_squeeze %dma_start3A_1068 : memref<1x1x40xi32, #tpu.memory_space<hbm>> -> memref<40xi32, #tpu.memory_space<hbm>>
        tpu.enqueue_dma source(%dma_start3A_1069 : memref<40xi32, #tpu.memory_space<hbm>>) target(%dma_start3A_1066 : memref<40xi32, #tpu.memory_space<vmem>>) target_semaphore(%dma_start3A_1063 : memref<!tpu.dma_semaphore, #tpu.memory_space<semaphore_mem>>)
        %dma_start3A_1070 = arith.constant 0 : i32
        %dma_start3A_1071 = arith.constant 0 : i32
        %dma_start3A_1072 = arith.constant 0 : i32
        %dma_start3A_1073 = tpu.memref_slice %arg9[%dma_start3A_1070, %dma_start3A_1072] : memref<5x40xi32, #tpu.memory_space<vmem>> -> memref<1x40xi32, #tpu.memory_space<vmem>>
        %dma_start3A_1074 = tpu.memref_squeeze %dma_start3A_1073 : memref<1x40xi32, #tpu.memory_space<vmem>> -> memref<40xi32, #tpu.memory_space<vmem>>
        %dma_start3A_1075 = arith.constant 0 : i32
        %dma_start3A_1076 = tpu.memref_slice %arg5[%add3A, %sub3A_735, %dma_start3A_1075] : memref<32x250x40xi32, #tpu.memory_space<hbm>> -> memref<1x1x40xi32, #tpu.memory_space<hbm>>
        %dma_start3A_1077 = tpu.memref_squeeze %dma_start3A_1076 : memref<1x1x40xi32, #tpu.memory_space<hbm>> -> memref<40xi32, #tpu.memory_space<hbm>>
        %dma_start3A_1078 = tpu.memref_slice %arg15[%dma_start3A_1071] : memref<5x!tpu.dma_semaphore, #tpu.memory_space<semaphore_mem>> -> memref<1x!tpu.dma_semaphore, #tpu.memory_space<semaphore_mem>>
        %dma_start3A_1079 = tpu.memref_squeeze %dma_start3A_1078 : memref<1x!tpu.dma_semaphore, #tpu.memory_space<semaphore_mem>> -> memref<!tpu.dma_semaphore, #tpu.memory_space<semaphore_mem>>
        %dma_start3A_1080 = arith.constant 0 : i32
        %dma_start3A_1081 = tpu.memref_slice %arg9[%dma_start3A_1070, %dma_start3A_1080] : memref<5x40xi32, #tpu.memory_space<vmem>> -> memref<1x40xi32, #tpu.memory_space<vmem>>
        %dma_start3A_1082 = tpu.memref_squeeze %dma_start3A_1081 : memref<1x40xi32, #tpu.memory_space<vmem>> -> memref<40xi32, #tpu.memory_space<vmem>>
        %dma_start3A_1083 = arith.constant 0 : i32
        %dma_start3A_1084 = tpu.memref_slice %arg5[%add3A, %sub3A_735, %dma_start3A_1083] : memref<32x250x40xi32, #tpu.memory_space<hbm>> -> memref<1x1x40xi32, #tpu.memory_space<hbm>>
        %dma_start3A_1085 = tpu.memref_squeeze %dma_start3A_1084 : memref<1x1x40xi32, #tpu.memory_space<hbm>> -> memref<40xi32, #tpu.memory_space<hbm>>
        tpu.enqueue_dma source(%dma_start3A_1085 : memref<40xi32, #tpu.memory_space<hbm>>) target(%dma_start3A_1082 : memref<40xi32, #tpu.memory_space<vmem>>) target_semaphore(%dma_start3A_1079 : memref<!tpu.dma_semaphore, #tpu.memory_space<semaphore_mem>>)
      } else {
      }
      %add3A_740 = arith.constant 5 : i32
      %add3A_741 = arith.addi %add3A_677, %add3A_740 : i32
      %sub3A_742 = arith.constant 2 : i32
      %sub3A_743 = arith.subi %add3A_741, %sub3A_742 : i32
      %dma_wait3A_744 = arith.constant 0 : i32
      %dma_wait3A_745 = arith.constant 0 : i32
      %dma_wait3A_746 = arith.constant 4 : i32
      %dma_wait3A_747 = arith.constant 4 : i32
      %dma_wait3A_748 = arith.constant 0 : i32
      %dma_wait3A_749 = tpu.memref_slice %arg8[%dma_wait3A_746, %dma_wait3A_748] : memref<5x40xi32, #tpu.memory_space<vmem>> -> memref<1x40xi32, #tpu.memory_space<vmem>>
      %dma_wait3A_750 = tpu.memref_squeeze %dma_wait3A_749 : memref<1x40xi32, #tpu.memory_space<vmem>> -> memref<40xi32, #tpu.memory_space<vmem>>
      %dma_wait3A_751 = arith.constant 0 : i32
      %dma_wait3A_752 = tpu.memref_slice %arg4[%dma_wait3A_744, %dma_wait3A_745, %dma_wait3A_751] : memref<32x250x40xi32, #tpu.memory_space<hbm>> -> memref<1x1x40xi32, #tpu.memory_space<hbm>>
      %dma_wait3A_753 = tpu.memref_squeeze %dma_wait3A_752 : memref<1x1x40xi32, #tpu.memory_space<hbm>> -> memref<40xi32, #tpu.memory_space<hbm>>
      %dma_wait3A_754 = tpu.memref_slice %arg15[%dma_wait3A_747] : memref<5x!tpu.dma_semaphore, #tpu.memory_space<semaphore_mem>> -> memref<1x!tpu.dma_semaphore, #tpu.memory_space<semaphore_mem>>
      %dma_wait3A_755 = tpu.memref_squeeze %dma_wait3A_754 : memref<1x!tpu.dma_semaphore, #tpu.memory_space<semaphore_mem>> -> memref<!tpu.dma_semaphore, #tpu.memory_space<semaphore_mem>>
      %dma_wait3A_756 = arith.constant 0 : i32
      %dma_wait3A_757 = tpu.memref_slice %arg8[%dma_wait3A_746, %dma_wait3A_756] : memref<5x40xi32, #tpu.memory_space<vmem>> -> memref<1x40xi32, #tpu.memory_space<vmem>>
      %dma_wait3A_758 = tpu.memref_squeeze %dma_wait3A_757 : memref<1x40xi32, #tpu.memory_space<vmem>> -> memref<40xi32, #tpu.memory_space<vmem>>
      %dma_wait3A_759 = arith.constant 0 : i32
      %dma_wait3A_760 = tpu.memref_slice %arg4[%dma_wait3A_744, %dma_wait3A_745, %dma_wait3A_759] : memref<32x250x40xi32, #tpu.memory_space<hbm>> -> memref<1x1x40xi32, #tpu.memory_space<hbm>>
      %dma_wait3A_761 = tpu.memref_squeeze %dma_wait3A_760 : memref<1x1x40xi32, #tpu.memory_space<hbm>> -> memref<40xi32, #tpu.memory_space<hbm>>
      tpu.wait_dma2 semaphore(%dma_wait3A_755 : memref<!tpu.dma_semaphore, #tpu.memory_space<semaphore_mem>>) src(%dma_wait3A_761 : memref<40xi32, #tpu.memory_space<hbm>>) dst(%dma_wait3A_758 : memref<40xi32, #tpu.memory_space<vmem>>)
      %dma_wait3A_762 = arith.constant 0 : i32
      %dma_wait3A_763 = arith.constant 0 : i32
      %dma_wait3A_764 = arith.constant 4 : i32
      %dma_wait3A_765 = arith.constant 4 : i32
      %dma_wait3A_766 = arith.constant 0 : i32
      %dma_wait3A_767 = tpu.memref_slice %arg9[%dma_wait3A_764, %dma_wait3A_766] : memref<5x40xi32, #tpu.memory_space<vmem>> -> memref<1x40xi32, #tpu.memory_space<vmem>>
      %dma_wait3A_768 = tpu.memref_squeeze %dma_wait3A_767 : memref<1x40xi32, #tpu.memory_space<vmem>> -> memref<40xi32, #tpu.memory_space<vmem>>
      %dma_wait3A_769 = arith.constant 0 : i32
      %dma_wait3A_770 = tpu.memref_slice %arg5[%dma_wait3A_762, %dma_wait3A_763, %dma_wait3A_769] : memref<32x250x40xi32, #tpu.memory_space<hbm>> -> memref<1x1x40xi32, #tpu.memory_space<hbm>>
      %dma_wait3A_771 = tpu.memref_squeeze %dma_wait3A_770 : memref<1x1x40xi32, #tpu.memory_space<hbm>> -> memref<40xi32, #tpu.memory_space<hbm>>
      %dma_wait3A_772 = tpu.memref_slice %arg15[%dma_wait3A_765] : memref<5x!tpu.dma_semaphore, #tpu.memory_space<semaphore_mem>> -> memref<1x!tpu.dma_semaphore, #tpu.memory_space<semaphore_mem>>
      %dma_wait3A_773 = tpu.memref_squeeze %dma_wait3A_772 : memref<1x!tpu.dma_semaphore, #tpu.memory_space<semaphore_mem>> -> memref<!tpu.dma_semaphore, #tpu.memory_space<semaphore_mem>>
      %dma_wait3A_774 = arith.constant 0 : i32
      %dma_wait3A_775 = tpu.memref_slice %arg9[%dma_wait3A_764, %dma_wait3A_774] : memref<5x40xi32, #tpu.memory_space<vmem>> -> memref<1x40xi32, #tpu.memory_space<vmem>>
      %dma_wait3A_776 = tpu.memref_squeeze %dma_wait3A_775 : memref<1x40xi32, #tpu.memory_space<vmem>> -> memref<40xi32, #tpu.memory_space<vmem>>
      %dma_wait3A_777 = arith.constant 0 : i32
      %dma_wait3A_778 = tpu.memref_slice %arg5[%dma_wait3A_762, %dma_wait3A_763, %dma_wait3A_777] : memref<32x250x40xi32, #tpu.memory_space<hbm>> -> memref<1x1x40xi32, #tpu.memory_space<hbm>>
      %dma_wait3A_779 = tpu.memref_squeeze %dma_wait3A_778 : memref<1x1x40xi32, #tpu.memory_space<hbm>> -> memref<40xi32, #tpu.memory_space<hbm>>
      tpu.wait_dma2 semaphore(%dma_wait3A_773 : memref<!tpu.dma_semaphore, #tpu.memory_space<semaphore_mem>>) src(%dma_wait3A_779 : memref<40xi32, #tpu.memory_space<hbm>>) dst(%dma_wait3A_776 : memref<40xi32, #tpu.memory_space<vmem>>)
      %dma_start3A_780 = arith.constant 4 : i32
      %dma_start3A_781 = arith.constant 4 : i32
      %dma_start3A_782 = arith.constant 4 : i32
      %dma_start3A_783 = arith.constant 0 : i32
      %dma_start3A_784 = arith.constant 0 : i32
      %dma_start3A_785 = tpu.memref_slice %arg10[%dma_start3A_781, %dma_start3A_783, %dma_start3A_784] : memref<5x40x144xf32, #tpu.memory_space<vmem>> -> memref<1x40x144xf32, #tpu.memory_space<vmem>>
      %dma_start3A_786 = tpu.memref_squeeze %dma_start3A_785 : memref<1x40x144xf32, #tpu.memory_space<vmem>> -> memref<40x144xf32, #tpu.memory_space<vmem>>
      %dma_start3A_787 = arith.constant 0 : i32
      %dma_start3A_788 = tpu.memref_slice %arg8[%dma_start3A_780, %dma_start3A_787] : memref<5x40xi32, #tpu.memory_space<vmem>> -> memref<1x40xi32, #tpu.memory_space<vmem>>
      %dma_start3A_789 = tpu.memref_squeeze %dma_start3A_788 : memref<1x40xi32, #tpu.memory_space<vmem>> -> memref<40xi32, #tpu.memory_space<vmem>>
      %dma_start3A_790 = arith.constant 0 : i32
      %dma_start3A_791 = arith.constant 0 : i32
      %dma_start3A_792 = tpu.memref_slice %arg2[%dma_start3A_790, %dma_start3A_791] : memref<10240x144xf32, #tpu.memory_space<hbm>> -> memref<10240x144xf32, #tpu.memory_space<hbm>>
      %dma_start3A_793 = tpu.memref_slice %arg12[%dma_start3A_782] : memref<5x!tpu.dma_semaphore, #tpu.memory_space<semaphore_mem>> -> memref<1x!tpu.dma_semaphore, #tpu.memory_space<semaphore_mem>>
      %dma_start3A_794 = tpu.memref_squeeze %dma_start3A_793 : memref<1x!tpu.dma_semaphore, #tpu.memory_space<semaphore_mem>> -> memref<!tpu.dma_semaphore, #tpu.memory_space<semaphore_mem>>
      tpu.enqueue_indirect_dma source(%dma_start3A_792 : memref<10240x144xf32, #tpu.memory_space<hbm>>) target(%dma_start3A_786 : memref<40x144xf32, #tpu.memory_space<vmem>>) offsets(%dma_start3A_789 : memref<40xi32, #tpu.memory_space<vmem>>) semaphore(%dma_start3A_794 : memref<!tpu.dma_semaphore, #tpu.memory_space<semaphore_mem>>)
      %dma_start3A_795 = arith.constant 4 : i32
      %dma_start3A_796 = arith.constant 4 : i32
      %dma_start3A_797 = arith.constant 4 : i32
      %dma_start3A_798 = arith.constant 0 : i32
      %dma_start3A_799 = arith.constant 0 : i32
      %dma_start3A_800 = tpu.memref_slice %arg11[%dma_start3A_796, %dma_start3A_798, %dma_start3A_799] : memref<5x40x16xf32, #tpu.memory_space<vmem>> -> memref<1x40x16xf32, #tpu.memory_space<vmem>>
      %dma_start3A_801 = tpu.memref_squeeze %dma_start3A_800 : memref<1x40x16xf32, #tpu.memory_space<vmem>> -> memref<40x16xf32, #tpu.memory_space<vmem>>
      %dma_start3A_802 = arith.constant 0 : i32
      %dma_start3A_803 = tpu.memref_slice %arg9[%dma_start3A_795, %dma_start3A_802] : memref<5x40xi32, #tpu.memory_space<vmem>> -> memref<1x40xi32, #tpu.memory_space<vmem>>
      %dma_start3A_804 = tpu.memref_squeeze %dma_start3A_803 : memref<1x40xi32, #tpu.memory_space<vmem>> -> memref<40xi32, #tpu.memory_space<vmem>>
      %dma_start3A_805 = arith.constant 0 : i32
      %dma_start3A_806 = arith.constant 0 : i32
      %dma_start3A_807 = tpu.memref_slice %arg3[%dma_start3A_805, %dma_start3A_806] : memref<10240x16xf32, #tpu.memory_space<hbm>> -> memref<10240x16xf32, #tpu.memory_space<hbm>>
      %dma_start3A_808 = tpu.memref_slice %arg13[%dma_start3A_797] : memref<5x!tpu.dma_semaphore, #tpu.memory_space<semaphore_mem>> -> memref<1x!tpu.dma_semaphore, #tpu.memory_space<semaphore_mem>>
      %dma_start3A_809 = tpu.memref_squeeze %dma_start3A_808 : memref<1x!tpu.dma_semaphore, #tpu.memory_space<semaphore_mem>> -> memref<!tpu.dma_semaphore, #tpu.memory_space<semaphore_mem>>
      tpu.enqueue_indirect_dma source(%dma_start3A_807 : memref<10240x16xf32, #tpu.memory_space<hbm>>) target(%dma_start3A_801 : memref<40x16xf32, #tpu.memory_space<vmem>>) offsets(%dma_start3A_804 : memref<40xi32, #tpu.memory_space<vmem>>) semaphore(%dma_start3A_809 : memref<!tpu.dma_semaphore, #tpu.memory_space<semaphore_mem>>)
      %mul3A_810 = arith.constant 5 : i32
      %mul3A_811 = arith.muli %scan3A_507, %mul3A_810 : i32
      %add3A_812 = arith.constant 2 : i32
      %add3A_813 = arith.addi %mul3A_811, %add3A_812 : i32
      %dma_wait3A_814 = arith.constant 2 : i32
      %dma_wait3A_815 = arith.constant 2 : i32
      %dma_wait3A_816 = arith.constant 2 : i32
      %dma_wait3A_817 = arith.constant 0 : i32
      %dma_wait3A_818 = arith.constant 0 : i32
      %dma_wait3A_819 = tpu.memref_slice %arg10[%dma_wait3A_815, %dma_wait3A_817, %dma_wait3A_818] : memref<5x40x144xf32, #tpu.memory_space<vmem>> -> memref<1x40x144xf32, #tpu.memory_space<vmem>>
      %dma_wait3A_820 = tpu.memref_squeeze %dma_wait3A_819 : memref<1x40x144xf32, #tpu.memory_space<vmem>> -> memref<40x144xf32, #tpu.memory_space<vmem>>
      %dma_wait3A_821 = arith.constant 0 : i32
      %dma_wait3A_822 = tpu.memref_slice %arg8[%dma_wait3A_814, %dma_wait3A_821] : memref<5x40xi32, #tpu.memory_space<vmem>> -> memref<1x40xi32, #tpu.memory_space<vmem>>
      %dma_wait3A_823 = tpu.memref_squeeze %dma_wait3A_822 : memref<1x40xi32, #tpu.memory_space<vmem>> -> memref<40xi32, #tpu.memory_space<vmem>>
      %dma_wait3A_824 = arith.constant 0 : i32
      %dma_wait3A_825 = arith.constant 0 : i32
      %dma_wait3A_826 = tpu.memref_slice %arg2[%dma_wait3A_824, %dma_wait3A_825] : memref<10240x144xf32, #tpu.memory_space<hbm>> -> memref<10240x144xf32, #tpu.memory_space<hbm>>
      %dma_wait3A_827 = tpu.memref_slice %arg12[%dma_wait3A_816] : memref<5x!tpu.dma_semaphore, #tpu.memory_space<semaphore_mem>> -> memref<1x!tpu.dma_semaphore, #tpu.memory_space<semaphore_mem>>
      %dma_wait3A_828 = tpu.memref_squeeze %dma_wait3A_827 : memref<1x!tpu.dma_semaphore, #tpu.memory_space<semaphore_mem>> -> memref<!tpu.dma_semaphore, #tpu.memory_space<semaphore_mem>>
      tpu.wait_indirect_dma semaphore(%dma_wait3A_828 : memref<!tpu.dma_semaphore, #tpu.memory_space<semaphore_mem>>) src(%dma_wait3A_826 : memref<10240x144xf32, #tpu.memory_space<hbm>>) dst(%dma_wait3A_820 : memref<40x144xf32, #tpu.memory_space<vmem>>)
      %dma_wait3A_829 = arith.constant 2 : i32
      %dma_wait3A_830 = arith.constant 2 : i32
      %dma_wait3A_831 = arith.constant 2 : i32
      %dma_wait3A_832 = arith.constant 0 : i32
      %dma_wait3A_833 = arith.constant 0 : i32
      %dma_wait3A_834 = tpu.memref_slice %arg11[%dma_wait3A_830, %dma_wait3A_832, %dma_wait3A_833] : memref<5x40x16xf32, #tpu.memory_space<vmem>> -> memref<1x40x16xf32, #tpu.memory_space<vmem>>
      %dma_wait3A_835 = tpu.memref_squeeze %dma_wait3A_834 : memref<1x40x16xf32, #tpu.memory_space<vmem>> -> memref<40x16xf32, #tpu.memory_space<vmem>>
      %dma_wait3A_836 = arith.constant 0 : i32
      %dma_wait3A_837 = tpu.memref_slice %arg9[%dma_wait3A_829, %dma_wait3A_836] : memref<5x40xi32, #tpu.memory_space<vmem>> -> memref<1x40xi32, #tpu.memory_space<vmem>>
      %dma_wait3A_838 = tpu.memref_squeeze %dma_wait3A_837 : memref<1x40xi32, #tpu.memory_space<vmem>> -> memref<40xi32, #tpu.memory_space<vmem>>
      %dma_wait3A_839 = arith.constant 0 : i32
      %dma_wait3A_840 = arith.constant 0 : i32
      %dma_wait3A_841 = tpu.memref_slice %arg3[%dma_wait3A_839, %dma_wait3A_840] : memref<10240x16xf32, #tpu.memory_space<hbm>> -> memref<10240x16xf32, #tpu.memory_space<hbm>>
      %dma_wait3A_842 = tpu.memref_slice %arg13[%dma_wait3A_831] : memref<5x!tpu.dma_semaphore, #tpu.memory_space<semaphore_mem>> -> memref<1x!tpu.dma_semaphore, #tpu.memory_space<semaphore_mem>>
      %dma_wait3A_843 = tpu.memref_squeeze %dma_wait3A_842 : memref<1x!tpu.dma_semaphore, #tpu.memory_space<semaphore_mem>> -> memref<!tpu.dma_semaphore, #tpu.memory_space<semaphore_mem>>
      tpu.wait_indirect_dma semaphore(%dma_wait3A_843 : memref<!tpu.dma_semaphore, #tpu.memory_space<semaphore_mem>>) src(%dma_wait3A_841 : memref<10240x16xf32, #tpu.memory_space<hbm>>) dst(%dma_wait3A_835 : memref<40x16xf32, #tpu.memory_space<vmem>>)
      %scan3A_844 = arith.constant 2 : i32
      %scan3A_845 = arith.constant 2 : i32
      %scan3A_846 = arith.constant 0 : i32
      %scan3A_847 = arith.constant 0 : i32
      %scan3A_848 = arith.constant 40 : i32
      %scan3A_849 = arith.addi %scan3A_847, %scan3A_848 : i32
      %scan3A_850 = arith.constant 1 : i32
      %scan3A_851 = scf.for %scan3A_1039 = %scan3A_847 to %scan3A_849 step %scan3A_850 iter_args(%scan3A_1040 = %scan3A_846) -> (i32)  : i32 {
        %get3A = arith.constant 0 : i32
        %get3A_1041 = arith.constant 0 : i32
        %get3A_1042 = tpu.memref_slice %arg10[%scan3A_844, %get3A, %get3A_1041] : memref<5x40x144xf32, #tpu.memory_space<vmem>> -> memref<1x40x144xf32, #tpu.memory_space<vmem>>
        %get3A_1043 = tpu.memref_squeeze %get3A_1042 : memref<1x40x144xf32, #tpu.memory_space<vmem>> -> memref<40x144xf32, #tpu.memory_space<vmem>>
        %get3A_1044 = arith.index_cast %scan3A_1039 : i32 to index
        %get3A_1045 = arith.constant 128 : index
        %get3A_1046 = tpu.vector_load %get3A_1043[%get3A_1044, %get3A_1045] {strides = array<i32>} : memref<40x144xf32, #tpu.memory_space<vmem>>, vector<1x16xf32>,
        %get3A_1047 = vector.shape_cast %get3A_1046 : vector<1x16xf32> to vector<16xf32>
        %get3A_1048 = arith.constant 0 : i32
        %get3A_1049 = arith.constant 0 : i32
        %get3A_1050 = tpu.memref_slice %arg11[%scan3A_845, %get3A_1048, %get3A_1049] : memref<5x40x16xf32, #tpu.memory_space<vmem>> -> memref<1x40x16xf32, #tpu.memory_space<vmem>>
        %get3A_1051 = tpu.memref_squeeze %get3A_1050 : memref<1x40x16xf32, #tpu.memory_space<vmem>> -> memref<40x16xf32, #tpu.memory_space<vmem>>
        %get3A_1052 = arith.index_cast %scan3A_1039 : i32 to index
        %get3A_1053 = arith.constant 0 : index
        %get3A_1054 = tpu.vector_load %get3A_1051[%get3A_1052, %get3A_1053] {strides = array<i32>} : memref<40x16xf32, #tpu.memory_space<vmem>>, vector<1x16xf32>,
        %get3A_1055 = vector.shape_cast %get3A_1054 : vector<1x16xf32> to vector<16xf32>
        %add3A_1056 = arith.addf %get3A_1047, %get3A_1055 : vector<16xf32>
        %gt3A_1057 = arith.constant 0.000000e+00 : f32
        %gt3A_1058 = vector.broadcast %gt3A_1057 : f32 to vector<16xf32>
        %gt3A_1059 = arith.cmpf ogt, %add3A_1056, %gt3A_1058 : vector<16xf32>
        %mul3A_1060 = arith.constant 2.000000e-01 : f32
        %mul3A_1061 = vector.broadcast %mul3A_1060 : f32 to vector<16xf32>
        %mul3A_1062 = arith.mulf %mul3A_1061, %add3A_1056 : vector<16xf32>
        %select_n3A = arith.select %gt3A_1059, %add3A_1056, %mul3A_1062 : vector<16xi1>, vector<16xf32>
        %exp3A = math.exp %select_n3A : vector<16xf32>
        %swap3A = arith.constant 0 : i32
        %swap3A_1063 = arith.constant 0 : i32
        %swap3A_1064 = tpu.memref_slice %arg10[%scan3A_844, %swap3A, %swap3A_1063] : memref<5x40x144xf32, #tpu.memory_space<vmem>> -> memref<1x40x144xf32, #tpu.memory_space<vmem>>
        %swap3A_1065 = tpu.memref_squeeze %swap3A_1064 : memref<1x40x144xf32, #tpu.memory_space<vmem>> -> memref<40x144xf32, #tpu.memory_space<vmem>>
        %swap3A_1066 = arith.index_cast %scan3A_1039 : i32 to index
        %swap3A_1067 = arith.constant 128 : index
        %swap3A_1068 = tpu.vector_load %swap3A_1065[%swap3A_1066, %swap3A_1067] {strides = array<i32>} : memref<40x144xf32, #tpu.memory_space<vmem>>, vector<1x16xf32>,
        %swap3A_1069 = vector.shape_cast %swap3A_1068 : vector<1x16xf32> to vector<16xf32>
        %swap3A_1070 = vector.shape_cast %exp3A : vector<16xf32> to vector<1x16xf32>
        tpu.vector_store %swap3A_1065[%swap3A_1066, %swap3A_1067], %swap3A_1070 {strides = array<i32>} : memref<40x144xf32, #tpu.memory_space<vmem>>, vector<1x16xf32>,
        %get3A_1071 = arith.constant 0 : i32
        %get3A_1072 = arith.constant 0 : i32
        %get3A_1073 = tpu.memref_slice %arg10[%scan3A_844, %get3A_1071, %get3A_1072] : memref<5x40x144xf32, #tpu.memory_space<vmem>> -> memref<1x40x144xf32, #tpu.memory_space<vmem>>
        %get3A_1074 = tpu.memref_squeeze %get3A_1073 : memref<1x40x144xf32, #tpu.memory_space<vmem>> -> memref<40x144xf32, #tpu.memory_space<vmem>>
        %get3A_1075 = arith.index_cast %scan3A_1039 : i32 to index
        %get3A_1076 = arith.constant 0 : index
        %get3A_1077 = tpu.vector_load %get3A_1074[%get3A_1075, %get3A_1076] {strides = array<i32>} : memref<40x144xf32, #tpu.memory_space<vmem>>, vector<1x16xf32>,
        %get3A_1078 = vector.shape_cast %get3A_1077 : vector<1x16xf32> to vector<16xf32>
        %slice3A = vector.extract_strided_slice %exp3A {offsets = [0], sizes = [1], strides = [1]} : vector<16xf32> to vector<1xf32>
        %squeeze3A = vector.extract %slice3A[0] : f32 from vector<1xf32>
        %mul3A_1079 = vector.broadcast %squeeze3A : f32 to vector<16xf32>
        %mul3A_1080 = arith.mulf %get3A_1078, %mul3A_1079 : vector<16xf32>
        %swap3A_1081 = arith.constant 0 : i32
        %swap3A_1082 = arith.constant 0 : i32
        %swap3A_1083 = tpu.memref_slice %arg10[%scan3A_844, %swap3A_1081, %swap3A_1082] : memref<5x40x144xf32, #tpu.memory_space<vmem>> -> memref<1x40x144xf32, #tpu.memory_space<vmem>>
        %swap3A_1084 = tpu.memref_squeeze %swap3A_1083 : memref<1x40x144xf32, #tpu.memory_space<vmem>> -> memref<40x144xf32, #tpu.memory_space<vmem>>
        %swap3A_1085 = arith.index_cast %scan3A_1039 : i32 to index
        %swap3A_1086 = arith.constant 0 : index
        %swap3A_1087 = tpu.vector_load %swap3A_1084[%swap3A_1085, %swap3A_1086] {strides = array<i32>} : memref<40x144xf32, #tpu.memory_space<vmem>>, vector<1x16xf32>,
        %swap3A_1088 = vector.shape_cast %swap3A_1087 : vector<1x16xf32> to vector<16xf32>
        %swap3A_1089 = vector.shape_cast %mul3A_1080 : vector<16xf32> to vector<1x16xf32>
        tpu.vector_store %swap3A_1084[%swap3A_1085, %swap3A_1086], %swap3A_1089 {strides = array<i32>} : memref<40x144xf32, #tpu.memory_space<vmem>>, vector<1x16xf32>,
        %get3A_1090 = arith.constant 0 : i32
        %get3A_1091 = arith.constant 0 : i32
        %get3A_1092 = tpu.memref_slice %arg10[%scan3A_844, %get3A_1090, %get3A_1091] : memref<5x40x144xf32, #tpu.memory_space<vmem>> -> memref<1x40x144xf32, #tpu.memory_space<vmem>>
        %get3A_1093 = tpu.memref_squeeze %get3A_1092 : memref<1x40x144xf32, #tpu.memory_space<vmem>> -> memref<40x144xf32, #tpu.memory_space<vmem>>
        %get3A_1094 = arith.index_cast %scan3A_1039 : i32 to index
        %get3A_1095 = arith.constant 16 : index
        %get3A_1096 = tpu.vector_load %get3A_1093[%get3A_1094, %get3A_1095] {strides = array<i32>} : memref<40x144xf32, #tpu.memory_space<vmem>>, vector<1x16xf32>,
        %get3A_1097 = vector.shape_cast %get3A_1096 : vector<1x16xf32> to vector<16xf32>
        %slice3A_1098 = vector.extract_strided_slice %exp3A {offsets = [1], sizes = [1], strides = [1]} : vector<16xf32> to vector<1xf32>
        %squeeze3A_1099 = vector.extract %slice3A_1098[0] : f32 from vector<1xf32>
        %mul3A_1100 = vector.broadcast %squeeze3A_1099 : f32 to vector<16xf32>
        %mul3A_1101 = arith.mulf %get3A_1097, %mul3A_1100 : vector<16xf32>
        %swap3A_1102 = arith.constant 0 : i32
        %swap3A_1103 = arith.constant 0 : i32
        %swap3A_1104 = tpu.memref_slice %arg10[%scan3A_844, %swap3A_1102, %swap3A_1103] : memref<5x40x144xf32, #tpu.memory_space<vmem>> -> memref<1x40x144xf32, #tpu.memory_space<vmem>>
        %swap3A_1105 = tpu.memref_squeeze %swap3A_1104 : memref<1x40x144xf32, #tpu.memory_space<vmem>> -> memref<40x144xf32, #tpu.memory_space<vmem>>
        %swap3A_1106 = arith.index_cast %scan3A_1039 : i32 to index
        %swap3A_1107 = arith.constant 16 : index
        %swap3A_1108 = tpu.vector_load %swap3A_1105[%swap3A_1106, %swap3A_1107] {strides = array<i32>} : memref<40x144xf32, #tpu.memory_space<vmem>>, vector<1x16xf32>,
        %swap3A_1109 = vector.shape_cast %swap3A_1108 : vector<1x16xf32> to vector<16xf32>
        %swap3A_1110 = vector.shape_cast %mul3A_1101 : vector<16xf32> to vector<1x16xf32>
        tpu.vector_store %swap3A_1105[%swap3A_1106, %swap3A_1107], %swap3A_1110 {strides = array<i32>} : memref<40x144xf32, #tpu.memory_space<vmem>>, vector<1x16xf32>,
        %get3A_1111 = arith.constant 0 : i32
        %get3A_1112 = arith.constant 0 : i32
        %get3A_1113 = tpu.memref_slice %arg10[%scan3A_844, %get3A_1111, %get3A_1112] : memref<5x40x144xf32, #tpu.memory_space<vmem>> -> memref<1x40x144xf32, #tpu.memory_space<vmem>>
        %get3A_1114 = tpu.memref_squeeze %get3A_1113 : memref<1x40x144xf32, #tpu.memory_space<vmem>> -> memref<40x144xf32, #tpu.memory_space<vmem>>
        %get3A_1115 = arith.index_cast %scan3A_1039 : i32 to index
        %get3A_1116 = arith.constant 32 : index
        %get3A_1117 = tpu.vector_load %get3A_1114[%get3A_1115, %get3A_1116] {strides = array<i32>} : memref<40x144xf32, #tpu.memory_space<vmem>>, vector<1x16xf32>,
        %get3A_1118 = vector.shape_cast %get3A_1117 : vector<1x16xf32> to vector<16xf32>
        %slice3A_1119 = vector.extract_strided_slice %exp3A {offsets = [2], sizes = [1], strides = [1]} : vector<16xf32> to vector<1xf32>
        %squeeze3A_1120 = vector.extract %slice3A_1119[0] : f32 from vector<1xf32>
        %mul3A_1121 = vector.broadcast %squeeze3A_1120 : f32 to vector<16xf32>
        %mul3A_1122 = arith.mulf %get3A_1118, %mul3A_1121 : vector<16xf32>
        %swap3A_1123 = arith.constant 0 : i32
        %swap3A_1124 = arith.constant 0 : i32
        %swap3A_1125 = tpu.memref_slice %arg10[%scan3A_844, %swap3A_1123, %swap3A_1124] : memref<5x40x144xf32, #tpu.memory_space<vmem>> -> memref<1x40x144xf32, #tpu.memory_space<vmem>>
        %swap3A_1126 = tpu.memref_squeeze %swap3A_1125 : memref<1x40x144xf32, #tpu.memory_space<vmem>> -> memref<40x144xf32, #tpu.memory_space<vmem>>
        %swap3A_1127 = arith.index_cast %scan3A_1039 : i32 to index
        %swap3A_1128 = arith.constant 32 : index
        %swap3A_1129 = tpu.vector_load %swap3A_1126[%swap3A_1127, %swap3A_1128] {strides = array<i32>} : memref<40x144xf32, #tpu.memory_space<vmem>>, vector<1x16xf32>,
        %swap3A_1130 = vector.shape_cast %swap3A_1129 : vector<1x16xf32> to vector<16xf32>
        %swap3A_1131 = vector.shape_cast %mul3A_1122 : vector<16xf32> to vector<1x16xf32>
        tpu.vector_store %swap3A_1126[%swap3A_1127, %swap3A_1128], %swap3A_1131 {strides = array<i32>} : memref<40x144xf32, #tpu.memory_space<vmem>>, vector<1x16xf32>,
        %get3A_1132 = arith.constant 0 : i32
        %get3A_1133 = arith.constant 0 : i32
        %get3A_1134 = tpu.memref_slice %arg10[%scan3A_844, %get3A_1132, %get3A_1133] : memref<5x40x144xf32, #tpu.memory_space<vmem>> -> memref<1x40x144xf32, #tpu.memory_space<vmem>>
        %get3A_1135 = tpu.memref_squeeze %get3A_1134 : memref<1x40x144xf32, #tpu.memory_space<vmem>> -> memref<40x144xf32, #tpu.memory_space<vmem>>
        %get3A_1136 = arith.index_cast %scan3A_1039 : i32 to index
        %get3A_1137 = arith.constant 48 : index
        %get3A_1138 = tpu.vector_load %get3A_1135[%get3A_1136, %get3A_1137] {strides = array<i32>} : memref<40x144xf32, #tpu.memory_space<vmem>>, vector<1x16xf32>,
        %get3A_1139 = vector.shape_cast %get3A_1138 : vector<1x16xf32> to vector<16xf32>
        %slice3A_1140 = vector.extract_strided_slice %exp3A {offsets = [3], sizes = [1], strides = [1]} : vector<16xf32> to vector<1xf32>
        %squeeze3A_1141 = vector.extract %slice3A_1140[0] : f32 from vector<1xf32>
        %mul3A_1142 = vector.broadcast %squeeze3A_1141 : f32 to vector<16xf32>
        %mul3A_1143 = arith.mulf %get3A_1139, %mul3A_1142 : vector<16xf32>
        %swap3A_1144 = arith.constant 0 : i32
        %swap3A_1145 = arith.constant 0 : i32
        %swap3A_1146 = tpu.memref_slice %arg10[%scan3A_844, %swap3A_1144, %swap3A_1145] : memref<5x40x144xf32, #tpu.memory_space<vmem>> -> memref<1x40x144xf32, #tpu.memory_space<vmem>>
        %swap3A_1147 = tpu.memref_squeeze %swap3A_1146 : memref<1x40x144xf32, #tpu.memory_space<vmem>> -> memref<40x144xf32, #tpu.memory_space<vmem>>
        %swap3A_1148 = arith.index_cast %scan3A_1039 : i32 to index
        %swap3A_1149 = arith.constant 48 : index
        %swap3A_1150 = tpu.vector_load %swap3A_1147[%swap3A_1148, %swap3A_1149] {strides = array<i32>} : memref<40x144xf32, #tpu.memory_space<vmem>>, vector<1x16xf32>,
        %swap3A_1151 = vector.shape_cast %swap3A_1150 : vector<1x16xf32> to vector<16xf32>
        %swap3A_1152 = vector.shape_cast %mul3A_1143 : vector<16xf32> to vector<1x16xf32>
        tpu.vector_store %swap3A_1147[%swap3A_1148, %swap3A_1149], %swap3A_1152 {strides = array<i32>} : memref<40x144xf32, #tpu.memory_space<vmem>>, vector<1x16xf32>,
        %get3A_1153 = arith.constant 0 : i32
        %get3A_1154 = arith.constant 0 : i32
        %get3A_1155 = tpu.memref_slice %arg10[%scan3A_844, %get3A_1153, %get3A_1154] : memref<5x40x144xf32, #tpu.memory_space<vmem>> -> memref<1x40x144xf32, #tpu.memory_space<vmem>>
        %get3A_1156 = tpu.memref_squeeze %get3A_1155 : memref<1x40x144xf32, #tpu.memory_space<vmem>> -> memref<40x144xf32, #tpu.memory_space<vmem>>
        %get3A_1157 = arith.index_cast %scan3A_1039 : i32 to index
        %get3A_1158 = arith.constant 64 : index
        %get3A_1159 = tpu.vector_load %get3A_1156[%get3A_1157, %get3A_1158] {strides = array<i32>} : memref<40x144xf32, #tpu.memory_space<vmem>>, vector<1x16xf32>,
        %get3A_1160 = vector.shape_cast %get3A_1159 : vector<1x16xf32> to vector<16xf32>
        %slice3A_1161 = vector.extract_strided_slice %exp3A {offsets = [4], sizes = [1], strides = [1]} : vector<16xf32> to vector<1xf32>
        %squeeze3A_1162 = vector.extract %slice3A_1161[0] : f32 from vector<1xf32>
        %mul3A_1163 = vector.broadcast %squeeze3A_1162 : f32 to vector<16xf32>
        %mul3A_1164 = arith.mulf %get3A_1160, %mul3A_1163 : vector<16xf32>
        %swap3A_1165 = arith.constant 0 : i32
        %swap3A_1166 = arith.constant 0 : i32
        %swap3A_1167 = tpu.memref_slice %arg10[%scan3A_844, %swap3A_1165, %swap3A_1166] : memref<5x40x144xf32, #tpu.memory_space<vmem>> -> memref<1x40x144xf32, #tpu.memory_space<vmem>>
        %swap3A_1168 = tpu.memref_squeeze %swap3A_1167 : memref<1x40x144xf32, #tpu.memory_space<vmem>> -> memref<40x144xf32, #tpu.memory_space<vmem>>
        %swap3A_1169 = arith.index_cast %scan3A_1039 : i32 to index
        %swap3A_1170 = arith.constant 64 : index
        %swap3A_1171 = tpu.vector_load %swap3A_1168[%swap3A_1169, %swap3A_1170] {strides = array<i32>} : memref<40x144xf32, #tpu.memory_space<vmem>>, vector<1x16xf32>,
        %swap3A_1172 = vector.shape_cast %swap3A_1171 : vector<1x16xf32> to vector<16xf32>
        %swap3A_1173 = vector.shape_cast %mul3A_1164 : vector<16xf32> to vector<1x16xf32>
        tpu.vector_store %swap3A_1168[%swap3A_1169, %swap3A_1170], %swap3A_1173 {strides = array<i32>} : memref<40x144xf32, #tpu.memory_space<vmem>>, vector<1x16xf32>,
        %get3A_1174 = arith.constant 0 : i32
        %get3A_1175 = arith.constant 0 : i32
        %get3A_1176 = tpu.memref_slice %arg10[%scan3A_844, %get3A_1174, %get3A_1175] : memref<5x40x144xf32, #tpu.memory_space<vmem>> -> memref<1x40x144xf32, #tpu.memory_space<vmem>>
        %get3A_1177 = tpu.memref_squeeze %get3A_1176 : memref<1x40x144xf32, #tpu.memory_space<vmem>> -> memref<40x144xf32, #tpu.memory_space<vmem>>
        %get3A_1178 = arith.index_cast %scan3A_1039 : i32 to index
        %get3A_1179 = arith.constant 80 : index
        %get3A_1180 = tpu.vector_load %get3A_1177[%get3A_1178, %get3A_1179] {strides = array<i32>} : memref<40x144xf32, #tpu.memory_space<vmem>>, vector<1x16xf32>,
        %get3A_1181 = vector.shape_cast %get3A_1180 : vector<1x16xf32> to vector<16xf32>
        %slice3A_1182 = vector.extract_strided_slice %exp3A {offsets = [5], sizes = [1], strides = [1]} : vector<16xf32> to vector<1xf32>
        %squeeze3A_1183 = vector.extract %slice3A_1182[0] : f32 from vector<1xf32>
        %mul3A_1184 = vector.broadcast %squeeze3A_1183 : f32 to vector<16xf32>
        %mul3A_1185 = arith.mulf %get3A_1181, %mul3A_1184 : vector<16xf32>
        %swap3A_1186 = arith.constant 0 : i32
        %swap3A_1187 = arith.constant 0 : i32
        %swap3A_1188 = tpu.memref_slice %arg10[%scan3A_844, %swap3A_1186, %swap3A_1187] : memref<5x40x144xf32, #tpu.memory_space<vmem>> -> memref<1x40x144xf32, #tpu.memory_space<vmem>>
        %swap3A_1189 = tpu.memref_squeeze %swap3A_1188 : memref<1x40x144xf32, #tpu.memory_space<vmem>> -> memref<40x144xf32, #tpu.memory_space<vmem>>
        %swap3A_1190 = arith.index_cast %scan3A_1039 : i32 to index
        %swap3A_1191 = arith.constant 80 : index
        %swap3A_1192 = tpu.vector_load %swap3A_1189[%swap3A_1190, %swap3A_1191] {strides = array<i32>} : memref<40x144xf32, #tpu.memory_space<vmem>>, vector<1x16xf32>,
        %swap3A_1193 = vector.shape_cast %swap3A_1192 : vector<1x16xf32> to vector<16xf32>
        %swap3A_1194 = vector.shape_cast %mul3A_1185 : vector<16xf32> to vector<1x16xf32>
        tpu.vector_store %swap3A_1189[%swap3A_1190, %swap3A_1191], %swap3A_1194 {strides = array<i32>} : memref<40x144xf32, #tpu.memory_space<vmem>>, vector<1x16xf32>,
        %get3A_1195 = arith.constant 0 : i32
        %get3A_1196 = arith.constant 0 : i32
        %get3A_1197 = tpu.memref_slice %arg10[%scan3A_844, %get3A_1195, %get3A_1196] : memref<5x40x144xf32, #tpu.memory_space<vmem>> -> memref<1x40x144xf32, #tpu.memory_space<vmem>>
        %get3A_1198 = tpu.memref_squeeze %get3A_1197 : memref<1x40x144xf32, #tpu.memory_space<vmem>> -> memref<40x144xf32, #tpu.memory_space<vmem>>
        %get3A_1199 = arith.index_cast %scan3A_1039 : i32 to index
        %get3A_1200 = arith.constant 96 : index
        %get3A_1201 = tpu.vector_load %get3A_1198[%get3A_1199, %get3A_1200] {strides = array<i32>} : memref<40x144xf32, #tpu.memory_space<vmem>>, vector<1x16xf32>,
        %get3A_1202 = vector.shape_cast %get3A_1201 : vector<1x16xf32> to vector<16xf32>
        %slice3A_1203 = vector.extract_strided_slice %exp3A {offsets = [6], sizes = [1], strides = [1]} : vector<16xf32> to vector<1xf32>
        %squeeze3A_1204 = vector.extract %slice3A_1203[0] : f32 from vector<1xf32>
        %mul3A_1205 = vector.broadcast %squeeze3A_1204 : f32 to vector<16xf32>
        %mul3A_1206 = arith.mulf %get3A_1202, %mul3A_1205 : vector<16xf32>
        %swap3A_1207 = arith.constant 0 : i32
        %swap3A_1208 = arith.constant 0 : i32
        %swap3A_1209 = tpu.memref_slice %arg10[%scan3A_844, %swap3A_1207, %swap3A_1208] : memref<5x40x144xf32, #tpu.memory_space<vmem>> -> memref<1x40x144xf32, #tpu.memory_space<vmem>>
        %swap3A_1210 = tpu.memref_squeeze %swap3A_1209 : memref<1x40x144xf32, #tpu.memory_space<vmem>> -> memref<40x144xf32, #tpu.memory_space<vmem>>
        %swap3A_1211 = arith.index_cast %scan3A_1039 : i32 to index
        %swap3A_1212 = arith.constant 96 : index
        %swap3A_1213 = tpu.vector_load %swap3A_1210[%swap3A_1211, %swap3A_1212] {strides = array<i32>} : memref<40x144xf32, #tpu.memory_space<vmem>>, vector<1x16xf32>,
        %swap3A_1214 = vector.shape_cast %swap3A_1213 : vector<1x16xf32> to vector<16xf32>
        %swap3A_1215 = vector.shape_cast %mul3A_1206 : vector<16xf32> to vector<1x16xf32>
        tpu.vector_store %swap3A_1210[%swap3A_1211, %swap3A_1212], %swap3A_1215 {strides = array<i32>} : memref<40x144xf32, #tpu.memory_space<vmem>>, vector<1x16xf32>,
        %get3A_1216 = arith.constant 0 : i32
        %get3A_1217 = arith.constant 0 : i32
        %get3A_1218 = tpu.memref_slice %arg10[%scan3A_844, %get3A_1216, %get3A_1217] : memref<5x40x144xf32, #tpu.memory_space<vmem>> -> memref<1x40x144xf32, #tpu.memory_space<vmem>>
        %get3A_1219 = tpu.memref_squeeze %get3A_1218 : memref<1x40x144xf32, #tpu.memory_space<vmem>> -> memref<40x144xf32, #tpu.memory_space<vmem>>
        %get3A_1220 = arith.index_cast %scan3A_1039 : i32 to index
        %get3A_1221 = arith.constant 112 : index
        %get3A_1222 = tpu.vector_load %get3A_1219[%get3A_1220, %get3A_1221] {strides = array<i32>} : memref<40x144xf32, #tpu.memory_space<vmem>>, vector<1x16xf32>,
        %get3A_1223 = vector.shape_cast %get3A_1222 : vector<1x16xf32> to vector<16xf32>
        %slice3A_1224 = vector.extract_strided_slice %exp3A {offsets = [7], sizes = [1], strides = [1]} : vector<16xf32> to vector<1xf32>
        %squeeze3A_1225 = vector.extract %slice3A_1224[0] : f32 from vector<1xf32>
        %mul3A_1226 = vector.broadcast %squeeze3A_1225 : f32 to vector<16xf32>
        %mul3A_1227 = arith.mulf %get3A_1223, %mul3A_1226 : vector<16xf32>
        %swap3A_1228 = arith.constant 0 : i32
        %swap3A_1229 = arith.constant 0 : i32
        %swap3A_1230 = tpu.memref_slice %arg10[%scan3A_844, %swap3A_1228, %swap3A_1229] : memref<5x40x144xf32, #tpu.memory_space<vmem>> -> memref<1x40x144xf32, #tpu.memory_space<vmem>>
        %swap3A_1231 = tpu.memref_squeeze %swap3A_1230 : memref<1x40x144xf32, #tpu.memory_space<vmem>> -> memref<40x144xf32, #tpu.memory_space<vmem>>
        %swap3A_1232 = arith.index_cast %scan3A_1039 : i32 to index
        %swap3A_1233 = arith.constant 112 : index
        %swap3A_1234 = tpu.vector_load %swap3A_1231[%swap3A_1232, %swap3A_1233] {strides = array<i32>} : memref<40x144xf32, #tpu.memory_space<vmem>>, vector<1x16xf32>,
        %swap3A_1235 = vector.shape_cast %swap3A_1234 : vector<1x16xf32> to vector<16xf32>
        %swap3A_1236 = vector.shape_cast %mul3A_1227 : vector<16xf32> to vector<1x16xf32>
        tpu.vector_store %swap3A_1231[%swap3A_1232, %swap3A_1233], %swap3A_1236 {strides = array<i32>} : memref<40x144xf32, #tpu.memory_space<vmem>>, vector<1x16xf32>,
        %scan3A_1237 = arith.constant 0 : i32
        scf.yield %scan3A_1237 : i32
      }
      %scan3A_852 = arith.constant 40 : i32
      %dma_start3A_853 = arith.constant 2 : i32
      %dma_start3A_854 = arith.constant 2 : i32
      %dma_start3A_855 = arith.constant 2 : i32
      %dma_start3A_856 = arith.constant 0 : i32
      %dma_start3A_857 = arith.constant 0 : i32
      %dma_start3A_858 = tpu.memref_slice %arg10[%dma_start3A_853, %dma_start3A_856, %dma_start3A_857] : memref<5x40x144xf32, #tpu.memory_space<vmem>> -> memref<1x40x144xf32, #tpu.memory_space<vmem>>
      %dma_start3A_859 = tpu.memref_squeeze %dma_start3A_858 : memref<1x40x144xf32, #tpu.memory_space<vmem>> -> memref<40x144xf32, #tpu.memory_space<vmem>>
      %dma_start3A_860 = arith.constant 0 : i32
      %dma_start3A_861 = tpu.memref_slice %arg9[%dma_start3A_854, %dma_start3A_860] : memref<5x40xi32, #tpu.memory_space<vmem>> -> memref<1x40xi32, #tpu.memory_space<vmem>>
      %dma_start3A_862 = tpu.memref_squeeze %dma_start3A_861 : memref<1x40xi32, #tpu.memory_space<vmem>> -> memref<40xi32, #tpu.memory_space<vmem>>
      %dma_start3A_863 = arith.constant 0 : i32
      %dma_start3A_864 = arith.constant 0 : i32
      %dma_start3A_865 = tpu.memref_slice %arg7[%dma_start3A_863, %dma_start3A_864] : memref<10240x144xf32, #tpu.memory_space<vmem_shared>> -> memref<10240x144xf32, #tpu.memory_space<vmem_shared>>
      %dma_start3A_866 = tpu.memref_slice %arg14[%dma_start3A_855] : memref<5x!tpu.dma_semaphore, #tpu.memory_space<semaphore_mem>> -> memref<1x!tpu.dma_semaphore, #tpu.memory_space<semaphore_mem>>
      %dma_start3A_867 = tpu.memref_squeeze %dma_start3A_866 : memref<1x!tpu.dma_semaphore, #tpu.memory_space<semaphore_mem>> -> memref<!tpu.dma_semaphore, #tpu.memory_space<semaphore_mem>>
      tpu.enqueue_indirect_dma source(%dma_start3A_859 : memref<40x144xf32, #tpu.memory_space<vmem>>) target(%dma_start3A_865 : memref<10240x144xf32, #tpu.memory_space<vmem_shared>>) offsets(%dma_start3A_862 : memref<40xi32, #tpu.memory_space<vmem>>) semaphore(%dma_start3A_867 : memref<!tpu.dma_semaphore, #tpu.memory_space<semaphore_mem>>) {add = true}
      %add3A_868 = arith.constant 5 : i32
      %add3A_869 = arith.addi %add3A_813, %add3A_868 : i32
      %sub3A_870 = arith.constant 1 : i32
      %sub3A_871 = arith.subi %add3A_869, %sub3A_870 : i32
      %lt3A_872 = arith.constant 250 : i32
      %lt3A_873 = arith.cmpi slt, %sub3A_871, %lt3A_872 : i32
      %convert_element_type3A_874 = arith.extui %lt3A_873 : i1 to i32
      %cond3A_875 = arith.constant 0 : i32
      %cond3A_876 = arith.cmpi ne, %convert_element_type3A_874, %cond3A_875 : i32
      scf.if %cond3A_876 {
        %dma_wait3A_1039 = arith.constant 1 : i32
        %dma_wait3A_1040 = arith.constant 0 : i32
        %dma_wait3A_1041 = arith.constant 1 : i32
        %dma_wait3A_1042 = arith.constant 0 : i32
        %dma_wait3A_1043 = arith.constant 0 : i32
        %dma_wait3A_1044 = tpu.memref_slice %arg10[%dma_wait3A_1039, %dma_wait3A_1042, %dma_wait3A_1043] : memref<5x40x144xf32, #tpu.memory_space<vmem>> -> memref<1x40x144xf32, #tpu.memory_space<vmem>>
        %dma_wait3A_1045 = tpu.memref_squeeze %dma_wait3A_1044 : memref<1x40x144xf32, #tpu.memory_space<vmem>> -> memref<40x144xf32, #tpu.memory_space<vmem>>
        %dma_wait3A_1046 = arith.constant 0 : i32
        %dma_wait3A_1047 = tpu.memref_slice %arg9[%dma_wait3A_1040, %dma_wait3A_1046] : memref<5x40xi32, #tpu.memory_space<vmem>> -> memref<1x40xi32, #tpu.memory_space<vmem>>
        %dma_wait3A_1048 = tpu.memref_squeeze %dma_wait3A_1047 : memref<1x40xi32, #tpu.memory_space<vmem>> -> memref<40xi32, #tpu.memory_space<vmem>>
        %dma_wait3A_1049 = arith.constant 0 : i32
        %dma_wait3A_1050 = arith.constant 0 : i32
        %dma_wait3A_1051 = tpu.memref_slice %arg7[%dma_wait3A_1049, %dma_wait3A_1050] : memref<10240x144xf32, #tpu.memory_space<vmem_shared>> -> memref<10240x144xf32, #tpu.memory_space<vmem_shared>>
        %dma_wait3A_1052 = tpu.memref_slice %arg14[%dma_wait3A_1041] : memref<5x!tpu.dma_semaphore, #tpu.memory_space<semaphore_mem>> -> memref<1x!tpu.dma_semaphore, #tpu.memory_space<semaphore_mem>>
        %dma_wait3A_1053 = tpu.memref_squeeze %dma_wait3A_1052 : memref<1x!tpu.dma_semaphore, #tpu.memory_space<semaphore_mem>> -> memref<!tpu.dma_semaphore, #tpu.memory_space<semaphore_mem>>
        tpu.wait_indirect_dma semaphore(%dma_wait3A_1053 : memref<!tpu.dma_semaphore, #tpu.memory_space<semaphore_mem>>) src(%dma_wait3A_1045 : memref<40x144xf32, #tpu.memory_space<vmem>>) dst(%dma_wait3A_1051 : memref<10240x144xf32, #tpu.memory_space<vmem_shared>>)
        %dma_start3A_1054 = arith.constant 1 : i32
        %dma_start3A_1055 = arith.constant 1 : i32
        %dma_start3A_1056 = arith.constant 0 : i32
        %dma_start3A_1057 = tpu.memref_slice %arg8[%dma_start3A_1054, %dma_start3A_1056] : memref<5x40xi32, #tpu.memory_space<vmem>> -> memref<1x40xi32, #tpu.memory_space<vmem>>
        %dma_start3A_1058 = tpu.memref_squeeze %dma_start3A_1057 : memref<1x40xi32, #tpu.memory_space<vmem>> -> memref<40xi32, #tpu.memory_space<vmem>>
        %dma_start3A_1059 = arith.constant 0 : i32
        %dma_start3A_1060 = tpu.memref_slice %arg4[%add3A, %sub3A_871, %dma_start3A_1059] : memref<32x250x40xi32, #tpu.memory_space<hbm>> -> memref<1x1x40xi32, #tpu.memory_space<hbm>>
        %dma_start3A_1061 = tpu.memref_squeeze %dma_start3A_1060 : memref<1x1x40xi32, #tpu.memory_space<hbm>> -> memref<40xi32, #tpu.memory_space<hbm>>
        %dma_start3A_1062 = tpu.memref_slice %arg15[%dma_start3A_1055] : memref<5x!tpu.dma_semaphore, #tpu.memory_space<semaphore_mem>> -> memref<1x!tpu.dma_semaphore, #tpu.memory_space<semaphore_mem>>
        %dma_start3A_1063 = tpu.memref_squeeze %dma_start3A_1062 : memref<1x!tpu.dma_semaphore, #tpu.memory_space<semaphore_mem>> -> memref<!tpu.dma_semaphore, #tpu.memory_space<semaphore_mem>>
        %dma_start3A_1064 = arith.constant 0 : i32
        %dma_start3A_1065 = tpu.memref_slice %arg8[%dma_start3A_1054, %dma_start3A_1064] : memref<5x40xi32, #tpu.memory_space<vmem>> -> memref<1x40xi32, #tpu.memory_space<vmem>>
        %dma_start3A_1066 = tpu.memref_squeeze %dma_start3A_1065 : memref<1x40xi32, #tpu.memory_space<vmem>> -> memref<40xi32, #tpu.memory_space<vmem>>
        %dma_start3A_1067 = arith.constant 0 : i32
        %dma_start3A_1068 = tpu.memref_slice %arg4[%add3A, %sub3A_871, %dma_start3A_1067] : memref<32x250x40xi32, #tpu.memory_space<hbm>> -> memref<1x1x40xi32, #tpu.memory_space<hbm>>
        %dma_start3A_1069 = tpu.memref_squeeze %dma_start3A_1068 : memref<1x1x40xi32, #tpu.memory_space<hbm>> -> memref<40xi32, #tpu.memory_space<hbm>>
        tpu.enqueue_dma source(%dma_start3A_1069 : memref<40xi32, #tpu.memory_space<hbm>>) target(%dma_start3A_1066 : memref<40xi32, #tpu.memory_space<vmem>>) target_semaphore(%dma_start3A_1063 : memref<!tpu.dma_semaphore, #tpu.memory_space<semaphore_mem>>)
        %dma_start3A_1070 = arith.constant 1 : i32
        %dma_start3A_1071 = arith.constant 1 : i32
        %dma_start3A_1072 = arith.constant 0 : i32
        %dma_start3A_1073 = tpu.memref_slice %arg9[%dma_start3A_1070, %dma_start3A_1072] : memref<5x40xi32, #tpu.memory_space<vmem>> -> memref<1x40xi32, #tpu.memory_space<vmem>>
        %dma_start3A_1074 = tpu.memref_squeeze %dma_start3A_1073 : memref<1x40xi32, #tpu.memory_space<vmem>> -> memref<40xi32, #tpu.memory_space<vmem>>
        %dma_start3A_1075 = arith.constant 0 : i32
        %dma_start3A_1076 = tpu.memref_slice %arg5[%add3A, %sub3A_871, %dma_start3A_1075] : memref<32x250x40xi32, #tpu.memory_space<hbm>> -> memref<1x1x40xi32, #tpu.memory_space<hbm>>
        %dma_start3A_1077 = tpu.memref_squeeze %dma_start3A_1076 : memref<1x1x40xi32, #tpu.memory_space<hbm>> -> memref<40xi32, #tpu.memory_space<hbm>>
        %dma_start3A_1078 = tpu.memref_slice %arg15[%dma_start3A_1071] : memref<5x!tpu.dma_semaphore, #tpu.memory_space<semaphore_mem>> -> memref<1x!tpu.dma_semaphore, #tpu.memory_space<semaphore_mem>>
        %dma_start3A_1079 = tpu.memref_squeeze %dma_start3A_1078 : memref<1x!tpu.dma_semaphore, #tpu.memory_space<semaphore_mem>> -> memref<!tpu.dma_semaphore, #tpu.memory_space<semaphore_mem>>
        %dma_start3A_1080 = arith.constant 0 : i32
        %dma_start3A_1081 = tpu.memref_slice %arg9[%dma_start3A_1070, %dma_start3A_1080] : memref<5x40xi32, #tpu.memory_space<vmem>> -> memref<1x40xi32, #tpu.memory_space<vmem>>
        %dma_start3A_1082 = tpu.memref_squeeze %dma_start3A_1081 : memref<1x40xi32, #tpu.memory_space<vmem>> -> memref<40xi32, #tpu.memory_space<vmem>>
        %dma_start3A_1083 = arith.constant 0 : i32
        %dma_start3A_1084 = tpu.memref_slice %arg5[%add3A, %sub3A_871, %dma_start3A_1083] : memref<32x250x40xi32, #tpu.memory_space<hbm>> -> memref<1x1x40xi32, #tpu.memory_space<hbm>>
        %dma_start3A_1085 = tpu.memref_squeeze %dma_start3A_1084 : memref<1x1x40xi32, #tpu.memory_space<hbm>> -> memref<40xi32, #tpu.memory_space<hbm>>
        tpu.enqueue_dma source(%dma_start3A_1085 : memref<40xi32, #tpu.memory_space<hbm>>) target(%dma_start3A_1082 : memref<40xi32, #tpu.memory_space<vmem>>) target_semaphore(%dma_start3A_1079 : memref<!tpu.dma_semaphore, #tpu.memory_space<semaphore_mem>>)
      } else {
      }
      %add3A_877 = arith.constant 5 : i32
      %add3A_878 = arith.addi %add3A_813, %add3A_877 : i32
      %sub3A_879 = arith.constant 2 : i32
      %sub3A_880 = arith.subi %add3A_878, %sub3A_879 : i32
      %lt3A_881 = arith.constant 250 : i32
      %lt3A_882 = arith.cmpi slt, %sub3A_880, %lt3A_881 : i32
      %convert_element_type3A_883 = arith.extui %lt3A_882 : i1 to i32
      %cond3A_884 = arith.constant 0 : i32
      %cond3A_885 = arith.cmpi ne, %convert_element_type3A_883, %cond3A_884 : i32
      scf.if %cond3A_885 {
        %dma_wait3A_1039 = arith.constant 0 : i32
        %dma_wait3A_1040 = arith.constant 0 : i32
        %dma_wait3A_1041 = arith.constant 0 : i32
        %dma_wait3A_1042 = arith.constant 0 : i32
        %dma_wait3A_1043 = arith.constant 0 : i32
        %dma_wait3A_1044 = tpu.memref_slice %arg8[%dma_wait3A_1041, %dma_wait3A_1043] : memref<5x40xi32, #tpu.memory_space<vmem>> -> memref<1x40xi32, #tpu.memory_space<vmem>>
        %dma_wait3A_1045 = tpu.memref_squeeze %dma_wait3A_1044 : memref<1x40xi32, #tpu.memory_space<vmem>> -> memref<40xi32, #tpu.memory_space<vmem>>
        %dma_wait3A_1046 = arith.constant 0 : i32
        %dma_wait3A_1047 = tpu.memref_slice %arg4[%dma_wait3A_1039, %dma_wait3A_1040, %dma_wait3A_1046] : memref<32x250x40xi32, #tpu.memory_space<hbm>> -> memref<1x1x40xi32, #tpu.memory_space<hbm>>
        %dma_wait3A_1048 = tpu.memref_squeeze %dma_wait3A_1047 : memref<1x1x40xi32, #tpu.memory_space<hbm>> -> memref<40xi32, #tpu.memory_space<hbm>>
        %dma_wait3A_1049 = tpu.memref_slice %arg15[%dma_wait3A_1042] : memref<5x!tpu.dma_semaphore, #tpu.memory_space<semaphore_mem>> -> memref<1x!tpu.dma_semaphore, #tpu.memory_space<semaphore_mem>>
        %dma_wait3A_1050 = tpu.memref_squeeze %dma_wait3A_1049 : memref<1x!tpu.dma_semaphore, #tpu.memory_space<semaphore_mem>> -> memref<!tpu.dma_semaphore, #tpu.memory_space<semaphore_mem>>
        %dma_wait3A_1051 = arith.constant 0 : i32
        %dma_wait3A_1052 = tpu.memref_slice %arg8[%dma_wait3A_1041, %dma_wait3A_1051] : memref<5x40xi32, #tpu.memory_space<vmem>> -> memref<1x40xi32, #tpu.memory_space<vmem>>
        %dma_wait3A_1053 = tpu.memref_squeeze %dma_wait3A_1052 : memref<1x40xi32, #tpu.memory_space<vmem>> -> memref<40xi32, #tpu.memory_space<vmem>>
        %dma_wait3A_1054 = arith.constant 0 : i32
        %dma_wait3A_1055 = tpu.memref_slice %arg4[%dma_wait3A_1039, %dma_wait3A_1040, %dma_wait3A_1054] : memref<32x250x40xi32, #tpu.memory_space<hbm>> -> memref<1x1x40xi32, #tpu.memory_space<hbm>>
        %dma_wait3A_1056 = tpu.memref_squeeze %dma_wait3A_1055 : memref<1x1x40xi32, #tpu.memory_space<hbm>> -> memref<40xi32, #tpu.memory_space<hbm>>
        tpu.wait_dma2 semaphore(%dma_wait3A_1050 : memref<!tpu.dma_semaphore, #tpu.memory_space<semaphore_mem>>) src(%dma_wait3A_1056 : memref<40xi32, #tpu.memory_space<hbm>>) dst(%dma_wait3A_1053 : memref<40xi32, #tpu.memory_space<vmem>>)
        %dma_wait3A_1057 = arith.constant 0 : i32
        %dma_wait3A_1058 = arith.constant 0 : i32
        %dma_wait3A_1059 = arith.constant 0 : i32
        %dma_wait3A_1060 = arith.constant 0 : i32
        %dma_wait3A_1061 = arith.constant 0 : i32
        %dma_wait3A_1062 = tpu.memref_slice %arg9[%dma_wait3A_1059, %dma_wait3A_1061] : memref<5x40xi32, #tpu.memory_space<vmem>> -> memref<1x40xi32, #tpu.memory_space<vmem>>
        %dma_wait3A_1063 = tpu.memref_squeeze %dma_wait3A_1062 : memref<1x40xi32, #tpu.memory_space<vmem>> -> memref<40xi32, #tpu.memory_space<vmem>>
        %dma_wait3A_1064 = arith.constant 0 : i32
        %dma_wait3A_1065 = tpu.memref_slice %arg5[%dma_wait3A_1057, %dma_wait3A_1058, %dma_wait3A_1064] : memref<32x250x40xi32, #tpu.memory_space<hbm>> -> memref<1x1x40xi32, #tpu.memory_space<hbm>>
        %dma_wait3A_1066 = tpu.memref_squeeze %dma_wait3A_1065 : memref<1x1x40xi32, #tpu.memory_space<hbm>> -> memref<40xi32, #tpu.memory_space<hbm>>
        %dma_wait3A_1067 = tpu.memref_slice %arg15[%dma_wait3A_1060] : memref<5x!tpu.dma_semaphore, #tpu.memory_space<semaphore_mem>> -> memref<1x!tpu.dma_semaphore, #tpu.memory_space<semaphore_mem>>
        %dma_wait3A_1068 = tpu.memref_squeeze %dma_wait3A_1067 : memref<1x!tpu.dma_semaphore, #tpu.memory_space<semaphore_mem>> -> memref<!tpu.dma_semaphore, #tpu.memory_space<semaphore_mem>>
        %dma_wait3A_1069 = arith.constant 0 : i32
        %dma_wait3A_1070 = tpu.memref_slice %arg9[%dma_wait3A_1059, %dma_wait3A_1069] : memref<5x40xi32, #tpu.memory_space<vmem>> -> memref<1x40xi32, #tpu.memory_space<vmem>>
        %dma_wait3A_1071 = tpu.memref_squeeze %dma_wait3A_1070 : memref<1x40xi32, #tpu.memory_space<vmem>> -> memref<40xi32, #tpu.memory_space<vmem>>
        %dma_wait3A_1072 = arith.constant 0 : i32
        %dma_wait3A_1073 = tpu.memref_slice %arg5[%dma_wait3A_1057, %dma_wait3A_1058, %dma_wait3A_1072] : memref<32x250x40xi32, #tpu.memory_space<hbm>> -> memref<1x1x40xi32, #tpu.memory_space<hbm>>
        %dma_wait3A_1074 = tpu.memref_squeeze %dma_wait3A_1073 : memref<1x1x40xi32, #tpu.memory_space<hbm>> -> memref<40xi32, #tpu.memory_space<hbm>>
        tpu.wait_dma2 semaphore(%dma_wait3A_1068 : memref<!tpu.dma_semaphore, #tpu.memory_space<semaphore_mem>>) src(%dma_wait3A_1074 : memref<40xi32, #tpu.memory_space<hbm>>) dst(%dma_wait3A_1071 : memref<40xi32, #tpu.memory_space<vmem>>)
        %dma_start3A_1075 = arith.constant 0 : i32
        %dma_start3A_1076 = arith.constant 0 : i32
        %dma_start3A_1077 = arith.constant 0 : i32
        %dma_start3A_1078 = arith.constant 0 : i32
        %dma_start3A_1079 = arith.constant 0 : i32
        %dma_start3A_1080 = tpu.memref_slice %arg10[%dma_start3A_1076, %dma_start3A_1078, %dma_start3A_1079] : memref<5x40x144xf32, #tpu.memory_space<vmem>> -> memref<1x40x144xf32, #tpu.memory_space<vmem>>
        %dma_start3A_1081 = tpu.memref_squeeze %dma_start3A_1080 : memref<1x40x144xf32, #tpu.memory_space<vmem>> -> memref<40x144xf32, #tpu.memory_space<vmem>>
        %dma_start3A_1082 = arith.constant 0 : i32
        %dma_start3A_1083 = tpu.memref_slice %arg8[%dma_start3A_1075, %dma_start3A_1082] : memref<5x40xi32, #tpu.memory_space<vmem>> -> memref<1x40xi32, #tpu.memory_space<vmem>>
        %dma_start3A_1084 = tpu.memref_squeeze %dma_start3A_1083 : memref<1x40xi32, #tpu.memory_space<vmem>> -> memref<40xi32, #tpu.memory_space<vmem>>
        %dma_start3A_1085 = arith.constant 0 : i32
        %dma_start3A_1086 = arith.constant 0 : i32
        %dma_start3A_1087 = tpu.memref_slice %arg2[%dma_start3A_1085, %dma_start3A_1086] : memref<10240x144xf32, #tpu.memory_space<hbm>> -> memref<10240x144xf32, #tpu.memory_space<hbm>>
        %dma_start3A_1088 = tpu.memref_slice %arg12[%dma_start3A_1077] : memref<5x!tpu.dma_semaphore, #tpu.memory_space<semaphore_mem>> -> memref<1x!tpu.dma_semaphore, #tpu.memory_space<semaphore_mem>>
        %dma_start3A_1089 = tpu.memref_squeeze %dma_start3A_1088 : memref<1x!tpu.dma_semaphore, #tpu.memory_space<semaphore_mem>> -> memref<!tpu.dma_semaphore, #tpu.memory_space<semaphore_mem>>
        tpu.enqueue_indirect_dma source(%dma_start3A_1087 : memref<10240x144xf32, #tpu.memory_space<hbm>>) target(%dma_start3A_1081 : memref<40x144xf32, #tpu.memory_space<vmem>>) offsets(%dma_start3A_1084 : memref<40xi32, #tpu.memory_space<vmem>>) semaphore(%dma_start3A_1089 : memref<!tpu.dma_semaphore, #tpu.memory_space<semaphore_mem>>)
        %dma_start3A_1090 = arith.constant 0 : i32
        %dma_start3A_1091 = arith.constant 0 : i32
        %dma_start3A_1092 = arith.constant 0 : i32
        %dma_start3A_1093 = arith.constant 0 : i32
        %dma_start3A_1094 = arith.constant 0 : i32
        %dma_start3A_1095 = tpu.memref_slice %arg11[%dma_start3A_1091, %dma_start3A_1093, %dma_start3A_1094] : memref<5x40x16xf32, #tpu.memory_space<vmem>> -> memref<1x40x16xf32, #tpu.memory_space<vmem>>
        %dma_start3A_1096 = tpu.memref_squeeze %dma_start3A_1095 : memref<1x40x16xf32, #tpu.memory_space<vmem>> -> memref<40x16xf32, #tpu.memory_space<vmem>>
        %dma_start3A_1097 = arith.constant 0 : i32
        %dma_start3A_1098 = tpu.memref_slice %arg9[%dma_start3A_1090, %dma_start3A_1097] : memref<5x40xi32, #tpu.memory_space<vmem>> -> memref<1x40xi32, #tpu.memory_space<vmem>>
        %dma_start3A_1099 = tpu.memref_squeeze %dma_start3A_1098 : memref<1x40xi32, #tpu.memory_space<vmem>> -> memref<40xi32, #tpu.memory_space<vmem>>
        %dma_start3A_1100 = arith.constant 0 : i32
        %dma_start3A_1101 = arith.constant 0 : i32
        %dma_start3A_1102 = tpu.memref_slice %arg3[%dma_start3A_1100, %dma_start3A_1101] : memref<10240x16xf32, #tpu.memory_space<hbm>> -> memref<10240x16xf32, #tpu.memory_space<hbm>>
        %dma_start3A_1103 = tpu.memref_slice %arg13[%dma_start3A_1092] : memref<5x!tpu.dma_semaphore, #tpu.memory_space<semaphore_mem>> -> memref<1x!tpu.dma_semaphore, #tpu.memory_space<semaphore_mem>>
        %dma_start3A_1104 = tpu.memref_squeeze %dma_start3A_1103 : memref<1x!tpu.dma_semaphore, #tpu.memory_space<semaphore_mem>> -> memref<!tpu.dma_semaphore, #tpu.memory_space<semaphore_mem>>
        tpu.enqueue_indirect_dma source(%dma_start3A_1102 : memref<10240x16xf32, #tpu.memory_space<hbm>>) target(%dma_start3A_1096 : memref<40x16xf32, #tpu.memory_space<vmem>>) offsets(%dma_start3A_1099 : memref<40xi32, #tpu.memory_space<vmem>>) semaphore(%dma_start3A_1104 : memref<!tpu.dma_semaphore, #tpu.memory_space<semaphore_mem>>)
      } else {
      }
      %mul3A_886 = arith.constant 5 : i32
      %mul3A_887 = arith.muli %scan3A_507, %mul3A_886 : i32
      %add3A_888 = arith.constant 3 : i32
      %add3A_889 = arith.addi %mul3A_887, %add3A_888 : i32
      %dma_wait3A_890 = arith.constant 3 : i32
      %dma_wait3A_891 = arith.constant 3 : i32
      %dma_wait3A_892 = arith.constant 3 : i32
      %dma_wait3A_893 = arith.constant 0 : i32
      %dma_wait3A_894 = arith.constant 0 : i32
      %dma_wait3A_895 = tpu.memref_slice %arg10[%dma_wait3A_891, %dma_wait3A_893, %dma_wait3A_894] : memref<5x40x144xf32, #tpu.memory_space<vmem>> -> memref<1x40x144xf32, #tpu.memory_space<vmem>>
      %dma_wait3A_896 = tpu.memref_squeeze %dma_wait3A_895 : memref<1x40x144xf32, #tpu.memory_space<vmem>> -> memref<40x144xf32, #tpu.memory_space<vmem>>
      %dma_wait3A_897 = arith.constant 0 : i32
      %dma_wait3A_898 = tpu.memref_slice %arg8[%dma_wait3A_890, %dma_wait3A_897] : memref<5x40xi32, #tpu.memory_space<vmem>> -> memref<1x40xi32, #tpu.memory_space<vmem>>
      %dma_wait3A_899 = tpu.memref_squeeze %dma_wait3A_898 : memref<1x40xi32, #tpu.memory_space<vmem>> -> memref<40xi32, #tpu.memory_space<vmem>>
      %dma_wait3A_900 = arith.constant 0 : i32
      %dma_wait3A_901 = arith.constant 0 : i32
      %dma_wait3A_902 = tpu.memref_slice %arg2[%dma_wait3A_900, %dma_wait3A_901] : memref<10240x144xf32, #tpu.memory_space<hbm>> -> memref<10240x144xf32, #tpu.memory_space<hbm>>
      %dma_wait3A_903 = tpu.memref_slice %arg12[%dma_wait3A_892] : memref<5x!tpu.dma_semaphore, #tpu.memory_space<semaphore_mem>> -> memref<1x!tpu.dma_semaphore, #tpu.memory_space<semaphore_mem>>
      %dma_wait3A_904 = tpu.memref_squeeze %dma_wait3A_903 : memref<1x!tpu.dma_semaphore, #tpu.memory_space<semaphore_mem>> -> memref<!tpu.dma_semaphore, #tpu.memory_space<semaphore_mem>>
      tpu.wait_indirect_dma semaphore(%dma_wait3A_904 : memref<!tpu.dma_semaphore, #tpu.memory_space<semaphore_mem>>) src(%dma_wait3A_902 : memref<10240x144xf32, #tpu.memory_space<hbm>>) dst(%dma_wait3A_896 : memref<40x144xf32, #tpu.memory_space<vmem>>)
      %dma_wait3A_905 = arith.constant 3 : i32
      %dma_wait3A_906 = arith.constant 3 : i32
      %dma_wait3A_907 = arith.constant 3 : i32
      %dma_wait3A_908 = arith.constant 0 : i32
      %dma_wait3A_909 = arith.constant 0 : i32
      %dma_wait3A_910 = tpu.memref_slice %arg11[%dma_wait3A_906, %dma_wait3A_908, %dma_wait3A_909] : memref<5x40x16xf32, #tpu.memory_space<vmem>> -> memref<1x40x16xf32, #tpu.memory_space<vmem>>
      %dma_wait3A_911 = tpu.memref_squeeze %dma_wait3A_910 : memref<1x40x16xf32, #tpu.memory_space<vmem>> -> memref<40x16xf32, #tpu.memory_space<vmem>>
      %dma_wait3A_912 = arith.constant 0 : i32
      %dma_wait3A_913 = tpu.memref_slice %arg9[%dma_wait3A_905, %dma_wait3A_912] : memref<5x40xi32, #tpu.memory_space<vmem>> -> memref<1x40xi32, #tpu.memory_space<vmem>>
      %dma_wait3A_914 = tpu.memref_squeeze %dma_wait3A_913 : memref<1x40xi32, #tpu.memory_space<vmem>> -> memref<40xi32, #tpu.memory_space<vmem>>
      %dma_wait3A_915 = arith.constant 0 : i32
      %dma_wait3A_916 = arith.constant 0 : i32
      %dma_wait3A_917 = tpu.memref_slice %arg3[%dma_wait3A_915, %dma_wait3A_916] : memref<10240x16xf32, #tpu.memory_space<hbm>> -> memref<10240x16xf32, #tpu.memory_space<hbm>>
      %dma_wait3A_918 = tpu.memref_slice %arg13[%dma_wait3A_907] : memref<5x!tpu.dma_semaphore, #tpu.memory_space<semaphore_mem>> -> memref<1x!tpu.dma_semaphore, #tpu.memory_space<semaphore_mem>>
      %dma_wait3A_919 = tpu.memref_squeeze %dma_wait3A_918 : memref<1x!tpu.dma_semaphore, #tpu.memory_space<semaphore_mem>> -> memref<!tpu.dma_semaphore, #tpu.memory_space<semaphore_mem>>
      tpu.wait_indirect_dma semaphore(%dma_wait3A_919 : memref<!tpu.dma_semaphore, #tpu.memory_space<semaphore_mem>>) src(%dma_wait3A_917 : memref<10240x16xf32, #tpu.memory_space<hbm>>) dst(%dma_wait3A_911 : memref<40x16xf32, #tpu.memory_space<vmem>>)
      %scan3A_920 = arith.constant 3 : i32
      %scan3A_921 = arith.constant 3 : i32
      %scan3A_922 = arith.constant 0 : i32
      %scan3A_923 = arith.constant 0 : i32
      %scan3A_924 = arith.constant 40 : i32
      %scan3A_925 = arith.addi %scan3A_923, %scan3A_924 : i32
      %scan3A_926 = arith.constant 1 : i32
      %scan3A_927 = scf.for %scan3A_1039 = %scan3A_923 to %scan3A_925 step %scan3A_926 iter_args(%scan3A_1040 = %scan3A_922) -> (i32)  : i32 {
        %get3A = arith.constant 0 : i32
        %get3A_1041 = arith.constant 0 : i32
        %get3A_1042 = tpu.memref_slice %arg10[%scan3A_920, %get3A, %get3A_1041] : memref<5x40x144xf32, #tpu.memory_space<vmem>> -> memref<1x40x144xf32, #tpu.memory_space<vmem>>
        %get3A_1043 = tpu.memref_squeeze %get3A_1042 : memref<1x40x144xf32, #tpu.memory_space<vmem>> -> memref<40x144xf32, #tpu.memory_space<vmem>>
        %get3A_1044 = arith.index_cast %scan3A_1039 : i32 to index
        %get3A_1045 = arith.constant 128 : index
        %get3A_1046 = tpu.vector_load %get3A_1043[%get3A_1044, %get3A_1045] {strides = array<i32>} : memref<40x144xf32, #tpu.memory_space<vmem>>, vector<1x16xf32>,
        %get3A_1047 = vector.shape_cast %get3A_1046 : vector<1x16xf32> to vector<16xf32>
        %get3A_1048 = arith.constant 0 : i32
        %get3A_1049 = arith.constant 0 : i32
        %get3A_1050 = tpu.memref_slice %arg11[%scan3A_921, %get3A_1048, %get3A_1049] : memref<5x40x16xf32, #tpu.memory_space<vmem>> -> memref<1x40x16xf32, #tpu.memory_space<vmem>>
        %get3A_1051 = tpu.memref_squeeze %get3A_1050 : memref<1x40x16xf32, #tpu.memory_space<vmem>> -> memref<40x16xf32, #tpu.memory_space<vmem>>
        %get3A_1052 = arith.index_cast %scan3A_1039 : i32 to index
        %get3A_1053 = arith.constant 0 : index
        %get3A_1054 = tpu.vector_load %get3A_1051[%get3A_1052, %get3A_1053] {strides = array<i32>} : memref<40x16xf32, #tpu.memory_space<vmem>>, vector<1x16xf32>,
        %get3A_1055 = vector.shape_cast %get3A_1054 : vector<1x16xf32> to vector<16xf32>
        %add3A_1056 = arith.addf %get3A_1047, %get3A_1055 : vector<16xf32>
        %gt3A_1057 = arith.constant 0.000000e+00 : f32
        %gt3A_1058 = vector.broadcast %gt3A_1057 : f32 to vector<16xf32>
        %gt3A_1059 = arith.cmpf ogt, %add3A_1056, %gt3A_1058 : vector<16xf32>
        %mul3A_1060 = arith.constant 2.000000e-01 : f32
        %mul3A_1061 = vector.broadcast %mul3A_1060 : f32 to vector<16xf32>
        %mul3A_1062 = arith.mulf %mul3A_1061, %add3A_1056 : vector<16xf32>
        %select_n3A = arith.select %gt3A_1059, %add3A_1056, %mul3A_1062 : vector<16xi1>, vector<16xf32>
        %exp3A = math.exp %select_n3A : vector<16xf32>
        %swap3A = arith.constant 0 : i32
        %swap3A_1063 = arith.constant 0 : i32
        %swap3A_1064 = tpu.memref_slice %arg10[%scan3A_920, %swap3A, %swap3A_1063] : memref<5x40x144xf32, #tpu.memory_space<vmem>> -> memref<1x40x144xf32, #tpu.memory_space<vmem>>
        %swap3A_1065 = tpu.memref_squeeze %swap3A_1064 : memref<1x40x144xf32, #tpu.memory_space<vmem>> -> memref<40x144xf32, #tpu.memory_space<vmem>>
        %swap3A_1066 = arith.index_cast %scan3A_1039 : i32 to index
        %swap3A_1067 = arith.constant 128 : index
        %swap3A_1068 = tpu.vector_load %swap3A_1065[%swap3A_1066, %swap3A_1067] {strides = array<i32>} : memref<40x144xf32, #tpu.memory_space<vmem>>, vector<1x16xf32>,
        %swap3A_1069 = vector.shape_cast %swap3A_1068 : vector<1x16xf32> to vector<16xf32>
        %swap3A_1070 = vector.shape_cast %exp3A : vector<16xf32> to vector<1x16xf32>
        tpu.vector_store %swap3A_1065[%swap3A_1066, %swap3A_1067], %swap3A_1070 {strides = array<i32>} : memref<40x144xf32, #tpu.memory_space<vmem>>, vector<1x16xf32>,
        %get3A_1071 = arith.constant 0 : i32
        %get3A_1072 = arith.constant 0 : i32
        %get3A_1073 = tpu.memref_slice %arg10[%scan3A_920, %get3A_1071, %get3A_1072] : memref<5x40x144xf32, #tpu.memory_space<vmem>> -> memref<1x40x144xf32, #tpu.memory_space<vmem>>
        %get3A_1074 = tpu.memref_squeeze %get3A_1073 : memref<1x40x144xf32, #tpu.memory_space<vmem>> -> memref<40x144xf32, #tpu.memory_space<vmem>>
        %get3A_1075 = arith.index_cast %scan3A_1039 : i32 to index
        %get3A_1076 = arith.constant 0 : index
        %get3A_1077 = tpu.vector_load %get3A_1074[%get3A_1075, %get3A_1076] {strides = array<i32>} : memref<40x144xf32, #tpu.memory_space<vmem>>, vector<1x16xf32>,
        %get3A_1078 = vector.shape_cast %get3A_1077 : vector<1x16xf32> to vector<16xf32>
        %slice3A = vector.extract_strided_slice %exp3A {offsets = [0], sizes = [1], strides = [1]} : vector<16xf32> to vector<1xf32>
        %squeeze3A = vector.extract %slice3A[0] : f32 from vector<1xf32>
        %mul3A_1079 = vector.broadcast %squeeze3A : f32 to vector<16xf32>
        %mul3A_1080 = arith.mulf %get3A_1078, %mul3A_1079 : vector<16xf32>
        %swap3A_1081 = arith.constant 0 : i32
        %swap3A_1082 = arith.constant 0 : i32
        %swap3A_1083 = tpu.memref_slice %arg10[%scan3A_920, %swap3A_1081, %swap3A_1082] : memref<5x40x144xf32, #tpu.memory_space<vmem>> -> memref<1x40x144xf32, #tpu.memory_space<vmem>>
        %swap3A_1084 = tpu.memref_squeeze %swap3A_1083 : memref<1x40x144xf32, #tpu.memory_space<vmem>> -> memref<40x144xf32, #tpu.memory_space<vmem>>
        %swap3A_1085 = arith.index_cast %scan3A_1039 : i32 to index
        %swap3A_1086 = arith.constant 0 : index
        %swap3A_1087 = tpu.vector_load %swap3A_1084[%swap3A_1085, %swap3A_1086] {strides = array<i32>} : memref<40x144xf32, #tpu.memory_space<vmem>>, vector<1x16xf32>,
        %swap3A_1088 = vector.shape_cast %swap3A_1087 : vector<1x16xf32> to vector<16xf32>
        %swap3A_1089 = vector.shape_cast %mul3A_1080 : vector<16xf32> to vector<1x16xf32>
        tpu.vector_store %swap3A_1084[%swap3A_1085, %swap3A_1086], %swap3A_1089 {strides = array<i32>} : memref<40x144xf32, #tpu.memory_space<vmem>>, vector<1x16xf32>,
        %get3A_1090 = arith.constant 0 : i32
        %get3A_1091 = arith.constant 0 : i32
        %get3A_1092 = tpu.memref_slice %arg10[%scan3A_920, %get3A_1090, %get3A_1091] : memref<5x40x144xf32, #tpu.memory_space<vmem>> -> memref<1x40x144xf32, #tpu.memory_space<vmem>>
        %get3A_1093 = tpu.memref_squeeze %get3A_1092 : memref<1x40x144xf32, #tpu.memory_space<vmem>> -> memref<40x144xf32, #tpu.memory_space<vmem>>
        %get3A_1094 = arith.index_cast %scan3A_1039 : i32 to index
        %get3A_1095 = arith.constant 16 : index
        %get3A_1096 = tpu.vector_load %get3A_1093[%get3A_1094, %get3A_1095] {strides = array<i32>} : memref<40x144xf32, #tpu.memory_space<vmem>>, vector<1x16xf32>,
        %get3A_1097 = vector.shape_cast %get3A_1096 : vector<1x16xf32> to vector<16xf32>
        %slice3A_1098 = vector.extract_strided_slice %exp3A {offsets = [1], sizes = [1], strides = [1]} : vector<16xf32> to vector<1xf32>
        %squeeze3A_1099 = vector.extract %slice3A_1098[0] : f32 from vector<1xf32>
        %mul3A_1100 = vector.broadcast %squeeze3A_1099 : f32 to vector<16xf32>
        %mul3A_1101 = arith.mulf %get3A_1097, %mul3A_1100 : vector<16xf32>
        %swap3A_1102 = arith.constant 0 : i32
        %swap3A_1103 = arith.constant 0 : i32
        %swap3A_1104 = tpu.memref_slice %arg10[%scan3A_920, %swap3A_1102, %swap3A_1103] : memref<5x40x144xf32, #tpu.memory_space<vmem>> -> memref<1x40x144xf32, #tpu.memory_space<vmem>>
        %swap3A_1105 = tpu.memref_squeeze %swap3A_1104 : memref<1x40x144xf32, #tpu.memory_space<vmem>> -> memref<40x144xf32, #tpu.memory_space<vmem>>
        %swap3A_1106 = arith.index_cast %scan3A_1039 : i32 to index
        %swap3A_1107 = arith.constant 16 : index
        %swap3A_1108 = tpu.vector_load %swap3A_1105[%swap3A_1106, %swap3A_1107] {strides = array<i32>} : memref<40x144xf32, #tpu.memory_space<vmem>>, vector<1x16xf32>,
        %swap3A_1109 = vector.shape_cast %swap3A_1108 : vector<1x16xf32> to vector<16xf32>
        %swap3A_1110 = vector.shape_cast %mul3A_1101 : vector<16xf32> to vector<1x16xf32>
        tpu.vector_store %swap3A_1105[%swap3A_1106, %swap3A_1107], %swap3A_1110 {strides = array<i32>} : memref<40x144xf32, #tpu.memory_space<vmem>>, vector<1x16xf32>,
        %get3A_1111 = arith.constant 0 : i32
        %get3A_1112 = arith.constant 0 : i32
        %get3A_1113 = tpu.memref_slice %arg10[%scan3A_920, %get3A_1111, %get3A_1112] : memref<5x40x144xf32, #tpu.memory_space<vmem>> -> memref<1x40x144xf32, #tpu.memory_space<vmem>>
        %get3A_1114 = tpu.memref_squeeze %get3A_1113 : memref<1x40x144xf32, #tpu.memory_space<vmem>> -> memref<40x144xf32, #tpu.memory_space<vmem>>
        %get3A_1115 = arith.index_cast %scan3A_1039 : i32 to index
        %get3A_1116 = arith.constant 32 : index
        %get3A_1117 = tpu.vector_load %get3A_1114[%get3A_1115, %get3A_1116] {strides = array<i32>} : memref<40x144xf32, #tpu.memory_space<vmem>>, vector<1x16xf32>,
        %get3A_1118 = vector.shape_cast %get3A_1117 : vector<1x16xf32> to vector<16xf32>
        %slice3A_1119 = vector.extract_strided_slice %exp3A {offsets = [2], sizes = [1], strides = [1]} : vector<16xf32> to vector<1xf32>
        %squeeze3A_1120 = vector.extract %slice3A_1119[0] : f32 from vector<1xf32>
        %mul3A_1121 = vector.broadcast %squeeze3A_1120 : f32 to vector<16xf32>
        %mul3A_1122 = arith.mulf %get3A_1118, %mul3A_1121 : vector<16xf32>
        %swap3A_1123 = arith.constant 0 : i32
        %swap3A_1124 = arith.constant 0 : i32
        %swap3A_1125 = tpu.memref_slice %arg10[%scan3A_920, %swap3A_1123, %swap3A_1124] : memref<5x40x144xf32, #tpu.memory_space<vmem>> -> memref<1x40x144xf32, #tpu.memory_space<vmem>>
        %swap3A_1126 = tpu.memref_squeeze %swap3A_1125 : memref<1x40x144xf32, #tpu.memory_space<vmem>> -> memref<40x144xf32, #tpu.memory_space<vmem>>
        %swap3A_1127 = arith.index_cast %scan3A_1039 : i32 to index
        %swap3A_1128 = arith.constant 32 : index
        %swap3A_1129 = tpu.vector_load %swap3A_1126[%swap3A_1127, %swap3A_1128] {strides = array<i32>} : memref<40x144xf32, #tpu.memory_space<vmem>>, vector<1x16xf32>,
        %swap3A_1130 = vector.shape_cast %swap3A_1129 : vector<1x16xf32> to vector<16xf32>
        %swap3A_1131 = vector.shape_cast %mul3A_1122 : vector<16xf32> to vector<1x16xf32>
        tpu.vector_store %swap3A_1126[%swap3A_1127, %swap3A_1128], %swap3A_1131 {strides = array<i32>} : memref<40x144xf32, #tpu.memory_space<vmem>>, vector<1x16xf32>,
        %get3A_1132 = arith.constant 0 : i32
        %get3A_1133 = arith.constant 0 : i32
        %get3A_1134 = tpu.memref_slice %arg10[%scan3A_920, %get3A_1132, %get3A_1133] : memref<5x40x144xf32, #tpu.memory_space<vmem>> -> memref<1x40x144xf32, #tpu.memory_space<vmem>>
        %get3A_1135 = tpu.memref_squeeze %get3A_1134 : memref<1x40x144xf32, #tpu.memory_space<vmem>> -> memref<40x144xf32, #tpu.memory_space<vmem>>
        %get3A_1136 = arith.index_cast %scan3A_1039 : i32 to index
        %get3A_1137 = arith.constant 48 : index
        %get3A_1138 = tpu.vector_load %get3A_1135[%get3A_1136, %get3A_1137] {strides = array<i32>} : memref<40x144xf32, #tpu.memory_space<vmem>>, vector<1x16xf32>,
        %get3A_1139 = vector.shape_cast %get3A_1138 : vector<1x16xf32> to vector<16xf32>
        %slice3A_1140 = vector.extract_strided_slice %exp3A {offsets = [3], sizes = [1], strides = [1]} : vector<16xf32> to vector<1xf32>
        %squeeze3A_1141 = vector.extract %slice3A_1140[0] : f32 from vector<1xf32>
        %mul3A_1142 = vector.broadcast %squeeze3A_1141 : f32 to vector<16xf32>
        %mul3A_1143 = arith.mulf %get3A_1139, %mul3A_1142 : vector<16xf32>
        %swap3A_1144 = arith.constant 0 : i32
        %swap3A_1145 = arith.constant 0 : i32
        %swap3A_1146 = tpu.memref_slice %arg10[%scan3A_920, %swap3A_1144, %swap3A_1145] : memref<5x40x144xf32, #tpu.memory_space<vmem>> -> memref<1x40x144xf32, #tpu.memory_space<vmem>>
        %swap3A_1147 = tpu.memref_squeeze %swap3A_1146 : memref<1x40x144xf32, #tpu.memory_space<vmem>> -> memref<40x144xf32, #tpu.memory_space<vmem>>
        %swap3A_1148 = arith.index_cast %scan3A_1039 : i32 to index
        %swap3A_1149 = arith.constant 48 : index
        %swap3A_1150 = tpu.vector_load %swap3A_1147[%swap3A_1148, %swap3A_1149] {strides = array<i32>} : memref<40x144xf32, #tpu.memory_space<vmem>>, vector<1x16xf32>,
        %swap3A_1151 = vector.shape_cast %swap3A_1150 : vector<1x16xf32> to vector<16xf32>
        %swap3A_1152 = vector.shape_cast %mul3A_1143 : vector<16xf32> to vector<1x16xf32>
        tpu.vector_store %swap3A_1147[%swap3A_1148, %swap3A_1149], %swap3A_1152 {strides = array<i32>} : memref<40x144xf32, #tpu.memory_space<vmem>>, vector<1x16xf32>,
        %get3A_1153 = arith.constant 0 : i32
        %get3A_1154 = arith.constant 0 : i32
        %get3A_1155 = tpu.memref_slice %arg10[%scan3A_920, %get3A_1153, %get3A_1154] : memref<5x40x144xf32, #tpu.memory_space<vmem>> -> memref<1x40x144xf32, #tpu.memory_space<vmem>>
        %get3A_1156 = tpu.memref_squeeze %get3A_1155 : memref<1x40x144xf32, #tpu.memory_space<vmem>> -> memref<40x144xf32, #tpu.memory_space<vmem>>
        %get3A_1157 = arith.index_cast %scan3A_1039 : i32 to index
        %get3A_1158 = arith.constant 64 : index
        %get3A_1159 = tpu.vector_load %get3A_1156[%get3A_1157, %get3A_1158] {strides = array<i32>} : memref<40x144xf32, #tpu.memory_space<vmem>>, vector<1x16xf32>,
        %get3A_1160 = vector.shape_cast %get3A_1159 : vector<1x16xf32> to vector<16xf32>
        %slice3A_1161 = vector.extract_strided_slice %exp3A {offsets = [4], sizes = [1], strides = [1]} : vector<16xf32> to vector<1xf32>
        %squeeze3A_1162 = vector.extract %slice3A_1161[0] : f32 from vector<1xf32>
        %mul3A_1163 = vector.broadcast %squeeze3A_1162 : f32 to vector<16xf32>
        %mul3A_1164 = arith.mulf %get3A_1160, %mul3A_1163 : vector<16xf32>
        %swap3A_1165 = arith.constant 0 : i32
        %swap3A_1166 = arith.constant 0 : i32
        %swap3A_1167 = tpu.memref_slice %arg10[%scan3A_920, %swap3A_1165, %swap3A_1166] : memref<5x40x144xf32, #tpu.memory_space<vmem>> -> memref<1x40x144xf32, #tpu.memory_space<vmem>>
        %swap3A_1168 = tpu.memref_squeeze %swap3A_1167 : memref<1x40x144xf32, #tpu.memory_space<vmem>> -> memref<40x144xf32, #tpu.memory_space<vmem>>
        %swap3A_1169 = arith.index_cast %scan3A_1039 : i32 to index
        %swap3A_1170 = arith.constant 64 : index
        %swap3A_1171 = tpu.vector_load %swap3A_1168[%swap3A_1169, %swap3A_1170] {strides = array<i32>} : memref<40x144xf32, #tpu.memory_space<vmem>>, vector<1x16xf32>,
        %swap3A_1172 = vector.shape_cast %swap3A_1171 : vector<1x16xf32> to vector<16xf32>
        %swap3A_1173 = vector.shape_cast %mul3A_1164 : vector<16xf32> to vector<1x16xf32>
        tpu.vector_store %swap3A_1168[%swap3A_1169, %swap3A_1170], %swap3A_1173 {strides = array<i32>} : memref<40x144xf32, #tpu.memory_space<vmem>>, vector<1x16xf32>,
        %get3A_1174 = arith.constant 0 : i32
        %get3A_1175 = arith.constant 0 : i32
        %get3A_1176 = tpu.memref_slice %arg10[%scan3A_920, %get3A_1174, %get3A_1175] : memref<5x40x144xf32, #tpu.memory_space<vmem>> -> memref<1x40x144xf32, #tpu.memory_space<vmem>>
        %get3A_1177 = tpu.memref_squeeze %get3A_1176 : memref<1x40x144xf32, #tpu.memory_space<vmem>> -> memref<40x144xf32, #tpu.memory_space<vmem>>
        %get3A_1178 = arith.index_cast %scan3A_1039 : i32 to index
        %get3A_1179 = arith.constant 80 : index
        %get3A_1180 = tpu.vector_load %get3A_1177[%get3A_1178, %get3A_1179] {strides = array<i32>} : memref<40x144xf32, #tpu.memory_space<vmem>>, vector<1x16xf32>,
        %get3A_1181 = vector.shape_cast %get3A_1180 : vector<1x16xf32> to vector<16xf32>
        %slice3A_1182 = vector.extract_strided_slice %exp3A {offsets = [5], sizes = [1], strides = [1]} : vector<16xf32> to vector<1xf32>
        %squeeze3A_1183 = vector.extract %slice3A_1182[0] : f32 from vector<1xf32>
        %mul3A_1184 = vector.broadcast %squeeze3A_1183 : f32 to vector<16xf32>
        %mul3A_1185 = arith.mulf %get3A_1181, %mul3A_1184 : vector<16xf32>
        %swap3A_1186 = arith.constant 0 : i32
        %swap3A_1187 = arith.constant 0 : i32
        %swap3A_1188 = tpu.memref_slice %arg10[%scan3A_920, %swap3A_1186, %swap3A_1187] : memref<5x40x144xf32, #tpu.memory_space<vmem>> -> memref<1x40x144xf32, #tpu.memory_space<vmem>>
        %swap3A_1189 = tpu.memref_squeeze %swap3A_1188 : memref<1x40x144xf32, #tpu.memory_space<vmem>> -> memref<40x144xf32, #tpu.memory_space<vmem>>
        %swap3A_1190 = arith.index_cast %scan3A_1039 : i32 to index
        %swap3A_1191 = arith.constant 80 : index
        %swap3A_1192 = tpu.vector_load %swap3A_1189[%swap3A_1190, %swap3A_1191] {strides = array<i32>} : memref<40x144xf32, #tpu.memory_space<vmem>>, vector<1x16xf32>,
        %swap3A_1193 = vector.shape_cast %swap3A_1192 : vector<1x16xf32> to vector<16xf32>
        %swap3A_1194 = vector.shape_cast %mul3A_1185 : vector<16xf32> to vector<1x16xf32>
        tpu.vector_store %swap3A_1189[%swap3A_1190, %swap3A_1191], %swap3A_1194 {strides = array<i32>} : memref<40x144xf32, #tpu.memory_space<vmem>>, vector<1x16xf32>,
        %get3A_1195 = arith.constant 0 : i32
        %get3A_1196 = arith.constant 0 : i32
        %get3A_1197 = tpu.memref_slice %arg10[%scan3A_920, %get3A_1195, %get3A_1196] : memref<5x40x144xf32, #tpu.memory_space<vmem>> -> memref<1x40x144xf32, #tpu.memory_space<vmem>>
        %get3A_1198 = tpu.memref_squeeze %get3A_1197 : memref<1x40x144xf32, #tpu.memory_space<vmem>> -> memref<40x144xf32, #tpu.memory_space<vmem>>
        %get3A_1199 = arith.index_cast %scan3A_1039 : i32 to index
        %get3A_1200 = arith.constant 96 : index
        %get3A_1201 = tpu.vector_load %get3A_1198[%get3A_1199, %get3A_1200] {strides = array<i32>} : memref<40x144xf32, #tpu.memory_space<vmem>>, vector<1x16xf32>,
        %get3A_1202 = vector.shape_cast %get3A_1201 : vector<1x16xf32> to vector<16xf32>
        %slice3A_1203 = vector.extract_strided_slice %exp3A {offsets = [6], sizes = [1], strides = [1]} : vector<16xf32> to vector<1xf32>
        %squeeze3A_1204 = vector.extract %slice3A_1203[0] : f32 from vector<1xf32>
        %mul3A_1205 = vector.broadcast %squeeze3A_1204 : f32 to vector<16xf32>
        %mul3A_1206 = arith.mulf %get3A_1202, %mul3A_1205 : vector<16xf32>
        %swap3A_1207 = arith.constant 0 : i32
        %swap3A_1208 = arith.constant 0 : i32
        %swap3A_1209 = tpu.memref_slice %arg10[%scan3A_920, %swap3A_1207, %swap3A_1208] : memref<5x40x144xf32, #tpu.memory_space<vmem>> -> memref<1x40x144xf32, #tpu.memory_space<vmem>>
        %swap3A_1210 = tpu.memref_squeeze %swap3A_1209 : memref<1x40x144xf32, #tpu.memory_space<vmem>> -> memref<40x144xf32, #tpu.memory_space<vmem>>
        %swap3A_1211 = arith.index_cast %scan3A_1039 : i32 to index
        %swap3A_1212 = arith.constant 96 : index
        %swap3A_1213 = tpu.vector_load %swap3A_1210[%swap3A_1211, %swap3A_1212] {strides = array<i32>} : memref<40x144xf32, #tpu.memory_space<vmem>>, vector<1x16xf32>,
        %swap3A_1214 = vector.shape_cast %swap3A_1213 : vector<1x16xf32> to vector<16xf32>
        %swap3A_1215 = vector.shape_cast %mul3A_1206 : vector<16xf32> to vector<1x16xf32>
        tpu.vector_store %swap3A_1210[%swap3A_1211, %swap3A_1212], %swap3A_1215 {strides = array<i32>} : memref<40x144xf32, #tpu.memory_space<vmem>>, vector<1x16xf32>,
        %get3A_1216 = arith.constant 0 : i32
        %get3A_1217 = arith.constant 0 : i32
        %get3A_1218 = tpu.memref_slice %arg10[%scan3A_920, %get3A_1216, %get3A_1217] : memref<5x40x144xf32, #tpu.memory_space<vmem>> -> memref<1x40x144xf32, #tpu.memory_space<vmem>>
        %get3A_1219 = tpu.memref_squeeze %get3A_1218 : memref<1x40x144xf32, #tpu.memory_space<vmem>> -> memref<40x144xf32, #tpu.memory_space<vmem>>
        %get3A_1220 = arith.index_cast %scan3A_1039 : i32 to index
        %get3A_1221 = arith.constant 112 : index
        %get3A_1222 = tpu.vector_load %get3A_1219[%get3A_1220, %get3A_1221] {strides = array<i32>} : memref<40x144xf32, #tpu.memory_space<vmem>>, vector<1x16xf32>,
        %get3A_1223 = vector.shape_cast %get3A_1222 : vector<1x16xf32> to vector<16xf32>
        %slice3A_1224 = vector.extract_strided_slice %exp3A {offsets = [7], sizes = [1], strides = [1]} : vector<16xf32> to vector<1xf32>
        %squeeze3A_1225 = vector.extract %slice3A_1224[0] : f32 from vector<1xf32>
        %mul3A_1226 = vector.broadcast %squeeze3A_1225 : f32 to vector<16xf32>
        %mul3A_1227 = arith.mulf %get3A_1223, %mul3A_1226 : vector<16xf32>
        %swap3A_1228 = arith.constant 0 : i32
        %swap3A_1229 = arith.constant 0 : i32
        %swap3A_1230 = tpu.memref_slice %arg10[%scan3A_920, %swap3A_1228, %swap3A_1229] : memref<5x40x144xf32, #tpu.memory_space<vmem>> -> memref<1x40x144xf32, #tpu.memory_space<vmem>>
        %swap3A_1231 = tpu.memref_squeeze %swap3A_1230 : memref<1x40x144xf32, #tpu.memory_space<vmem>> -> memref<40x144xf32, #tpu.memory_space<vmem>>
        %swap3A_1232 = arith.index_cast %scan3A_1039 : i32 to index
        %swap3A_1233 = arith.constant 112 : index
        %swap3A_1234 = tpu.vector_load %swap3A_1231[%swap3A_1232, %swap3A_1233] {strides = array<i32>} : memref<40x144xf32, #tpu.memory_space<vmem>>, vector<1x16xf32>,
        %swap3A_1235 = vector.shape_cast %swap3A_1234 : vector<1x16xf32> to vector<16xf32>
        %swap3A_1236 = vector.shape_cast %mul3A_1227 : vector<16xf32> to vector<1x16xf32>
        tpu.vector_store %swap3A_1231[%swap3A_1232, %swap3A_1233], %swap3A_1236 {strides = array<i32>} : memref<40x144xf32, #tpu.memory_space<vmem>>, vector<1x16xf32>,
        %scan3A_1237 = arith.constant 0 : i32
        scf.yield %scan3A_1237 : i32
      }
      %scan3A_928 = arith.constant 40 : i32
      %dma_start3A_929 = arith.constant 3 : i32
      %dma_start3A_930 = arith.constant 3 : i32
      %dma_start3A_931 = arith.constant 3 : i32
      %dma_start3A_932 = arith.constant 0 : i32
      %dma_start3A_933 = arith.constant 0 : i32
      %dma_start3A_934 = tpu.memref_slice %arg10[%dma_start3A_929, %dma_start3A_932, %dma_start3A_933] : memref<5x40x144xf32, #tpu.memory_space<vmem>> -> memref<1x40x144xf32, #tpu.memory_space<vmem>>
      %dma_start3A_935 = tpu.memref_squeeze %dma_start3A_934 : memref<1x40x144xf32, #tpu.memory_space<vmem>> -> memref<40x144xf32, #tpu.memory_space<vmem>>
      %dma_start3A_936 = arith.constant 0 : i32
      %dma_start3A_937 = tpu.memref_slice %arg9[%dma_start3A_930, %dma_start3A_936] : memref<5x40xi32, #tpu.memory_space<vmem>> -> memref<1x40xi32, #tpu.memory_space<vmem>>
      %dma_start3A_938 = tpu.memref_squeeze %dma_start3A_937 : memref<1x40xi32, #tpu.memory_space<vmem>> -> memref<40xi32, #tpu.memory_space<vmem>>
      %dma_start3A_939 = arith.constant 0 : i32
      %dma_start3A_940 = arith.constant 0 : i32
      %dma_start3A_941 = tpu.memref_slice %arg7[%dma_start3A_939, %dma_start3A_940] : memref<10240x144xf32, #tpu.memory_space<vmem_shared>> -> memref<10240x144xf32, #tpu.memory_space<vmem_shared>>
      %dma_start3A_942 = tpu.memref_slice %arg14[%dma_start3A_931] : memref<5x!tpu.dma_semaphore, #tpu.memory_space<semaphore_mem>> -> memref<1x!tpu.dma_semaphore, #tpu.memory_space<semaphore_mem>>
      %dma_start3A_943 = tpu.memref_squeeze %dma_start3A_942 : memref<1x!tpu.dma_semaphore, #tpu.memory_space<semaphore_mem>> -> memref<!tpu.dma_semaphore, #tpu.memory_space<semaphore_mem>>
      tpu.enqueue_indirect_dma source(%dma_start3A_935 : memref<40x144xf32, #tpu.memory_space<vmem>>) target(%dma_start3A_941 : memref<10240x144xf32, #tpu.memory_space<vmem_shared>>) offsets(%dma_start3A_938 : memref<40xi32, #tpu.memory_space<vmem>>) semaphore(%dma_start3A_943 : memref<!tpu.dma_semaphore, #tpu.memory_space<semaphore_mem>>) {add = true}
      %add3A_944 = arith.constant 5 : i32
      %add3A_945 = arith.addi %add3A_889, %add3A_944 : i32
      %sub3A_946 = arith.constant 1 : i32
      %sub3A_947 = arith.subi %add3A_945, %sub3A_946 : i32
      %lt3A_948 = arith.constant 250 : i32
      %lt3A_949 = arith.cmpi slt, %sub3A_947, %lt3A_948 : i32
      %convert_element_type3A_950 = arith.extui %lt3A_949 : i1 to i32
      %cond3A_951 = arith.constant 0 : i32
      %cond3A_952 = arith.cmpi ne, %convert_element_type3A_950, %cond3A_951 : i32
      scf.if %cond3A_952 {
        %dma_wait3A_1039 = arith.constant 2 : i32
        %dma_wait3A_1040 = arith.constant 0 : i32
        %dma_wait3A_1041 = arith.constant 2 : i32
        %dma_wait3A_1042 = arith.constant 0 : i32
        %dma_wait3A_1043 = arith.constant 0 : i32
        %dma_wait3A_1044 = tpu.memref_slice %arg10[%dma_wait3A_1039, %dma_wait3A_1042, %dma_wait3A_1043] : memref<5x40x144xf32, #tpu.memory_space<vmem>> -> memref<1x40x144xf32, #tpu.memory_space<vmem>>
        %dma_wait3A_1045 = tpu.memref_squeeze %dma_wait3A_1044 : memref<1x40x144xf32, #tpu.memory_space<vmem>> -> memref<40x144xf32, #tpu.memory_space<vmem>>
        %dma_wait3A_1046 = arith.constant 0 : i32
        %dma_wait3A_1047 = tpu.memref_slice %arg9[%dma_wait3A_1040, %dma_wait3A_1046] : memref<5x40xi32, #tpu.memory_space<vmem>> -> memref<1x40xi32, #tpu.memory_space<vmem>>
        %dma_wait3A_1048 = tpu.memref_squeeze %dma_wait3A_1047 : memref<1x40xi32, #tpu.memory_space<vmem>> -> memref<40xi32, #tpu.memory_space<vmem>>
        %dma_wait3A_1049 = arith.constant 0 : i32
        %dma_wait3A_1050 = arith.constant 0 : i32
        %dma_wait3A_1051 = tpu.memref_slice %arg7[%dma_wait3A_1049, %dma_wait3A_1050] : memref<10240x144xf32, #tpu.memory_space<vmem_shared>> -> memref<10240x144xf32, #tpu.memory_space<vmem_shared>>
        %dma_wait3A_1052 = tpu.memref_slice %arg14[%dma_wait3A_1041] : memref<5x!tpu.dma_semaphore, #tpu.memory_space<semaphore_mem>> -> memref<1x!tpu.dma_semaphore, #tpu.memory_space<semaphore_mem>>
        %dma_wait3A_1053 = tpu.memref_squeeze %dma_wait3A_1052 : memref<1x!tpu.dma_semaphore, #tpu.memory_space<semaphore_mem>> -> memref<!tpu.dma_semaphore, #tpu.memory_space<semaphore_mem>>
        tpu.wait_indirect_dma semaphore(%dma_wait3A_1053 : memref<!tpu.dma_semaphore, #tpu.memory_space<semaphore_mem>>) src(%dma_wait3A_1045 : memref<40x144xf32, #tpu.memory_space<vmem>>) dst(%dma_wait3A_1051 : memref<10240x144xf32, #tpu.memory_space<vmem_shared>>)
        %dma_start3A_1054 = arith.constant 2 : i32
        %dma_start3A_1055 = arith.constant 2 : i32
        %dma_start3A_1056 = arith.constant 0 : i32
        %dma_start3A_1057 = tpu.memref_slice %arg8[%dma_start3A_1054, %dma_start3A_1056] : memref<5x40xi32, #tpu.memory_space<vmem>> -> memref<1x40xi32, #tpu.memory_space<vmem>>
        %dma_start3A_1058 = tpu.memref_squeeze %dma_start3A_1057 : memref<1x40xi32, #tpu.memory_space<vmem>> -> memref<40xi32, #tpu.memory_space<vmem>>
        %dma_start3A_1059 = arith.constant 0 : i32
        %dma_start3A_1060 = tpu.memref_slice %arg4[%add3A, %sub3A_947, %dma_start3A_1059] : memref<32x250x40xi32, #tpu.memory_space<hbm>> -> memref<1x1x40xi32, #tpu.memory_space<hbm>>
        %dma_start3A_1061 = tpu.memref_squeeze %dma_start3A_1060 : memref<1x1x40xi32, #tpu.memory_space<hbm>> -> memref<40xi32, #tpu.memory_space<hbm>>
        %dma_start3A_1062 = tpu.memref_slice %arg15[%dma_start3A_1055] : memref<5x!tpu.dma_semaphore, #tpu.memory_space<semaphore_mem>> -> memref<1x!tpu.dma_semaphore, #tpu.memory_space<semaphore_mem>>
        %dma_start3A_1063 = tpu.memref_squeeze %dma_start3A_1062 : memref<1x!tpu.dma_semaphore, #tpu.memory_space<semaphore_mem>> -> memref<!tpu.dma_semaphore, #tpu.memory_space<semaphore_mem>>
        %dma_start3A_1064 = arith.constant 0 : i32
        %dma_start3A_1065 = tpu.memref_slice %arg8[%dma_start3A_1054, %dma_start3A_1064] : memref<5x40xi32, #tpu.memory_space<vmem>> -> memref<1x40xi32, #tpu.memory_space<vmem>>
        %dma_start3A_1066 = tpu.memref_squeeze %dma_start3A_1065 : memref<1x40xi32, #tpu.memory_space<vmem>> -> memref<40xi32, #tpu.memory_space<vmem>>
        %dma_start3A_1067 = arith.constant 0 : i32
        %dma_start3A_1068 = tpu.memref_slice %arg4[%add3A, %sub3A_947, %dma_start3A_1067] : memref<32x250x40xi32, #tpu.memory_space<hbm>> -> memref<1x1x40xi32, #tpu.memory_space<hbm>>
        %dma_start3A_1069 = tpu.memref_squeeze %dma_start3A_1068 : memref<1x1x40xi32, #tpu.memory_space<hbm>> -> memref<40xi32, #tpu.memory_space<hbm>>
        tpu.enqueue_dma source(%dma_start3A_1069 : memref<40xi32, #tpu.memory_space<hbm>>) target(%dma_start3A_1066 : memref<40xi32, #tpu.memory_space<vmem>>) target_semaphore(%dma_start3A_1063 : memref<!tpu.dma_semaphore, #tpu.memory_space<semaphore_mem>>)
        %dma_start3A_1070 = arith.constant 2 : i32
        %dma_start3A_1071 = arith.constant 2 : i32
        %dma_start3A_1072 = arith.constant 0 : i32
        %dma_start3A_1073 = tpu.memref_slice %arg9[%dma_start3A_1070, %dma_start3A_1072] : memref<5x40xi32, #tpu.memory_space<vmem>> -> memref<1x40xi32, #tpu.memory_space<vmem>>
        %dma_start3A_1074 = tpu.memref_squeeze %dma_start3A_1073 : memref<1x40xi32, #tpu.memory_space<vmem>> -> memref<40xi32, #tpu.memory_space<vmem>>
        %dma_start3A_1075 = arith.constant 0 : i32
        %dma_start3A_1076 = tpu.memref_slice %arg5[%add3A, %sub3A_947, %dma_start3A_1075] : memref<32x250x40xi32, #tpu.memory_space<hbm>> -> memref<1x1x40xi32, #tpu.memory_space<hbm>>
        %dma_start3A_1077 = tpu.memref_squeeze %dma_start3A_1076 : memref<1x1x40xi32, #tpu.memory_space<hbm>> -> memref<40xi32, #tpu.memory_space<hbm>>
        %dma_start3A_1078 = tpu.memref_slice %arg15[%dma_start3A_1071] : memref<5x!tpu.dma_semaphore, #tpu.memory_space<semaphore_mem>> -> memref<1x!tpu.dma_semaphore, #tpu.memory_space<semaphore_mem>>
        %dma_start3A_1079 = tpu.memref_squeeze %dma_start3A_1078 : memref<1x!tpu.dma_semaphore, #tpu.memory_space<semaphore_mem>> -> memref<!tpu.dma_semaphore, #tpu.memory_space<semaphore_mem>>
        %dma_start3A_1080 = arith.constant 0 : i32
        %dma_start3A_1081 = tpu.memref_slice %arg9[%dma_start3A_1070, %dma_start3A_1080] : memref<5x40xi32, #tpu.memory_space<vmem>> -> memref<1x40xi32, #tpu.memory_space<vmem>>
        %dma_start3A_1082 = tpu.memref_squeeze %dma_start3A_1081 : memref<1x40xi32, #tpu.memory_space<vmem>> -> memref<40xi32, #tpu.memory_space<vmem>>
        %dma_start3A_1083 = arith.constant 0 : i32
        %dma_start3A_1084 = tpu.memref_slice %arg5[%add3A, %sub3A_947, %dma_start3A_1083] : memref<32x250x40xi32, #tpu.memory_space<hbm>> -> memref<1x1x40xi32, #tpu.memory_space<hbm>>
        %dma_start3A_1085 = tpu.memref_squeeze %dma_start3A_1084 : memref<1x1x40xi32, #tpu.memory_space<hbm>> -> memref<40xi32, #tpu.memory_space<hbm>>
        tpu.enqueue_dma source(%dma_start3A_1085 : memref<40xi32, #tpu.memory_space<hbm>>) target(%dma_start3A_1082 : memref<40xi32, #tpu.memory_space<vmem>>) target_semaphore(%dma_start3A_1079 : memref<!tpu.dma_semaphore, #tpu.memory_space<semaphore_mem>>)
      } else {
      }
      %add3A_953 = arith.constant 5 : i32
      %add3A_954 = arith.addi %add3A_889, %add3A_953 : i32
      %sub3A_955 = arith.constant 2 : i32
      %sub3A_956 = arith.subi %add3A_954, %sub3A_955 : i32
      %lt3A_957 = arith.constant 250 : i32
      %lt3A_958 = arith.cmpi slt, %sub3A_956, %lt3A_957 : i32
      %convert_element_type3A_959 = arith.extui %lt3A_958 : i1 to i32
      %cond3A_960 = arith.constant 0 : i32
      %cond3A_961 = arith.cmpi ne, %convert_element_type3A_959, %cond3A_960 : i32
      scf.if %cond3A_961 {
        %dma_wait3A_1039 = arith.constant 0 : i32
        %dma_wait3A_1040 = arith.constant 0 : i32
        %dma_wait3A_1041 = arith.constant 1 : i32
        %dma_wait3A_1042 = arith.constant 1 : i32
        %dma_wait3A_1043 = arith.constant 0 : i32
        %dma_wait3A_1044 = tpu.memref_slice %arg8[%dma_wait3A_1041, %dma_wait3A_1043] : memref<5x40xi32, #tpu.memory_space<vmem>> -> memref<1x40xi32, #tpu.memory_space<vmem>>
        %dma_wait3A_1045 = tpu.memref_squeeze %dma_wait3A_1044 : memref<1x40xi32, #tpu.memory_space<vmem>> -> memref<40xi32, #tpu.memory_space<vmem>>
        %dma_wait3A_1046 = arith.constant 0 : i32
        %dma_wait3A_1047 = tpu.memref_slice %arg4[%dma_wait3A_1039, %dma_wait3A_1040, %dma_wait3A_1046] : memref<32x250x40xi32, #tpu.memory_space<hbm>> -> memref<1x1x40xi32, #tpu.memory_space<hbm>>
        %dma_wait3A_1048 = tpu.memref_squeeze %dma_wait3A_1047 : memref<1x1x40xi32, #tpu.memory_space<hbm>> -> memref<40xi32, #tpu.memory_space<hbm>>
        %dma_wait3A_1049 = tpu.memref_slice %arg15[%dma_wait3A_1042] : memref<5x!tpu.dma_semaphore, #tpu.memory_space<semaphore_mem>> -> memref<1x!tpu.dma_semaphore, #tpu.memory_space<semaphore_mem>>
        %dma_wait3A_1050 = tpu.memref_squeeze %dma_wait3A_1049 : memref<1x!tpu.dma_semaphore, #tpu.memory_space<semaphore_mem>> -> memref<!tpu.dma_semaphore, #tpu.memory_space<semaphore_mem>>
        %dma_wait3A_1051 = arith.constant 0 : i32
        %dma_wait3A_1052 = tpu.memref_slice %arg8[%dma_wait3A_1041, %dma_wait3A_1051] : memref<5x40xi32, #tpu.memory_space<vmem>> -> memref<1x40xi32, #tpu.memory_space<vmem>>
        %dma_wait3A_1053 = tpu.memref_squeeze %dma_wait3A_1052 : memref<1x40xi32, #tpu.memory_space<vmem>> -> memref<40xi32, #tpu.memory_space<vmem>>
        %dma_wait3A_1054 = arith.constant 0 : i32
        %dma_wait3A_1055 = tpu.memref_slice %arg4[%dma_wait3A_1039, %dma_wait3A_1040, %dma_wait3A_1054] : memref<32x250x40xi32, #tpu.memory_space<hbm>> -> memref<1x1x40xi32, #tpu.memory_space<hbm>>
        %dma_wait3A_1056 = tpu.memref_squeeze %dma_wait3A_1055 : memref<1x1x40xi32, #tpu.memory_space<hbm>> -> memref<40xi32, #tpu.memory_space<hbm>>
        tpu.wait_dma2 semaphore(%dma_wait3A_1050 : memref<!tpu.dma_semaphore, #tpu.memory_space<semaphore_mem>>) src(%dma_wait3A_1056 : memref<40xi32, #tpu.memory_space<hbm>>) dst(%dma_wait3A_1053 : memref<40xi32, #tpu.memory_space<vmem>>)
        %dma_wait3A_1057 = arith.constant 0 : i32
        %dma_wait3A_1058 = arith.constant 0 : i32
        %dma_wait3A_1059 = arith.constant 1 : i32
        %dma_wait3A_1060 = arith.constant 1 : i32
        %dma_wait3A_1061 = arith.constant 0 : i32
        %dma_wait3A_1062 = tpu.memref_slice %arg9[%dma_wait3A_1059, %dma_wait3A_1061] : memref<5x40xi32, #tpu.memory_space<vmem>> -> memref<1x40xi32, #tpu.memory_space<vmem>>
        %dma_wait3A_1063 = tpu.memref_squeeze %dma_wait3A_1062 : memref<1x40xi32, #tpu.memory_space<vmem>> -> memref<40xi32, #tpu.memory_space<vmem>>
        %dma_wait3A_1064 = arith.constant 0 : i32
        %dma_wait3A_1065 = tpu.memref_slice %arg5[%dma_wait3A_1057, %dma_wait3A_1058, %dma_wait3A_1064] : memref<32x250x40xi32, #tpu.memory_space<hbm>> -> memref<1x1x40xi32, #tpu.memory_space<hbm>>
        %dma_wait3A_1066 = tpu.memref_squeeze %dma_wait3A_1065 : memref<1x1x40xi32, #tpu.memory_space<hbm>> -> memref<40xi32, #tpu.memory_space<hbm>>
        %dma_wait3A_1067 = tpu.memref_slice %arg15[%dma_wait3A_1060] : memref<5x!tpu.dma_semaphore, #tpu.memory_space<semaphore_mem>> -> memref<1x!tpu.dma_semaphore, #tpu.memory_space<semaphore_mem>>
        %dma_wait3A_1068 = tpu.memref_squeeze %dma_wait3A_1067 : memref<1x!tpu.dma_semaphore, #tpu.memory_space<semaphore_mem>> -> memref<!tpu.dma_semaphore, #tpu.memory_space<semaphore_mem>>
        %dma_wait3A_1069 = arith.constant 0 : i32
        %dma_wait3A_1070 = tpu.memref_slice %arg9[%dma_wait3A_1059, %dma_wait3A_1069] : memref<5x40xi32, #tpu.memory_space<vmem>> -> memref<1x40xi32, #tpu.memory_space<vmem>>
        %dma_wait3A_1071 = tpu.memref_squeeze %dma_wait3A_1070 : memref<1x40xi32, #tpu.memory_space<vmem>> -> memref<40xi32, #tpu.memory_space<vmem>>
        %dma_wait3A_1072 = arith.constant 0 : i32
        %dma_wait3A_1073 = tpu.memref_slice %arg5[%dma_wait3A_1057, %dma_wait3A_1058, %dma_wait3A_1072] : memref<32x250x40xi32, #tpu.memory_space<hbm>> -> memref<1x1x40xi32, #tpu.memory_space<hbm>>
        %dma_wait3A_1074 = tpu.memref_squeeze %dma_wait3A_1073 : memref<1x1x40xi32, #tpu.memory_space<hbm>> -> memref<40xi32, #tpu.memory_space<hbm>>
        tpu.wait_dma2 semaphore(%dma_wait3A_1068 : memref<!tpu.dma_semaphore, #tpu.memory_space<semaphore_mem>>) src(%dma_wait3A_1074 : memref<40xi32, #tpu.memory_space<hbm>>) dst(%dma_wait3A_1071 : memref<40xi32, #tpu.memory_space<vmem>>)
        %dma_start3A_1075 = arith.constant 1 : i32
        %dma_start3A_1076 = arith.constant 1 : i32
        %dma_start3A_1077 = arith.constant 1 : i32
        %dma_start3A_1078 = arith.constant 0 : i32
        %dma_start3A_1079 = arith.constant 0 : i32
        %dma_start3A_1080 = tpu.memref_slice %arg10[%dma_start3A_1076, %dma_start3A_1078, %dma_start3A_1079] : memref<5x40x144xf32, #tpu.memory_space<vmem>> -> memref<1x40x144xf32, #tpu.memory_space<vmem>>
        %dma_start3A_1081 = tpu.memref_squeeze %dma_start3A_1080 : memref<1x40x144xf32, #tpu.memory_space<vmem>> -> memref<40x144xf32, #tpu.memory_space<vmem>>
        %dma_start3A_1082 = arith.constant 0 : i32
        %dma_start3A_1083 = tpu.memref_slice %arg8[%dma_start3A_1075, %dma_start3A_1082] : memref<5x40xi32, #tpu.memory_space<vmem>> -> memref<1x40xi32, #tpu.memory_space<vmem>>
        %dma_start3A_1084 = tpu.memref_squeeze %dma_start3A_1083 : memref<1x40xi32, #tpu.memory_space<vmem>> -> memref<40xi32, #tpu.memory_space<vmem>>
        %dma_start3A_1085 = arith.constant 0 : i32
        %dma_start3A_1086 = arith.constant 0 : i32
        %dma_start3A_1087 = tpu.memref_slice %arg2[%dma_start3A_1085, %dma_start3A_1086] : memref<10240x144xf32, #tpu.memory_space<hbm>> -> memref<10240x144xf32, #tpu.memory_space<hbm>>
        %dma_start3A_1088 = tpu.memref_slice %arg12[%dma_start3A_1077] : memref<5x!tpu.dma_semaphore, #tpu.memory_space<semaphore_mem>> -> memref<1x!tpu.dma_semaphore, #tpu.memory_space<semaphore_mem>>
        %dma_start3A_1089 = tpu.memref_squeeze %dma_start3A_1088 : memref<1x!tpu.dma_semaphore, #tpu.memory_space<semaphore_mem>> -> memref<!tpu.dma_semaphore, #tpu.memory_space<semaphore_mem>>
        tpu.enqueue_indirect_dma source(%dma_start3A_1087 : memref<10240x144xf32, #tpu.memory_space<hbm>>) target(%dma_start3A_1081 : memref<40x144xf32, #tpu.memory_space<vmem>>) offsets(%dma_start3A_1084 : memref<40xi32, #tpu.memory_space<vmem>>) semaphore(%dma_start3A_1089 : memref<!tpu.dma_semaphore, #tpu.memory_space<semaphore_mem>>)
        %dma_start3A_1090 = arith.constant 1 : i32
        %dma_start3A_1091 = arith.constant 1 : i32
        %dma_start3A_1092 = arith.constant 1 : i32
        %dma_start3A_1093 = arith.constant 0 : i32
        %dma_start3A_1094 = arith.constant 0 : i32
        %dma_start3A_1095 = tpu.memref_slice %arg11[%dma_start3A_1091, %dma_start3A_1093, %dma_start3A_1094] : memref<5x40x16xf32, #tpu.memory_space<vmem>> -> memref<1x40x16xf32, #tpu.memory_space<vmem>>
        %dma_start3A_1096 = tpu.memref_squeeze %dma_start3A_1095 : memref<1x40x16xf32, #tpu.memory_space<vmem>> -> memref<40x16xf32, #tpu.memory_space<vmem>>
        %dma_start3A_1097 = arith.constant 0 : i32
        %dma_start3A_1098 = tpu.memref_slice %arg9[%dma_start3A_1090, %dma_start3A_1097] : memref<5x40xi32, #tpu.memory_space<vmem>> -> memref<1x40xi32, #tpu.memory_space<vmem>>
        %dma_start3A_1099 = tpu.memref_squeeze %dma_start3A_1098 : memref<1x40xi32, #tpu.memory_space<vmem>> -> memref<40xi32, #tpu.memory_space<vmem>>
        %dma_start3A_1100 = arith.constant 0 : i32
        %dma_start3A_1101 = arith.constant 0 : i32
        %dma_start3A_1102 = tpu.memref_slice %arg3[%dma_start3A_1100, %dma_start3A_1101] : memref<10240x16xf32, #tpu.memory_space<hbm>> -> memref<10240x16xf32, #tpu.memory_space<hbm>>
        %dma_start3A_1103 = tpu.memref_slice %arg13[%dma_start3A_1092] : memref<5x!tpu.dma_semaphore, #tpu.memory_space<semaphore_mem>> -> memref<1x!tpu.dma_semaphore, #tpu.memory_space<semaphore_mem>>
        %dma_start3A_1104 = tpu.memref_squeeze %dma_start3A_1103 : memref<1x!tpu.dma_semaphore, #tpu.memory_space<semaphore_mem>> -> memref<!tpu.dma_semaphore, #tpu.memory_space<semaphore_mem>>
        tpu.enqueue_indirect_dma source(%dma_start3A_1102 : memref<10240x16xf32, #tpu.memory_space<hbm>>) target(%dma_start3A_1096 : memref<40x16xf32, #tpu.memory_space<vmem>>) offsets(%dma_start3A_1099 : memref<40xi32, #tpu.memory_space<vmem>>) semaphore(%dma_start3A_1104 : memref<!tpu.dma_semaphore, #tpu.memory_space<semaphore_mem>>)
      } else {
      }
      %mul3A_962 = arith.constant 5 : i32
      %mul3A_963 = arith.muli %scan3A_507, %mul3A_962 : i32
      %add3A_964 = arith.constant 4 : i32
      %add3A_965 = arith.addi %mul3A_963, %add3A_964 : i32
      %dma_wait3A_966 = arith.constant 4 : i32
      %dma_wait3A_967 = arith.constant 4 : i32
      %dma_wait3A_968 = arith.constant 4 : i32
      %dma_wait3A_969 = arith.constant 0 : i32
      %dma_wait3A_970 = arith.constant 0 : i32
      %dma_wait3A_971 = tpu.memref_slice %arg10[%dma_wait3A_967, %dma_wait3A_969, %dma_wait3A_970] : memref<5x40x144xf32, #tpu.memory_space<vmem>> -> memref<1x40x144xf32, #tpu.memory_space<vmem>>
      %dma_wait3A_972 = tpu.memref_squeeze %dma_wait3A_971 : memref<1x40x144xf32, #tpu.memory_space<vmem>> -> memref<40x144xf32, #tpu.memory_space<vmem>>
      %dma_wait3A_973 = arith.constant 0 : i32
      %dma_wait3A_974 = tpu.memref_slice %arg8[%dma_wait3A_966, %dma_wait3A_973] : memref<5x40xi32, #tpu.memory_space<vmem>> -> memref<1x40xi32, #tpu.memory_space<vmem>>
      %dma_wait3A_975 = tpu.memref_squeeze %dma_wait3A_974 : memref<1x40xi32, #tpu.memory_space<vmem>> -> memref<40xi32, #tpu.memory_space<vmem>>
      %dma_wait3A_976 = arith.constant 0 : i32
      %dma_wait3A_977 = arith.constant 0 : i32
      %dma_wait3A_978 = tpu.memref_slice %arg2[%dma_wait3A_976, %dma_wait3A_977] : memref<10240x144xf32, #tpu.memory_space<hbm>> -> memref<10240x144xf32, #tpu.memory_space<hbm>>
      %dma_wait3A_979 = tpu.memref_slice %arg12[%dma_wait3A_968] : memref<5x!tpu.dma_semaphore, #tpu.memory_space<semaphore_mem>> -> memref<1x!tpu.dma_semaphore, #tpu.memory_space<semaphore_mem>>
      %dma_wait3A_980 = tpu.memref_squeeze %dma_wait3A_979 : memref<1x!tpu.dma_semaphore, #tpu.memory_space<semaphore_mem>> -> memref<!tpu.dma_semaphore, #tpu.memory_space<semaphore_mem>>
      tpu.wait_indirect_dma semaphore(%dma_wait3A_980 : memref<!tpu.dma_semaphore, #tpu.memory_space<semaphore_mem>>) src(%dma_wait3A_978 : memref<10240x144xf32, #tpu.memory_space<hbm>>) dst(%dma_wait3A_972 : memref<40x144xf32, #tpu.memory_space<vmem>>)
      %dma_wait3A_981 = arith.constant 4 : i32
      %dma_wait3A_982 = arith.constant 4 : i32
      %dma_wait3A_983 = arith.constant 4 : i32
      %dma_wait3A_984 = arith.constant 0 : i32
      %dma_wait3A_985 = arith.constant 0 : i32
      %dma_wait3A_986 = tpu.memref_slice %arg11[%dma_wait3A_982, %dma_wait3A_984, %dma_wait3A_985] : memref<5x40x16xf32, #tpu.memory_space<vmem>> -> memref<1x40x16xf32, #tpu.memory_space<vmem>>
      %dma_wait3A_987 = tpu.memref_squeeze %dma_wait3A_986 : memref<1x40x16xf32, #tpu.memory_space<vmem>> -> memref<40x16xf32, #tpu.memory_space<vmem>>
      %dma_wait3A_988 = arith.constant 0 : i32
      %dma_wait3A_989 = tpu.memref_slice %arg9[%dma_wait3A_981, %dma_wait3A_988] : memref<5x40xi32, #tpu.memory_space<vmem>> -> memref<1x40xi32, #tpu.memory_space<vmem>>
      %dma_wait3A_990 = tpu.memref_squeeze %dma_wait3A_989 : memref<1x40xi32, #tpu.memory_space<vmem>> -> memref<40xi32, #tpu.memory_space<vmem>>
      %dma_wait3A_991 = arith.constant 0 : i32
      %dma_wait3A_992 = arith.constant 0 : i32
      %dma_wait3A_993 = tpu.memref_slice %arg3[%dma_wait3A_991, %dma_wait3A_992] : memref<10240x16xf32, #tpu.memory_space<hbm>> -> memref<10240x16xf32, #tpu.memory_space<hbm>>
      %dma_wait3A_994 = tpu.memref_slice %arg13[%dma_wait3A_983] : memref<5x!tpu.dma_semaphore, #tpu.memory_space<semaphore_mem>> -> memref<1x!tpu.dma_semaphore, #tpu.memory_space<semaphore_mem>>
      %dma_wait3A_995 = tpu.memref_squeeze %dma_wait3A_994 : memref<1x!tpu.dma_semaphore, #tpu.memory_space<semaphore_mem>> -> memref<!tpu.dma_semaphore, #tpu.memory_space<semaphore_mem>>
      tpu.wait_indirect_dma semaphore(%dma_wait3A_995 : memref<!tpu.dma_semaphore, #tpu.memory_space<semaphore_mem>>) src(%dma_wait3A_993 : memref<10240x16xf32, #tpu.memory_space<hbm>>) dst(%dma_wait3A_987 : memref<40x16xf32, #tpu.memory_space<vmem>>)
      %scan3A_996 = arith.constant 4 : i32
      %scan3A_997 = arith.constant 4 : i32
      %scan3A_998 = arith.constant 0 : i32
      %scan3A_999 = arith.constant 0 : i32
      %scan3A_1000 = arith.constant 40 : i32
      %scan3A_1001 = arith.addi %scan3A_999, %scan3A_1000 : i32
      %scan3A_1002 = arith.constant 1 : i32
      %scan3A_1003 = scf.for %scan3A_1039 = %scan3A_999 to %scan3A_1001 step %scan3A_1002 iter_args(%scan3A_1040 = %scan3A_998) -> (i32)  : i32 {
        %get3A = arith.constant 0 : i32
        %get3A_1041 = arith.constant 0 : i32
        %get3A_1042 = tpu.memref_slice %arg10[%scan3A_996, %get3A, %get3A_1041] : memref<5x40x144xf32, #tpu.memory_space<vmem>> -> memref<1x40x144xf32, #tpu.memory_space<vmem>>
        %get3A_1043 = tpu.memref_squeeze %get3A_1042 : memref<1x40x144xf32, #tpu.memory_space<vmem>> -> memref<40x144xf32, #tpu.memory_space<vmem>>
        %get3A_1044 = arith.index_cast %scan3A_1039 : i32 to index
        %get3A_1045 = arith.constant 128 : index
        %get3A_1046 = tpu.vector_load %get3A_1043[%get3A_1044, %get3A_1045] {strides = array<i32>} : memref<40x144xf32, #tpu.memory_space<vmem>>, vector<1x16xf32>,
        %get3A_1047 = vector.shape_cast %get3A_1046 : vector<1x16xf32> to vector<16xf32>
        %get3A_1048 = arith.constant 0 : i32
        %get3A_1049 = arith.constant 0 : i32
        %get3A_1050 = tpu.memref_slice %arg11[%scan3A_997, %get3A_1048, %get3A_1049] : memref<5x40x16xf32, #tpu.memory_space<vmem>> -> memref<1x40x16xf32, #tpu.memory_space<vmem>>
        %get3A_1051 = tpu.memref_squeeze %get3A_1050 : memref<1x40x16xf32, #tpu.memory_space<vmem>> -> memref<40x16xf32, #tpu.memory_space<vmem>>
        %get3A_1052 = arith.index_cast %scan3A_1039 : i32 to index
        %get3A_1053 = arith.constant 0 : index
        %get3A_1054 = tpu.vector_load %get3A_1051[%get3A_1052, %get3A_1053] {strides = array<i32>} : memref<40x16xf32, #tpu.memory_space<vmem>>, vector<1x16xf32>,
        %get3A_1055 = vector.shape_cast %get3A_1054 : vector<1x16xf32> to vector<16xf32>
        %add3A_1056 = arith.addf %get3A_1047, %get3A_1055 : vector<16xf32>
        %gt3A_1057 = arith.constant 0.000000e+00 : f32
        %gt3A_1058 = vector.broadcast %gt3A_1057 : f32 to vector<16xf32>
        %gt3A_1059 = arith.cmpf ogt, %add3A_1056, %gt3A_1058 : vector<16xf32>
        %mul3A_1060 = arith.constant 2.000000e-01 : f32
        %mul3A_1061 = vector.broadcast %mul3A_1060 : f32 to vector<16xf32>
        %mul3A_1062 = arith.mulf %mul3A_1061, %add3A_1056 : vector<16xf32>
        %select_n3A = arith.select %gt3A_1059, %add3A_1056, %mul3A_1062 : vector<16xi1>, vector<16xf32>
        %exp3A = math.exp %select_n3A : vector<16xf32>
        %swap3A = arith.constant 0 : i32
        %swap3A_1063 = arith.constant 0 : i32
        %swap3A_1064 = tpu.memref_slice %arg10[%scan3A_996, %swap3A, %swap3A_1063] : memref<5x40x144xf32, #tpu.memory_space<vmem>> -> memref<1x40x144xf32, #tpu.memory_space<vmem>>
        %swap3A_1065 = tpu.memref_squeeze %swap3A_1064 : memref<1x40x144xf32, #tpu.memory_space<vmem>> -> memref<40x144xf32, #tpu.memory_space<vmem>>
        %swap3A_1066 = arith.index_cast %scan3A_1039 : i32 to index
        %swap3A_1067 = arith.constant 128 : index
        %swap3A_1068 = tpu.vector_load %swap3A_1065[%swap3A_1066, %swap3A_1067] {strides = array<i32>} : memref<40x144xf32, #tpu.memory_space<vmem>>, vector<1x16xf32>,
        %swap3A_1069 = vector.shape_cast %swap3A_1068 : vector<1x16xf32> to vector<16xf32>
        %swap3A_1070 = vector.shape_cast %exp3A : vector<16xf32> to vector<1x16xf32>
        tpu.vector_store %swap3A_1065[%swap3A_1066, %swap3A_1067], %swap3A_1070 {strides = array<i32>} : memref<40x144xf32, #tpu.memory_space<vmem>>, vector<1x16xf32>,
        %get3A_1071 = arith.constant 0 : i32
        %get3A_1072 = arith.constant 0 : i32
        %get3A_1073 = tpu.memref_slice %arg10[%scan3A_996, %get3A_1071, %get3A_1072] : memref<5x40x144xf32, #tpu.memory_space<vmem>> -> memref<1x40x144xf32, #tpu.memory_space<vmem>>
        %get3A_1074 = tpu.memref_squeeze %get3A_1073 : memref<1x40x144xf32, #tpu.memory_space<vmem>> -> memref<40x144xf32, #tpu.memory_space<vmem>>
        %get3A_1075 = arith.index_cast %scan3A_1039 : i32 to index
        %get3A_1076 = arith.constant 0 : index
        %get3A_1077 = tpu.vector_load %get3A_1074[%get3A_1075, %get3A_1076] {strides = array<i32>} : memref<40x144xf32, #tpu.memory_space<vmem>>, vector<1x16xf32>,
        %get3A_1078 = vector.shape_cast %get3A_1077 : vector<1x16xf32> to vector<16xf32>
        %slice3A = vector.extract_strided_slice %exp3A {offsets = [0], sizes = [1], strides = [1]} : vector<16xf32> to vector<1xf32>
        %squeeze3A = vector.extract %slice3A[0] : f32 from vector<1xf32>
        %mul3A_1079 = vector.broadcast %squeeze3A : f32 to vector<16xf32>
        %mul3A_1080 = arith.mulf %get3A_1078, %mul3A_1079 : vector<16xf32>
        %swap3A_1081 = arith.constant 0 : i32
        %swap3A_1082 = arith.constant 0 : i32
        %swap3A_1083 = tpu.memref_slice %arg10[%scan3A_996, %swap3A_1081, %swap3A_1082] : memref<5x40x144xf32, #tpu.memory_space<vmem>> -> memref<1x40x144xf32, #tpu.memory_space<vmem>>
        %swap3A_1084 = tpu.memref_squeeze %swap3A_1083 : memref<1x40x144xf32, #tpu.memory_space<vmem>> -> memref<40x144xf32, #tpu.memory_space<vmem>>
        %swap3A_1085 = arith.index_cast %scan3A_1039 : i32 to index
        %swap3A_1086 = arith.constant 0 : index
        %swap3A_1087 = tpu.vector_load %swap3A_1084[%swap3A_1085, %swap3A_1086] {strides = array<i32>} : memref<40x144xf32, #tpu.memory_space<vmem>>, vector<1x16xf32>,
        %swap3A_1088 = vector.shape_cast %swap3A_1087 : vector<1x16xf32> to vector<16xf32>
        %swap3A_1089 = vector.shape_cast %mul3A_1080 : vector<16xf32> to vector<1x16xf32>
        tpu.vector_store %swap3A_1084[%swap3A_1085, %swap3A_1086], %swap3A_1089 {strides = array<i32>} : memref<40x144xf32, #tpu.memory_space<vmem>>, vector<1x16xf32>,
        %get3A_1090 = arith.constant 0 : i32
        %get3A_1091 = arith.constant 0 : i32
        %get3A_1092 = tpu.memref_slice %arg10[%scan3A_996, %get3A_1090, %get3A_1091] : memref<5x40x144xf32, #tpu.memory_space<vmem>> -> memref<1x40x144xf32, #tpu.memory_space<vmem>>
        %get3A_1093 = tpu.memref_squeeze %get3A_1092 : memref<1x40x144xf32, #tpu.memory_space<vmem>> -> memref<40x144xf32, #tpu.memory_space<vmem>>
        %get3A_1094 = arith.index_cast %scan3A_1039 : i32 to index
        %get3A_1095 = arith.constant 16 : index
        %get3A_1096 = tpu.vector_load %get3A_1093[%get3A_1094, %get3A_1095] {strides = array<i32>} : memref<40x144xf32, #tpu.memory_space<vmem>>, vector<1x16xf32>,
        %get3A_1097 = vector.shape_cast %get3A_1096 : vector<1x16xf32> to vector<16xf32>
        %slice3A_1098 = vector.extract_strided_slice %exp3A {offsets = [1], sizes = [1], strides = [1]} : vector<16xf32> to vector<1xf32>
        %squeeze3A_1099 = vector.extract %slice3A_1098[0] : f32 from vector<1xf32>
        %mul3A_1100 = vector.broadcast %squeeze3A_1099 : f32 to vector<16xf32>
        %mul3A_1101 = arith.mulf %get3A_1097, %mul3A_1100 : vector<16xf32>
        %swap3A_1102 = arith.constant 0 : i32
        %swap3A_1103 = arith.constant 0 : i32
        %swap3A_1104 = tpu.memref_slice %arg10[%scan3A_996, %swap3A_1102, %swap3A_1103] : memref<5x40x144xf32, #tpu.memory_space<vmem>> -> memref<1x40x144xf32, #tpu.memory_space<vmem>>
        %swap3A_1105 = tpu.memref_squeeze %swap3A_1104 : memref<1x40x144xf32, #tpu.memory_space<vmem>> -> memref<40x144xf32, #tpu.memory_space<vmem>>
        %swap3A_1106 = arith.index_cast %scan3A_1039 : i32 to index
        %swap3A_1107 = arith.constant 16 : index
        %swap3A_1108 = tpu.vector_load %swap3A_1105[%swap3A_1106, %swap3A_1107] {strides = array<i32>} : memref<40x144xf32, #tpu.memory_space<vmem>>, vector<1x16xf32>,
        %swap3A_1109 = vector.shape_cast %swap3A_1108 : vector<1x16xf32> to vector<16xf32>
        %swap3A_1110 = vector.shape_cast %mul3A_1101 : vector<16xf32> to vector<1x16xf32>
        tpu.vector_store %swap3A_1105[%swap3A_1106, %swap3A_1107], %swap3A_1110 {strides = array<i32>} : memref<40x144xf32, #tpu.memory_space<vmem>>, vector<1x16xf32>,
        %get3A_1111 = arith.constant 0 : i32
        %get3A_1112 = arith.constant 0 : i32
        %get3A_1113 = tpu.memref_slice %arg10[%scan3A_996, %get3A_1111, %get3A_1112] : memref<5x40x144xf32, #tpu.memory_space<vmem>> -> memref<1x40x144xf32, #tpu.memory_space<vmem>>
        %get3A_1114 = tpu.memref_squeeze %get3A_1113 : memref<1x40x144xf32, #tpu.memory_space<vmem>> -> memref<40x144xf32, #tpu.memory_space<vmem>>
        %get3A_1115 = arith.index_cast %scan3A_1039 : i32 to index
        %get3A_1116 = arith.constant 32 : index
        %get3A_1117 = tpu.vector_load %get3A_1114[%get3A_1115, %get3A_1116] {strides = array<i32>} : memref<40x144xf32, #tpu.memory_space<vmem>>, vector<1x16xf32>,
        %get3A_1118 = vector.shape_cast %get3A_1117 : vector<1x16xf32> to vector<16xf32>
        %slice3A_1119 = vector.extract_strided_slice %exp3A {offsets = [2], sizes = [1], strides = [1]} : vector<16xf32> to vector<1xf32>
        %squeeze3A_1120 = vector.extract %slice3A_1119[0] : f32 from vector<1xf32>
        %mul3A_1121 = vector.broadcast %squeeze3A_1120 : f32 to vector<16xf32>
        %mul3A_1122 = arith.mulf %get3A_1118, %mul3A_1121 : vector<16xf32>
        %swap3A_1123 = arith.constant 0 : i32
        %swap3A_1124 = arith.constant 0 : i32
        %swap3A_1125 = tpu.memref_slice %arg10[%scan3A_996, %swap3A_1123, %swap3A_1124] : memref<5x40x144xf32, #tpu.memory_space<vmem>> -> memref<1x40x144xf32, #tpu.memory_space<vmem>>
        %swap3A_1126 = tpu.memref_squeeze %swap3A_1125 : memref<1x40x144xf32, #tpu.memory_space<vmem>> -> memref<40x144xf32, #tpu.memory_space<vmem>>
        %swap3A_1127 = arith.index_cast %scan3A_1039 : i32 to index
        %swap3A_1128 = arith.constant 32 : index
        %swap3A_1129 = tpu.vector_load %swap3A_1126[%swap3A_1127, %swap3A_1128] {strides = array<i32>} : memref<40x144xf32, #tpu.memory_space<vmem>>, vector<1x16xf32>,
        %swap3A_1130 = vector.shape_cast %swap3A_1129 : vector<1x16xf32> to vector<16xf32>
        %swap3A_1131 = vector.shape_cast %mul3A_1122 : vector<16xf32> to vector<1x16xf32>
        tpu.vector_store %swap3A_1126[%swap3A_1127, %swap3A_1128], %swap3A_1131 {strides = array<i32>} : memref<40x144xf32, #tpu.memory_space<vmem>>, vector<1x16xf32>,
        %get3A_1132 = arith.constant 0 : i32
        %get3A_1133 = arith.constant 0 : i32
        %get3A_1134 = tpu.memref_slice %arg10[%scan3A_996, %get3A_1132, %get3A_1133] : memref<5x40x144xf32, #tpu.memory_space<vmem>> -> memref<1x40x144xf32, #tpu.memory_space<vmem>>
        %get3A_1135 = tpu.memref_squeeze %get3A_1134 : memref<1x40x144xf32, #tpu.memory_space<vmem>> -> memref<40x144xf32, #tpu.memory_space<vmem>>
        %get3A_1136 = arith.index_cast %scan3A_1039 : i32 to index
        %get3A_1137 = arith.constant 48 : index
        %get3A_1138 = tpu.vector_load %get3A_1135[%get3A_1136, %get3A_1137] {strides = array<i32>} : memref<40x144xf32, #tpu.memory_space<vmem>>, vector<1x16xf32>,
        %get3A_1139 = vector.shape_cast %get3A_1138 : vector<1x16xf32> to vector<16xf32>
        %slice3A_1140 = vector.extract_strided_slice %exp3A {offsets = [3], sizes = [1], strides = [1]} : vector<16xf32> to vector<1xf32>
        %squeeze3A_1141 = vector.extract %slice3A_1140[0] : f32 from vector<1xf32>
        %mul3A_1142 = vector.broadcast %squeeze3A_1141 : f32 to vector<16xf32>
        %mul3A_1143 = arith.mulf %get3A_1139, %mul3A_1142 : vector<16xf32>
        %swap3A_1144 = arith.constant 0 : i32
        %swap3A_1145 = arith.constant 0 : i32
        %swap3A_1146 = tpu.memref_slice %arg10[%scan3A_996, %swap3A_1144, %swap3A_1145] : memref<5x40x144xf32, #tpu.memory_space<vmem>> -> memref<1x40x144xf32, #tpu.memory_space<vmem>>
        %swap3A_1147 = tpu.memref_squeeze %swap3A_1146 : memref<1x40x144xf32, #tpu.memory_space<vmem>> -> memref<40x144xf32, #tpu.memory_space<vmem>>
        %swap3A_1148 = arith.index_cast %scan3A_1039 : i32 to index
        %swap3A_1149 = arith.constant 48 : index
        %swap3A_1150 = tpu.vector_load %swap3A_1147[%swap3A_1148, %swap3A_1149] {strides = array<i32>} : memref<40x144xf32, #tpu.memory_space<vmem>>, vector<1x16xf32>,
        %swap3A_1151 = vector.shape_cast %swap3A_1150 : vector<1x16xf32> to vector<16xf32>
        %swap3A_1152 = vector.shape_cast %mul3A_1143 : vector<16xf32> to vector<1x16xf32>
        tpu.vector_store %swap3A_1147[%swap3A_1148, %swap3A_1149], %swap3A_1152 {strides = array<i32>} : memref<40x144xf32, #tpu.memory_space<vmem>>, vector<1x16xf32>,
        %get3A_1153 = arith.constant 0 : i32
        %get3A_1154 = arith.constant 0 : i32
        %get3A_1155 = tpu.memref_slice %arg10[%scan3A_996, %get3A_1153, %get3A_1154] : memref<5x40x144xf32, #tpu.memory_space<vmem>> -> memref<1x40x144xf32, #tpu.memory_space<vmem>>
        %get3A_1156 = tpu.memref_squeeze %get3A_1155 : memref<1x40x144xf32, #tpu.memory_space<vmem>> -> memref<40x144xf32, #tpu.memory_space<vmem>>
        %get3A_1157 = arith.index_cast %scan3A_1039 : i32 to index
        %get3A_1158 = arith.constant 64 : index
        %get3A_1159 = tpu.vector_load %get3A_1156[%get3A_1157, %get3A_1158] {strides = array<i32>} : memref<40x144xf32, #tpu.memory_space<vmem>>, vector<1x16xf32>,
        %get3A_1160 = vector.shape_cast %get3A_1159 : vector<1x16xf32> to vector<16xf32>
        %slice3A_1161 = vector.extract_strided_slice %exp3A {offsets = [4], sizes = [1], strides = [1]} : vector<16xf32> to vector<1xf32>
        %squeeze3A_1162 = vector.extract %slice3A_1161[0] : f32 from vector<1xf32>
        %mul3A_1163 = vector.broadcast %squeeze3A_1162 : f32 to vector<16xf32>
        %mul3A_1164 = arith.mulf %get3A_1160, %mul3A_1163 : vector<16xf32>
        %swap3A_1165 = arith.constant 0 : i32
        %swap3A_1166 = arith.constant 0 : i32
        %swap3A_1167 = tpu.memref_slice %arg10[%scan3A_996, %swap3A_1165, %swap3A_1166] : memref<5x40x144xf32, #tpu.memory_space<vmem>> -> memref<1x40x144xf32, #tpu.memory_space<vmem>>
        %swap3A_1168 = tpu.memref_squeeze %swap3A_1167 : memref<1x40x144xf32, #tpu.memory_space<vmem>> -> memref<40x144xf32, #tpu.memory_space<vmem>>
        %swap3A_1169 = arith.index_cast %scan3A_1039 : i32 to index
        %swap3A_1170 = arith.constant 64 : index
        %swap3A_1171 = tpu.vector_load %swap3A_1168[%swap3A_1169, %swap3A_1170] {strides = array<i32>} : memref<40x144xf32, #tpu.memory_space<vmem>>, vector<1x16xf32>,
        %swap3A_1172 = vector.shape_cast %swap3A_1171 : vector<1x16xf32> to vector<16xf32>
        %swap3A_1173 = vector.shape_cast %mul3A_1164 : vector<16xf32> to vector<1x16xf32>
        tpu.vector_store %swap3A_1168[%swap3A_1169, %swap3A_1170], %swap3A_1173 {strides = array<i32>} : memref<40x144xf32, #tpu.memory_space<vmem>>, vector<1x16xf32>,
        %get3A_1174 = arith.constant 0 : i32
        %get3A_1175 = arith.constant 0 : i32
        %get3A_1176 = tpu.memref_slice %arg10[%scan3A_996, %get3A_1174, %get3A_1175] : memref<5x40x144xf32, #tpu.memory_space<vmem>> -> memref<1x40x144xf32, #tpu.memory_space<vmem>>
        %get3A_1177 = tpu.memref_squeeze %get3A_1176 : memref<1x40x144xf32, #tpu.memory_space<vmem>> -> memref<40x144xf32, #tpu.memory_space<vmem>>
        %get3A_1178 = arith.index_cast %scan3A_1039 : i32 to index
        %get3A_1179 = arith.constant 80 : index
        %get3A_1180 = tpu.vector_load %get3A_1177[%get3A_1178, %get3A_1179] {strides = array<i32>} : memref<40x144xf32, #tpu.memory_space<vmem>>, vector<1x16xf32>,
        %get3A_1181 = vector.shape_cast %get3A_1180 : vector<1x16xf32> to vector<16xf32>
        %slice3A_1182 = vector.extract_strided_slice %exp3A {offsets = [5], sizes = [1], strides = [1]} : vector<16xf32> to vector<1xf32>
        %squeeze3A_1183 = vector.extract %slice3A_1182[0] : f32 from vector<1xf32>
        %mul3A_1184 = vector.broadcast %squeeze3A_1183 : f32 to vector<16xf32>
        %mul3A_1185 = arith.mulf %get3A_1181, %mul3A_1184 : vector<16xf32>
        %swap3A_1186 = arith.constant 0 : i32
        %swap3A_1187 = arith.constant 0 : i32
        %swap3A_1188 = tpu.memref_slice %arg10[%scan3A_996, %swap3A_1186, %swap3A_1187] : memref<5x40x144xf32, #tpu.memory_space<vmem>> -> memref<1x40x144xf32, #tpu.memory_space<vmem>>
        %swap3A_1189 = tpu.memref_squeeze %swap3A_1188 : memref<1x40x144xf32, #tpu.memory_space<vmem>> -> memref<40x144xf32, #tpu.memory_space<vmem>>
        %swap3A_1190 = arith.index_cast %scan3A_1039 : i32 to index
        %swap3A_1191 = arith.constant 80 : index
        %swap3A_1192 = tpu.vector_load %swap3A_1189[%swap3A_1190, %swap3A_1191] {strides = array<i32>} : memref<40x144xf32, #tpu.memory_space<vmem>>, vector<1x16xf32>,
        %swap3A_1193 = vector.shape_cast %swap3A_1192 : vector<1x16xf32> to vector<16xf32>
        %swap3A_1194 = vector.shape_cast %mul3A_1185 : vector<16xf32> to vector<1x16xf32>
        tpu.vector_store %swap3A_1189[%swap3A_1190, %swap3A_1191], %swap3A_1194 {strides = array<i32>} : memref<40x144xf32, #tpu.memory_space<vmem>>, vector<1x16xf32>,
        %get3A_1195 = arith.constant 0 : i32
        %get3A_1196 = arith.constant 0 : i32
        %get3A_1197 = tpu.memref_slice %arg10[%scan3A_996, %get3A_1195, %get3A_1196] : memref<5x40x144xf32, #tpu.memory_space<vmem>> -> memref<1x40x144xf32, #tpu.memory_space<vmem>>
        %get3A_1198 = tpu.memref_squeeze %get3A_1197 : memref<1x40x144xf32, #tpu.memory_space<vmem>> -> memref<40x144xf32, #tpu.memory_space<vmem>>
        %get3A_1199 = arith.index_cast %scan3A_1039 : i32 to index
        %get3A_1200 = arith.constant 96 : index
        %get3A_1201 = tpu.vector_load %get3A_1198[%get3A_1199, %get3A_1200] {strides = array<i32>} : memref<40x144xf32, #tpu.memory_space<vmem>>, vector<1x16xf32>,
        %get3A_1202 = vector.shape_cast %get3A_1201 : vector<1x16xf32> to vector<16xf32>
        %slice3A_1203 = vector.extract_strided_slice %exp3A {offsets = [6], sizes = [1], strides = [1]} : vector<16xf32> to vector<1xf32>
        %squeeze3A_1204 = vector.extract %slice3A_1203[0] : f32 from vector<1xf32>
        %mul3A_1205 = vector.broadcast %squeeze3A_1204 : f32 to vector<16xf32>
        %mul3A_1206 = arith.mulf %get3A_1202, %mul3A_1205 : vector<16xf32>
        %swap3A_1207 = arith.constant 0 : i32
        %swap3A_1208 = arith.constant 0 : i32
        %swap3A_1209 = tpu.memref_slice %arg10[%scan3A_996, %swap3A_1207, %swap3A_1208] : memref<5x40x144xf32, #tpu.memory_space<vmem>> -> memref<1x40x144xf32, #tpu.memory_space<vmem>>
        %swap3A_1210 = tpu.memref_squeeze %swap3A_1209 : memref<1x40x144xf32, #tpu.memory_space<vmem>> -> memref<40x144xf32, #tpu.memory_space<vmem>>
        %swap3A_1211 = arith.index_cast %scan3A_1039 : i32 to index
        %swap3A_1212 = arith.constant 96 : index
        %swap3A_1213 = tpu.vector_load %swap3A_1210[%swap3A_1211, %swap3A_1212] {strides = array<i32>} : memref<40x144xf32, #tpu.memory_space<vmem>>, vector<1x16xf32>,
        %swap3A_1214 = vector.shape_cast %swap3A_1213 : vector<1x16xf32> to vector<16xf32>
        %swap3A_1215 = vector.shape_cast %mul3A_1206 : vector<16xf32> to vector<1x16xf32>
        tpu.vector_store %swap3A_1210[%swap3A_1211, %swap3A_1212], %swap3A_1215 {strides = array<i32>} : memref<40x144xf32, #tpu.memory_space<vmem>>, vector<1x16xf32>,
        %get3A_1216 = arith.constant 0 : i32
        %get3A_1217 = arith.constant 0 : i32
        %get3A_1218 = tpu.memref_slice %arg10[%scan3A_996, %get3A_1216, %get3A_1217] : memref<5x40x144xf32, #tpu.memory_space<vmem>> -> memref<1x40x144xf32, #tpu.memory_space<vmem>>
        %get3A_1219 = tpu.memref_squeeze %get3A_1218 : memref<1x40x144xf32, #tpu.memory_space<vmem>> -> memref<40x144xf32, #tpu.memory_space<vmem>>
        %get3A_1220 = arith.index_cast %scan3A_1039 : i32 to index
        %get3A_1221 = arith.constant 112 : index
        %get3A_1222 = tpu.vector_load %get3A_1219[%get3A_1220, %get3A_1221] {strides = array<i32>} : memref<40x144xf32, #tpu.memory_space<vmem>>, vector<1x16xf32>,
        %get3A_1223 = vector.shape_cast %get3A_1222 : vector<1x16xf32> to vector<16xf32>
        %slice3A_1224 = vector.extract_strided_slice %exp3A {offsets = [7], sizes = [1], strides = [1]} : vector<16xf32> to vector<1xf32>
        %squeeze3A_1225 = vector.extract %slice3A_1224[0] : f32 from vector<1xf32>
        %mul3A_1226 = vector.broadcast %squeeze3A_1225 : f32 to vector<16xf32>
        %mul3A_1227 = arith.mulf %get3A_1223, %mul3A_1226 : vector<16xf32>
        %swap3A_1228 = arith.constant 0 : i32
        %swap3A_1229 = arith.constant 0 : i32
        %swap3A_1230 = tpu.memref_slice %arg10[%scan3A_996, %swap3A_1228, %swap3A_1229] : memref<5x40x144xf32, #tpu.memory_space<vmem>> -> memref<1x40x144xf32, #tpu.memory_space<vmem>>
        %swap3A_1231 = tpu.memref_squeeze %swap3A_1230 : memref<1x40x144xf32, #tpu.memory_space<vmem>> -> memref<40x144xf32, #tpu.memory_space<vmem>>
        %swap3A_1232 = arith.index_cast %scan3A_1039 : i32 to index
        %swap3A_1233 = arith.constant 112 : index
        %swap3A_1234 = tpu.vector_load %swap3A_1231[%swap3A_1232, %swap3A_1233] {strides = array<i32>} : memref<40x144xf32, #tpu.memory_space<vmem>>, vector<1x16xf32>,
        %swap3A_1235 = vector.shape_cast %swap3A_1234 : vector<1x16xf32> to vector<16xf32>
        %swap3A_1236 = vector.shape_cast %mul3A_1227 : vector<16xf32> to vector<1x16xf32>
        tpu.vector_store %swap3A_1231[%swap3A_1232, %swap3A_1233], %swap3A_1236 {strides = array<i32>} : memref<40x144xf32, #tpu.memory_space<vmem>>, vector<1x16xf32>,
        %scan3A_1237 = arith.constant 0 : i32
        scf.yield %scan3A_1237 : i32
      }
      %scan3A_1004 = arith.constant 40 : i32
      %dma_start3A_1005 = arith.constant 4 : i32
      %dma_start3A_1006 = arith.constant 4 : i32
      %dma_start3A_1007 = arith.constant 4 : i32
      %dma_start3A_1008 = arith.constant 0 : i32
      %dma_start3A_1009 = arith.constant 0 : i32
      %dma_start3A_1010 = tpu.memref_slice %arg10[%dma_start3A_1005, %dma_start3A_1008, %dma_start3A_1009] : memref<5x40x144xf32, #tpu.memory_space<vmem>> -> memref<1x40x144xf32, #tpu.memory_space<vmem>>
      %dma_start3A_1011 = tpu.memref_squeeze %dma_start3A_1010 : memref<1x40x144xf32, #tpu.memory_space<vmem>> -> memref<40x144xf32, #tpu.memory_space<vmem>>
      %dma_start3A_1012 = arith.constant 0 : i32
      %dma_start3A_1013 = tpu.memref_slice %arg9[%dma_start3A_1006, %dma_start3A_1012] : memref<5x40xi32, #tpu.memory_space<vmem>> -> memref<1x40xi32, #tpu.memory_space<vmem>>
      %dma_start3A_1014 = tpu.memref_squeeze %dma_start3A_1013 : memref<1x40xi32, #tpu.memory_space<vmem>> -> memref<40xi32, #tpu.memory_space<vmem>>
      %dma_start3A_1015 = arith.constant 0 : i32
      %dma_start3A_1016 = arith.constant 0 : i32
      %dma_start3A_1017 = tpu.memref_slice %arg7[%dma_start3A_1015, %dma_start3A_1016] : memref<10240x144xf32, #tpu.memory_space<vmem_shared>> -> memref<10240x144xf32, #tpu.memory_space<vmem_shared>>
      %dma_start3A_1018 = tpu.memref_slice %arg14[%dma_start3A_1007] : memref<5x!tpu.dma_semaphore, #tpu.memory_space<semaphore_mem>> -> memref<1x!tpu.dma_semaphore, #tpu.memory_space<semaphore_mem>>
      %dma_start3A_1019 = tpu.memref_squeeze %dma_start3A_1018 : memref<1x!tpu.dma_semaphore, #tpu.memory_space<semaphore_mem>> -> memref<!tpu.dma_semaphore, #tpu.memory_space<semaphore_mem>>
      tpu.enqueue_indirect_dma source(%dma_start3A_1011 : memref<40x144xf32, #tpu.memory_space<vmem>>) target(%dma_start3A_1017 : memref<10240x144xf32, #tpu.memory_space<vmem_shared>>) offsets(%dma_start3A_1014 : memref<40xi32, #tpu.memory_space<vmem>>) semaphore(%dma_start3A_1019 : memref<!tpu.dma_semaphore, #tpu.memory_space<semaphore_mem>>) {add = true}
      %add3A_1020 = arith.constant 5 : i32
      %add3A_1021 = arith.addi %add3A_965, %add3A_1020 : i32
      %sub3A_1022 = arith.constant 1 : i32
      %sub3A_1023 = arith.subi %add3A_1021, %sub3A_1022 : i32
      %lt3A_1024 = arith.constant 250 : i32
      %lt3A_1025 = arith.cmpi slt, %sub3A_1023, %lt3A_1024 : i32
      %convert_element_type3A_1026 = arith.extui %lt3A_1025 : i1 to i32
      %cond3A_1027 = arith.constant 0 : i32
      %cond3A_1028 = arith.cmpi ne, %convert_element_type3A_1026, %cond3A_1027 : i32
      scf.if %cond3A_1028 {
        %dma_wait3A_1039 = arith.constant 3 : i32
        %dma_wait3A_1040 = arith.constant 0 : i32
        %dma_wait3A_1041 = arith.constant 3 : i32
        %dma_wait3A_1042 = arith.constant 0 : i32
        %dma_wait3A_1043 = arith.constant 0 : i32
        %dma_wait3A_1044 = tpu.memref_slice %arg10[%dma_wait3A_1039, %dma_wait3A_1042, %dma_wait3A_1043] : memref<5x40x144xf32, #tpu.memory_space<vmem>> -> memref<1x40x144xf32, #tpu.memory_space<vmem>>
        %dma_wait3A_1045 = tpu.memref_squeeze %dma_wait3A_1044 : memref<1x40x144xf32, #tpu.memory_space<vmem>> -> memref<40x144xf32, #tpu.memory_space<vmem>>
        %dma_wait3A_1046 = arith.constant 0 : i32
        %dma_wait3A_1047 = tpu.memref_slice %arg9[%dma_wait3A_1040, %dma_wait3A_1046] : memref<5x40xi32, #tpu.memory_space<vmem>> -> memref<1x40xi32, #tpu.memory_space<vmem>>
        %dma_wait3A_1048 = tpu.memref_squeeze %dma_wait3A_1047 : memref<1x40xi32, #tpu.memory_space<vmem>> -> memref<40xi32, #tpu.memory_space<vmem>>
        %dma_wait3A_1049 = arith.constant 0 : i32
        %dma_wait3A_1050 = arith.constant 0 : i32
        %dma_wait3A_1051 = tpu.memref_slice %arg7[%dma_wait3A_1049, %dma_wait3A_1050] : memref<10240x144xf32, #tpu.memory_space<vmem_shared>> -> memref<10240x144xf32, #tpu.memory_space<vmem_shared>>
        %dma_wait3A_1052 = tpu.memref_slice %arg14[%dma_wait3A_1041] : memref<5x!tpu.dma_semaphore, #tpu.memory_space<semaphore_mem>> -> memref<1x!tpu.dma_semaphore, #tpu.memory_space<semaphore_mem>>
        %dma_wait3A_1053 = tpu.memref_squeeze %dma_wait3A_1052 : memref<1x!tpu.dma_semaphore, #tpu.memory_space<semaphore_mem>> -> memref<!tpu.dma_semaphore, #tpu.memory_space<semaphore_mem>>
        tpu.wait_indirect_dma semaphore(%dma_wait3A_1053 : memref<!tpu.dma_semaphore, #tpu.memory_space<semaphore_mem>>) src(%dma_wait3A_1045 : memref<40x144xf32, #tpu.memory_space<vmem>>) dst(%dma_wait3A_1051 : memref<10240x144xf32, #tpu.memory_space<vmem_shared>>)
        %dma_start3A_1054 = arith.constant 3 : i32
        %dma_start3A_1055 = arith.constant 3 : i32
        %dma_start3A_1056 = arith.constant 0 : i32
        %dma_start3A_1057 = tpu.memref_slice %arg8[%dma_start3A_1054, %dma_start3A_1056] : memref<5x40xi32, #tpu.memory_space<vmem>> -> memref<1x40xi32, #tpu.memory_space<vmem>>
        %dma_start3A_1058 = tpu.memref_squeeze %dma_start3A_1057 : memref<1x40xi32, #tpu.memory_space<vmem>> -> memref<40xi32, #tpu.memory_space<vmem>>
        %dma_start3A_1059 = arith.constant 0 : i32
        %dma_start3A_1060 = tpu.memref_slice %arg4[%add3A, %sub3A_1023, %dma_start3A_1059] : memref<32x250x40xi32, #tpu.memory_space<hbm>> -> memref<1x1x40xi32, #tpu.memory_space<hbm>>
        %dma_start3A_1061 = tpu.memref_squeeze %dma_start3A_1060 : memref<1x1x40xi32, #tpu.memory_space<hbm>> -> memref<40xi32, #tpu.memory_space<hbm>>
        %dma_start3A_1062 = tpu.memref_slice %arg15[%dma_start3A_1055] : memref<5x!tpu.dma_semaphore, #tpu.memory_space<semaphore_mem>> -> memref<1x!tpu.dma_semaphore, #tpu.memory_space<semaphore_mem>>
        %dma_start3A_1063 = tpu.memref_squeeze %dma_start3A_1062 : memref<1x!tpu.dma_semaphore, #tpu.memory_space<semaphore_mem>> -> memref<!tpu.dma_semaphore, #tpu.memory_space<semaphore_mem>>
        %dma_start3A_1064 = arith.constant 0 : i32
        %dma_start3A_1065 = tpu.memref_slice %arg8[%dma_start3A_1054, %dma_start3A_1064] : memref<5x40xi32, #tpu.memory_space<vmem>> -> memref<1x40xi32, #tpu.memory_space<vmem>>
        %dma_start3A_1066 = tpu.memref_squeeze %dma_start3A_1065 : memref<1x40xi32, #tpu.memory_space<vmem>> -> memref<40xi32, #tpu.memory_space<vmem>>
        %dma_start3A_1067 = arith.constant 0 : i32
        %dma_start3A_1068 = tpu.memref_slice %arg4[%add3A, %sub3A_1023, %dma_start3A_1067] : memref<32x250x40xi32, #tpu.memory_space<hbm>> -> memref<1x1x40xi32, #tpu.memory_space<hbm>>
        %dma_start3A_1069 = tpu.memref_squeeze %dma_start3A_1068 : memref<1x1x40xi32, #tpu.memory_space<hbm>> -> memref<40xi32, #tpu.memory_space<hbm>>
        tpu.enqueue_dma source(%dma_start3A_1069 : memref<40xi32, #tpu.memory_space<hbm>>) target(%dma_start3A_1066 : memref<40xi32, #tpu.memory_space<vmem>>) target_semaphore(%dma_start3A_1063 : memref<!tpu.dma_semaphore, #tpu.memory_space<semaphore_mem>>)
        %dma_start3A_1070 = arith.constant 3 : i32
        %dma_start3A_1071 = arith.constant 3 : i32
        %dma_start3A_1072 = arith.constant 0 : i32
        %dma_start3A_1073 = tpu.memref_slice %arg9[%dma_start3A_1070, %dma_start3A_1072] : memref<5x40xi32, #tpu.memory_space<vmem>> -> memref<1x40xi32, #tpu.memory_space<vmem>>
        %dma_start3A_1074 = tpu.memref_squeeze %dma_start3A_1073 : memref<1x40xi32, #tpu.memory_space<vmem>> -> memref<40xi32, #tpu.memory_space<vmem>>
        %dma_start3A_1075 = arith.constant 0 : i32
        %dma_start3A_1076 = tpu.memref_slice %arg5[%add3A, %sub3A_1023, %dma_start3A_1075] : memref<32x250x40xi32, #tpu.memory_space<hbm>> -> memref<1x1x40xi32, #tpu.memory_space<hbm>>
        %dma_start3A_1077 = tpu.memref_squeeze %dma_start3A_1076 : memref<1x1x40xi32, #tpu.memory_space<hbm>> -> memref<40xi32, #tpu.memory_space<hbm>>
        %dma_start3A_1078 = tpu.memref_slice %arg15[%dma_start3A_1071] : memref<5x!tpu.dma_semaphore, #tpu.memory_space<semaphore_mem>> -> memref<1x!tpu.dma_semaphore, #tpu.memory_space<semaphore_mem>>
        %dma_start3A_1079 = tpu.memref_squeeze %dma_start3A_1078 : memref<1x!tpu.dma_semaphore, #tpu.memory_space<semaphore_mem>> -> memref<!tpu.dma_semaphore, #tpu.memory_space<semaphore_mem>>
        %dma_start3A_1080 = arith.constant 0 : i32
        %dma_start3A_1081 = tpu.memref_slice %arg9[%dma_start3A_1070, %dma_start3A_1080] : memref<5x40xi32, #tpu.memory_space<vmem>> -> memref<1x40xi32, #tpu.memory_space<vmem>>
        %dma_start3A_1082 = tpu.memref_squeeze %dma_start3A_1081 : memref<1x40xi32, #tpu.memory_space<vmem>> -> memref<40xi32, #tpu.memory_space<vmem>>
        %dma_start3A_1083 = arith.constant 0 : i32
        %dma_start3A_1084 = tpu.memref_slice %arg5[%add3A, %sub3A_1023, %dma_start3A_1083] : memref<32x250x40xi32, #tpu.memory_space<hbm>> -> memref<1x1x40xi32, #tpu.memory_space<hbm>>
        %dma_start3A_1085 = tpu.memref_squeeze %dma_start3A_1084 : memref<1x1x40xi32, #tpu.memory_space<hbm>> -> memref<40xi32, #tpu.memory_space<hbm>>
        tpu.enqueue_dma source(%dma_start3A_1085 : memref<40xi32, #tpu.memory_space<hbm>>) target(%dma_start3A_1082 : memref<40xi32, #tpu.memory_space<vmem>>) target_semaphore(%dma_start3A_1079 : memref<!tpu.dma_semaphore, #tpu.memory_space<semaphore_mem>>)
      } else {
      }
      %add3A_1029 = arith.constant 5 : i32
      %add3A_1030 = arith.addi %add3A_965, %add3A_1029 : i32
      %sub3A_1031 = arith.constant 2 : i32
      %sub3A_1032 = arith.subi %add3A_1030, %sub3A_1031 : i32
      %lt3A_1033 = arith.constant 250 : i32
      %lt3A_1034 = arith.cmpi slt, %sub3A_1032, %lt3A_1033 : i32
      %convert_element_type3A_1035 = arith.extui %lt3A_1034 : i1 to i32
      %cond3A_1036 = arith.constant 0 : i32
      %cond3A_1037 = arith.cmpi ne, %convert_element_type3A_1035, %cond3A_1036 : i32
      scf.if %cond3A_1037 {
        %dma_wait3A_1039 = arith.constant 0 : i32
        %dma_wait3A_1040 = arith.constant 0 : i32
        %dma_wait3A_1041 = arith.constant 2 : i32
        %dma_wait3A_1042 = arith.constant 2 : i32
        %dma_wait3A_1043 = arith.constant 0 : i32
        %dma_wait3A_1044 = tpu.memref_slice %arg8[%dma_wait3A_1041, %dma_wait3A_1043] : memref<5x40xi32, #tpu.memory_space<vmem>> -> memref<1x40xi32, #tpu.memory_space<vmem>>
        %dma_wait3A_1045 = tpu.memref_squeeze %dma_wait3A_1044 : memref<1x40xi32, #tpu.memory_space<vmem>> -> memref<40xi32, #tpu.memory_space<vmem>>
        %dma_wait3A_1046 = arith.constant 0 : i32
        %dma_wait3A_1047 = tpu.memref_slice %arg4[%dma_wait3A_1039, %dma_wait3A_1040, %dma_wait3A_1046] : memref<32x250x40xi32, #tpu.memory_space<hbm>> -> memref<1x1x40xi32, #tpu.memory_space<hbm>>
        %dma_wait3A_1048 = tpu.memref_squeeze %dma_wait3A_1047 : memref<1x1x40xi32, #tpu.memory_space<hbm>> -> memref<40xi32, #tpu.memory_space<hbm>>
        %dma_wait3A_1049 = tpu.memref_slice %arg15[%dma_wait3A_1042] : memref<5x!tpu.dma_semaphore, #tpu.memory_space<semaphore_mem>> -> memref<1x!tpu.dma_semaphore, #tpu.memory_space<semaphore_mem>>
        %dma_wait3A_1050 = tpu.memref_squeeze %dma_wait3A_1049 : memref<1x!tpu.dma_semaphore, #tpu.memory_space<semaphore_mem>> -> memref<!tpu.dma_semaphore, #tpu.memory_space<semaphore_mem>>
        %dma_wait3A_1051 = arith.constant 0 : i32
        %dma_wait3A_1052 = tpu.memref_slice %arg8[%dma_wait3A_1041, %dma_wait3A_1051] : memref<5x40xi32, #tpu.memory_space<vmem>> -> memref<1x40xi32, #tpu.memory_space<vmem>>
        %dma_wait3A_1053 = tpu.memref_squeeze %dma_wait3A_1052 : memref<1x40xi32, #tpu.memory_space<vmem>> -> memref<40xi32, #tpu.memory_space<vmem>>
        %dma_wait3A_1054 = arith.constant 0 : i32
        %dma_wait3A_1055 = tpu.memref_slice %arg4[%dma_wait3A_1039, %dma_wait3A_1040, %dma_wait3A_1054] : memref<32x250x40xi32, #tpu.memory_space<hbm>> -> memref<1x1x40xi32, #tpu.memory_space<hbm>>
        %dma_wait3A_1056 = tpu.memref_squeeze %dma_wait3A_1055 : memref<1x1x40xi32, #tpu.memory_space<hbm>> -> memref<40xi32, #tpu.memory_space<hbm>>
        tpu.wait_dma2 semaphore(%dma_wait3A_1050 : memref<!tpu.dma_semaphore, #tpu.memory_space<semaphore_mem>>) src(%dma_wait3A_1056 : memref<40xi32, #tpu.memory_space<hbm>>) dst(%dma_wait3A_1053 : memref<40xi32, #tpu.memory_space<vmem>>)
        %dma_wait3A_1057 = arith.constant 0 : i32
        %dma_wait3A_1058 = arith.constant 0 : i32
        %dma_wait3A_1059 = arith.constant 2 : i32
        %dma_wait3A_1060 = arith.constant 2 : i32
        %dma_wait3A_1061 = arith.constant 0 : i32
        %dma_wait3A_1062 = tpu.memref_slice %arg9[%dma_wait3A_1059, %dma_wait3A_1061] : memref<5x40xi32, #tpu.memory_space<vmem>> -> memref<1x40xi32, #tpu.memory_space<vmem>>
        %dma_wait3A_1063 = tpu.memref_squeeze %dma_wait3A_1062 : memref<1x40xi32, #tpu.memory_space<vmem>> -> memref<40xi32, #tpu.memory_space<vmem>>
        %dma_wait3A_1064 = arith.constant 0 : i32
        %dma_wait3A_1065 = tpu.memref_slice %arg5[%dma_wait3A_1057, %dma_wait3A_1058, %dma_wait3A_1064] : memref<32x250x40xi32, #tpu.memory_space<hbm>> -> memref<1x1x40xi32, #tpu.memory_space<hbm>>
        %dma_wait3A_1066 = tpu.memref_squeeze %dma_wait3A_1065 : memref<1x1x40xi32, #tpu.memory_space<hbm>> -> memref<40xi32, #tpu.memory_space<hbm>>
        %dma_wait3A_1067 = tpu.memref_slice %arg15[%dma_wait3A_1060] : memref<5x!tpu.dma_semaphore, #tpu.memory_space<semaphore_mem>> -> memref<1x!tpu.dma_semaphore, #tpu.memory_space<semaphore_mem>>
        %dma_wait3A_1068 = tpu.memref_squeeze %dma_wait3A_1067 : memref<1x!tpu.dma_semaphore, #tpu.memory_space<semaphore_mem>> -> memref<!tpu.dma_semaphore, #tpu.memory_space<semaphore_mem>>
        %dma_wait3A_1069 = arith.constant 0 : i32
        %dma_wait3A_1070 = tpu.memref_slice %arg9[%dma_wait3A_1059, %dma_wait3A_1069] : memref<5x40xi32, #tpu.memory_space<vmem>> -> memref<1x40xi32, #tpu.memory_space<vmem>>
        %dma_wait3A_1071 = tpu.memref_squeeze %dma_wait3A_1070 : memref<1x40xi32, #tpu.memory_space<vmem>> -> memref<40xi32, #tpu.memory_space<vmem>>
        %dma_wait3A_1072 = arith.constant 0 : i32
        %dma_wait3A_1073 = tpu.memref_slice %arg5[%dma_wait3A_1057, %dma_wait3A_1058, %dma_wait3A_1072] : memref<32x250x40xi32, #tpu.memory_space<hbm>> -> memref<1x1x40xi32, #tpu.memory_space<hbm>>
        %dma_wait3A_1074 = tpu.memref_squeeze %dma_wait3A_1073 : memref<1x1x40xi32, #tpu.memory_space<hbm>> -> memref<40xi32, #tpu.memory_space<hbm>>
        tpu.wait_dma2 semaphore(%dma_wait3A_1068 : memref<!tpu.dma_semaphore, #tpu.memory_space<semaphore_mem>>) src(%dma_wait3A_1074 : memref<40xi32, #tpu.memory_space<hbm>>) dst(%dma_wait3A_1071 : memref<40xi32, #tpu.memory_space<vmem>>)
        %dma_start3A_1075 = arith.constant 2 : i32
        %dma_start3A_1076 = arith.constant 2 : i32
        %dma_start3A_1077 = arith.constant 2 : i32
        %dma_start3A_1078 = arith.constant 0 : i32
        %dma_start3A_1079 = arith.constant 0 : i32
        %dma_start3A_1080 = tpu.memref_slice %arg10[%dma_start3A_1076, %dma_start3A_1078, %dma_start3A_1079] : memref<5x40x144xf32, #tpu.memory_space<vmem>> -> memref<1x40x144xf32, #tpu.memory_space<vmem>>
        %dma_start3A_1081 = tpu.memref_squeeze %dma_start3A_1080 : memref<1x40x144xf32, #tpu.memory_space<vmem>> -> memref<40x144xf32, #tpu.memory_space<vmem>>
        %dma_start3A_1082 = arith.constant 0 : i32
        %dma_start3A_1083 = tpu.memref_slice %arg8[%dma_start3A_1075, %dma_start3A_1082] : memref<5x40xi32, #tpu.memory_space<vmem>> -> memref<1x40xi32, #tpu.memory_space<vmem>>
        %dma_start3A_1084 = tpu.memref_squeeze %dma_start3A_1083 : memref<1x40xi32, #tpu.memory_space<vmem>> -> memref<40xi32, #tpu.memory_space<vmem>>
        %dma_start3A_1085 = arith.constant 0 : i32
        %dma_start3A_1086 = arith.constant 0 : i32
        %dma_start3A_1087 = tpu.memref_slice %arg2[%dma_start3A_1085, %dma_start3A_1086] : memref<10240x144xf32, #tpu.memory_space<hbm>> -> memref<10240x144xf32, #tpu.memory_space<hbm>>
        %dma_start3A_1088 = tpu.memref_slice %arg12[%dma_start3A_1077] : memref<5x!tpu.dma_semaphore, #tpu.memory_space<semaphore_mem>> -> memref<1x!tpu.dma_semaphore, #tpu.memory_space<semaphore_mem>>
        %dma_start3A_1089 = tpu.memref_squeeze %dma_start3A_1088 : memref<1x!tpu.dma_semaphore, #tpu.memory_space<semaphore_mem>> -> memref<!tpu.dma_semaphore, #tpu.memory_space<semaphore_mem>>
        tpu.enqueue_indirect_dma source(%dma_start3A_1087 : memref<10240x144xf32, #tpu.memory_space<hbm>>) target(%dma_start3A_1081 : memref<40x144xf32, #tpu.memory_space<vmem>>) offsets(%dma_start3A_1084 : memref<40xi32, #tpu.memory_space<vmem>>) semaphore(%dma_start3A_1089 : memref<!tpu.dma_semaphore, #tpu.memory_space<semaphore_mem>>)
        %dma_start3A_1090 = arith.constant 2 : i32
        %dma_start3A_1091 = arith.constant 2 : i32
        %dma_start3A_1092 = arith.constant 2 : i32
        %dma_start3A_1093 = arith.constant 0 : i32
        %dma_start3A_1094 = arith.constant 0 : i32
        %dma_start3A_1095 = tpu.memref_slice %arg11[%dma_start3A_1091, %dma_start3A_1093, %dma_start3A_1094] : memref<5x40x16xf32, #tpu.memory_space<vmem>> -> memref<1x40x16xf32, #tpu.memory_space<vmem>>
        %dma_start3A_1096 = tpu.memref_squeeze %dma_start3A_1095 : memref<1x40x16xf32, #tpu.memory_space<vmem>> -> memref<40x16xf32, #tpu.memory_space<vmem>>
        %dma_start3A_1097 = arith.constant 0 : i32
        %dma_start3A_1098 = tpu.memref_slice %arg9[%dma_start3A_1090, %dma_start3A_1097] : memref<5x40xi32, #tpu.memory_space<vmem>> -> memref<1x40xi32, #tpu.memory_space<vmem>>
        %dma_start3A_1099 = tpu.memref_squeeze %dma_start3A_1098 : memref<1x40xi32, #tpu.memory_space<vmem>> -> memref<40xi32, #tpu.memory_space<vmem>>
        %dma_start3A_1100 = arith.constant 0 : i32
        %dma_start3A_1101 = arith.constant 0 : i32
        %dma_start3A_1102 = tpu.memref_slice %arg3[%dma_start3A_1100, %dma_start3A_1101] : memref<10240x16xf32, #tpu.memory_space<hbm>> -> memref<10240x16xf32, #tpu.memory_space<hbm>>
        %dma_start3A_1103 = tpu.memref_slice %arg13[%dma_start3A_1092] : memref<5x!tpu.dma_semaphore, #tpu.memory_space<semaphore_mem>> -> memref<1x!tpu.dma_semaphore, #tpu.memory_space<semaphore_mem>>
        %dma_start3A_1104 = tpu.memref_squeeze %dma_start3A_1103 : memref<1x!tpu.dma_semaphore, #tpu.memory_space<semaphore_mem>> -> memref<!tpu.dma_semaphore, #tpu.memory_space<semaphore_mem>>
        tpu.enqueue_indirect_dma source(%dma_start3A_1102 : memref<10240x16xf32, #tpu.memory_space<hbm>>) target(%dma_start3A_1096 : memref<40x16xf32, #tpu.memory_space<vmem>>) offsets(%dma_start3A_1099 : memref<40xi32, #tpu.memory_space<vmem>>) semaphore(%dma_start3A_1104 : memref<!tpu.dma_semaphore, #tpu.memory_space<semaphore_mem>>)
      } else {
      }
      %scan3A_1038 = arith.constant 0 : i32
      scf.yield %scan3A_1038 : i32
    }
    %scan3A_426 = arith.constant 50 : i32
    %dma_wait3A_427 = arith.constant 0 : i32
    %dma_wait3A_428 = arith.constant 0 : i32
    %dma_wait3A_429 = arith.constant 0 : i32
    %dma_wait3A_430 = arith.constant 0 : i32
    %dma_wait3A_431 = arith.constant 0 : i32
    %dma_wait3A_432 = tpu.memref_slice %arg10[%dma_wait3A_427, %dma_wait3A_430, %dma_wait3A_431] : memref<5x40x144xf32, #tpu.memory_space<vmem>> -> memref<1x40x144xf32, #tpu.memory_space<vmem>>
    %dma_wait3A_433 = tpu.memref_squeeze %dma_wait3A_432 : memref<1x40x144xf32, #tpu.memory_space<vmem>> -> memref<40x144xf32, #tpu.memory_space<vmem>>
    %dma_wait3A_434 = arith.constant 0 : i32
    %dma_wait3A_435 = tpu.memref_slice %arg9[%dma_wait3A_428, %dma_wait3A_434] : memref<5x40xi32, #tpu.memory_space<vmem>> -> memref<1x40xi32, #tpu.memory_space<vmem>>
    %dma_wait3A_436 = tpu.memref_squeeze %dma_wait3A_435 : memref<1x40xi32, #tpu.memory_space<vmem>> -> memref<40xi32, #tpu.memory_space<vmem>>
    %dma_wait3A_437 = arith.constant 0 : i32
    %dma_wait3A_438 = arith.constant 0 : i32
    %dma_wait3A_439 = tpu.memref_slice %arg7[%dma_wait3A_437, %dma_wait3A_438] : memref<10240x144xf32, #tpu.memory_space<vmem_shared>> -> memref<10240x144xf32, #tpu.memory_space<vmem_shared>>
    %dma_wait3A_440 = tpu.memref_slice %arg14[%dma_wait3A_429] : memref<5x!tpu.dma_semaphore, #tpu.memory_space<semaphore_mem>> -> memref<1x!tpu.dma_semaphore, #tpu.memory_space<semaphore_mem>>
    %dma_wait3A_441 = tpu.memref_squeeze %dma_wait3A_440 : memref<1x!tpu.dma_semaphore, #tpu.memory_space<semaphore_mem>> -> memref<!tpu.dma_semaphore, #tpu.memory_space<semaphore_mem>>
    tpu.wait_indirect_dma semaphore(%dma_wait3A_441 : memref<!tpu.dma_semaphore, #tpu.memory_space<semaphore_mem>>) src(%dma_wait3A_433 : memref<40x144xf32, #tpu.memory_space<vmem>>) dst(%dma_wait3A_439 : memref<10240x144xf32, #tpu.memory_space<vmem_shared>>)
    %dma_wait3A_442 = arith.constant 1 : i32
    %dma_wait3A_443 = arith.constant 0 : i32
    %dma_wait3A_444 = arith.constant 1 : i32
    %dma_wait3A_445 = arith.constant 0 : i32
    %dma_wait3A_446 = arith.constant 0 : i32
    %dma_wait3A_447 = tpu.memref_slice %arg10[%dma_wait3A_442, %dma_wait3A_445, %dma_wait3A_446] : memref<5x40x144xf32, #tpu.memory_space<vmem>> -> memref<1x40x144xf32, #tpu.memory_space<vmem>>
    %dma_wait3A_448 = tpu.memref_squeeze %dma_wait3A_447 : memref<1x40x144xf32, #tpu.memory_space<vmem>> -> memref<40x144xf32, #tpu.memory_space<vmem>>
    %dma_wait3A_449 = arith.constant 0 : i32
    %dma_wait3A_450 = tpu.memref_slice %arg9[%dma_wait3A_443, %dma_wait3A_449] : memref<5x40xi32, #tpu.memory_space<vmem>> -> memref<1x40xi32, #tpu.memory_space<vmem>>
    %dma_wait3A_451 = tpu.memref_squeeze %dma_wait3A_450 : memref<1x40xi32, #tpu.memory_space<vmem>> -> memref<40xi32, #tpu.memory_space<vmem>>
    %dma_wait3A_452 = arith.constant 0 : i32
    %dma_wait3A_453 = arith.constant 0 : i32
    %dma_wait3A_454 = tpu.memref_slice %arg7[%dma_wait3A_452, %dma_wait3A_453] : memref<10240x144xf32, #tpu.memory_space<vmem_shared>> -> memref<10240x144xf32, #tpu.memory_space<vmem_shared>>
    %dma_wait3A_455 = tpu.memref_slice %arg14[%dma_wait3A_444] : memref<5x!tpu.dma_semaphore, #tpu.memory_space<semaphore_mem>> -> memref<1x!tpu.dma_semaphore, #tpu.memory_space<semaphore_mem>>
    %dma_wait3A_456 = tpu.memref_squeeze %dma_wait3A_455 : memref<1x!tpu.dma_semaphore, #tpu.memory_space<semaphore_mem>> -> memref<!tpu.dma_semaphore, #tpu.memory_space<semaphore_mem>>
    tpu.wait_indirect_dma semaphore(%dma_wait3A_456 : memref<!tpu.dma_semaphore, #tpu.memory_space<semaphore_mem>>) src(%dma_wait3A_448 : memref<40x144xf32, #tpu.memory_space<vmem>>) dst(%dma_wait3A_454 : memref<10240x144xf32, #tpu.memory_space<vmem_shared>>)
    %dma_wait3A_457 = arith.constant 2 : i32
    %dma_wait3A_458 = arith.constant 0 : i32
    %dma_wait3A_459 = arith.constant 2 : i32
    %dma_wait3A_460 = arith.constant 0 : i32
    %dma_wait3A_461 = arith.constant 0 : i32
    %dma_wait3A_462 = tpu.memref_slice %arg10[%dma_wait3A_457, %dma_wait3A_460, %dma_wait3A_461] : memref<5x40x144xf32, #tpu.memory_space<vmem>> -> memref<1x40x144xf32, #tpu.memory_space<vmem>>
    %dma_wait3A_463 = tpu.memref_squeeze %dma_wait3A_462 : memref<1x40x144xf32, #tpu.memory_space<vmem>> -> memref<40x144xf32, #tpu.memory_space<vmem>>
    %dma_wait3A_464 = arith.constant 0 : i32
    %dma_wait3A_465 = tpu.memref_slice %arg9[%dma_wait3A_458, %dma_wait3A_464] : memref<5x40xi32, #tpu.memory_space<vmem>> -> memref<1x40xi32, #tpu.memory_space<vmem>>
    %dma_wait3A_466 = tpu.memref_squeeze %dma_wait3A_465 : memref<1x40xi32, #tpu.memory_space<vmem>> -> memref<40xi32, #tpu.memory_space<vmem>>
    %dma_wait3A_467 = arith.constant 0 : i32
    %dma_wait3A_468 = arith.constant 0 : i32
    %dma_wait3A_469 = tpu.memref_slice %arg7[%dma_wait3A_467, %dma_wait3A_468] : memref<10240x144xf32, #tpu.memory_space<vmem_shared>> -> memref<10240x144xf32, #tpu.memory_space<vmem_shared>>
    %dma_wait3A_470 = tpu.memref_slice %arg14[%dma_wait3A_459] : memref<5x!tpu.dma_semaphore, #tpu.memory_space<semaphore_mem>> -> memref<1x!tpu.dma_semaphore, #tpu.memory_space<semaphore_mem>>
    %dma_wait3A_471 = tpu.memref_squeeze %dma_wait3A_470 : memref<1x!tpu.dma_semaphore, #tpu.memory_space<semaphore_mem>> -> memref<!tpu.dma_semaphore, #tpu.memory_space<semaphore_mem>>
    tpu.wait_indirect_dma semaphore(%dma_wait3A_471 : memref<!tpu.dma_semaphore, #tpu.memory_space<semaphore_mem>>) src(%dma_wait3A_463 : memref<40x144xf32, #tpu.memory_space<vmem>>) dst(%dma_wait3A_469 : memref<10240x144xf32, #tpu.memory_space<vmem_shared>>)
    %dma_wait3A_472 = arith.constant 3 : i32
    %dma_wait3A_473 = arith.constant 0 : i32
    %dma_wait3A_474 = arith.constant 3 : i32
    %dma_wait3A_475 = arith.constant 0 : i32
    %dma_wait3A_476 = arith.constant 0 : i32
    %dma_wait3A_477 = tpu.memref_slice %arg10[%dma_wait3A_472, %dma_wait3A_475, %dma_wait3A_476] : memref<5x40x144xf32, #tpu.memory_space<vmem>> -> memref<1x40x144xf32, #tpu.memory_space<vmem>>
    %dma_wait3A_478 = tpu.memref_squeeze %dma_wait3A_477 : memref<1x40x144xf32, #tpu.memory_space<vmem>> -> memref<40x144xf32, #tpu.memory_space<vmem>>
    %dma_wait3A_479 = arith.constant 0 : i32
    %dma_wait3A_480 = tpu.memref_slice %arg9[%dma_wait3A_473, %dma_wait3A_479] : memref<5x40xi32, #tpu.memory_space<vmem>> -> memref<1x40xi32, #tpu.memory_space<vmem>>
    %dma_wait3A_481 = tpu.memref_squeeze %dma_wait3A_480 : memref<1x40xi32, #tpu.memory_space<vmem>> -> memref<40xi32, #tpu.memory_space<vmem>>
    %dma_wait3A_482 = arith.constant 0 : i32
    %dma_wait3A_483 = arith.constant 0 : i32
    %dma_wait3A_484 = tpu.memref_slice %arg7[%dma_wait3A_482, %dma_wait3A_483] : memref<10240x144xf32, #tpu.memory_space<vmem_shared>> -> memref<10240x144xf32, #tpu.memory_space<vmem_shared>>
    %dma_wait3A_485 = tpu.memref_slice %arg14[%dma_wait3A_474] : memref<5x!tpu.dma_semaphore, #tpu.memory_space<semaphore_mem>> -> memref<1x!tpu.dma_semaphore, #tpu.memory_space<semaphore_mem>>
    %dma_wait3A_486 = tpu.memref_squeeze %dma_wait3A_485 : memref<1x!tpu.dma_semaphore, #tpu.memory_space<semaphore_mem>> -> memref<!tpu.dma_semaphore, #tpu.memory_space<semaphore_mem>>
    tpu.wait_indirect_dma semaphore(%dma_wait3A_486 : memref<!tpu.dma_semaphore, #tpu.memory_space<semaphore_mem>>) src(%dma_wait3A_478 : memref<40x144xf32, #tpu.memory_space<vmem>>) dst(%dma_wait3A_484 : memref<10240x144xf32, #tpu.memory_space<vmem_shared>>)
    %dma_wait3A_487 = arith.constant 4 : i32
    %dma_wait3A_488 = arith.constant 0 : i32
    %dma_wait3A_489 = arith.constant 4 : i32
    %dma_wait3A_490 = arith.constant 0 : i32
    %dma_wait3A_491 = arith.constant 0 : i32
    %dma_wait3A_492 = tpu.memref_slice %arg10[%dma_wait3A_487, %dma_wait3A_490, %dma_wait3A_491] : memref<5x40x144xf32, #tpu.memory_space<vmem>> -> memref<1x40x144xf32, #tpu.memory_space<vmem>>
    %dma_wait3A_493 = tpu.memref_squeeze %dma_wait3A_492 : memref<1x40x144xf32, #tpu.memory_space<vmem>> -> memref<40x144xf32, #tpu.memory_space<vmem>>
    %dma_wait3A_494 = arith.constant 0 : i32
    %dma_wait3A_495 = tpu.memref_slice %arg9[%dma_wait3A_488, %dma_wait3A_494] : memref<5x40xi32, #tpu.memory_space<vmem>> -> memref<1x40xi32, #tpu.memory_space<vmem>>
    %dma_wait3A_496 = tpu.memref_squeeze %dma_wait3A_495 : memref<1x40xi32, #tpu.memory_space<vmem>> -> memref<40xi32, #tpu.memory_space<vmem>>
    %dma_wait3A_497 = arith.constant 0 : i32
    %dma_wait3A_498 = arith.constant 0 : i32
    %dma_wait3A_499 = tpu.memref_slice %arg7[%dma_wait3A_497, %dma_wait3A_498] : memref<10240x144xf32, #tpu.memory_space<vmem_shared>> -> memref<10240x144xf32, #tpu.memory_space<vmem_shared>>
    %dma_wait3A_500 = tpu.memref_slice %arg14[%dma_wait3A_489] : memref<5x!tpu.dma_semaphore, #tpu.memory_space<semaphore_mem>> -> memref<1x!tpu.dma_semaphore, #tpu.memory_space<semaphore_mem>>
    %dma_wait3A_501 = tpu.memref_squeeze %dma_wait3A_500 : memref<1x!tpu.dma_semaphore, #tpu.memory_space<semaphore_mem>> -> memref<!tpu.dma_semaphore, #tpu.memory_space<semaphore_mem>>
    tpu.wait_indirect_dma semaphore(%dma_wait3A_501 : memref<!tpu.dma_semaphore, #tpu.memory_space<semaphore_mem>>) src(%dma_wait3A_493 : memref<40x144xf32, #tpu.memory_space<vmem>>) dst(%dma_wait3A_499 : memref<10240x144xf32, #tpu.memory_space<vmem_shared>>)
    %barrier3A_502 = arith.constant 0 : index
    tpu.barrier barrier_id(%barrier3A_502)
    %mul3A_503 = arith.constant 640 : i32
    %mul3A_504 = arith.muli %arg1, %mul3A_503 : i32
    %mul3A_505 = arith.constant 640 : i32
    %mul3A_506 = arith.muli %arg1, %mul3A_505 : i32
    "tpu.region"() ({
      %run_scoped3A_507 = tpu.sem_alloc : memref<!tpu.dma_semaphore, #tpu.memory_space<semaphore_mem>>
      %dma_start3A_508 = arith.constant 0 : i32
      %dma_start3A_509 = tpu.memref_slice %arg6[%arg0, %mul3A_506, %dma_start3A_508] : memref<2x10240x144xf32, #tpu.memory_space<hbm>> -> memref<1x640x144xf32, #tpu.memory_space<hbm>>
      %dma_start3A_510 = tpu.memref_squeeze %dma_start3A_509 : memref<1x640x144xf32, #tpu.memory_space<hbm>> -> memref<640x144xf32, #tpu.memory_space<hbm>>
      %dma_start3A_511 = arith.constant 0 : i32
      %dma_start3A_512 = tpu.memref_slice %arg7[%mul3A_504, %dma_start3A_511] : memref<10240x144xf32, #tpu.memory_space<vmem_shared>> -> memref<640x144xf32, #tpu.memory_space<vmem_shared>>
      tpu.enqueue_dma source(%dma_start3A_512 : memref<640x144xf32, #tpu.memory_space<vmem_shared>>) target(%dma_start3A_510 : memref<640x144xf32, #tpu.memory_space<hbm>>) target_semaphore(%run_scoped3A_507 : memref<!tpu.dma_semaphore, #tpu.memory_space<semaphore_mem>>)
      %dma_wait3A_513 = arith.constant 0 : i32
      %dma_wait3A_514 = tpu.memref_slice %arg6[%arg0, %mul3A_506, %dma_wait3A_513] : memref<2x10240x144xf32, #tpu.memory_space<hbm>> -> memref<1x640x144xf32, #tpu.memory_space<hbm>>
      %dma_wait3A_515 = tpu.memref_squeeze %dma_wait3A_514 : memref<1x640x144xf32, #tpu.memory_space<hbm>> -> memref<640x144xf32, #tpu.memory_space<hbm>>
      %dma_wait3A_516 = arith.constant 0 : i32
      %dma_wait3A_517 = tpu.memref_slice %arg7[%mul3A_504, %dma_wait3A_516] : memref<10240x144xf32, #tpu.memory_space<vmem_shared>> -> memref<640x144xf32, #tpu.memory_space<vmem_shared>>
      tpu.wait_dma2 semaphore(%run_scoped3A_507 : memref<!tpu.dma_semaphore, #tpu.memory_space<semaphore_mem>>) src(%dma_wait3A_517 : memref<640x144xf32, #tpu.memory_space<vmem_shared>>) dst(%dma_wait3A_515 : memref<640x144xf32, #tpu.memory_space<hbm>>)
      tpu.yield
    }) : () -> ()
    return
  }
}

module attributes {stable_mosaic.version = 14 : i64} {
  func.func @_prologue_body(%arg0: i32, %arg1: memref<512x128xf32, #tpu.memory_space<vmem>>, %arg2: memref<128x128xf32, #tpu.memory_space<vmem>>, %arg3: memref<1x128xf32, #tpu.memory_space<vmem>>, %arg4: memref<128x144xf32, #tpu.memory_space<vmem>>, %arg5: memref<128x16xf32, #tpu.memory_space<vmem>>, %arg6: memref<512x128xf32, #tpu.memory_space<vmem>>, %arg7: memref<512x144xf32, #tpu.memory_space<vmem>>, %arg8: memref<512x16xf32, #tpu.memory_space<vmem>>) attributes {dimension_semantics = [#tpu.dimension_semantics<arbitrary>], iteration_bounds = array<i64: 20>, scalar_prefetch = 0 : i64, scratch_operands = 0 : i64, tpu.core_type = #tpu.core_type<tc>, window_params = [{transform_indices = @transform_0, window_bounds = array<i64: 512, 128>}, {pipeline_mode = #tpu.pipeline_mode<synchronous>, transform_indices = @transform_1, window_bounds = array<i64: 128, 128>}, {pipeline_mode = #tpu.pipeline_mode<synchronous>, transform_indices = @transform_2, window_bounds = array<i64: 1, 128>}, {pipeline_mode = #tpu.pipeline_mode<synchronous>, transform_indices = @transform_3, window_bounds = array<i64: 128, 144>}, {pipeline_mode = #tpu.pipeline_mode<synchronous>, transform_indices = @transform_4, window_bounds = array<i64: 128, 16>}, {transform_indices = @transform_5, window_bounds = array<i64: 512, 128>}, {transform_indices = @transform_6, window_bounds = array<i64: 512, 144>}, {transform_indices = @transform_7, window_bounds = array<i64: 512, 16>}]} {
    %get3A = arith.constant 0 : index
    %get3A_0 = arith.constant 0 : index
    %get3A_1 = vector.load %arg1[%get3A, %get3A_0] : memref<512x128xf32, #tpu.memory_space<vmem>>, vector<512x128xf32>
    %get3A_2 = arith.constant 0 : index
    %get3A_3 = arith.constant 0 : index
    %get3A_4 = vector.load %arg2[%get3A_2, %get3A_3] : memref<128x128xf32, #tpu.memory_space<vmem>>, vector<128x128xf32>
    %dot_general3A = arith.constant dense<0.000000e+00> : vector<512x128xf32>
    %dot_general3A_5 = tpu.matmul %get3A_1, %get3A_4, %dot_general3A {dimension_numbers = #tpu.dot_dimension_numbers<[1], [0], [0], [1], [0, 0, 1, 1], [], []>, transpose_lhs_hint = false} : vector<512x128xf32>, vector<128x128xf32>, vector<512x128xf32> -> vector<512x128xf32>
    %get3A_6 = arith.constant 0 : index
    %get3A_7 = arith.constant 0 : index
    %get3A_8 = vector.load %arg3[%get3A_6, %get3A_7] : memref<1x128xf32, #tpu.memory_space<vmem>>, vector<1x128xf32>
    %add3A = vector.broadcast %get3A_8 : vector<1x128xf32> to vector<512x128xf32>
    %add3A_9 = arith.addf %dot_general3A_5, %add3A : vector<512x128xf32>
    %gt3A = arith.constant 0.000000e+00 : f32
    %gt3A_10 = vector.broadcast %gt3A : f32 to vector<512x128xf32>
    %gt3A_11 = arith.cmpf ogt, %add3A_9, %gt3A_10 : vector<512x128xf32>
    %exp3A = math.exp %add3A_9 : vector<512x128xf32>
    %sub3A = arith.constant 1.000000e+00 : f32
    %sub3A_12 = vector.broadcast %sub3A : f32 to vector<512x128xf32>
    %sub3A_13 = arith.subf %exp3A, %sub3A_12 : vector<512x128xf32>
    %select_n3A = arith.select %gt3A_11, %add3A_9, %sub3A_13 : vector<512x128xi1>, vector<512x128xf32>
    %swap3A = arith.constant 0 : index
    %swap3A_14 = arith.constant 0 : index
    %swap3A_15 = vector.load %arg6[%swap3A, %swap3A_14] : memref<512x128xf32, #tpu.memory_space<vmem>>, vector<512x128xf32>
    tpu.vector_store %arg6[%swap3A, %swap3A_14], %select_n3A {strides = array<i32>} : memref<512x128xf32, #tpu.memory_space<vmem>>, vector<512x128xf32>,
    %get3A_16 = arith.constant 0 : index
    %get3A_17 = arith.constant 0 : index
    %get3A_18 = vector.load %arg4[%get3A_16, %get3A_17] : memref<128x144xf32, #tpu.memory_space<vmem>>, vector<128x144xf32>
    %dot_general3A_19 = arith.constant dense<0.000000e+00> : vector<512x144xf32>
    %dot_general3A_20 = tpu.matmul %select_n3A, %get3A_18, %dot_general3A_19 {dimension_numbers = #tpu.dot_dimension_numbers<[1], [0], [0], [1], [0, 0, 1, 1], [], []>, transpose_lhs_hint = false} : vector<512x128xf32>, vector<128x144xf32>, vector<512x144xf32> -> vector<512x144xf32>
    %swap3A_21 = arith.constant 0 : index
    %swap3A_22 = arith.constant 0 : index
    %swap3A_23 = vector.load %arg7[%swap3A_21, %swap3A_22] : memref<512x144xf32, #tpu.memory_space<vmem>>, vector<512x144xf32>
    tpu.vector_store %arg7[%swap3A_21, %swap3A_22], %dot_general3A_20 {strides = array<i32>} : memref<512x144xf32, #tpu.memory_space<vmem>>, vector<512x144xf32>,
    %get3A_24 = arith.constant 0 : index
    %get3A_25 = arith.constant 0 : index
    %get3A_26 = vector.load %arg5[%get3A_24, %get3A_25] : memref<128x16xf32, #tpu.memory_space<vmem>>, vector<128x16xf32>
    %dot_general3A_27 = arith.constant dense<0.000000e+00> : vector<512x16xf32>
    %dot_general3A_28 = tpu.matmul %select_n3A, %get3A_26, %dot_general3A_27 {dimension_numbers = #tpu.dot_dimension_numbers<[1], [0], [0], [1], [0, 0, 1, 1], [], []>, transpose_lhs_hint = false} : vector<512x128xf32>, vector<128x16xf32>, vector<512x16xf32> -> vector<512x16xf32>
    %swap3A_29 = arith.constant 0 : index
    %swap3A_30 = arith.constant 0 : index
    %swap3A_31 = vector.load %arg8[%swap3A_29, %swap3A_30] : memref<512x16xf32, #tpu.memory_space<vmem>>, vector<512x16xf32>
    tpu.vector_store %arg8[%swap3A_29, %swap3A_30], %dot_general3A_28 {strides = array<i32>} : memref<512x16xf32, #tpu.memory_space<vmem>>, vector<512x16xf32>,
    return
  }
  func.func @transform_0(%arg0: i32) -> (i32, i32) {
    %c0_i32 = arith.constant 0 : i32
    %c0_i32_0 = arith.constant 0 : i32
    return %arg0, %c0_i32 : i32, i32
  }
  func.func @transform_1(%arg0: i32) -> (i32, i32) {
    %c0_i32 = arith.constant 0 : i32
    %c0_i32_0 = arith.constant 0 : i32
    %c0_i32_1 = arith.constant 0 : i32
    return %c0_i32, %c0_i32_0 : i32, i32
  }
  func.func @transform_2(%arg0: i32) -> (i32, i32) {
    %c0_i32 = arith.constant 0 : i32
    %c0_i32_0 = arith.constant 0 : i32
    %c0_i32_1 = arith.constant 0 : i32
    return %c0_i32, %c0_i32_0 : i32, i32
  }
  func.func @transform_3(%arg0: i32) -> (i32, i32) {
    %c0_i32 = arith.constant 0 : i32
    %c0_i32_0 = arith.constant 0 : i32
    %c0_i32_1 = arith.constant 0 : i32
    return %c0_i32, %c0_i32_0 : i32, i32
  }
  func.func @transform_4(%arg0: i32) -> (i32, i32) {
    %c0_i32 = arith.constant 0 : i32
    %c0_i32_0 = arith.constant 0 : i32
    %c0_i32_1 = arith.constant 0 : i32
    return %c0_i32, %c0_i32_0 : i32, i32
  }
  func.func @transform_5(%arg0: i32) -> (i32, i32) {
    %c0_i32 = arith.constant 0 : i32
    %c0_i32_0 = arith.constant 0 : i32
    return %arg0, %c0_i32 : i32, i32
  }
  func.func @transform_6(%arg0: i32) -> (i32, i32) {
    %c0_i32 = arith.constant 0 : i32
    %c0_i32_0 = arith.constant 0 : i32
    return %arg0, %c0_i32 : i32, i32
  }
  func.func @transform_7(%arg0: i32) -> (i32, i32) {
    %c0_i32 = arith.constant 0 : i32
    %c0_i32_0 = arith.constant 0 : i32
    return %arg0, %c0_i32 : i32, i32
  }
}

module attributes {stable_mosaic.version = 14 : i64} {
  func.func @_epilogue_body(%arg0: i32, %arg1: memref<2x512x144xf32, #tpu.memory_space<vmem>>, %arg2: memref<512x128xf32, #tpu.memory_space<vmem>>, %arg3: memref<16x128xf32, #tpu.memory_space<vmem>>, %arg4: memref<512x128xf32, #tpu.memory_space<vmem>>) attributes {dimension_semantics = [#tpu.dimension_semantics<arbitrary>], iteration_bounds = array<i64: 20>, scalar_prefetch = 0 : i64, scratch_operands = 0 : i64, tpu.core_type = #tpu.core_type<tc>, window_params = [{transform_indices = @transform_0, window_bounds = array<i64: 2, 512, 144>}, {transform_indices = @transform_1, window_bounds = array<i64: 512, 128>}, {pipeline_mode = #tpu.pipeline_mode<synchronous>, transform_indices = @transform_2, window_bounds = array<i64: 16, 128>}, {transform_indices = @transform_3, window_bounds = array<i64: 512, 128>}]} {
    %get3A = arith.constant 0 : index
    %get3A_0 = arith.constant 0 : index
    %get3A_1 = arith.constant 0 : index
    %get3A_2 = vector.load %arg1[%get3A, %get3A_0, %get3A_1] : memref<2x512x144xf32, #tpu.memory_space<vmem>>, vector<1x512x144xf32>
    %get3A_3 = vector.shape_cast %get3A_2 : vector<1x512x144xf32> to vector<512x144xf32>
    %get3A_4 = arith.constant 1 : index
    %get3A_5 = arith.constant 0 : index
    %get3A_6 = arith.constant 0 : index
    %get3A_7 = vector.load %arg1[%get3A_4, %get3A_5, %get3A_6] : memref<2x512x144xf32, #tpu.memory_space<vmem>>, vector<1x512x144xf32>
    %get3A_8 = vector.shape_cast %get3A_7 : vector<1x512x144xf32> to vector<512x144xf32>
    %add3A = arith.addf %get3A_3, %get3A_8 : vector<512x144xf32>
    %slice3A = vector.extract_strided_slice %add3A {offsets = [0, 128], sizes = [512, 16], strides = [1, 1]} : vector<512x144xf32> to vector<512x16xf32>
    %get3A_9 = arith.constant 0 : index
    %get3A_10 = arith.constant 0 : index
    %get3A_11 = vector.load %arg3[%get3A_9, %get3A_10] : memref<16x128xf32, #tpu.memory_space<vmem>>, vector<16x128xf32>
    %dot_general3A = arith.constant dense<0.000000e+00> : vector<512x128xf32>
    %dot_general3A_12 = tpu.matmul %slice3A, %get3A_11, %dot_general3A {dimension_numbers = #tpu.dot_dimension_numbers<[1], [0], [0], [1], [0, 0, 1, 1], [], []>, transpose_lhs_hint = false} : vector<512x16xf32>, vector<16x128xf32>, vector<512x128xf32> -> vector<512x128xf32>
    %slice3A_13 = vector.extract_strided_slice %add3A {offsets = [0, 0], sizes = [512, 128], strides = [1, 1]} : vector<512x144xf32> to vector<512x128xf32>
    %add3A_14 = arith.constant 1.000000e-16 : f32
    %add3A_15 = vector.broadcast %add3A_14 : f32 to vector<512x128xf32>
    %add3A_16 = arith.addf %dot_general3A_12, %add3A_15 : vector<512x128xf32>
    %div3A = arith.divf %slice3A_13, %add3A_16 : vector<512x128xf32>
    %get3A_17 = arith.constant 0 : index
    %get3A_18 = arith.constant 0 : index
    %get3A_19 = vector.load %arg2[%get3A_17, %get3A_18] : memref<512x128xf32, #tpu.memory_space<vmem>>, vector<512x128xf32>
    %add3A_20 = arith.addf %div3A, %get3A_19 : vector<512x128xf32>
    %mul3A = arith.mulf %add3A_20, %add3A_20 : vector<512x128xf32>
    %reduce_sum3A = arith.constant dense<0.000000e+00> : vector<512xf32>
    %reduce_sum3A_21 = vector.multi_reduction <add>, %mul3A, %reduce_sum3A [1] : vector<512x128xf32> to vector<512xf32>
    %broadcast_in_dim3A = vector.shape_cast %reduce_sum3A_21 : vector<512xf32> to vector<512x1xf32>
    %sqrt3A = math.sqrt %broadcast_in_dim3A : vector<512x1xf32>
    %max3A = arith.constant 9.99999996E-13 : f32
    %max3A_22 = vector.broadcast %max3A : f32 to vector<512x1xf32>
    %max3A_23 = arith.maximumf %sqrt3A, %max3A_22 : vector<512x1xf32>
    %div3A_24 = vector.broadcast %max3A_23 : vector<512x1xf32> to vector<512x128xf32>
    %div3A_25 = arith.divf %add3A_20, %div3A_24 : vector<512x128xf32>
    %swap3A = arith.constant 0 : index
    %swap3A_26 = arith.constant 0 : index
    %swap3A_27 = vector.load %arg4[%swap3A, %swap3A_26] : memref<512x128xf32, #tpu.memory_space<vmem>>, vector<512x128xf32>
    tpu.vector_store %arg4[%swap3A, %swap3A_26], %div3A_25 {strides = array<i32>} : memref<512x128xf32, #tpu.memory_space<vmem>>, vector<512x128xf32>,
    return
  }
  func.func @transform_0(%arg0: i32) -> (i32, i32, i32) {
    %c0_i32 = arith.constant 0 : i32
    %c0_i32_0 = arith.constant 0 : i32
    %c0_i32_1 = arith.constant 0 : i32
    return %c0_i32, %arg0, %c0_i32_0 : i32, i32, i32
  }
  func.func @transform_1(%arg0: i32) -> (i32, i32) {
    %c0_i32 = arith.constant 0 : i32
    %c0_i32_0 = arith.constant 0 : i32
    return %arg0, %c0_i32 : i32, i32
  }
  func.func @transform_2(%arg0: i32) -> (i32, i32) {
    %c0_i32 = arith.constant 0 : i32
    %c0_i32_0 = arith.constant 0 : i32
    %c0_i32_1 = arith.constant 0 : i32
    return %c0_i32, %c0_i32_0 : i32, i32
  }
  func.func @transform_3(%arg0: i32) -> (i32, i32) {
    %c0_i32 = arith.constant 0 : i32
    %c0_i32_0 = arith.constant 0 : i32
    return %arg0, %c0_i32 : i32, i32
  }
}

</mosaic_0001>

<sc_bundles>
// kernel: kernel.5.cloned.1.call-start
scs
__scs_entry_jumppad:
0x0: {  	(pc) =	sbr.rel $0x88, $3  }
0x1: {  	(tag) =	ssettag $0x0;
	lr =	simm.s32 $0x1  }
0x2: {  	[smem:$0x3F9A] =	sst lr;
	_ =	strace $0xD0000000  }
0x3: {  	_ = 	snop  }
0x4: {  	_ = 	snop  }
0x5: {  	_ = 	snop  }
0x6: {  	_ = 	snop  }
0x7: {  	_ = 	snop  }
__scs_overlays_trampoline_lowered:
0x8: {  	[smem:$0x3FA9] =	sst s0  }
0x9: {  	[smem:$0x3FAA] =	sst s1  }
0xa: {  	[smem:$0x3FAB] =	sst s2  }
0xb: {  	[smem:$0x3FAC] =	sst s3  }
0xc: {  	[smem:$0x3FAD] =	sst s4  }
0xd: {  	[smem:$0x3FAE] =	sst s5  }
0xe: {  	[smem:$0x3FAF] =	sst s6  }
0xf: {  	[smem:$0x3FB0] =	sst s7  }
0x10: {  	[smem:$0x3FB1] =	sst s8  }
0x11: {  	[smem:$0x3FB2] =	sst s9;
	s0 =	simm.s32 @!p0 $0x0  }
0x12: {  	s1 =	sld [smem:$0x3F98];
	s0 =	simm.s32 @p0 $0x1  }
0x13: {  	[smem:$0x3FB3] =	sst s0;
	s0 =	simm.s32 @!p1 $0x0  }
0x14: {  	s2 =	sld [smem:$0x3F97];
	s0 =	simm.s32 @p1 $0x1  }
0x15: {  	[smem:$0x3FB4] =	sst s0;
	s0 =	simm.s32 @!p2 $0x0  }
0x16: {  	s3 =	sld [smem:$0x3FDB];
	s0 =	simm.s32 @p2 $0x1  }
0x17: {  	s4 =	simm.s32 $0x1BF5;
	[smem:$0x3FB6] =	sst s0  }
0x18: {  	s0 =	sld [smem:$0x3F99];
	_ =	swait.ge [sflag:s4], $0x0  }
0x19: {  	s7 =	sld [smem:$0x3F9A]  }
0x1a: {  	s8 =	sadd.s32 $0xFFFFE003, lr  }
0x1b: {  	s9 =	sadd.s32 $0xFFFFFEF7, lr;
	s5 =	simm.s32 $0xFFFFFFFF;
	p2 =	slt.u32 s8, $0xFFFFF086  }
0x1c: {  	p1 =	slt.u32 s9, $0xF7A;
	s5 =	simm.s32 @!p2 $0x0  }
0x1d: {  	s5 =	simm.s32 @p1 $0x1;
	p0 =	seq.s32 s7, s2  }
0x1e: {  	s7 =	smul.u32 @!p0 $0xF7A, s2;
	p2 =	seq.s32 @!p0 s5, $0x0  }
0x1f: {  	s9 =	smul.u32 $0xF7A, s1;
	s8 =	simm.s32 @!p0 $0x1BF5;
	p2 =	por !p2, p0  }
0x20: {  	[sflag:s8] =	ssyncset.s32 @!p0 $0xFFFFF086;
	s6 =	sadd.s32 @!p0 s3, s7;
	s7 =	simm.s32 @!p0 $0x108  }
0x21: {  	s3 =	sadd.s32 s3, s9;
	s6 =	sadd.s32 @!p0 $0x88, s6;
	s7 =	simm.s32 @p2 $0x1082  }
0x22: {  	[simem:s7], [sflag:s8] =	dma.local @!p0 [hbm:s6], $0xF7A  }
0x23: {  	s9 =	sor.u32 $0xD0000000, s2;
	s6 =	simm.s32 $0x108;
	_ =	swait.ge @!p0 [sflag:s8], $0x0  }
0x24: {  	s3 =	sadd.s32 $0x88, s3;
	s6 =	simm.s32 @!p1 $0x1082;
	[sflag:s4] =	ssyncset.s32 $0xFFFFF086  }
0x25: {  	[simem:s6], [sflag:s4] =	dma.local [hbm:s3], $0xF7A  }
0x26: {  	[smem:$0x3F9A] =	sst s1;
	(tag) =	ssettag s2;
	_ =	strace s9  }
0x27: {  	s1 =	sld [smem:$0x3FAA]  }
0x28: {  	s2 =	sld [smem:$0x3FAB]  }
0x29: {  	s4 =	sld [smem:$0x3FAD]  }
0x2a: {  	p0 =	seq.s32 s5, $0x0;
	s5 =	sld [smem:$0x3FAE]  }
0x2b: {  	s6 =	sld [smem:$0x3FAF]  }
0x2c: {  	s7 =	sld [smem:$0x3FB0]  }
0x2d: {  	s3 =	simm.s32 $0x108;
	s8 =	sld [smem:$0x3FB1]  }
0x2e: {  	s3 =	simm.s32 @!p0 $0x1082;
	s9 =	sld [smem:$0x3FB2]  }
0x2f: {  	lr =	sadd.s32 s0, s3;
	s0 =	sld [smem:$0x3FA9]  }
0x30: {  	s3 =	sld [smem:$0x3FAC]  }
0x31: {  	[smem:$0x3FB5] =	sst s10  }
0x32: {  	s10 =	sld [smem:$0x3FB3];
	_ =	sdelay $0x3  }
0x33: {  	p0 =	seq.s32 s10, $0x1;
	s10 =	sld [smem:$0x3FB5];
	_ =	sdelay $0x3  }
0x34: {  	[smem:$0x3FB5] =	sst s10  }
0x35: {  	s10 =	sld [smem:$0x3FB4];
	_ =	sdelay $0x3  }
0x36: {  	p1 =	seq.s32 s10, $0x1;
	s10 =	sld [smem:$0x3FB5];
	_ =	sdelay $0x3  }
0x37: {  	[smem:$0x3FB5] =	sst s10  }
0x38: {  	s10 =	sld [smem:$0x3FB6]  }
0x39: {  	_ = 	snop;
	(pc) =	sbr.ind lr, $3  }
0x3a: {  	_ = 	snop  }
0x3b: {  	_ = 	snop  }
0x3c: {  	p2 =	seq.s32 s10, $0x1;
	s10 =	sld [smem:$0x3FB5]  }
0x3d: {  	_ =	shalt  }
0x3e: {  	_ =	shalt  }
0x3f: {  	_ =	shalt  }
0x40: {  	_ =	shalt  }
0x41: {  	_ =	shalt  }
0x42: {  	_ =	shalt  }
0x43: {  	_ =	shalt  }
0x44: {  	_ =	shalt  }
0x45: {  	_ =	shalt  }
0x46: {  	_ =	shalt  }
0x47: {  	_ =	shalt  }
0x48: {  	_ =	shalt  }
0x49: {  	_ =	shalt  }
0x4a: {  	_ =	shalt  }
0x4b: {  	_ =	shalt  }
0x4c: {  	_ =	shalt  }
0x4d: {  	_ =	shalt  }
0x4e: {  	_ =	shalt  }
0x4f: {  	_ =	shalt  }
0x50: {  	_ =	shalt  }
0x51: {  	_ =	shalt  }
0x52: {  	_ =	shalt  }
0x53: {  	_ =	shalt  }
0x54: {  	_ =	shalt  }
0x55: {  	_ =	shalt  }
0x56: {  	_ =	shalt  }
0x57: {  	_ =	shalt  }
0x58: {  	_ =	shalt  }
0x59: {  	_ =	shalt  }
0x5a: {  	_ =	shalt  }
0x5b: {  	_ =	shalt  }
0x5c: {  	_ =	shalt  }
0x5d: {  	_ =	shalt  }
0x5e: {  	_ =	shalt  }
0x5f: {  	_ =	shalt  }
0x60: {  	_ =	shalt  }
0x61: {  	_ =	shalt  }
0x62: {  	_ =	shalt  }
0x63: {  	_ =	shalt  }
0x64: {  	_ =	shalt  }
0x65: {  	_ =	shalt  }
0x66: {  	_ =	shalt  }
0x67: {  	_ =	shalt  }
0x68: {  	_ =	shalt  }
0x69: {  	_ =	shalt  }
0x6a: {  	_ =	shalt  }
0x6b: {  	_ =	shalt  }
0x6c: {  	_ =	shalt  }
0x6d: {  	_ =	shalt  }
0x6e: {  	_ =	shalt  }
0x6f: {  	_ =	shalt  }
0x70: {  	_ =	shalt  }
0x71: {  	_ =	shalt  }
0x72: {  	_ =	shalt  }
0x73: {  	_ =	shalt  }
0x74: {  	_ =	shalt  }
0x75: {  	_ =	shalt  }
0x76: {  	_ =	shalt  }
0x77: {  	_ =	shalt  }
0x78: {  	_ =	shalt  }
0x79: {  	_ =	shalt  }
0x7a: {  	_ =	shalt  }
0x7b: {  	_ =	shalt  }
0x7c: {  	_ =	shalt  }
0x7d: {  	_ =	shalt  }
0x7e: {  	_ =	shalt  }
0x7f: {  	_ =	shalt  }
0x80: {  	_ =	shalt  }
0x81: {  	_ =	shalt  }
0x82: {  	_ =	shalt  }
0x83: {  	_ =	shalt  }
0x84: {  	_ =	shalt  }
0x85: {  	_ =	shalt  }
0x86: {  	_ =	shalt  }
0x87: {  	_ =	shalt  }
.Lfunc_end0:
.L_simem_size_0:
called_computation_lowered:
.L_overlay_start_0:
0x88: {  	s2 =	sld [smem:$0x3FD9]  }
0x89: {  	s3 =	sld [smem:$0x3FFE];
	_ =	sdelay $0x1  }
0x8a: {  	s1 =	srdreg.scid  }
0x8b: {  	s0 =	sand.u32 $0x1, s1  }
0x8c: {  	s17 =	sshll.u32 s0, $0xA;
	s2 =	sadd.s32 s3, s2  }
0x8d: {  	s2 =	sadd.s32 s2, s17  }
0x8e: {  	[smem:$0x3FC1] =	sst s2  }
0x8f: {  	_ = 	snop  }
0x90: {  	s2 =	sld [smem:$0x3FD0];
	(tm) =	ssettm $0x1  }
0x91: {  	s18 =	sld [smem:$0x3FFB];
	_ =	sdelay $0x3  }
0x92: {  	_ =	strace s18  }
0x93: {  	s3 =	sld [smem:$0x3FFC];
	_ =	sdelay $0x3  }
0x94: {  	_ =	strace s3  }
0x95: {  	s3 =	sld [smem:$0x3FFD];
	_ =	sdelay $0x3  }
0x96: {  	_ =	strace s3  }
0x97: {  	_ =	strace $0x8FFFFFFF  }
0x98: {  	s19 =	sld [smem:$0x3FDB];
	_ =	sdelay $0x1  }
0x99: {  	s4 =	simm.s32 $_scs_section_size  }
0x9a: {  	s5 =	simm.s32 $_size__tile_overlayer_lowered;
	s6 =	simm.s32 $_tile_overlayer_lowered  }
0x9b: {  	s22 =	simm.s32 $0x1BFF;
	s21 =	sshll.u32 s6, $0x1;
	s3 =	sadd.s32 s4, s19  }
0x9c: {  	s7 =	simm.s32 $0x0;
	s20 =	sshll.u32 s5, $0x1;
	s5 =	sadd.s32 s21, s3  }
0x9d: {  	[timem:s7], [sflag:s22] =	dma.local [hbm:s5], s20  }
0x9e: {  	_ =	swait.ge [sflag:s22], s20  }
0x9f: {  	s4 =	ssub.s32 $0x0, s20;
	[sflag:s22] =	ssyncset.done $0x0  }
0xa0: {  	[sflag:s22] =	ssyncadd.s32 s4;
	_ =	sdelay $0x1  }
0xa1: {  	s23 =	simm.s32 $0x1B8B  }
0xa2: {  	_ =	swait.ge [sflag:s23], $0x1  }
0xa3: {  	[sflag:s23] =	ssyncset.done $0x0  }
0xa4: {  	s25 =	simm.s32 $0x1B8E;
	s24 =	sld [smem:$0x3FFE];
	[sflag:s23] =	ssyncadd.s32 $0xFFFFFFFF  }
0xa5: {  	s26 =	simm.s32 $execute0_lowered;
	[smem:$0x3FD2] =	sst s25  }
0xa6: {  	s5 =	sshll.u32 s26, $0x1;
	_ =	strace $0x80000046;
	[dreg:$0x1] =	wrdreg $0xFFFFFFFF  }
0xa7: {  	s28 =	simm.s32 $_size_execute0_lowered;
	s3 =	sadd.s32 s3, s5;
	[dreg:$0x0] =	wrdreg $0x0  }
0xa8: {  	s5 =	sshll.u32 s28, $0x1;
	[dreg:$0x2] =	wrdreg s3  }
0xa9: {  	[dreg:$0x3] =	wrdreg s5  }
0xaa: {  	[dreg:$0x4] =	wrdreg $0xC0  }
0xab: {  	_ =	task [dreg:s7], $0x5FFFF  }
0xac: {  	[dreg:$0x1] =	wrdreg $0xFFFFFFFF  }
0xad: {  	[dreg:$0x0] =	wrdreg $0x60  }
0xae: {  	[dreg:$0x2] =	wrdreg s24  }
0xaf: {  	[dreg:$0x3] =	wrdreg s2  }
0xb0: {  	[dreg:$0x4] =	wrdreg $0x0  }
0xb1: {  	[dreg:$0x5] =	wrdreg $0x9  }
0xb2: {  	_ =	task.clear_ibuf [dreg:s7], $0x6FFFF;
	_ =	strace $0x90000046  }
0xb3: {  	s29 =	simm.s32 $0x9;
	_ =	strace $0x80000048  }
0xb4: {  	_ =	swait.ge [sflag:s29], $0x1  }
0xb5: {  	[sflag:s29] =	ssyncadd.s32 $0xFFFFFFFF  }
0xb6: {  	_ =	strace $0x90000048  }
0xb7: {  	_ =	sfence  }
0xb8: {  	s30 =	sld [smem:$0x0];
	_ =	sdelay $0x2  }
0xb9: {  	s31 =	sshll.u32 s1, $0xD;
	s1 =	sshrl.u32 s1, $0x2  }
0xba: {  	s3 =	sand.u32 $0x4000, s31;
	s1 =	sadd.s32 s1, s30  }
0xbb: {  	s0 =	sor.u32 s3, s0;
	s1 =	sshll.u32 s1, $0x11  }
0xbc: {  	s0 =	sor.u32 s1, s0  }
0xbd: {  	s0 =	sadd.s32 $0x8F2B, s0  }
0xbe: {  	[sflag:s0] =	ssyncadd.remote.s32 $0x1  }
0xbf: {  	_ =	sfence.sel $0xFFFF  }
0xc0: {  	[dreg:$0x0] =	wrdreg $0xFFFFFFFF;
	(pc) =	sbr.abs _section_cstart, $3  }
0xc1: {  	[dreg:$0x1] =	wrdreg $0xFFFFFFFF  }
0xc2: {  	_ =	task.clear_ibuf [dreg:s7], $0x2FFFF;
	_ =	strace $0x9FFFFFFF  }
0xc3: {  	(tm) =	ssettm $0x7FFFFFFF  }
tec
execute0_lowered:
.L_overlay_start_1:
0x0: {  	(tag) =	ssettag $0x1  }
0x1: {  	s1 =	rddreg [dreg:$0x0]  }
0x2: {  	s3 =	rddreg [dreg:$0x1];
	s10 =	stileid.u32  }
0x3: {  	s0 =	srdreg.scid;
	s8 =	smul.u32 $0x5A000, s10  }
0x4: {  	s4 =	rddreg [dreg:$0x2];
	s6 =	simm.s32 $0x0;
	s2 =	smul.u32 $0x16800, s10  }
0x5: {  	s28 =	simm.s32 $0x12;
	s30 =	simm.s32 $0x1;
	s8 =	sshrl.u32 s8, $0x2  }
0x6: {  	[smem:$0x7FF] =	sst s6;
	s11 =	sadd.s32 s2, s4;
	s14 =	sadd.s32 s8, s4  }
0x7: {  	_ =	strace $0x80000047;
	[dreg:$0x4] =	wrdreg s11;
	s8 =	sadd.s32 $0x1680, s14  }
0x8: {  	s31 =	simm.s32 $0x6;
	s15 =	sadd.s32 $0x2D00, s14;
	[dreg:$0x5] =	wrdreg s8  }
0x9: {  	s29 =	simm.s32 $0x2;
	s16 =	sadd.s32 $0x4380, s14;
	[dreg:$0x6] =	wrdreg s15  }
0xa: {  	s0 =	sand.u32 $0x1, s0;
	s17 =	sadd.s32 $0x5A00, s14;
	[dreg:$0x7] =	wrdreg s16  }
0xb: {  	s6 =	sadd.s32 $0x5000, s1;
	s18 =	sadd.s32 $0x7080, s14;
	[dreg:$0x8] =	wrdreg s17  }
0xc: {  	s13 =	sshll.u32 s10, $0x1;
	s19 =	sadd.s32 $0x8700, s14;
	[dreg:$0x9] =	wrdreg s18  }
0xd: {  	s5 =	smul.u32 $0x168000, s0;
	s20 =	sadd.s32 $0x9D80, s14;
	[dreg:$0xa] =	wrdreg s19  }
0xe: {  	s7 =	ssub.s32 $0x2, s0;
	s21 =	sadd.s32 $0xB400, s14;
	[dreg:$0xb] =	wrdreg s20  }
0xf: {  	s0 =	sor.u32 s0, s13;
	s22 =	sadd.s32 $0xCA80, s14;
	[dreg:$0xc] =	wrdreg s21  }
0x10: {  	s9 =	sshrl.u32 s7, $0x1;
	s23 =	sadd.s32 $0xE100, s14;
	[dreg:$0xd] =	wrdreg s22  }
0x11: {  	s0 =	smul.u32 $0x2710, s0;
	s24 =	sadd.s32 $0xF780, s14;
	[dreg:$0xe] =	wrdreg s23  }
0x12: {  	s5 =	sadd.s32 s2, s5;
	s25 =	sadd.s32 $0x10E00, s14;
	[dreg:$0xf] =	wrdreg s24  }
0x13: {  	s7 =	ssub.s32 s7, s9;
	s26 =	sadd.s32 $0x12480, s14;
	[dreg:$0x10] =	wrdreg s25  }
0x14: {  	s5 =	sshrl.u32 s5, $0x3;
	s9 =	sadd.s32 $0x13B00, s14;
	[dreg:$0x11] =	wrdreg s26  }
0x15: {  	s2 =	sadd.s32 $0x15180, s14;
	s10 =	sshrl.u32 s0, $0x3;
	[dreg:$0x12] =	wrdreg s9  }
0x16: {  	s12 =	sadd.s32 $0x28, s0;
	s5 =	sadd.s32 s5, s1;
	[dreg:$0x13] =	wrdreg s2  }
0x17: {  	s8 =	sshrl.u32 s12, $0x3;
	s13 =	sadd.s32 s6, s10;
	s14 =	sadd.s32 s3, s10  }
0x18: {  	s2 =	sadd.s32 $0xA, s10;
	s16 =	sadd.s32 $0x78, s0;
	[dreg:$0x14] =	wrdreg s13  }
0x19: {  	s21 =	sadd.s32 $0xA0, s0;
	s22 =	sadd.s32 $0xC8, s0;
	[dreg:$0x15] =	wrdreg s14  }
0x1a: {  	s23 =	sadd.s32 $0xF0, s0;
	s24 =	sadd.s32 $0x118, s0;
	[dreg:$0x1c] =	wrdreg s21  }
0x1b: {  	s0 =	sadd.s32 $0x140, s0;
	s26 =	smax.u32 s7, $0x1;
	[dreg:$0x1d] =	wrdreg s22  }
0x1c: {  	s12 =	simm.s32 $0x16968;
	s7 =	simm.s32 $0x13;
	[dreg:$0x1e] =	wrdreg s23  }
0x1d: {  	s10 =	simm.s32 $0xA;
	s15 =	sadd.s32 s6, s8;
	[dreg:$0x1f] =	wrdreg s24  }
0x1e: {  	s8 =	sadd.s32 s3, s8;
	s17 =	sshrl.u32 s16, $0x3;
	[smem:$0x7FB] =	sst s0  }
0x1f: {  	s18 =	sadd.s32 s6, s2;
	s2 =	sadd.s32 s3, s2;
	[smem:$0x7FD] =	sst s26  }
0x20: {  	s25 =	sadd.s32 $0x7D000, s5;
	s13 =	sadd.s32 $0x50000, s1;
	[dreg:$0x16] =	wrdreg s15  }
0x21: {  	s23 =	simm.s32 $0x16940;
	s26 =	simm.s32 $0x7;
	[dreg:$0x17] =	wrdreg s8  }
0x22: {  	s14 =	simm.s32 $0x4;
	s5 =	simm.s32 $0x5;
	[dreg:$0x18] =	wrdreg s18  }
.Ltmp0:
0x23: {  	[dreg:$0x19] =	wrdreg s2;
	s19 =	sadd.s32 s6, s17;
	(pc) =	sbr.rel .LBB2_1-.Ltmp0, $4  }
0x24: {  	s20 =	sadd.s32 s3, s17;
	[smem:$0x7FC] =	sst s25;
	s18 =	simm.s32 $0x15  }
0x25: {  	s25 =	simm.s32 $0x28;
	s17 =	simm.s32 $0x3;
	s15 =	simm.s32 $0x9  }
0x26: {  	s2 =	simm.s32 $0xE;
	s8 =	simm.s32 $0x0;
	[dreg:$0x1a] =	wrdreg s19  }
0x27: {  	v0 =	vimm.f32 $0.0e+00;
	[dreg:$0x1b] =	wrdreg s20;
	s20 =	simm.s32 $0x14;
	s19 =	simm.s32 $0x8  }
.LBB2_16:
0x28: {  	s0 =	simm.s32 $0xB  }
0x29: {  	_ =	swait.ge [sflag:s0], $0x1680  }
0x2a: {  	[sflag:s0] =	ssyncset.done $0x0  }
0x2b: {  	s11 =	simm.s32 $0xC;
	[sflag:s0] =	ssyncadd.s32 $0xFFFFE980  }
0x2c: {  	_ =	swait.ge [sflag:s11], $0x1680  }
0x2d: {  	[sflag:s11] =	ssyncset.done $0x0  }
0x2e: {  	s16 =	simm.s32 $0xD;
	[sflag:s11] =	ssyncadd.s32 $0xFFFFE980  }
0x2f: {  	_ =	swait.ge [sflag:s16], $0x1680  }
0x30: {  	[sflag:s16] =	ssyncset.done $0x0  }
0x31: {  	[sflag:s16] =	ssyncadd.s32 $0xFFFFE980  }
0x32: {  	_ =	swait.ge [sflag:s2], $0x1680  }
0x33: {  	[sflag:s2] =	ssyncset.done $0x0  }
0x34: {  	s18 =	simm.s32 $0xF;
	[sflag:s2] =	ssyncadd.s32 $0xFFFFE980  }
0x35: {  	_ =	swait.ge [sflag:s18], $0x1680  }
0x36: {  	[sflag:s18] =	ssyncset.done $0x0  }
0x37: {  	[sflag:s18] =	ssyncadd.s32 $0xFFFFE980  }
0x38: {  	[bflag:$0x0] =	sbarrier.arrive $0xFFFF  }
0x39: {  	s21 =	stileid.u32;
	s9 =	sld [smem:$0x7FC]  }
0x3a: {  	s0 =	sshll.u32 s21, $0x6;
	s11 =	rddreg [dreg:$0x4]  }
0x3b: {  	s0 =	sor.u32 $0x1C15, s0;
	s18 =	simm.s32 $0x15;
	s8 =	sshrl.u32 s11, $0x3  }
0x3c: {  	[hbm:s9], [sflag:s0] =	dma.local [spmem:s8], $0x2D00  }
0x3d: {  	_ =	swait.ge [sflag:s18], $0x2D00  }
0x3e: {  	s22 =	sld [smem:$0x7FA]  }
0x3f: {  	s24 =	sld [smem:$0x7FD];
	_ =	sdelay $0x1  }
0x40: {  	s8 =	sadd.s32 $0x1, s22  }
0x41: {  	p0 =	sne.s32 s8, s24  }
.Ltmp1:
0x42: {  	_ = 	snop;
	(pc) =	sbr.rel @!p0 .LBB2_17-.Ltmp1, $3  }
0x43: {  	_ =	sdelay $0x1  }
0x44: {  	[sflag:s18] =	ssyncset.done $0x0  }
0x45: {  	[sflag:s18] =	ssyncadd.s32 $0xFFFFD300  }
.LBB2_1:
0x46: {  	[smem:$0x7FA] =	sst s8;
	s0 =	simm.s32 $0x0;
	s8 =	simm.s32 $0x240  }
.LBB2_2:
0x47: {  	p0 =	sne.s32 s8, $0x57C0;
	[tilespmem:s0+$0x16A10] =	vst v0  }
0x48: {  	[tilespmem:s0+$0x16990] =	vst v0  }
0x49: {  	[tilespmem:s0+$0x169A0] =	vst v0  }
0x4a: {  	[tilespmem:s0+$0x169B0] =	vst v0  }
.Ltmp2:
0x4b: {  	[tilespmem:s0+$0x169C0] =	vst v0;
	(pc) =	sbr.rel @p0 .LBB2_2-.Ltmp2, $4  }
0x4c: {  	[tilespmem:s0+$0x169D0] =	vst v0  }
0x4d: {  	[tilespmem:s0+$0x169E0] =	vst v0  }
0x4e: {  	[tilespmem:s0+$0x169F0] =	vst v0  }
0x4f: {  	[tilespmem:s0+$0x16A00] =	vst v0;
	s0 =	sshra.s32 s8, $0x2;
	s8 =	sadd.s32 $0x240, s8  }
0x50: {  	[tilespmem:s0+$0x16A10] =	vst v0  }
0x51: {  	[tilespmem:s0+$0x16990] =	vst v0  }
0x52: {  	[tilespmem:s0+$0x169A0] =	vst v0  }
0x53: {  	[tilespmem:s0+$0x169B0] =	vst v0  }
0x54: {  	[tilespmem:s0+$0x169C0] =	vst v0  }
0x55: {  	[tilespmem:s0+$0x169D0] =	vst v0  }
0x56: {  	[tilespmem:s0+$0x169E0] =	vst v0  }
0x57: {  	[tilespmem:s0+$0x169F0] =	vst v0  }
0x58: {  	[tilespmem:s0+$0x16A00] =	vst v0;
	s9 =	simm.s32 $0x16990  }
0x59: {  	[spmem:s11] =	stream.linear.scatter [tilespmem:s9], [sflag:$0x15], $0x1680, $0x38;
	[tilespmem:$0x1E690] =	vst v63  }
0x5a: {  	_ =	swait.ge [sflag:s18], $0x1680  }
0x5b: {  	[sflag:s18] =	ssyncset.done $0x0  }
0x5c: {  	s24 =	rddreg [dreg:$0x5];
	[sflag:s18] =	ssyncadd.s32 $0xFFFFE980  }
0x5d: {  	[spmem:s24] =	stream.linear.scatter [tilespmem:s9], [sflag:$0x15], $0x1680, $0x38;
	[tilespmem:$0x1E690] =	vst v63  }
0x5e: {  	_ =	swait.ge [sflag:s18], $0x1680  }
0x5f: {  	[sflag:s18] =	ssyncset.done $0x0  }
0x60: {  	s8 =	rddreg [dreg:$0x6];
	[sflag:s18] =	ssyncadd.s32 $0xFFFFE980  }
0x61: {  	[spmem:s8] =	stream.linear.scatter [tilespmem:s9], [sflag:$0x15], $0x1680, $0x38;
	[tilespmem:$0x1E690] =	vst v63  }
0x62: {  	_ =	swait.ge [sflag:s18], $0x1680  }
0x63: {  	[sflag:s18] =	ssyncset.done $0x0  }
0x64: {  	s11 =	rddreg [dreg:$0x7];
	[sflag:s18] =	ssyncadd.s32 $0xFFFFE980  }
0x65: {  	[spmem:s11] =	stream.linear.scatter [tilespmem:s9], [sflag:$0x15], $0x1680, $0x38;
	[tilespmem:$0x1E690] =	vst v63  }
0x66: {  	_ =	swait.ge [sflag:s18], $0x1680  }
0x67: {  	[sflag:s18] =	ssyncset.done $0x0  }
0x68: {  	s16 =	rddreg [dreg:$0x8];
	[sflag:s18] =	ssyncadd.s32 $0xFFFFE980  }
0x69: {  	[spmem:s16] =	stream.linear.scatter [tilespmem:s9], [sflag:$0x15], $0x1680, $0x38;
	[tilespmem:$0x1E690] =	vst v63  }
0x6a: {  	_ =	swait.ge [sflag:s18], $0x1680  }
0x6b: {  	[sflag:s18] =	ssyncset.done $0x0  }
0x6c: {  	s21 =	rddreg [dreg:$0x9];
	[sflag:s18] =	ssyncadd.s32 $0xFFFFE980  }
0x6d: {  	[spmem:s21] =	stream.linear.scatter [tilespmem:s9], [sflag:$0x15], $0x1680, $0x38;
	[tilespmem:$0x1E690] =	vst v63  }
0x6e: {  	_ =	swait.ge [sflag:s18], $0x1680  }
0x6f: {  	[sflag:s18] =	ssyncset.done $0x0  }
0x70: {  	s22 =	rddreg [dreg:$0xa];
	[sflag:s18] =	ssyncadd.s32 $0xFFFFE980  }
0x71: {  	[spmem:s22] =	stream.linear.scatter [tilespmem:s9], [sflag:$0x15], $0x1680, $0x38;
	[tilespmem:$0x1E690] =	vst v63  }
0x72: {  	_ =	swait.ge [sflag:s18], $0x1680  }
0x73: {  	[sflag:s18] =	ssyncset.done $0x0  }
0x74: {  	s24 =	rddreg [dreg:$0xb];
	[sflag:s18] =	ssyncadd.s32 $0xFFFFE980  }
0x75: {  	[spmem:s24] =	stream.linear.scatter [tilespmem:s9], [sflag:$0x15], $0x1680, $0x38;
	[tilespmem:$0x1E690] =	vst v63  }
0x76: {  	_ =	swait.ge [sflag:s18], $0x1680  }
0x77: {  	[sflag:s18] =	ssyncset.done $0x0  }
0x78: {  	s8 =	rddreg [dreg:$0xc];
	[sflag:s18] =	ssyncadd.s32 $0xFFFFE980  }
0x79: {  	[spmem:s8] =	stream.linear.scatter [tilespmem:s9], [sflag:$0x15], $0x1680, $0x38;
	[tilespmem:$0x1E690] =	vst v63  }
0x7a: {  	_ =	swait.ge [sflag:s18], $0x1680  }
0x7b: {  	[sflag:s18] =	ssyncset.done $0x0  }
0x7c: {  	s11 =	rddreg [dreg:$0xd];
	[sflag:s18] =	ssyncadd.s32 $0xFFFFE980  }
0x7d: {  	[spmem:s11] =	stream.linear.scatter [tilespmem:s9], [sflag:$0x15], $0x1680, $0x38;
	[tilespmem:$0x1E690] =	vst v63  }
0x7e: {  	_ =	swait.ge [sflag:s18], $0x1680  }
0x7f: {  	[sflag:s18] =	ssyncset.done $0x0  }
0x80: {  	s16 =	rddreg [dreg:$0xe];
	[sflag:s18] =	ssyncadd.s32 $0xFFFFE980  }
0x81: {  	[spmem:s16] =	stream.linear.scatter [tilespmem:s9], [sflag:$0x15], $0x1680, $0x38;
	[tilespmem:$0x1E690] =	vst v63  }
0x82: {  	_ =	swait.ge [sflag:s18], $0x1680  }
0x83: {  	[sflag:s18] =	ssyncset.done $0x0  }
0x84: {  	s21 =	rddreg [dreg:$0xf];
	[sflag:s18] =	ssyncadd.s32 $0xFFFFE980  }
0x85: {  	[spmem:s21] =	stream.linear.scatter [tilespmem:s9], [sflag:$0x15], $0x1680, $0x38;
	[tilespmem:$0x1E690] =	vst v63  }
0x86: {  	_ =	swait.ge [sflag:s18], $0x1680  }
0x87: {  	[sflag:s18] =	ssyncset.done $0x0  }
0x88: {  	s22 =	rddreg [dreg:$0x10];
	[sflag:s18] =	ssyncadd.s32 $0xFFFFE980  }
0x89: {  	[spmem:s22] =	stream.linear.scatter [tilespmem:s9], [sflag:$0x15], $0x1680, $0x38;
	[tilespmem:$0x1E690] =	vst v63  }
0x8a: {  	_ =	swait.ge [sflag:s18], $0x1680  }
0x8b: {  	[sflag:s18] =	ssyncset.done $0x0  }
0x8c: {  	s24 =	rddreg [dreg:$0x11];
	[sflag:s18] =	ssyncadd.s32 $0xFFFFE980  }
0x8d: {  	[spmem:s24] =	stream.linear.scatter [tilespmem:s9], [sflag:$0x15], $0x1680, $0x38;
	[tilespmem:$0x1E690] =	vst v63  }
0x8e: {  	_ =	swait.ge [sflag:s18], $0x1680  }
0x8f: {  	[sflag:s18] =	ssyncset.done $0x0  }
0x90: {  	s8 =	rddreg [dreg:$0x12];
	[sflag:s18] =	ssyncadd.s32 $0xFFFFE980  }
0x91: {  	[spmem:s8] =	stream.linear.scatter [tilespmem:s9], [sflag:$0x15], $0x1680, $0x38;
	[tilespmem:$0x1E690] =	vst v63  }
0x92: {  	_ =	swait.ge [sflag:s18], $0x1680  }
0x93: {  	[sflag:s18] =	ssyncset.done $0x0  }
0x94: {  	s11 =	rddreg [dreg:$0x13];
	[sflag:s18] =	ssyncadd.s32 $0xFFFFE980  }
0x95: {  	[spmem:s11] =	stream.linear.scatter [tilespmem:s9], [sflag:$0x15], $0x1680, $0x38;
	[tilespmem:$0x1E690] =	vst v63  }
0x96: {  	_ =	swait.ge [sflag:s18], $0x1680  }
0x97: {  	s0 =	simm.s32 $0x0;
	[sflag:s18] =	ssyncset.done $0x0  }
0x98: {  	s11 =	simm.s32 $0x16800;
	s8 =	rddreg [dreg:$0x14];
	[sflag:s18] =	ssyncadd.s32 $0xFFFFE980  }
0x99: {  	[tilespmem:s11], [sflag:$0x10] =	stream.linear.gather [hbm4b:s8+s0], $0x28, $0x38;
	[tilespmem:$0x1E690] =	vst v63  }
0x9a: {  	s16 =	rddreg [dreg:$0x15];
	s18 =	simm.s32 $0x168C8  }
0x9b: {  	[tilespmem:s18], [sflag:$0x10] =	stream.linear.gather [hbm4b:s16+s0], $0x28, $0x38;
	[tilespmem:$0x1E690] =	vst v63  }
0x9c: {  	s22 =	simm.s32 $0x16828;
	s21 =	rddreg [dreg:$0x16]  }
0x9d: {  	[tilespmem:s22], [sflag:$0x11] =	stream.linear.gather [hbm4b:s21+s0], $0x28, $0x38;
	[tilespmem:$0x1E690] =	vst v63  }
0x9e: {  	s24 =	rddreg [dreg:$0x17];
	s21 =	simm.s32 $0x168F0  }
0x9f: {  	[tilespmem:s21], [sflag:$0x11] =	stream.linear.gather [hbm4b:s24+s0], $0x28, $0x38;
	[tilespmem:$0x1E690] =	vst v63  }
0xa0: {  	s16 =	rddreg [dreg:$0x18];
	s24 =	simm.s32 $0x16850  }
0xa1: {  	[tilespmem:s24], [sflag:$0x12] =	stream.linear.gather [hbm4b:s16+s0], $0x28, $0x38;
	[tilespmem:$0x1E690] =	vst v63  }
0xa2: {  	s16 =	rddreg [dreg:$0x19];
	s24 =	simm.s32 $0x16918  }
0xa3: {  	[tilespmem:s24], [sflag:$0x12] =	stream.linear.gather [hbm4b:s16+s0], $0x28, $0x38;
	[tilespmem:$0x1E690] =	vst v63  }
0xa4: {  	s8 =	rddreg [dreg:$0x1a];
	s16 =	simm.s32 $0x16878  }
0xa5: {  	[tilespmem:s16], [sflag:$0x13] =	stream.linear.gather [hbm4b:s8+s0], $0x28, $0x38;
	[tilespmem:$0x1E690] =	vst v63  }
0xa6: {  	s16 =	rddreg [dreg:$0x1b]  }
0xa7: {  	[tilespmem:s23], [sflag:$0x13] =	stream.linear.gather [hbm4b:s16+s0], $0x28, $0x38;
	[tilespmem:$0x1E690] =	vst v63  }
0xa8: {  	s16 =	simm.s32 $0x10;
	[bflag:$0x0] =	sbarrier.arrive $0xFFFF  }
0xa9: {  	_ =	swait.ge [sflag:s16], $0x28  }
0xaa: {  	[sflag:s16] =	ssyncset.done $0x0  }
0xab: {  	[sflag:s16] =	ssyncadd.s32 $0xFFFFFFD8  }
0xac: {  	_ =	swait.ge [sflag:s16], $0x28  }
0xad: {  	[sflag:s16] =	ssyncset.done $0x0  }
0xae: {  	[sflag:s16] =	ssyncadd.s32 $0xFFFFFFD8  }
0xaf: {  	[tilespmem:s9], [sflag:$0x1] =	stream.indirect.gather [hbm4b:s13+s25], $0x90, s11, s25, $0xb8;
	[tilespmem:$0x1E690] =	vst v63  }
0xb0: {  	s16 =	simm.s32 $0x1DA10;
	s9 =	simm.s32 $0x11  }
0xb1: {  	[tilespmem:s16], [sflag:$0x6] =	stream.indirect.gather [hbm4b:s1+s25], $0x10, s18, s25, $0xb8;
	[tilespmem:$0x1E690] =	vst v63  }
0xb2: {  	_ =	swait.ge [sflag:s9], $0x28  }
0xb3: {  	[sflag:s9] =	ssyncset.done $0x0  }
0xb4: {  	[sflag:s9] =	ssyncadd.s32 $0xFFFFFFD8  }
0xb5: {  	_ =	swait.ge [sflag:s9], $0x28  }
0xb6: {  	[sflag:s9] =	ssyncset.done $0x0  }
0xb7: {  	s11 =	simm.s32 $0x18010;
	[sflag:s9] =	ssyncadd.s32 $0xFFFFFFD8  }
0xb8: {  	[tilespmem:s11], [sflag:$0x2] =	stream.indirect.gather [hbm4b:s13+s25], $0x90, s22, s25, $0xb8;
	[tilespmem:$0x1E690] =	vst v63  }
0xb9: {  	s16 =	simm.s32 $0x1DC90  }
0xba: {  	[tilespmem:s16], [sflag:$0x7] =	stream.indirect.gather [hbm4b:s1+s25], $0x10, s21, s25, $0xb8;
	[tilespmem:$0x1E690] =	vst v63  }
0xbb: {  	_ =	swait.ge [sflag:s28], $0x28  }
0xbc: {  	[sflag:s28] =	ssyncset.done $0x0  }
0xbd: {  	[sflag:s28] =	ssyncadd.s32 $0xFFFFFFD8  }
0xbe: {  	_ =	swait.ge [sflag:s28], $0x28  }
0xbf: {  	[sflag:s28] =	ssyncset.done $0x0  }
0xc0: {  	s18 =	simm.s32 $0x19690;
	s21 =	simm.s32 $0x16850;
	[sflag:s28] =	ssyncadd.s32 $0xFFFFFFD8  }
0xc1: {  	[tilespmem:s18], [sflag:$0x3] =	stream.indirect.gather [hbm4b:s13+s25], $0x90, s21, s25, $0xb8;
	[tilespmem:$0x1E690] =	vst v63  }
0xc2: {  	s22 =	simm.s32 $0x1DF10  }
0xc3: {  	[tilespmem:s22], [sflag:$0x8] =	stream.indirect.gather [hbm4b:s1+s25], $0x10, s24, s25, $0xb8;
	[tilespmem:$0x1E690] =	vst v63  }
.LBB2_4:
0xc4: {  	_ =	swait.ge [sflag:s30], $0x1680  }
0xc5: {  	[sflag:s30] =	ssyncset.done $0x0  }
0xc6: {  	[sflag:s30] =	ssyncadd.s32 $0xFFFFE980  }
0xc7: {  	_ =	swait.ge [sflag:s31], $0x280  }
0xc8: {  	[sflag:s31] =	ssyncset.done $0x0  }
0xc9: {  	s8 =	simm.s32 $0x169D0;
	s18 =	simm.s32 $0x0;
	[sflag:s31] =	ssyncadd.s32 $0xFFFFFD80  }
0xca: {  	s22 =	simm.s32 $0x40;
	s9 =	simm.s32 $0x169D0;
	s16 =	simm.s32 $0x168A0;
	v1 =	vld [tilespmem:s8+$0x40]  }
.LBB2_5:
0xcb: {  	p0 =	sne.s32 s22, $0x9C0;
	v2 =	vld [tilespmem:s18+$0x1DA10];
	_ =	sdelay $0x4  }
0xcc: {  	v1 =	vadd.f32 v2, v1;
	_ =	sdelay $0x1  }
0xcd: {  	v2 =	vmul.f32 $2.000000030e-01, v1  }
0xce: {  	vm0 =	vgt.f32 v1, $0.0e+00  }
0xcf: {  	v1 =	vsel vm0, v1, v2  }
0xd0: {  	v1 =	vmul.f32 $1.442695020e+00, v1;
	_ =	sdelay $0x1  }
0xd1: {  	(erf) = vpow2.f32 v1;
	_ =	sdelay $0x4  }
0xd2: {  	v1 =	vld [tilespmem:s8+$0x30]  }
0xd3: {  	v2 =	vld [tilespmem:s8+$0x20]  }
0xd4: {  	v3 =	vld [tilespmem:s8+$0x10]  }
0xd5: {  	v4 =	vld [tilespmem:s8+$0x0]  }
0xd6: {  	v5 =	vld [tilespmem:s8+$0xFFFFFFF0];
	v6 =	vpop (erf)  }
0xd7: {  	[tilespmem:s8+$0x40] =	vst v6;
	v7 =	vld [tilespmem:s8+$0xFFFFFFE0];
	v8 =	vbroadcast v6, $0x6;
	v9 =	vbroadcast v6, $0x7  }
0xd8: {  	v11 =	vbroadcast v6, $0x4;
	v12 =	vbroadcast v6, $0x5;
	v10 =	vld [tilespmem:s8+$0xFFFFFFD0]  }
0xd9: {  	v13 =	vld [tilespmem:s8+$0xFFFFFFC0];
	v2 =	vmul.f32 v2, v8;
	v1 =	vmul.f32 v1, v9  }
0xda: {  	v3 =	vmul.f32 v3, v12;
	v4 =	vmul.f32 v4, v11  }
0xdb: {  	v8 =	vbroadcast v6, $0x2;
	v9 =	vbroadcast v6, $0x3;
	[tilespmem:s8+$0x30] =	vst v1  }
0xdc: {  	v1 =	vbroadcast v6, $0x0;
	v6 =	vbroadcast v6, $0x1;
	[tilespmem:s8+$0x20] =	vst v2  }
0xdd: {  	v5 =	vmul.f32 v5, v9;
	v2 =	vmul.f32 v8, v7;
	[tilespmem:s8+$0x10] =	vst v3  }
.Ltmp3:
0xde: {  	v3 =	vmul.f32 v1, v13;
	v1 =	vmul.f32 v6, v10;
	[tilespmem:s8+$0x0] =	vst v4;
	(pc) =	sbr.rel @p0 .LBB2_5-.Ltmp3, $4  }
0xdf: {  	[tilespmem:s8+$0xFFFFFFF0] =	vst v5  }
0xe0: {  	[tilespmem:s8+$0xFFFFFFE0] =	vst v2  }
0xe1: {  	s8 =	sadd.s32 $0x90, s8;
	[tilespmem:s9+$0xFFFFFFD0] =	vst v1  }
0xe2: {  	s18 =	sshra.s32 s22, $0x2;
	s22 =	sadd.s32 $0x40, s22;
	v1 =	vld [tilespmem:s8+$0x40];
	[tilespmem:s9+$0xFFFFFFC0] =	vst v3;
	s9 =	smov.u32 s8  }
0xe3: {  	v2 =	vld [tilespmem:s18+$0x1DA10];
	_ =	sdelay $0x4  }
0xe4: {  	v1 =	vadd.f32 v2, v1;
	_ =	sdelay $0x1  }
0xe5: {  	v2 =	vmul.f32 $2.000000030e-01, v1  }
0xe6: {  	vm0 =	vgt.f32 v1, $0.0e+00  }
0xe7: {  	v1 =	vsel vm0, v1, v2  }
0xe8: {  	v1 =	vmul.f32 $1.442695020e+00, v1;
	_ =	sdelay $0x1  }
0xe9: {  	(erf) = vpow2.f32 v1;
	_ =	sdelay $0x6  }
0xea: {  	v1 =	vld [tilespmem:s8+$0x30]  }
0xeb: {  	v2 =	vld [tilespmem:s8+$0x20]  }
0xec: {  	v3 =	vld [tilespmem:s8+$0x10];
	v4 =	vpop (erf)  }
0xed: {  	v7 =	vld [tilespmem:s8+$0xFFFFFFF0];
	v6 =	vbroadcast v4, $0x7  }
0xee: {  	v5 =	vld [tilespmem:s8+$0x0];
	v8 =	vbroadcast v4, $0x6  }
0xef: {  	v9 =	vld [tilespmem:s8+$0xFFFFFFE0];
	v10 =	vbroadcast v4, $0x5;
	v1 =	vmul.f32 v1, v6  }
0xf0: {  	v59 =	vld [tilespmem:s8+$0xFFFFFFD0];
	[tilespmem:s8+$0x40] =	vst v4;
	v61 =	vbroadcast v4, $0x3;
	v2 =	vmul.f32 v2, v8  }
0xf1: {  	v60 =	vld [tilespmem:s8+$0xFFFFFFC0];
	v11 =	vbroadcast v4, $0x4;
	v3 =	vmul.f32 v3, v10;
	[tilespmem:s8+$0x30] =	vst v1  }
0xf2: {  	v62 =	vbroadcast v4, $0x2;
	v7 =	vmul.f32 v7, v61;
	[tilespmem:s8+$0x20] =	vst v2  }
0xf3: {  	v1 =	vmul.f32 v5, v11;
	v2 =	vbroadcast v4, $0x1;
	[tilespmem:s8+$0x10] =	vst v3  }
0xf4: {  	v63 =	vmul.f32 v62, v9;
	v3 =	vbroadcast v4, $0x0;
	[tilespmem:s8+$0xFFFFFFF0] =	vst v7  }
0xf5: {  	[tilespmem:s8+$0x0] =	vst v1;
	v1 =	vmul.f32 v2, v59  }
0xf6: {  	[tilespmem:s8+$0xFFFFFFE0] =	vst v63;
	v2 =	vmul.f32 v3, v60  }
0xf7: {  	p0 =	seq.s32 s0, $0x0;
	[tilespmem:s9+$0xFFFFFFD0] =	vst v1  }
0xf8: {  	s11 =	simm.s32 $0x16990;
	s18 =	simm.s32 $0x168C8;
	[tilespmem:s9+$0xFFFFFFC0] =	vst v2;
	s9 =	simm.s32 @!p0 $0xF  }
0xf9: {  	[spmem:s4] =	stream.indirect.scatter.add.f32 [tilespmem:s11], [sflag:$0xB], $0x90, s18, s25, $0xb8;
	[tilespmem:$0x1E690] =	vst v63  }
0xfa: {  	s8 =	smul.u32 $0xC8, s0;
	_ =	swait.ge @!p0 [sflag:s9], $0x1680  }
0xfb: {  	s11 =	rddreg [dreg:$0x1c]  }
0xfc: {  	s11 =	sadd.s32 s8, s11  }
0xfd: {  	[sflag:s9] =	ssyncset.done @!p0 $0x0;
	s11 =	sshrl.u32 s11, $0x3  }
0xfe: {  	s18 =	simm.s32 $0x0;
	[sflag:s9] =	ssyncadd.s32 @!p0 $0xFFFFE980;
	s22 =	sadd.s32 s6, s11  }
0xff: {  	[tilespmem:s16], [sflag:$0x14] =	stream.linear.gather [hbm4b:s22+s18], $0x28, $0x38;
	[tilespmem:$0x1E690] =	vst v63  }
0x100: {  	s22 =	sadd.s32 s3, s11  }
0x101: {  	[tilespmem:s12], [sflag:$0x14] =	stream.linear.gather [hbm4b:s22+s18], $0x28, $0x38;
	[tilespmem:$0x1E690] =	vst v63  }
0x102: {  	_ =	swait.ge [sflag:s7], $0x28  }
0x103: {  	[sflag:s7] =	ssyncset.done $0x0  }
0x104: {  	[sflag:s7] =	ssyncadd.s32 $0xFFFFFFD8  }
0x105: {  	_ =	swait.ge [sflag:s7], $0x28  }
0x106: {  	[sflag:s7] =	ssyncset.done $0x0  }
0x107: {  	s11 =	simm.s32 $0x16878;
	s18 =	simm.s32 $0x1AD10;
	[sflag:s7] =	ssyncadd.s32 $0xFFFFFFD8  }
0x108: {  	[tilespmem:s18], [sflag:$0x4] =	stream.indirect.gather [hbm4b:s13+s25], $0x90, s11, s25, $0xb8;
	[tilespmem:$0x1E690] =	vst v63  }
0x109: {  	s22 =	simm.s32 $0x1E190  }
0x10a: {  	[tilespmem:s22], [sflag:$0x9] =	stream.indirect.gather [hbm4b:s1+s25], $0x10, s23, s25, $0xb8;
	[tilespmem:$0x1E690] =	vst v63  }
0x10b: {  	_ =	swait.ge [sflag:s29], $0x1680  }
0x10c: {  	[sflag:s29] =	ssyncset.done $0x0  }
0x10d: {  	[sflag:s29] =	ssyncadd.s32 $0xFFFFE980  }
0x10e: {  	_ =	swait.ge [sflag:s26], $0x280  }
0x10f: {  	[sflag:s26] =	ssyncset.done $0x0  }
0x110: {  	s9 =	simm.s32 $0x18090;
	[sflag:s26] =	ssyncadd.s32 $0xFFFFFD80  }
0x111: {  	s11 =	simm.s32 $0x0;
	s18 =	simm.s32 $0x40;
	s22 =	simm.s32 $0x18090;
	v1 =	vld [tilespmem:s9+$0x0]  }
.LBB2_7:
0x112: {  	p0 =	sne.s32 s18, $0x9C0;
	v2 =	vld [tilespmem:s11+$0x1DC90];
	_ =	sdelay $0x4  }
0x113: {  	v1 =	vadd.f32 v2, v1;
	_ =	sdelay $0x1  }
0x114: {  	v2 =	vmul.f32 $2.000000030e-01, v1  }
0x115: {  	vm0 =	vgt.f32 v1, $0.0e+00  }
0x116: {  	v1 =	vsel vm0, v1, v2  }
0x117: {  	v1 =	vmul.f32 $1.442695020e+00, v1;
	_ =	sdelay $0x1  }
0x118: {  	(erf) = vpow2.f32 v1;
	_ =	sdelay $0x4  }
0x119: {  	v1 =	vld [tilespmem:s9+$0xFFFFFFF0]  }
0x11a: {  	v2 =	vld [tilespmem:s9+$0xFFFFFFE0]  }
0x11b: {  	v3 =	vld [tilespmem:s9+$0xFFFFFFD0]  }
0x11c: {  	v4 =	vld [tilespmem:s9+$0xFFFFFFC0]  }
0x11d: {  	v5 =	vld [tilespmem:s9+$0xFFFFFFB0];
	v6 =	vpop (erf)  }
0x11e: {  	[tilespmem:s9+$0x0] =	vst v6;
	v7 =	vld [tilespmem:s9+$0xFFFFFFA0];
	v8 =	vbroadcast v6, $0x6;
	v9 =	vbroadcast v6, $0x7  }
0x11f: {  	v11 =	vbroadcast v6, $0x4;
	v12 =	vbroadcast v6, $0x5;
	v10 =	vld [tilespmem:s9+$0xFFFFFF90]  }
0x120: {  	v13 =	vld [tilespmem:s9+$0xFFFFFF80];
	v2 =	vmul.f32 v2, v8;
	v1 =	vmul.f32 v1, v9  }
0x121: {  	v3 =	vmul.f32 v3, v12;
	v4 =	vmul.f32 v4, v11  }
0x122: {  	v8 =	vbroadcast v6, $0x2;
	v9 =	vbroadcast v6, $0x3;
	[tilespmem:s9+$0xFFFFFFF0] =	vst v1  }
0x123: {  	v1 =	vbroadcast v6, $0x0;
	v6 =	vbroadcast v6, $0x1;
	[tilespmem:s9+$0xFFFFFFE0] =	vst v2  }
0x124: {  	v5 =	vmul.f32 v5, v9;
	v2 =	vmul.f32 v8, v7;
	[tilespmem:s9+$0xFFFFFFD0] =	vst v3  }
.Ltmp4:
0x125: {  	v3 =	vmul.f32 v1, v13;
	v1 =	vmul.f32 v6, v10;
	[tilespmem:s9+$0xFFFFFFC0] =	vst v4;
	(pc) =	sbr.rel @p0 .LBB2_7-.Ltmp4, $4  }
0x126: {  	[tilespmem:s9+$0xFFFFFFB0] =	vst v5  }
0x127: {  	[tilespmem:s9+$0xFFFFFFA0] =	vst v2  }
0x128: {  	s9 =	sadd.s32 $0x90, s9;
	[tilespmem:s22+$0xFFFFFF90] =	vst v1  }
0x129: {  	s11 =	sshra.s32 s18, $0x2;
	s18 =	sadd.s32 $0x40, s18;
	v1 =	vld [tilespmem:s9+$0x0];
	[tilespmem:s22+$0xFFFFFF80] =	vst v3;
	s22 =	smov.u32 s9  }
0x12a: {  	v2 =	vld [tilespmem:s11+$0x1DC90];
	_ =	sdelay $0x4  }
0x12b: {  	v1 =	vadd.f32 v2, v1;
	_ =	sdelay $0x1  }
0x12c: {  	v2 =	vmul.f32 $2.000000030e-01, v1  }
0x12d: {  	vm0 =	vgt.f32 v1, $0.0e+00  }
0x12e: {  	v1 =	vsel vm0, v1, v2  }
0x12f: {  	v1 =	vmul.f32 $1.442695020e+00, v1;
	_ =	sdelay $0x1  }
0x130: {  	(erf) = vpow2.f32 v1;
	_ =	sdelay $0x6  }
0x131: {  	v1 =	vld [tilespmem:s9+$0xFFFFFFF0]  }
0x132: {  	v2 =	vld [tilespmem:s9+$0xFFFFFFE0]  }
0x133: {  	v3 =	vld [tilespmem:s9+$0xFFFFFFD0];
	v4 =	vpop (erf)  }
0x134: {  	v7 =	vld [tilespmem:s9+$0xFFFFFFB0];
	v6 =	vbroadcast v4, $0x7  }
0x135: {  	v5 =	vld [tilespmem:s9+$0xFFFFFFC0];
	v8 =	vbroadcast v4, $0x6  }
0x136: {  	v9 =	vld [tilespmem:s9+$0xFFFFFFA0];
	v10 =	vbroadcast v4, $0x5;
	v1 =	vmul.f32 v1, v6  }
0x137: {  	v59 =	vld [tilespmem:s9+$0xFFFFFF90];
	[tilespmem:s9+$0x0] =	vst v4;
	v61 =	vbroadcast v4, $0x3;
	v2 =	vmul.f32 v2, v8  }
0x138: {  	v60 =	vld [tilespmem:s9+$0xFFFFFF80];
	v11 =	vbroadcast v4, $0x4;
	v3 =	vmul.f32 v3, v10;
	[tilespmem:s9+$0xFFFFFFF0] =	vst v1  }
0x139: {  	v62 =	vbroadcast v4, $0x2;
	v7 =	vmul.f32 v7, v61;
	[tilespmem:s9+$0xFFFFFFE0] =	vst v2  }
0x13a: {  	v1 =	vmul.f32 v5, v11;
	v2 =	vbroadcast v4, $0x1;
	[tilespmem:s9+$0xFFFFFFD0] =	vst v3  }
0x13b: {  	v63 =	vmul.f32 v62, v9;
	v3 =	vbroadcast v4, $0x0;
	[tilespmem:s9+$0xFFFFFFB0] =	vst v7  }
0x13c: {  	[tilespmem:s9+$0xFFFFFFC0] =	vst v1;
	v1 =	vmul.f32 v2, v59  }
0x13d: {  	[tilespmem:s9+$0xFFFFFFA0] =	vst v63;
	v2 =	vmul.f32 v3, v60  }
0x13e: {  	p0 =	seq.s32 s0, $0x31;
	[tilespmem:s22+$0xFFFFFF90] =	vst v1  }
0x13f: {  	s18 =	simm.s32 $0x168F0;
	s9 =	simm.s32 @!p0 $0xB;
	[tilespmem:s22+$0xFFFFFF80] =	vst v2;
	s22 =	simm.s32 $0x18010  }
0x140: {  	[spmem:s4] =	stream.indirect.scatter.add.f32 [tilespmem:s22], [sflag:$0xC], $0x90, s18, s25, $0xb8;
	[tilespmem:$0x1E690] =	vst v63  }
0x141: {  	_ =	swait.ge @!p0 [sflag:s9], $0x1680  }
0x142: {  	s11 =	rddreg [dreg:$0x1d]  }
0x143: {  	[sflag:s9] =	ssyncset.done @!p0 $0x0;
	s11 =	sadd.s32 @!p0 s8, s11  }
0x144: {  	[sflag:s9] =	ssyncadd.s32 @!p0 $0xFFFFE980;
	s9 =	sshrl.u32 @!p0 s11, $0x3  }
0x145: {  	s18 =	simm.s32 @!p0 $0x0;
	s22 =	simm.s32 @!p0 $0x16800;
	s11 =	sadd.s32 @!p0 s6, s9  }
0x146: {  	[tilespmem:s22], [sflag:$0x10] =	stream.linear.gather @!p0 [hbm4b:s11+s18], $0x28, $0x38;
	[tilespmem:$0x1E690] =	vst v63  }
0x147: {  	s9 =	sadd.s32 @!p0 s3, s9;
	s11 =	simm.s32 @!p0 $0x168C8  }
0x148: {  	[tilespmem:s11], [sflag:$0x10] =	stream.linear.gather @!p0 [hbm4b:s9+s18], $0x28, $0x38;
	[tilespmem:$0x1E690] =	vst v63  }
0x149: {  	_ =	swait.ge [sflag:s20], $0x28  }
0x14a: {  	[sflag:s20] =	ssyncset.done $0x0  }
0x14b: {  	[sflag:s20] =	ssyncadd.s32 $0xFFFFFFD8  }
0x14c: {  	_ =	swait.ge [sflag:s20], $0x28  }
0x14d: {  	[sflag:s20] =	ssyncset.done $0x0  }
0x14e: {  	s18 =	simm.s32 $0x1C390;
	[sflag:s20] =	ssyncadd.s32 $0xFFFFFFD8  }
0x14f: {  	[tilespmem:s18], [sflag:$0x5] =	stream.indirect.gather [hbm4b:s13+s25], $0x90, s16, s25, $0xb8;
	[tilespmem:$0x1E690] =	vst v63  }
0x150: {  	s22 =	simm.s32 $0x1E410  }
0x151: {  	[tilespmem:s22], [sflag:$0xA] =	stream.indirect.gather [hbm4b:s1+s25], $0x10, s12, s25, $0xb8;
	[tilespmem:$0x1E690] =	vst v63  }
0x152: {  	_ =	swait.ge [sflag:s17], $0x1680  }
0x153: {  	[sflag:s17] =	ssyncset.done $0x0  }
0x154: {  	[sflag:s17] =	ssyncadd.s32 $0xFFFFE980  }
0x155: {  	_ =	swait.ge [sflag:s19], $0x280  }
0x156: {  	[sflag:s19] =	ssyncset.done $0x0  }
0x157: {  	s9 =	simm.s32 $0x19710;
	s11 =	simm.s32 $0x0;
	[sflag:s19] =	ssyncadd.s32 $0xFFFFFD80  }
0x158: {  	s16 =	simm.s32 $0x1C390;
	s18 =	simm.s32 $0x40;
	s22 =	simm.s32 $0x19710;
	v1 =	vld [tilespmem:s9+$0x0]  }
.LBB2_9:
0x159: {  	p1 =	sne.s32 s18, $0x9C0;
	v2 =	vld [tilespmem:s11+$0x1DF10];
	_ =	sdelay $0x4  }
0x15a: {  	v1 =	vadd.f32 v2, v1;
	_ =	sdelay $0x1  }
0x15b: {  	v2 =	vmul.f32 $2.000000030e-01, v1  }
0x15c: {  	vm0 =	vgt.f32 v1, $0.0e+00  }
0x15d: {  	v1 =	vsel vm0, v1, v2  }
0x15e: {  	v1 =	vmul.f32 $1.442695020e+00, v1;
	_ =	sdelay $0x1  }
0x15f: {  	(erf) = vpow2.f32 v1;
	_ =	sdelay $0x4  }
0x160: {  	v1 =	vld [tilespmem:s9+$0xFFFFFFF0]  }
0x161: {  	v2 =	vld [tilespmem:s9+$0xFFFFFFE0]  }
0x162: {  	v3 =	vld [tilespmem:s9+$0xFFFFFFD0]  }
0x163: {  	v4 =	vld [tilespmem:s9+$0xFFFFFFC0]  }
0x164: {  	v5 =	vld [tilespmem:s9+$0xFFFFFFB0];
	v6 =	vpop (erf)  }
0x165: {  	[tilespmem:s9+$0x0] =	vst v6;
	v7 =	vld [tilespmem:s9+$0xFFFFFFA0];
	v8 =	vbroadcast v6, $0x6;
	v9 =	vbroadcast v6, $0x7  }
0x166: {  	v11 =	vbroadcast v6, $0x4;
	v12 =	vbroadcast v6, $0x5;
	v10 =	vld [tilespmem:s9+$0xFFFFFF90]  }
0x167: {  	v13 =	vld [tilespmem:s9+$0xFFFFFF80];
	v2 =	vmul.f32 v2, v8;
	v1 =	vmul.f32 v1, v9  }
0x168: {  	v3 =	vmul.f32 v3, v12;
	v4 =	vmul.f32 v4, v11  }
0x169: {  	v8 =	vbroadcast v6, $0x2;
	v9 =	vbroadcast v6, $0x3;
	[tilespmem:s9+$0xFFFFFFF0] =	vst v1  }
0x16a: {  	v1 =	vbroadcast v6, $0x0;
	v6 =	vbroadcast v6, $0x1;
	[tilespmem:s9+$0xFFFFFFE0] =	vst v2  }
0x16b: {  	v5 =	vmul.f32 v5, v9;
	v2 =	vmul.f32 v8, v7;
	[tilespmem:s9+$0xFFFFFFD0] =	vst v3  }
.Ltmp5:
0x16c: {  	v3 =	vmul.f32 v1, v13;
	v1 =	vmul.f32 v6, v10;
	[tilespmem:s9+$0xFFFFFFC0] =	vst v4;
	(pc) =	sbr.rel @p1 .LBB2_9-.Ltmp5, $4  }
0x16d: {  	[tilespmem:s9+$0xFFFFFFB0] =	vst v5  }
0x16e: {  	[tilespmem:s9+$0xFFFFFFA0] =	vst v2  }
0x16f: {  	s9 =	sadd.s32 $0x90, s9;
	[tilespmem:s22+$0xFFFFFF90] =	vst v1  }
0x170: {  	s11 =	sshra.s32 s18, $0x2;
	s18 =	sadd.s32 $0x40, s18;
	v1 =	vld [tilespmem:s9+$0x0];
	[tilespmem:s22+$0xFFFFFF80] =	vst v3;
	s22 =	smov.u32 s9  }
0x171: {  	v2 =	vld [tilespmem:s11+$0x1DF10];
	_ =	sdelay $0x4  }
0x172: {  	v1 =	vadd.f32 v2, v1;
	_ =	sdelay $0x1  }
0x173: {  	v2 =	vmul.f32 $2.000000030e-01, v1  }
0x174: {  	vm0 =	vgt.f32 v1, $0.0e+00  }
0x175: {  	v1 =	vsel vm0, v1, v2  }
0x176: {  	v1 =	vmul.f32 $1.442695020e+00, v1;
	_ =	sdelay $0x1  }
0x177: {  	(erf) = vpow2.f32 v1;
	_ =	sdelay $0x6  }
0x178: {  	v1 =	vld [tilespmem:s9+$0xFFFFFFF0]  }
0x179: {  	v2 =	vld [tilespmem:s9+$0xFFFFFFE0]  }
0x17a: {  	v3 =	vld [tilespmem:s9+$0xFFFFFFD0];
	v4 =	vpop (erf)  }
0x17b: {  	v7 =	vld [tilespmem:s9+$0xFFFFFFB0];
	v6 =	vbroadcast v4, $0x7  }
0x17c: {  	v5 =	vld [tilespmem:s9+$0xFFFFFFC0];
	v8 =	vbroadcast v4, $0x6  }
0x17d: {  	v9 =	vld [tilespmem:s9+$0xFFFFFFA0];
	v10 =	vbroadcast v4, $0x5;
	v1 =	vmul.f32 v1, v6  }
0x17e: {  	v59 =	vld [tilespmem:s9+$0xFFFFFF90];
	[tilespmem:s9+$0x0] =	vst v4;
	v61 =	vbroadcast v4, $0x3;
	v2 =	vmul.f32 v2, v8  }
0x17f: {  	v60 =	vld [tilespmem:s9+$0xFFFFFF80];
	v11 =	vbroadcast v4, $0x4;
	v3 =	vmul.f32 v3, v10;
	[tilespmem:s9+$0xFFFFFFF0] =	vst v1  }
0x180: {  	v62 =	vbroadcast v4, $0x2;
	v7 =	vmul.f32 v7, v61;
	[tilespmem:s9+$0xFFFFFFE0] =	vst v2  }
0x181: {  	v1 =	vmul.f32 v5, v11;
	v2 =	vbroadcast v4, $0x1;
	[tilespmem:s9+$0xFFFFFFD0] =	vst v3  }
0x182: {  	v63 =	vmul.f32 v62, v9;
	v3 =	vbroadcast v4, $0x0;
	[tilespmem:s9+$0xFFFFFFB0] =	vst v7  }
0x183: {  	[tilespmem:s9+$0xFFFFFFC0] =	vst v1;
	v1 =	vmul.f32 v2, v59  }
0x184: {  	[tilespmem:s9+$0xFFFFFFA0] =	vst v63;
	v2 =	vmul.f32 v3, v60  }
0x185: {  	[tilespmem:s22+$0xFFFFFF90] =	vst v1  }
0x186: {  	s9 =	simm.s32 @!p0 $0xC;
	[tilespmem:s22+$0xFFFFFF80] =	vst v2;
	s22 =	simm.s32 $0x19690  }
0x187: {  	[spmem:s4] =	stream.indirect.scatter.add.f32 [tilespmem:s22], [sflag:$0xD], $0x90, s24, s25, $0xb8;
	[tilespmem:$0x1E690] =	vst v63  }
0x188: {  	_ =	swait.ge @!p0 [sflag:s9], $0x1680  }
0x189: {  	s11 =	rddreg [dreg:$0x1e]  }
0x18a: {  	[sflag:s9] =	ssyncset.done @!p0 $0x0;
	s11 =	sadd.s32 @!p0 s8, s11  }
0x18b: {  	[sflag:s9] =	ssyncadd.s32 @!p0 $0xFFFFE980;
	s9 =	sshrl.u32 @!p0 s11, $0x3  }
0x18c: {  	s18 =	simm.s32 @!p0 $0x0;
	s22 =	simm.s32 @!p0 $0x16828;
	s11 =	sadd.s32 @!p0 s6, s9  }
0x18d: {  	[tilespmem:s22], [sflag:$0x11] =	stream.linear.gather @!p0 [hbm4b:s11+s18], $0x28, $0x38;
	[tilespmem:$0x1E690] =	vst v63  }
0x18e: {  	s9 =	sadd.s32 @!p0 s3, s9;
	s11 =	simm.s32 @!p0 $0x168F0  }
0x18f: {  	[tilespmem:s11], [sflag:$0x11] =	stream.linear.gather @!p0 [hbm4b:s9+s18], $0x28, $0x38;
	[tilespmem:$0x1E690] =	vst v63  }
0x190: {  	s9 =	simm.s32 @!p0 $0x10  }
0x191: {  	_ =	swait.ge @!p0 [sflag:s9], $0x28  }
0x192: {  	[sflag:s9] =	ssyncset.done @!p0 $0x0  }
0x193: {  	[sflag:s9] =	ssyncadd.s32 @!p0 $0xFFFFFFD8  }
0x194: {  	_ =	swait.ge @!p0 [sflag:s9], $0x28  }
0x195: {  	s11 =	simm.s32 @!p0 $0x16800;
	[sflag:s9] =	ssyncset.done @!p0 $0x0  }
0x196: {  	s18 =	simm.s32 @!p0 $0x16990;
	[sflag:s9] =	ssyncadd.s32 @!p0 $0xFFFFFFD8;
	s9 =	simm.s32 @!p0 $0x28  }
0x197: {  	[tilespmem:s18], [sflag:$0x1] =	stream.indirect.gather @!p0 [hbm4b:s13+s9], $0x90, s11, s9, $0xb8;
	[tilespmem:$0x1E690] =	vst v63  }
0x198: {  	s11 =	simm.s32 @!p0 $0x168C8;
	s18 =	simm.s32 @!p0 $0x1DA10  }
0x199: {  	[tilespmem:s18], [sflag:$0x6] =	stream.indirect.gather @!p0 [hbm4b:s1+s9], $0x10, s11, s9, $0xb8;
	[tilespmem:$0x1E690] =	vst v63  }
0x19a: {  	_ =	swait.ge [sflag:s14], $0x1680  }
0x19b: {  	[sflag:s14] =	ssyncset.done $0x0  }
0x19c: {  	[sflag:s14] =	ssyncadd.s32 $0xFFFFE980  }
0x19d: {  	_ =	swait.ge [sflag:s15], $0x280  }
0x19e: {  	[sflag:s15] =	ssyncset.done $0x0  }
0x19f: {  	s9 =	simm.s32 $0x0;
	[sflag:s15] =	ssyncadd.s32 $0xFFFFFD80  }
0x1a0: {  	s22 =	simm.s32 $0x1E190;
	s18 =	simm.s32 $0x240;
	v1 =	vld [tilespmem:s9+$0x1AD90]  }
.LBB2_11:
0x1a1: {  	p1 =	sne.s32 s18, $0x57C0;
	v2 =	vld [tilespmem:s22+$0x0];
	_ =	sdelay $0x4  }
0x1a2: {  	v1 =	vadd.f32 v2, v1;
	_ =	sdelay $0x1  }
0x1a3: {  	v2 =	vmul.f32 $2.000000030e-01, v1  }
0x1a4: {  	vm0 =	vgt.f32 v1, $0.0e+00  }
0x1a5: {  	v1 =	vsel vm0, v1, v2  }
0x1a6: {  	v1 =	vmul.f32 $1.442695020e+00, v1;
	_ =	sdelay $0x1  }
0x1a7: {  	(erf) = vpow2.f32 v1;
	_ =	sdelay $0x4  }
0x1a8: {  	v1 =	vld [tilespmem:s9+$0x1AD80]  }
0x1a9: {  	v2 =	vld [tilespmem:s9+$0x1AD70]  }
0x1aa: {  	v3 =	vld [tilespmem:s9+$0x1AD60]  }
0x1ab: {  	v4 =	vld [tilespmem:s9+$0x1AD50]  }
0x1ac: {  	v5 =	vld [tilespmem:s9+$0x1AD40];
	v6 =	vpop (erf)  }
0x1ad: {  	[tilespmem:s9+$0x1AD90] =	vst v6;
	v7 =	vld [tilespmem:s9+$0x1AD30];
	v8 =	vbroadcast v6, $0x6;
	v9 =	vbroadcast v6, $0x7  }
0x1ae: {  	v11 =	vbroadcast v6, $0x4;
	v12 =	vbroadcast v6, $0x5;
	v10 =	vld [tilespmem:s9+$0x1AD20]  }
0x1af: {  	v13 =	vld [tilespmem:s9+$0x1AD10];
	v2 =	vmul.f32 v2, v8;
	v1 =	vmul.f32 v1, v9  }
0x1b0: {  	v3 =	vmul.f32 v3, v12;
	v4 =	vmul.f32 v4, v11  }
0x1b1: {  	v8 =	vbroadcast v6, $0x2;
	v9 =	vbroadcast v6, $0x3;
	[tilespmem:s9+$0x1AD80] =	vst v1  }
0x1b2: {  	v1 =	vbroadcast v6, $0x0;
	v6 =	vbroadcast v6, $0x1;
	[tilespmem:s9+$0x1AD70] =	vst v2  }
0x1b3: {  	v5 =	vmul.f32 v5, v9;
	v2 =	vmul.f32 v8, v7;
	[tilespmem:s9+$0x1AD60] =	vst v3  }
.Ltmp6:
0x1b4: {  	v3 =	vmul.f32 v1, v13;
	v1 =	vmul.f32 v6, v10;
	[tilespmem:s9+$0x1AD50] =	vst v4;
	(pc) =	sbr.rel @p1 .LBB2_11-.Ltmp6, $4  }
0x1b5: {  	[tilespmem:s9+$0x1AD40] =	vst v5  }
0x1b6: {  	[tilespmem:s9+$0x1AD30] =	vst v2  }
0x1b7: {  	s11 =	sshra.s32 s18, $0x2;
	[tilespmem:s9+$0x1AD20] =	vst v1  }
0x1b8: {  	s18 =	sadd.s32 $0x240, s18;
	s22 =	sadd.s32 $0x10, s22;
	v1 =	vld [tilespmem:s11+$0x1AD90];
	[tilespmem:s9+$0x1AD10] =	vst v3;
	s9 =	smov.u32 s11  }
0x1b9: {  	v2 =	vld [tilespmem:s22+$0x0];
	_ =	sdelay $0x4  }
0x1ba: {  	v1 =	vadd.f32 v2, v1;
	_ =	sdelay $0x1  }
0x1bb: {  	v2 =	vmul.f32 $2.000000030e-01, v1  }
0x1bc: {  	vm0 =	vgt.f32 v1, $0.0e+00  }
0x1bd: {  	v1 =	vsel vm0, v1, v2  }
0x1be: {  	v1 =	vmul.f32 $1.442695020e+00, v1;
	_ =	sdelay $0x1  }
0x1bf: {  	(erf) = vpow2.f32 v1;
	_ =	sdelay $0x6  }
0x1c0: {  	v1 =	vld [tilespmem:s9+$0x1AD80]  }
0x1c1: {  	v2 =	vld [tilespmem:s9+$0x1AD70]  }
0x1c2: {  	v3 =	vld [tilespmem:s9+$0x1AD60];
	v6 =	vpop (erf)  }
0x1c3: {  	v5 =	vld [tilespmem:s9+$0x1AD40];
	v7 =	vbroadcast v6, $0x7  }
0x1c4: {  	v4 =	vld [tilespmem:s9+$0x1AD50];
	v9 =	vbroadcast v6, $0x6  }
0x1c5: {  	v8 =	vld [tilespmem:s9+$0x1AD30];
	v11 =	vbroadcast v6, $0x5;
	v1 =	vmul.f32 v1, v7  }
0x1c6: {  	v10 =	vld [tilespmem:s9+$0x1AD20];
	[tilespmem:s9+$0x1AD90] =	vst v6;
	v62 =	vbroadcast v6, $0x3;
	v2 =	vmul.f32 v2, v9  }
0x1c7: {  	v12 =	vld [tilespmem:s9+$0x1AD10];
	v61 =	vbroadcast v6, $0x4;
	v3 =	vmul.f32 v3, v11;
	[tilespmem:s9+$0x1AD80] =	vst v1  }
0x1c8: {  	v63 =	vbroadcast v6, $0x2;
	v5 =	vmul.f32 v5, v62;
	[tilespmem:s9+$0x1AD70] =	vst v2  }
0x1c9: {  	v1 =	vmul.f32 v4, v61;
	v2 =	vbroadcast v6, $0x1;
	[tilespmem:s9+$0x1AD60] =	vst v3  }
0x1ca: {  	v3 =	vbroadcast v6, $0x0;
	v4 =	vmul.f32 v63, v8;
	[tilespmem:s9+$0x1AD40] =	vst v5  }
0x1cb: {  	[tilespmem:s9+$0x1AD50] =	vst v1;
	v1 =	vmul.f32 v2, v10  }
0x1cc: {  	v2 =	vmul.f32 v3, v12;
	[tilespmem:s9+$0x1AD30] =	vst v4  }
0x1cd: {  	[tilespmem:s9+$0x1AD20] =	vst v1  }
0x1ce: {  	s22 =	simm.s32 $0x1AD10;
	[tilespmem:s9+$0x1AD10] =	vst v2;
	s9 =	simm.s32 @!p0 $0xD  }
0x1cf: {  	[spmem:s4] =	stream.indirect.scatter.add.f32 [tilespmem:s22], [sflag:$0xE], $0x90, s23, s25, $0xb8;
	[tilespmem:$0x1E690] =	vst v63  }
0x1d0: {  	_ =	swait.ge @!p0 [sflag:s9], $0x1680  }
0x1d1: {  	s11 =	rddreg [dreg:$0x1f]  }
0x1d2: {  	[sflag:s9] =	ssyncset.done @!p0 $0x0;
	s11 =	sadd.s32 @!p0 s8, s11  }
0x1d3: {  	[sflag:s9] =	ssyncadd.s32 @!p0 $0xFFFFE980;
	s9 =	sshrl.u32 @!p0 s11, $0x3  }
0x1d4: {  	s18 =	simm.s32 @!p0 $0x0;
	s22 =	simm.s32 @!p0 $0x16850;
	s11 =	sadd.s32 @!p0 s6, s9  }
0x1d5: {  	[tilespmem:s22], [sflag:$0x12] =	stream.linear.gather @!p0 [hbm4b:s11+s18], $0x28, $0x38;
	[tilespmem:$0x1E690] =	vst v63  }
0x1d6: {  	s9 =	sadd.s32 @!p0 s3, s9;
	s11 =	simm.s32 @!p0 $0x16918  }
0x1d7: {  	[tilespmem:s11], [sflag:$0x12] =	stream.linear.gather @!p0 [hbm4b:s9+s18], $0x28, $0x38;
	[tilespmem:$0x1E690] =	vst v63  }
0x1d8: {  	s9 =	simm.s32 @!p0 $0x11  }
0x1d9: {  	_ =	swait.ge @!p0 [sflag:s9], $0x28  }
0x1da: {  	[sflag:s9] =	ssyncset.done @!p0 $0x0  }
0x1db: {  	[sflag:s9] =	ssyncadd.s32 @!p0 $0xFFFFFFD8  }
0x1dc: {  	_ =	swait.ge @!p0 [sflag:s9], $0x28  }
0x1dd: {  	s11 =	simm.s32 @!p0 $0x16828;
	[sflag:s9] =	ssyncset.done @!p0 $0x0  }
0x1de: {  	s18 =	simm.s32 @!p0 $0x18010;
	[sflag:s9] =	ssyncadd.s32 @!p0 $0xFFFFFFD8;
	s9 =	simm.s32 @!p0 $0x28  }
0x1df: {  	[tilespmem:s18], [sflag:$0x2] =	stream.indirect.gather @!p0 [hbm4b:s13+s9], $0x90, s11, s9, $0xb8;
	[tilespmem:$0x1E690] =	vst v63  }
0x1e0: {  	s11 =	simm.s32 @!p0 $0x168F0;
	s18 =	simm.s32 @!p0 $0x1DC90  }
0x1e1: {  	[tilespmem:s18], [sflag:$0x7] =	stream.indirect.gather @!p0 [hbm4b:s1+s9], $0x10, s11, s9, $0xb8;
	[tilespmem:$0x1E690] =	vst v63  }
0x1e2: {  	_ =	swait.ge [sflag:s5], $0x1680  }
0x1e3: {  	[sflag:s5] =	ssyncset.done $0x0  }
0x1e4: {  	[sflag:s5] =	ssyncadd.s32 $0xFFFFE980  }
0x1e5: {  	_ =	swait.ge [sflag:s10], $0x280  }
0x1e6: {  	[sflag:s10] =	ssyncset.done $0x0  }
0x1e7: {  	s9 =	simm.s32 $0x0;
	[sflag:s10] =	ssyncadd.s32 $0xFFFFFD80  }
0x1e8: {  	s22 =	simm.s32 $0x1E410;
	s18 =	simm.s32 $0x240;
	v1 =	vld [tilespmem:s9+$0x1C410]  }
.LBB2_13:
0x1e9: {  	p1 =	sne.s32 s18, $0x57C0;
	v2 =	vld [tilespmem:s22+$0x0];
	_ =	sdelay $0x4  }
0x1ea: {  	v1 =	vadd.f32 v2, v1;
	_ =	sdelay $0x1  }
0x1eb: {  	v2 =	vmul.f32 $2.000000030e-01, v1  }
0x1ec: {  	vm0 =	vgt.f32 v1, $0.0e+00  }
0x1ed: {  	v1 =	vsel vm0, v1, v2  }
0x1ee: {  	v1 =	vmul.f32 $1.442695020e+00, v1;
	_ =	sdelay $0x1  }
0x1ef: {  	(erf) = vpow2.f32 v1;
	_ =	sdelay $0x4  }
0x1f0: {  	v1 =	vld [tilespmem:s9+$0x1C400]  }
0x1f1: {  	v2 =	vld [tilespmem:s9+$0x1C3F0]  }
0x1f2: {  	v3 =	vld [tilespmem:s9+$0x1C3E0]  }
0x1f3: {  	v4 =	vld [tilespmem:s9+$0x1C3D0]  }
0x1f4: {  	v5 =	vld [tilespmem:s9+$0x1C3C0];
	v6 =	vpop (erf)  }
0x1f5: {  	[tilespmem:s9+$0x1C410] =	vst v6;
	v7 =	vld [tilespmem:s9+$0x1C3B0];
	v8 =	vbroadcast v6, $0x6;
	v9 =	vbroadcast v6, $0x7  }
0x1f6: {  	v11 =	vbroadcast v6, $0x4;
	v12 =	vbroadcast v6, $0x5;
	v10 =	vld [tilespmem:s9+$0x1C3A0]  }
0x1f7: {  	v13 =	vld [tilespmem:s9+$0x1C390];
	v2 =	vmul.f32 v2, v8;
	v1 =	vmul.f32 v1, v9  }
0x1f8: {  	v3 =	vmul.f32 v3, v12;
	v4 =	vmul.f32 v4, v11  }
0x1f9: {  	v8 =	vbroadcast v6, $0x2;
	v9 =	vbroadcast v6, $0x3;
	[tilespmem:s9+$0x1C400] =	vst v1  }
0x1fa: {  	v1 =	vbroadcast v6, $0x0;
	v6 =	vbroadcast v6, $0x1;
	[tilespmem:s9+$0x1C3F0] =	vst v2  }
0x1fb: {  	v5 =	vmul.f32 v5, v9;
	v2 =	vmul.f32 v8, v7;
	[tilespmem:s9+$0x1C3E0] =	vst v3  }
.Ltmp7:
0x1fc: {  	v3 =	vmul.f32 v1, v13;
	v1 =	vmul.f32 v6, v10;
	[tilespmem:s9+$0x1C3D0] =	vst v4;
	(pc) =	sbr.rel @p1 .LBB2_13-.Ltmp7, $4  }
0x1fd: {  	[tilespmem:s9+$0x1C3C0] =	vst v5  }
0x1fe: {  	[tilespmem:s9+$0x1C3B0] =	vst v2  }
0x1ff: {  	s11 =	sshra.s32 s18, $0x2;
	[tilespmem:s9+$0x1C3A0] =	vst v1  }
0x200: {  	s18 =	sadd.s32 $0x240, s18;
	s22 =	sadd.s32 $0x10, s22;
	v1 =	vld [tilespmem:s11+$0x1C410];
	[tilespmem:s9+$0x1C390] =	vst v3;
	s9 =	smov.u32 s11  }
0x201: {  	v2 =	vld [tilespmem:s22+$0x0];
	_ =	sdelay $0x4  }
0x202: {  	v1 =	vadd.f32 v2, v1;
	_ =	sdelay $0x1  }
0x203: {  	v2 =	vmul.f32 $2.000000030e-01, v1  }
0x204: {  	vm0 =	vgt.f32 v1, $0.0e+00  }
0x205: {  	v1 =	vsel vm0, v1, v2  }
0x206: {  	v1 =	vmul.f32 $1.442695020e+00, v1;
	_ =	sdelay $0x1  }
0x207: {  	(erf) = vpow2.f32 v1;
	_ =	sdelay $0x6  }
0x208: {  	v1 =	vld [tilespmem:s9+$0x1C400]  }
0x209: {  	v2 =	vld [tilespmem:s9+$0x1C3F0]  }
0x20a: {  	v3 =	vld [tilespmem:s9+$0x1C3E0];
	v6 =	vpop (erf)  }
0x20b: {  	v5 =	vld [tilespmem:s9+$0x1C3C0];
	v7 =	vbroadcast v6, $0x7  }
0x20c: {  	v4 =	vld [tilespmem:s9+$0x1C3D0];
	v9 =	vbroadcast v6, $0x6  }
0x20d: {  	v8 =	vld [tilespmem:s9+$0x1C3B0];
	v11 =	vbroadcast v6, $0x5;
	v1 =	vmul.f32 v1, v7  }
0x20e: {  	v10 =	vld [tilespmem:s9+$0x1C3A0];
	[tilespmem:s9+$0x1C410] =	vst v6;
	v62 =	vbroadcast v6, $0x3;
	v2 =	vmul.f32 v2, v9  }
0x20f: {  	v12 =	vld [tilespmem:s9+$0x1C390];
	v61 =	vbroadcast v6, $0x4;
	v3 =	vmul.f32 v3, v11;
	[tilespmem:s9+$0x1C400] =	vst v1  }
0x210: {  	v63 =	vbroadcast v6, $0x2;
	v5 =	vmul.f32 v5, v62;
	[tilespmem:s9+$0x1C3F0] =	vst v2  }
0x211: {  	v1 =	vmul.f32 v4, v61;
	v2 =	vbroadcast v6, $0x1;
	[tilespmem:s9+$0x1C3E0] =	vst v3  }
0x212: {  	v3 =	vbroadcast v6, $0x0;
	v4 =	vmul.f32 v63, v8;
	[tilespmem:s9+$0x1C3C0] =	vst v5  }
.Ltmp8:
0x213: {  	[tilespmem:s9+$0x1C3D0] =	vst v1;
	v1 =	vmul.f32 v2, v10;
	(pc) =	sbr.rel @p0 .LBB2_16-.Ltmp8, $4  }
0x214: {  	v2 =	vmul.f32 v3, v12;
	[tilespmem:s9+$0x1C3B0] =	vst v4  }
0x215: {  	[tilespmem:s9+$0x1C3A0] =	vst v1  }
0x216: {  	[tilespmem:s9+$0x1C390] =	vst v2  }
0x217: {  	[spmem:s4] =	stream.indirect.scatter.add.f32 [tilespmem:s16], [sflag:$0xF], $0x90, s12, s25, $0xb8;
	[tilespmem:$0x1E690] =	vst v63  }
0x218: {  	_ =	swait.ge [sflag:s2], $0x1680  }
0x219: {  	s9 =	sld [smem:$0x7FB];
	_ =	sdelay $0x2  }
0x21a: {  	s8 =	sadd.s32 s8, s9  }
0x21b: {  	s11 =	simm.s32 $0x0;
	[sflag:s2] =	ssyncset.done $0x0;
	s8 =	sshrl.u32 s8, $0x3  }
0x21c: {  	s16 =	simm.s32 $0x16878;
	[sflag:s2] =	ssyncadd.s32 $0xFFFFE980;
	s22 =	sadd.s32 s6, s8  }
0x21d: {  	[tilespmem:s16], [sflag:$0x13] =	stream.linear.gather [hbm4b:s22+s11], $0x28, $0x38;
	[tilespmem:$0x1E690] =	vst v63  }
0x21e: {  	s8 =	sadd.s32 s3, s8  }
0x21f: {  	[tilespmem:s23], [sflag:$0x13] =	stream.linear.gather [hbm4b:s8+s11], $0x28, $0x38;
	[tilespmem:$0x1E690] =	vst v63  }
0x220: {  	_ =	swait.ge [sflag:s28], $0x28  }
0x221: {  	[sflag:s28] =	ssyncset.done $0x0  }
0x222: {  	[sflag:s28] =	ssyncadd.s32 $0xFFFFFFD8  }
0x223: {  	_ =	swait.ge [sflag:s28], $0x28  }
.Ltmp9:
0x224: {  	[sflag:s28] =	ssyncset.done $0x0;
	(pc) =	sbr.rel .LBB2_4-.Ltmp9, $4  }
0x225: {  	s18 =	simm.s32 $0x19690;
	[sflag:s28] =	ssyncadd.s32 $0xFFFFFFD8  }
0x226: {  	[tilespmem:s18], [sflag:$0x3] =	stream.indirect.gather [hbm4b:s13+s25], $0x90, s21, s25, $0xb8;
	[tilespmem:$0x1E690] =	vst v63  }
0x227: {  	s0 =	sadd.s32 $0x1, s0;
	s22 =	simm.s32 $0x1DF10  }
0x228: {  	[tilespmem:s22], [sflag:$0x8] =	stream.indirect.gather [hbm4b:s1+s25], $0x10, s24, s25, $0xb8;
	[tilespmem:$0x1E690] =	vst v63  }
.LBB2_17:
0x229: {  	_ =	sfence.sel $0x180000  }
0x22a: {  	[bflag:$0x0] =	sbarrier.arrive $0xFFFF  }
0x22b: {  	_ =	strace $0x90000047  }
0x22c: {  	s0 =	stileid.u32;
	[bflag:$0x2] =	sbarrier.arrive $0xFFFF  }
0x22d: {  	p0 =	sne.s32 s0, $0x0;
	s0 =	rddreg [dreg:$0x3]  }
0x22e: {  	s0 =	sadd.s32 @!p0 $0x100000, s0  }
0x22f: {  	[sflag:s0] =	ssyncadd.tile.s32 @!p0 $0x1;
	_ =	shalt  }
.Lfunc_end2:
_tile_overlayer_lowered:
.L_overlay_start_2:
0x230: {  	(tag) =	ssettag $0x2  }
0x231: {  	s0 =	rddreg [dreg:$0x0];
	s2 =	stileid.u32  }
0x232: {  	s1 =	rddreg [dreg:$0x1];
	p0 =	sne.s32 s2, $0x0  }
0x233: {  	s3 =	rddreg [dreg:$0x2];
	[bflag:$0x3] =	sbarrier.arrive $0xFFFF;
	s2 =	simm.s32 @!p0 $0x1C15  }
0x234: {  	[timem:s3], [sflag:s2] =	dma.local @!p0 [hbm:s0], s1  }
0x235: {  	s0 =	simm.s32 @!p0 $0x15  }
0x236: {  	_ =	swait.ge @!p0 [sflag:s0], s1  }
0x237: {  	s1 =	ssub.s32 @!p0 $0x0, s1;
	[sflag:s0] =	ssyncset.done @!p0 $0x0  }
0x238: {  	[sflag:s0] =	ssyncadd.s32 @!p0 s1  }
0x239: {  	[bflag:$0x3] =	sbarrier.arrive $0xFFFF  }
0x23a: {  	_ =	shalt  }

</sc_bundles>
